<compile_context>
chip_gen: v7x
topology: tpu7x:2x2x1
jax: 0.10.2.dev20260603
libtpu: 0.0.44.dev20260713+nightly
codegen_flags: <defaults>
</compile_context>

<pallas_src>
import functools

import jax
import jax.numpy as jnp
from jax import lax
from jax.experimental import pallas as pl
from jax.experimental.pallas import tpu as pltpu
from jax.experimental.pallas import tpu_sc as plsc

_N = 524288
_K = 8
_C = 256
_B = 16384
_NB = _N // _B
_SEG_BLOCKS = (10, 10, 10, 2)

_NC = 2
_NS = 16
_NW = _NC * _NS


def _score_argmax_body(xt_ref, aug_ref, idx_ref):
    aug = aug_ref[...]
    g2 = lax.slice(aug, (0, 0), (_C, _K))
    norm = lax.slice(aug, (0, _K), (_C, _K + 1))
    sc = jnp.dot(g2, xt_ref[...], preferred_element_type=jnp.float32)
    sc = sc - norm
    m = lax.slice(sc, (0, 0), (8, _B))
    tof = jnp.zeros((8, _B), jnp.int32)
    for t in range(1, _C // 8):
        v = lax.slice(sc, (t * 8, 0), (t * 8 + 8, _B))
        cond = v > m
        m = jnp.where(cond, v, m)
        tof = jnp.where(cond, t, tof)
    fm = jnp.max(m, axis=0, keepdims=True)
    j = tof * 8 + lax.broadcasted_iota(jnp.int32, (8, _B), 0)
    cand = jnp.where(m == fm, j, _C)
    idx_ref[0] = jnp.min(cand, axis=0).reshape(_B // 128, 128)


def _tc_score_argmax(xt, aug, base, nblocks):
    return pl.pallas_call(
        _score_argmax_body,
        grid=(nblocks,),
        in_specs=[
            pl.BlockSpec((_K, _B), lambda i: (0, base + i)),
            pl.BlockSpec((_C, 16), lambda i: (0, 0)),
        ],
        out_specs=pl.BlockSpec((1, _B // 128, 128), lambda i: (i, 0, 0)),
        out_shape=jax.ShapeDtypeStruct((nblocks, _B // 128, 128), jnp.int32),
    )(xt, aug)


def _sc_gather(idx_flat, table_t, out_cols):
    n = idx_flat.shape[0]
    rows_per_w = n // _NW
    chunk = min(4096, rows_per_w & (-rows_per_w))
    mesh = plsc.VectorSubcoreMesh(core_axis_name="c", subcore_axis_name="s")

    @functools.partial(
        pl.kernel,
        mesh=mesh,
        out_type=jax.ShapeDtypeStruct((_K, out_cols), jnp.float32),
        scratch_types=[
            pltpu.VMEM((rows_per_w,), jnp.int32),
            [pltpu.VMEM((_C,), jnp.float32) for _ in range(_K)],
            pltpu.VMEM((_K, chunk), jnp.float32),
            pltpu.SemaphoreType.DMA,
        ],
        compiler_params=pltpu.CompilerParams(needs_layout_passes=False),
    )
    def k(idx_hbm, table_hbm, out_hbm, idx_v, tabs, rows_v, sem):
        wid = lax.axis_index("s") * _NC + lax.axis_index("c")
        row_base = wid * rows_per_w
        copies = [pltpu.async_copy(table_hbm.at[kk], tabs[kk], sem)
                  for kk in range(_K)]
        copies.append(pltpu.async_copy(
            idx_hbm.at[pl.ds(pl.multiple_of(row_base, 128), rows_per_w)],
            idx_v, sem))
        for cp in copies:
            cp.wait()

        def do_chunk(c, carry):
            def body16(c2, carry2):
                coff = pl.multiple_of(c * chunk + c2 * 16, 8)
                rvec = idx_v[pl.ds(coff, 16)]
                soff = pl.multiple_of(c2 * 16, 8)
                for kk in range(_K):
                    rows_v[kk, pl.ds(soff, 16)] = plsc.load_gather(
                        tabs[kk], [rvec])
                return carry2

            lax.fori_loop(0, chunk // 16, body16, 0, unroll=8)
            ooff = pl.multiple_of(row_base + c * chunk, 128)
            pltpu.sync_copy(rows_v, out_hbm.at[:, pl.ds(ooff, chunk)])
            return carry

        lax.fori_loop(0, rows_per_w // chunk, do_chunk, 0)

    return k(idx_flat, table_t)


def kernel(X, grid, grid_norm):
    xt = X.T
    gt = grid.T
    aug = jnp.concatenate(
        [2.0 * grid, grid_norm.reshape(_C, 1),
         jnp.zeros((_C, 16 - _K - 1), jnp.float32)], axis=1)
    quantized = None
    idx_segs = []
    base = 0
    for seg, nblocks in enumerate(_SEG_BLOCKS):
        seg_rows = nblocks * _B
        idx3 = _tc_score_argmax(xt, aug, base, nblocks)
        idx_flat = idx3.reshape(seg_rows)
        if seg == 0:
            quantized = _sc_gather(idx_flat, gt, _N)
        else:
            qs = _sc_gather(idx_flat, gt, seg_rows)
            quantized = lax.dynamic_update_slice(
                quantized, qs, (0, base * _B))
        idx_segs.append(idx_flat.astype(jnp.uint8))
        base += nblocks
    return (quantized.T, jnp.concatenate(idx_segs))

# --- scband reference (transcript-rebuilt; emitter-appended) ---
"""Pipeline reference for scband-e81-b-codebook-45990509806224 (READ-ONLY COPY).

The authoritative reference and input builder live on the scoring server;
editing this copy changes nothing except your own understanding.
"""

import jax, jax.numpy as jnp
import numpy as np
import itertools

_CODESZ = 8

def _get_grid():
    intr = np.arange(-2, 2).astype(np.float32)
    hintr = intr + 0.5
    gintr = np.array(list(itertools.product(intr, repeat=_CODESZ)), dtype=np.float32)
    ghintr = np.array(list(itertoolsools_dummy := itertools.product(hintr, repeat=_CODESZ)), dtype=np.float32)
    ge8 = np.concatenate([gintr, ghintr], axis=0)
    ge8m2 = (np.mod(ge8.sum(axis=-1), 2.0) == 0)
    ge8n = (ge8 ** 2).sum(axis=-1) <= 3
    e8 = ge8[np.where(ge8m2 & ge8n)[0]]
    extra = np.array([
        [1,1,1,0,0,1,0,0],[1,1,0,0,1,1,0,0],[1,0,0,1,1,1,0,0],[0,0,1,1,1,1,0,0],[0,1,1,1,0,1,0,0],
        [1,1,1,0,0,0,1,0],[1,1,0,0,1,0,1,0],[1,0,0,1,1,0,1,0],[0,0,1,1,1,0,1,0],[0,1,1,1,0,0,1,0],
        [1,1,1,0,0,0,0,1],[1,1,0,0,1,0,0,1],[1,0,0,1,1,0,0,1],[0,0,1,1,1,0,0,1],[0,1,1,1,0,0,0,1]], dtype=np.float32)
    return np.concatenate([e8, extra], axis=0)


def setup_inputs(seed: int = 0) -> dict:
    key = jax.random.key(seed)
    X = jax.random.normal(key, (524288, _CODESZ), dtype=jnp.float32)
    grid = jnp.asarray(_get_grid())  # [256, 8]
    grid_norm = jnp.sum(grid * grid, axis=-1)  # diag(grid @ grid.T), [256]
    return {"X": X, "grid": grid, "grid_norm": grid_norm}


def reference(X, grid, grid_norm):
    # quantize(X, return_idx=True)
    scores = 2.0 * (X @ grid.T) - grid_norm  # [N, 256]
    Xqidx = jnp.argmax(scores, axis=-1)      # [N]
    quantized = jnp.take(grid, Xqidx, axis=0)  # [N, 8]
    return (quantized, Xqidx.astype(jnp.uint8))

if __name__ == "__main__":
    import jax
    _d = setup_inputs()
    print(jax.jit(kernel)(*tuple(_d.values())))

</pallas_src>

<mosaic_0001>
#map = affine_map<(d0, d1) -> (0)>
#map1 = affine_map<(d0, d1) -> (0, 0)>
module attributes {stable_mosaic.version = 14 : i64} {
  func.func @k(%arg0: i32, %arg1: i32, %arg2: memref<163840xi32, #tpu.memory_space<hbm>>, %arg3: memref<8x256xf32, #tpu.memory_space<hbm>>, %arg4: memref<8x524288xf32, #tpu.memory_space<hbm>>, %arg5: memref<5120xi32, #tpu.memory_space<vmem>>, %arg6: memref<256xf32, #tpu.memory_space<vmem>>, %arg7: memref<256xf32, #tpu.memory_space<vmem>>, %arg8: memref<256xf32, #tpu.memory_space<vmem>>, %arg9: memref<256xf32, #tpu.memory_space<vmem>>, %arg10: memref<256xf32, #tpu.memory_space<vmem>>, %arg11: memref<256xf32, #tpu.memory_space<vmem>>, %arg12: memref<256xf32, #tpu.memory_space<vmem>>, %arg13: memref<256xf32, #tpu.memory_space<vmem>>, %arg14: memref<8x1024xf32, #tpu.memory_space<vmem>>, %arg15: memref<!tpu.dma_semaphore, #tpu.memory_space<semaphore_mem>>) attributes {dimension_semantics = [#tpu.dimension_semantics<core_parallel>, #tpu.dimension_semantics<subcore_parallel>], iteration_bounds = array<i64: 2, 16>, scalar_prefetch = 0 : i64, scratch_operands = 11 : i64, tpu.core_type = #tpu.core_type<sc_vector_subcore>, window_params = [{transform_indices = #map}, {transform_indices = #map1}, {transform_indices = #map1}]} {
    %mul3A = arith.constant 2 : i32
    %mul3A_0 = arith.muli %arg1, %mul3A : i32
    %add3A = arith.addi %mul3A_0, %arg0 : i32
    %mul3A_1 = arith.constant 5120 : i32
    %mul3A_2 = arith.muli %add3A, %mul3A_1 : i32
    %dma_start3A = arith.constant 0 : i32
    %dma_start3A_3 = arith.constant 0 : i32
    %dma_start3A_4 = tpu.memref_slice %arg3[%dma_start3A, %dma_start3A_3] : memref<8x256xf32, #tpu.memory_space<hbm>> -> memref<1x256xf32, #tpu.memory_space<hbm>>
    %dma_start3A_5 = tpu.memref_squeeze %dma_start3A_4 : memref<1x256xf32, #tpu.memory_space<hbm>> -> memref<256xf32, #tpu.memory_space<hbm>>
    %dma_start3A_6 = arith.constant 0 : i32
    %dma_start3A_7 = tpu.memref_slice %arg3[%dma_start3A, %dma_start3A_6] : memref<8x256xf32, #tpu.memory_space<hbm>> -> memref<1x256xf32, #tpu.memory_space<hbm>>
    %dma_start3A_8 = tpu.memref_squeeze %dma_start3A_7 : memref<1x256xf32, #tpu.memory_space<hbm>> -> memref<256xf32, #tpu.memory_space<hbm>>
    tpu.enqueue_dma source(%dma_start3A_8 : memref<256xf32, #tpu.memory_space<hbm>>) target(%arg6 : memref<256xf32, #tpu.memory_space<vmem>>) target_semaphore(%arg15 : memref<!tpu.dma_semaphore, #tpu.memory_space<semaphore_mem>>)
    %dma_start3A_9 = arith.constant 1 : i32
    %dma_start3A_10 = arith.constant 0 : i32
    %dma_start3A_11 = tpu.memref_slice %arg3[%dma_start3A_9, %dma_start3A_10] : memref<8x256xf32, #tpu.memory_space<hbm>> -> memref<1x256xf32, #tpu.memory_space<hbm>>
    %dma_start3A_12 = tpu.memref_squeeze %dma_start3A_11 : memref<1x256xf32, #tpu.memory_space<hbm>> -> memref<256xf32, #tpu.memory_space<hbm>>
    %dma_start3A_13 = arith.constant 0 : i32
    %dma_start3A_14 = tpu.memref_slice %arg3[%dma_start3A_9, %dma_start3A_13] : memref<8x256xf32, #tpu.memory_space<hbm>> -> memref<1x256xf32, #tpu.memory_space<hbm>>
    %dma_start3A_15 = tpu.memref_squeeze %dma_start3A_14 : memref<1x256xf32, #tpu.memory_space<hbm>> -> memref<256xf32, #tpu.memory_space<hbm>>
    tpu.enqueue_dma source(%dma_start3A_15 : memref<256xf32, #tpu.memory_space<hbm>>) target(%arg7 : memref<256xf32, #tpu.memory_space<vmem>>) target_semaphore(%arg15 : memref<!tpu.dma_semaphore, #tpu.memory_space<semaphore_mem>>)
    %dma_start3A_16 = arith.constant 2 : i32
    %dma_start3A_17 = arith.constant 0 : i32
    %dma_start3A_18 = tpu.memref_slice %arg3[%dma_start3A_16, %dma_start3A_17] : memref<8x256xf32, #tpu.memory_space<hbm>> -> memref<1x256xf32, #tpu.memory_space<hbm>>
    %dma_start3A_19 = tpu.memref_squeeze %dma_start3A_18 : memref<1x256xf32, #tpu.memory_space<hbm>> -> memref<256xf32, #tpu.memory_space<hbm>>
    %dma_start3A_20 = arith.constant 0 : i32
    %dma_start3A_21 = tpu.memref_slice %arg3[%dma_start3A_16, %dma_start3A_20] : memref<8x256xf32, #tpu.memory_space<hbm>> -> memref<1x256xf32, #tpu.memory_space<hbm>>
    %dma_start3A_22 = tpu.memref_squeeze %dma_start3A_21 : memref<1x256xf32, #tpu.memory_space<hbm>> -> memref<256xf32, #tpu.memory_space<hbm>>
    tpu.enqueue_dma source(%dma_start3A_22 : memref<256xf32, #tpu.memory_space<hbm>>) target(%arg8 : memref<256xf32, #tpu.memory_space<vmem>>) target_semaphore(%arg15 : memref<!tpu.dma_semaphore, #tpu.memory_space<semaphore_mem>>)
    %dma_start3A_23 = arith.constant 3 : i32
    %dma_start3A_24 = arith.constant 0 : i32
    %dma_start3A_25 = tpu.memref_slice %arg3[%dma_start3A_23, %dma_start3A_24] : memref<8x256xf32, #tpu.memory_space<hbm>> -> memref<1x256xf32, #tpu.memory_space<hbm>>
    %dma_start3A_26 = tpu.memref_squeeze %dma_start3A_25 : memref<1x256xf32, #tpu.memory_space<hbm>> -> memref<256xf32, #tpu.memory_space<hbm>>
    %dma_start3A_27 = arith.constant 0 : i32
    %dma_start3A_28 = tpu.memref_slice %arg3[%dma_start3A_23, %dma_start3A_27] : memref<8x256xf32, #tpu.memory_space<hbm>> -> memref<1x256xf32, #tpu.memory_space<hbm>>
    %dma_start3A_29 = tpu.memref_squeeze %dma_start3A_28 : memref<1x256xf32, #tpu.memory_space<hbm>> -> memref<256xf32, #tpu.memory_space<hbm>>
    tpu.enqueue_dma source(%dma_start3A_29 : memref<256xf32, #tpu.memory_space<hbm>>) target(%arg9 : memref<256xf32, #tpu.memory_space<vmem>>) target_semaphore(%arg15 : memref<!tpu.dma_semaphore, #tpu.memory_space<semaphore_mem>>)
    %dma_start3A_30 = arith.constant 4 : i32
    %dma_start3A_31 = arith.constant 0 : i32
    %dma_start3A_32 = tpu.memref_slice %arg3[%dma_start3A_30, %dma_start3A_31] : memref<8x256xf32, #tpu.memory_space<hbm>> -> memref<1x256xf32, #tpu.memory_space<hbm>>
    %dma_start3A_33 = tpu.memref_squeeze %dma_start3A_32 : memref<1x256xf32, #tpu.memory_space<hbm>> -> memref<256xf32, #tpu.memory_space<hbm>>
    %dma_start3A_34 = arith.constant 0 : i32
    %dma_start3A_35 = tpu.memref_slice %arg3[%dma_start3A_30, %dma_start3A_34] : memref<8x256xf32, #tpu.memory_space<hbm>> -> memref<1x256xf32, #tpu.memory_space<hbm>>
    %dma_start3A_36 = tpu.memref_squeeze %dma_start3A_35 : memref<1x256xf32, #tpu.memory_space<hbm>> -> memref<256xf32, #tpu.memory_space<hbm>>
    tpu.enqueue_dma source(%dma_start3A_36 : memref<256xf32, #tpu.memory_space<hbm>>) target(%arg10 : memref<256xf32, #tpu.memory_space<vmem>>) target_semaphore(%arg15 : memref<!tpu.dma_semaphore, #tpu.memory_space<semaphore_mem>>)
    %dma_start3A_37 = arith.constant 5 : i32
    %dma_start3A_38 = arith.constant 0 : i32
    %dma_start3A_39 = tpu.memref_slice %arg3[%dma_start3A_37, %dma_start3A_38] : memref<8x256xf32, #tpu.memory_space<hbm>> -> memref<1x256xf32, #tpu.memory_space<hbm>>
    %dma_start3A_40 = tpu.memref_squeeze %dma_start3A_39 : memref<1x256xf32, #tpu.memory_space<hbm>> -> memref<256xf32, #tpu.memory_space<hbm>>
    %dma_start3A_41 = arith.constant 0 : i32
    %dma_start3A_42 = tpu.memref_slice %arg3[%dma_start3A_37, %dma_start3A_41] : memref<8x256xf32, #tpu.memory_space<hbm>> -> memref<1x256xf32, #tpu.memory_space<hbm>>
    %dma_start3A_43 = tpu.memref_squeeze %dma_start3A_42 : memref<1x256xf32, #tpu.memory_space<hbm>> -> memref<256xf32, #tpu.memory_space<hbm>>
    tpu.enqueue_dma source(%dma_start3A_43 : memref<256xf32, #tpu.memory_space<hbm>>) target(%arg11 : memref<256xf32, #tpu.memory_space<vmem>>) target_semaphore(%arg15 : memref<!tpu.dma_semaphore, #tpu.memory_space<semaphore_mem>>)
    %dma_start3A_44 = arith.constant 6 : i32
    %dma_start3A_45 = arith.constant 0 : i32
    %dma_start3A_46 = tpu.memref_slice %arg3[%dma_start3A_44, %dma_start3A_45] : memref<8x256xf32, #tpu.memory_space<hbm>> -> memref<1x256xf32, #tpu.memory_space<hbm>>
    %dma_start3A_47 = tpu.memref_squeeze %dma_start3A_46 : memref<1x256xf32, #tpu.memory_space<hbm>> -> memref<256xf32, #tpu.memory_space<hbm>>
    %dma_start3A_48 = arith.constant 0 : i32
    %dma_start3A_49 = tpu.memref_slice %arg3[%dma_start3A_44, %dma_start3A_48] : memref<8x256xf32, #tpu.memory_space<hbm>> -> memref<1x256xf32, #tpu.memory_space<hbm>>
    %dma_start3A_50 = tpu.memref_squeeze %dma_start3A_49 : memref<1x256xf32, #tpu.memory_space<hbm>> -> memref<256xf32, #tpu.memory_space<hbm>>
    tpu.enqueue_dma source(%dma_start3A_50 : memref<256xf32, #tpu.memory_space<hbm>>) target(%arg12 : memref<256xf32, #tpu.memory_space<vmem>>) target_semaphore(%arg15 : memref<!tpu.dma_semaphore, #tpu.memory_space<semaphore_mem>>)
    %dma_start3A_51 = arith.constant 7 : i32
    %dma_start3A_52 = arith.constant 0 : i32
    %dma_start3A_53 = tpu.memref_slice %arg3[%dma_start3A_51, %dma_start3A_52] : memref<8x256xf32, #tpu.memory_space<hbm>> -> memref<1x256xf32, #tpu.memory_space<hbm>>
    %dma_start3A_54 = tpu.memref_squeeze %dma_start3A_53 : memref<1x256xf32, #tpu.memory_space<hbm>> -> memref<256xf32, #tpu.memory_space<hbm>>
    %dma_start3A_55 = arith.constant 0 : i32
    %dma_start3A_56 = tpu.memref_slice %arg3[%dma_start3A_51, %dma_start3A_55] : memref<8x256xf32, #tpu.memory_space<hbm>> -> memref<1x256xf32, #tpu.memory_space<hbm>>
    %dma_start3A_57 = tpu.memref_squeeze %dma_start3A_56 : memref<1x256xf32, #tpu.memory_space<hbm>> -> memref<256xf32, #tpu.memory_space<hbm>>
    tpu.enqueue_dma source(%dma_start3A_57 : memref<256xf32, #tpu.memory_space<hbm>>) target(%arg13 : memref<256xf32, #tpu.memory_space<vmem>>) target_semaphore(%arg15 : memref<!tpu.dma_semaphore, #tpu.memory_space<semaphore_mem>>)
    %multiple_of3A = tpu.assume_multiple %mul3A_2, 128 : i32
    %dma_start3A_58 = tpu.memref_slice %arg2[%multiple_of3A] : memref<163840xi32, #tpu.memory_space<hbm>> -> memref<5120xi32, #tpu.memory_space<hbm>>
    %dma_start3A_59 = tpu.memref_slice %arg2[%multiple_of3A] : memref<163840xi32, #tpu.memory_space<hbm>> -> memref<5120xi32, #tpu.memory_space<hbm>>
    tpu.enqueue_dma source(%dma_start3A_59 : memref<5120xi32, #tpu.memory_space<hbm>>) target(%arg5 : memref<5120xi32, #tpu.memory_space<vmem>>) target_semaphore(%arg15 : memref<!tpu.dma_semaphore, #tpu.memory_space<semaphore_mem>>)
    %dma_wait3A = arith.constant 0 : i32
    %dma_wait3A_60 = arith.constant 0 : i32
    %dma_wait3A_61 = tpu.memref_slice %arg3[%dma_wait3A, %dma_wait3A_60] : memref<8x256xf32, #tpu.memory_space<hbm>> -> memref<1x256xf32, #tpu.memory_space<hbm>>
    %dma_wait3A_62 = tpu.memref_squeeze %dma_wait3A_61 : memref<1x256xf32, #tpu.memory_space<hbm>> -> memref<256xf32, #tpu.memory_space<hbm>>
    %dma_wait3A_63 = arith.constant 0 : i32
    %dma_wait3A_64 = tpu.memref_slice %arg3[%dma_wait3A, %dma_wait3A_63] : memref<8x256xf32, #tpu.memory_space<hbm>> -> memref<1x256xf32, #tpu.memory_space<hbm>>
    %dma_wait3A_65 = tpu.memref_squeeze %dma_wait3A_64 : memref<1x256xf32, #tpu.memory_space<hbm>> -> memref<256xf32, #tpu.memory_space<hbm>>
    tpu.wait_dma2 semaphore(%arg15 : memref<!tpu.dma_semaphore, #tpu.memory_space<semaphore_mem>>) src(%dma_wait3A_65 : memref<256xf32, #tpu.memory_space<hbm>>) dst(%arg6 : memref<256xf32, #tpu.memory_space<vmem>>)
    %dma_wait3A_66 = arith.constant 1 : i32
    %dma_wait3A_67 = arith.constant 0 : i32
    %dma_wait3A_68 = tpu.memref_slice %arg3[%dma_wait3A_66, %dma_wait3A_67] : memref<8x256xf32, #tpu.memory_space<hbm>> -> memref<1x256xf32, #tpu.memory_space<hbm>>
    %dma_wait3A_69 = tpu.memref_squeeze %dma_wait3A_68 : memref<1x256xf32, #tpu.memory_space<hbm>> -> memref<256xf32, #tpu.memory_space<hbm>>
    %dma_wait3A_70 = arith.constant 0 : i32
    %dma_wait3A_71 = tpu.memref_slice %arg3[%dma_wait3A_66, %dma_wait3A_70] : memref<8x256xf32, #tpu.memory_space<hbm>> -> memref<1x256xf32, #tpu.memory_space<hbm>>
    %dma_wait3A_72 = tpu.memref_squeeze %dma_wait3A_71 : memref<1x256xf32, #tpu.memory_space<hbm>> -> memref<256xf32, #tpu.memory_space<hbm>>
    tpu.wait_dma2 semaphore(%arg15 : memref<!tpu.dma_semaphore, #tpu.memory_space<semaphore_mem>>) src(%dma_wait3A_72 : memref<256xf32, #tpu.memory_space<hbm>>) dst(%arg7 : memref<256xf32, #tpu.memory_space<vmem>>)
    %dma_wait3A_73 = arith.constant 2 : i32
    %dma_wait3A_74 = arith.constant 0 : i32
    %dma_wait3A_75 = tpu.memref_slice %arg3[%dma_wait3A_73, %dma_wait3A_74] : memref<8x256xf32, #tpu.memory_space<hbm>> -> memref<1x256xf32, #tpu.memory_space<hbm>>
    %dma_wait3A_76 = tpu.memref_squeeze %dma_wait3A_75 : memref<1x256xf32, #tpu.memory_space<hbm>> -> memref<256xf32, #tpu.memory_space<hbm>>
    %dma_wait3A_77 = arith.constant 0 : i32
    %dma_wait3A_78 = tpu.memref_slice %arg3[%dma_wait3A_73, %dma_wait3A_77] : memref<8x256xf32, #tpu.memory_space<hbm>> -> memref<1x256xf32, #tpu.memory_space<hbm>>
    %dma_wait3A_79 = tpu.memref_squeeze %dma_wait3A_78 : memref<1x256xf32, #tpu.memory_space<hbm>> -> memref<256xf32, #tpu.memory_space<hbm>>
    tpu.wait_dma2 semaphore(%arg15 : memref<!tpu.dma_semaphore, #tpu.memory_space<semaphore_mem>>) src(%dma_wait3A_79 : memref<256xf32, #tpu.memory_space<hbm>>) dst(%arg8 : memref<256xf32, #tpu.memory_space<vmem>>)
    %dma_wait3A_80 = arith.constant 3 : i32
    %dma_wait3A_81 = arith.constant 0 : i32
    %dma_wait3A_82 = tpu.memref_slice %arg3[%dma_wait3A_80, %dma_wait3A_81] : memref<8x256xf32, #tpu.memory_space<hbm>> -> memref<1x256xf32, #tpu.memory_space<hbm>>
    %dma_wait3A_83 = tpu.memref_squeeze %dma_wait3A_82 : memref<1x256xf32, #tpu.memory_space<hbm>> -> memref<256xf32, #tpu.memory_space<hbm>>
    %dma_wait3A_84 = arith.constant 0 : i32
    %dma_wait3A_85 = tpu.memref_slice %arg3[%dma_wait3A_80, %dma_wait3A_84] : memref<8x256xf32, #tpu.memory_space<hbm>> -> memref<1x256xf32, #tpu.memory_space<hbm>>
    %dma_wait3A_86 = tpu.memref_squeeze %dma_wait3A_85 : memref<1x256xf32, #tpu.memory_space<hbm>> -> memref<256xf32, #tpu.memory_space<hbm>>
    tpu.wait_dma2 semaphore(%arg15 : memref<!tpu.dma_semaphore, #tpu.memory_space<semaphore_mem>>) src(%dma_wait3A_86 : memref<256xf32, #tpu.memory_space<hbm>>) dst(%arg9 : memref<256xf32, #tpu.memory_space<vmem>>)
    %dma_wait3A_87 = arith.constant 4 : i32
    %dma_wait3A_88 = arith.constant 0 : i32
    %dma_wait3A_89 = tpu.memref_slice %arg3[%dma_wait3A_87, %dma_wait3A_88] : memref<8x256xf32, #tpu.memory_space<hbm>> -> memref<1x256xf32, #tpu.memory_space<hbm>>
    %dma_wait3A_90 = tpu.memref_squeeze %dma_wait3A_89 : memref<1x256xf32, #tpu.memory_space<hbm>> -> memref<256xf32, #tpu.memory_space<hbm>>
    %dma_wait3A_91 = arith.constant 0 : i32
    %dma_wait3A_92 = tpu.memref_slice %arg3[%dma_wait3A_87, %dma_wait3A_91] : memref<8x256xf32, #tpu.memory_space<hbm>> -> memref<1x256xf32, #tpu.memory_space<hbm>>
    %dma_wait3A_93 = tpu.memref_squeeze %dma_wait3A_92 : memref<1x256xf32, #tpu.memory_space<hbm>> -> memref<256xf32, #tpu.memory_space<hbm>>
    tpu.wait_dma2 semaphore(%arg15 : memref<!tpu.dma_semaphore, #tpu.memory_space<semaphore_mem>>) src(%dma_wait3A_93 : memref<256xf32, #tpu.memory_space<hbm>>) dst(%arg10 : memref<256xf32, #tpu.memory_space<vmem>>)
    %dma_wait3A_94 = arith.constant 5 : i32
    %dma_wait3A_95 = arith.constant 0 : i32
    %dma_wait3A_96 = tpu.memref_slice %arg3[%dma_wait3A_94, %dma_wait3A_95] : memref<8x256xf32, #tpu.memory_space<hbm>> -> memref<1x256xf32, #tpu.memory_space<hbm>>
    %dma_wait3A_97 = tpu.memref_squeeze %dma_wait3A_96 : memref<1x256xf32, #tpu.memory_space<hbm>> -> memref<256xf32, #tpu.memory_space<hbm>>
    %dma_wait3A_98 = arith.constant 0 : i32
    %dma_wait3A_99 = tpu.memref_slice %arg3[%dma_wait3A_94, %dma_wait3A_98] : memref<8x256xf32, #tpu.memory_space<hbm>> -> memref<1x256xf32, #tpu.memory_space<hbm>>
    %dma_wait3A_100 = tpu.memref_squeeze %dma_wait3A_99 : memref<1x256xf32, #tpu.memory_space<hbm>> -> memref<256xf32, #tpu.memory_space<hbm>>
    tpu.wait_dma2 semaphore(%arg15 : memref<!tpu.dma_semaphore, #tpu.memory_space<semaphore_mem>>) src(%dma_wait3A_100 : memref<256xf32, #tpu.memory_space<hbm>>) dst(%arg11 : memref<256xf32, #tpu.memory_space<vmem>>)
    %dma_wait3A_101 = arith.constant 6 : i32
    %dma_wait3A_102 = arith.constant 0 : i32
    %dma_wait3A_103 = tpu.memref_slice %arg3[%dma_wait3A_101, %dma_wait3A_102] : memref<8x256xf32, #tpu.memory_space<hbm>> -> memref<1x256xf32, #tpu.memory_space<hbm>>
    %dma_wait3A_104 = tpu.memref_squeeze %dma_wait3A_103 : memref<1x256xf32, #tpu.memory_space<hbm>> -> memref<256xf32, #tpu.memory_space<hbm>>
    %dma_wait3A_105 = arith.constant 0 : i32
    %dma_wait3A_106 = tpu.memref_slice %arg3[%dma_wait3A_101, %dma_wait3A_105] : memref<8x256xf32, #tpu.memory_space<hbm>> -> memref<1x256xf32, #tpu.memory_space<hbm>>
    %dma_wait3A_107 = tpu.memref_squeeze %dma_wait3A_106 : memref<1x256xf32, #tpu.memory_space<hbm>> -> memref<256xf32, #tpu.memory_space<hbm>>
    tpu.wait_dma2 semaphore(%arg15 : memref<!tpu.dma_semaphore, #tpu.memory_space<semaphore_mem>>) src(%dma_wait3A_107 : memref<256xf32, #tpu.memory_space<hbm>>) dst(%arg12 : memref<256xf32, #tpu.memory_space<vmem>>)
    %dma_wait3A_108 = arith.constant 7 : i32
    %dma_wait3A_109 = arith.constant 0 : i32
    %dma_wait3A_110 = tpu.memref_slice %arg3[%dma_wait3A_108, %dma_wait3A_109] : memref<8x256xf32, #tpu.memory_space<hbm>> -> memref<1x256xf32, #tpu.memory_space<hbm>>
    %dma_wait3A_111 = tpu.memref_squeeze %dma_wait3A_110 : memref<1x256xf32, #tpu.memory_space<hbm>> -> memref<256xf32, #tpu.memory_space<hbm>>
    %dma_wait3A_112 = arith.constant 0 : i32
    %dma_wait3A_113 = tpu.memref_slice %arg3[%dma_wait3A_108, %dma_wait3A_112] : memref<8x256xf32, #tpu.memory_space<hbm>> -> memref<1x256xf32, #tpu.memory_space<hbm>>
    %dma_wait3A_114 = tpu.memref_squeeze %dma_wait3A_113 : memref<1x256xf32, #tpu.memory_space<hbm>> -> memref<256xf32, #tpu.memory_space<hbm>>
    tpu.wait_dma2 semaphore(%arg15 : memref<!tpu.dma_semaphore, #tpu.memory_space<semaphore_mem>>) src(%dma_wait3A_114 : memref<256xf32, #tpu.memory_space<hbm>>) dst(%arg13 : memref<256xf32, #tpu.memory_space<vmem>>)
    %dma_wait3A_115 = tpu.memref_slice %arg2[%multiple_of3A] : memref<163840xi32, #tpu.memory_space<hbm>> -> memref<5120xi32, #tpu.memory_space<hbm>>
    %dma_wait3A_116 = tpu.memref_slice %arg2[%multiple_of3A] : memref<163840xi32, #tpu.memory_space<hbm>> -> memref<5120xi32, #tpu.memory_space<hbm>>
    tpu.wait_dma2 semaphore(%arg15 : memref<!tpu.dma_semaphore, #tpu.memory_space<semaphore_mem>>) src(%dma_wait3A_116 : memref<5120xi32, #tpu.memory_space<hbm>>) dst(%arg5 : memref<5120xi32, #tpu.memory_space<vmem>>)
    %scan3A = arith.constant 0 : i32
    %scan3A_117 = arith.constant 0 : i32
    %scan3A_118 = arith.constant 5 : i32
    %scan3A_119 = arith.addi %scan3A_117, %scan3A_118 : i32
    %scan3A_120 = arith.constant 1 : i32
    scf.for %scan3A_122 = %scan3A_117 to %scan3A_119 step %scan3A_120  : i32 {
      %scan3A_123 = arith.constant 0 : i32
      %scan3A_124 = arith.constant 0 : i32
      %scan3A_125 = arith.constant 64 : i32
      %scan3A_126 = arith.addi %scan3A_124, %scan3A_125 : i32
      %scan3A_127 = arith.constant 8 : i32
      scf.for %scan3A_133 = %scan3A_124 to %scan3A_126 step %scan3A_127  : i32 {
        %mul3A_134 = arith.constant 1024 : i32
        %mul3A_135 = arith.muli %scan3A_122, %mul3A_134 : i32
        %mul3A_136 = arith.constant 16 : i32
        %mul3A_137 = arith.muli %scan3A_133, %mul3A_136 : i32
        %add3A_138 = arith.addi %mul3A_135, %mul3A_137 : i32
        %multiple_of3A_139 = tpu.assume_multiple %add3A_138, 8 : i32
        %get3A = arith.index_cast %multiple_of3A_139 : i32 to index
        %get3A_140 = tpu.vector_load %arg5[%get3A] {strides = array<i32>} : memref<5120xi32, #tpu.memory_space<vmem>>, vector<16xi32>,
        %mul3A_141 = arith.constant 16 : i32
        %mul3A_142 = arith.muli %scan3A_133, %mul3A_141 : i32
        %multiple_of3A_143 = tpu.assume_multiple %mul3A_142, 8 : i32
        %gather3A = tpu.vector_load_idx %arg6[%get3A_140] : memref<256xf32, #tpu.memory_space<vmem>>[vector<16xi32>], vector<16xf32>,
        %swap3A = arith.constant 0 : i32
        %swap3A_144 = arith.index_cast %swap3A : i32 to index
        %swap3A_145 = arith.index_cast %multiple_of3A_143 : i32 to index
        %swap3A_146 = tpu.vector_load %arg14[%swap3A_144, %swap3A_145] {strides = array<i32>} : memref<8x1024xf32, #tpu.memory_space<vmem>>, vector<16xf32>,
        tpu.vector_store %arg14[%swap3A_144, %swap3A_145], %gather3A {strides = array<i32>} : memref<8x1024xf32, #tpu.memory_space<vmem>>, vector<16xf32>,
        %gather3A_147 = tpu.vector_load_idx %arg7[%get3A_140] : memref<256xf32, #tpu.memory_space<vmem>>[vector<16xi32>], vector<16xf32>,
        %swap3A_148 = arith.constant 1 : i32
        %swap3A_149 = arith.index_cast %swap3A_148 : i32 to index
        %swap3A_150 = arith.index_cast %multiple_of3A_143 : i32 to index
        %swap3A_151 = tpu.vector_load %arg14[%swap3A_149, %swap3A_150] {strides = array<i32>} : memref<8x1024xf32, #tpu.memory_space<vmem>>, vector<16xf32>,
        tpu.vector_store %arg14[%swap3A_149, %swap3A_150], %gather3A_147 {strides = array<i32>} : memref<8x1024xf32, #tpu.memory_space<vmem>>, vector<16xf32>,
        %gather3A_152 = tpu.vector_load_idx %arg8[%get3A_140] : memref<256xf32, #tpu.memory_space<vmem>>[vector<16xi32>], vector<16xf32>,
        %swap3A_153 = arith.constant 2 : i32
        %swap3A_154 = arith.index_cast %swap3A_153 : i32 to index
        %swap3A_155 = arith.index_cast %multiple_of3A_143 : i32 to index
        %swap3A_156 = tpu.vector_load %arg14[%swap3A_154, %swap3A_155] {strides = array<i32>} : memref<8x1024xf32, #tpu.memory_space<vmem>>, vector<16xf32>,
        tpu.vector_store %arg14[%swap3A_154, %swap3A_155], %gather3A_152 {strides = array<i32>} : memref<8x1024xf32, #tpu.memory_space<vmem>>, vector<16xf32>,
        %gather3A_157 = tpu.vector_load_idx %arg9[%get3A_140] : memref<256xf32, #tpu.memory_space<vmem>>[vector<16xi32>], vector<16xf32>,
        %swap3A_158 = arith.constant 3 : i32
        %swap3A_159 = arith.index_cast %swap3A_158 : i32 to index
        %swap3A_160 = arith.index_cast %multiple_of3A_143 : i32 to index
        %swap3A_161 = tpu.vector_load %arg14[%swap3A_159, %swap3A_160] {strides = array<i32>} : memref<8x1024xf32, #tpu.memory_space<vmem>>, vector<16xf32>,
        tpu.vector_store %arg14[%swap3A_159, %swap3A_160], %gather3A_157 {strides = array<i32>} : memref<8x1024xf32, #tpu.memory_space<vmem>>, vector<16xf32>,
        %gather3A_162 = tpu.vector_load_idx %arg10[%get3A_140] : memref<256xf32, #tpu.memory_space<vmem>>[vector<16xi32>], vector<16xf32>,
        %swap3A_163 = arith.constant 4 : i32
        %swap3A_164 = arith.index_cast %swap3A_163 : i32 to index
        %swap3A_165 = arith.index_cast %multiple_of3A_143 : i32 to index
        %swap3A_166 = tpu.vector_load %arg14[%swap3A_164, %swap3A_165] {strides = array<i32>} : memref<8x1024xf32, #tpu.memory_space<vmem>>, vector<16xf32>,
        tpu.vector_store %arg14[%swap3A_164, %swap3A_165], %gather3A_162 {strides = array<i32>} : memref<8x1024xf32, #tpu.memory_space<vmem>>, vector<16xf32>,
        %gather3A_167 = tpu.vector_load_idx %arg11[%get3A_140] : memref<256xf32, #tpu.memory_space<vmem>>[vector<16xi32>], vector<16xf32>,
        %swap3A_168 = arith.constant 5 : i32
        %swap3A_169 = arith.index_cast %swap3A_168 : i32 to index
        %swap3A_170 = arith.index_cast %multiple_of3A_143 : i32 to index
        %swap3A_171 = tpu.vector_load %arg14[%swap3A_169, %swap3A_170] {strides = array<i32>} : memref<8x1024xf32, #tpu.memory_space<vmem>>, vector<16xf32>,
        tpu.vector_store %arg14[%swap3A_169, %swap3A_170], %gather3A_167 {strides = array<i32>} : memref<8x1024xf32, #tpu.memory_space<vmem>>, vector<16xf32>,
        %gather3A_172 = tpu.vector_load_idx %arg12[%get3A_140] : memref<256xf32, #tpu.memory_space<vmem>>[vector<16xi32>], vector<16xf32>,
        %swap3A_173 = arith.constant 6 : i32
        %swap3A_174 = arith.index_cast %swap3A_173 : i32 to index
        %swap3A_175 = arith.index_cast %multiple_of3A_143 : i32 to index
        %swap3A_176 = tpu.vector_load %arg14[%swap3A_174, %swap3A_175] {strides = array<i32>} : memref<8x1024xf32, #tpu.memory_space<vmem>>, vector<16xf32>,
        tpu.vector_store %arg14[%swap3A_174, %swap3A_175], %gather3A_172 {strides = array<i32>} : memref<8x1024xf32, #tpu.memory_space<vmem>>, vector<16xf32>,
        %gather3A_177 = tpu.vector_load_idx %arg13[%get3A_140] : memref<256xf32, #tpu.memory_space<vmem>>[vector<16xi32>], vector<16xf32>,
        %swap3A_178 = arith.constant 7 : i32
        %swap3A_179 = arith.index_cast %swap3A_178 : i32 to index
        %swap3A_180 = arith.index_cast %multiple_of3A_143 : i32 to index
        %swap3A_181 = tpu.vector_load %arg14[%swap3A_179, %swap3A_180] {strides = array<i32>} : memref<8x1024xf32, #tpu.memory_space<vmem>>, vector<16xf32>,
        tpu.vector_store %arg14[%swap3A_179, %swap3A_180], %gather3A_177 {strides = array<i32>} : memref<8x1024xf32, #tpu.memory_space<vmem>>, vector<16xf32>,
        %scan3A_182 = arith.constant 1 : i32
        %scan3A_183 = arith.addi %scan3A_133, %scan3A_182 : i32
        %mul3A_184 = arith.constant 1024 : i32
        %mul3A_185 = arith.muli %scan3A_122, %mul3A_184 : i32
        %mul3A_186 = arith.constant 16 : i32
        %mul3A_187 = arith.muli %scan3A_183, %mul3A_186 : i32
        %add3A_188 = arith.addi %mul3A_185, %mul3A_187 : i32
        %multiple_of3A_189 = tpu.assume_multiple %add3A_188, 8 : i32
        %get3A_190 = arith.index_cast %multiple_of3A_189 : i32 to index
        %get3A_191 = tpu.vector_load %arg5[%get3A_190] {strides = array<i32>} : memref<5120xi32, #tpu.memory_space<vmem>>, vector<16xi32>,
        %mul3A_192 = arith.constant 16 : i32
        %mul3A_193 = arith.muli %scan3A_183, %mul3A_192 : i32
        %multiple_of3A_194 = tpu.assume_multiple %mul3A_193, 8 : i32
        %gather3A_195 = tpu.vector_load_idx %arg6[%get3A_191] : memref<256xf32, #tpu.memory_space<vmem>>[vector<16xi32>], vector<16xf32>,
        %swap3A_196 = arith.constant 0 : i32
        %swap3A_197 = arith.index_cast %swap3A_196 : i32 to index
        %swap3A_198 = arith.index_cast %multiple_of3A_194 : i32 to index
        %swap3A_199 = tpu.vector_load %arg14[%swap3A_197, %swap3A_198] {strides = array<i32>} : memref<8x1024xf32, #tpu.memory_space<vmem>>, vector<16xf32>,
        tpu.vector_store %arg14[%swap3A_197, %swap3A_198], %gather3A_195 {strides = array<i32>} : memref<8x1024xf32, #tpu.memory_space<vmem>>, vector<16xf32>,
        %gather3A_200 = tpu.vector_load_idx %arg7[%get3A_191] : memref<256xf32, #tpu.memory_space<vmem>>[vector<16xi32>], vector<16xf32>,
        %swap3A_201 = arith.constant 1 : i32
        %swap3A_202 = arith.index_cast %swap3A_201 : i32 to index
        %swap3A_203 = arith.index_cast %multiple_of3A_194 : i32 to index
        %swap3A_204 = tpu.vector_load %arg14[%swap3A_202, %swap3A_203] {strides = array<i32>} : memref<8x1024xf32, #tpu.memory_space<vmem>>, vector<16xf32>,
        tpu.vector_store %arg14[%swap3A_202, %swap3A_203], %gather3A_200 {strides = array<i32>} : memref<8x1024xf32, #tpu.memory_space<vmem>>, vector<16xf32>,
        %gather3A_205 = tpu.vector_load_idx %arg8[%get3A_191] : memref<256xf32, #tpu.memory_space<vmem>>[vector<16xi32>], vector<16xf32>,
        %swap3A_206 = arith.constant 2 : i32
        %swap3A_207 = arith.index_cast %swap3A_206 : i32 to index
        %swap3A_208 = arith.index_cast %multiple_of3A_194 : i32 to index
        %swap3A_209 = tpu.vector_load %arg14[%swap3A_207, %swap3A_208] {strides = array<i32>} : memref<8x1024xf32, #tpu.memory_space<vmem>>, vector<16xf32>,
        tpu.vector_store %arg14[%swap3A_207, %swap3A_208], %gather3A_205 {strides = array<i32>} : memref<8x1024xf32, #tpu.memory_space<vmem>>, vector<16xf32>,
        %gather3A_210 = tpu.vector_load_idx %arg9[%get3A_191] : memref<256xf32, #tpu.memory_space<vmem>>[vector<16xi32>], vector<16xf32>,
        %swap3A_211 = arith.constant 3 : i32
        %swap3A_212 = arith.index_cast %swap3A_211 : i32 to index
        %swap3A_213 = arith.index_cast %multiple_of3A_194 : i32 to index
        %swap3A_214 = tpu.vector_load %arg14[%swap3A_212, %swap3A_213] {strides = array<i32>} : memref<8x1024xf32, #tpu.memory_space<vmem>>, vector<16xf32>,
        tpu.vector_store %arg14[%swap3A_212, %swap3A_213], %gather3A_210 {strides = array<i32>} : memref<8x1024xf32, #tpu.memory_space<vmem>>, vector<16xf32>,
        %gather3A_215 = tpu.vector_load_idx %arg10[%get3A_191] : memref<256xf32, #tpu.memory_space<vmem>>[vector<16xi32>], vector<16xf32>,
        %swap3A_216 = arith.constant 4 : i32
        %swap3A_217 = arith.index_cast %swap3A_216 : i32 to index
        %swap3A_218 = arith.index_cast %multiple_of3A_194 : i32 to index
        %swap3A_219 = tpu.vector_load %arg14[%swap3A_217, %swap3A_218] {strides = array<i32>} : memref<8x1024xf32, #tpu.memory_space<vmem>>, vector<16xf32>,
        tpu.vector_store %arg14[%swap3A_217, %swap3A_218], %gather3A_215 {strides = array<i32>} : memref<8x1024xf32, #tpu.memory_space<vmem>>, vector<16xf32>,
        %gather3A_220 = tpu.vector_load_idx %arg11[%get3A_191] : memref<256xf32, #tpu.memory_space<vmem>>[vector<16xi32>], vector<16xf32>,
        %swap3A_221 = arith.constant 5 : i32
        %swap3A_222 = arith.index_cast %swap3A_221 : i32 to index
        %swap3A_223 = arith.index_cast %multiple_of3A_194 : i32 to index
        %swap3A_224 = tpu.vector_load %arg14[%swap3A_222, %swap3A_223] {strides = array<i32>} : memref<8x1024xf32, #tpu.memory_space<vmem>>, vector<16xf32>,
        tpu.vector_store %arg14[%swap3A_222, %swap3A_223], %gather3A_220 {strides = array<i32>} : memref<8x1024xf32, #tpu.memory_space<vmem>>, vector<16xf32>,
        %gather3A_225 = tpu.vector_load_idx %arg12[%get3A_191] : memref<256xf32, #tpu.memory_space<vmem>>[vector<16xi32>], vector<16xf32>,
        %swap3A_226 = arith.constant 6 : i32
        %swap3A_227 = arith.index_cast %swap3A_226 : i32 to index
        %swap3A_228 = arith.index_cast %multiple_of3A_194 : i32 to index
        %swap3A_229 = tpu.vector_load %arg14[%swap3A_227, %swap3A_228] {strides = array<i32>} : memref<8x1024xf32, #tpu.memory_space<vmem>>, vector<16xf32>,
        tpu.vector_store %arg14[%swap3A_227, %swap3A_228], %gather3A_225 {strides = array<i32>} : memref<8x1024xf32, #tpu.memory_space<vmem>>, vector<16xf32>,
        %gather3A_230 = tpu.vector_load_idx %arg13[%get3A_191] : memref<256xf32, #tpu.memory_space<vmem>>[vector<16xi32>], vector<16xf32>,
        %swap3A_231 = arith.constant 7 : i32
        %swap3A_232 = arith.index_cast %swap3A_231 : i32 to index
        %swap3A_233 = arith.index_cast %multiple_of3A_194 : i32 to index
        %swap3A_234 = tpu.vector_load %arg14[%swap3A_232, %swap3A_233] {strides = array<i32>} : memref<8x1024xf32, #tpu.memory_space<vmem>>, vector<16xf32>,
        tpu.vector_store %arg14[%swap3A_232, %swap3A_233], %gather3A_230 {strides = array<i32>} : memref<8x1024xf32, #tpu.memory_space<vmem>>, vector<16xf32>,
        %scan3A_235 = arith.constant 2 : i32
        %scan3A_236 = arith.addi %scan3A_133, %scan3A_235 : i32
        %mul3A_237 = arith.constant 1024 : i32
        %mul3A_238 = arith.muli %scan3A_122, %mul3A_237 : i32
        %mul3A_239 = arith.constant 16 : i32
        %mul3A_240 = arith.muli %scan3A_236, %mul3A_239 : i32
        %add3A_241 = arith.addi %mul3A_238, %mul3A_240 : i32
        %multiple_of3A_242 = tpu.assume_multiple %add3A_241, 8 : i32
        %get3A_243 = arith.index_cast %multiple_of3A_242 : i32 to index
        %get3A_244 = tpu.vector_load %arg5[%get3A_243] {strides = array<i32>} : memref<5120xi32, #tpu.memory_space<vmem>>, vector<16xi32>,
        %mul3A_245 = arith.constant 16 : i32
        %mul3A_246 = arith.muli %scan3A_236, %mul3A_245 : i32
        %multiple_of3A_247 = tpu.assume_multiple %mul3A_246, 8 : i32
        %gather3A_248 = tpu.vector_load_idx %arg6[%get3A_244] : memref<256xf32, #tpu.memory_space<vmem>>[vector<16xi32>], vector<16xf32>,
        %swap3A_249 = arith.constant 0 : i32
        %swap3A_250 = arith.index_cast %swap3A_249 : i32 to index
        %swap3A_251 = arith.index_cast %multiple_of3A_247 : i32 to index
        %swap3A_252 = tpu.vector_load %arg14[%swap3A_250, %swap3A_251] {strides = array<i32>} : memref<8x1024xf32, #tpu.memory_space<vmem>>, vector<16xf32>,
        tpu.vector_store %arg14[%swap3A_250, %swap3A_251], %gather3A_248 {strides = array<i32>} : memref<8x1024xf32, #tpu.memory_space<vmem>>, vector<16xf32>,
        %gather3A_253 = tpu.vector_load_idx %arg7[%get3A_244] : memref<256xf32, #tpu.memory_space<vmem>>[vector<16xi32>], vector<16xf32>,
        %swap3A_254 = arith.constant 1 : i32
        %swap3A_255 = arith.index_cast %swap3A_254 : i32 to index
        %swap3A_256 = arith.index_cast %multiple_of3A_247 : i32 to index
        %swap3A_257 = tpu.vector_load %arg14[%swap3A_255, %swap3A_256] {strides = array<i32>} : memref<8x1024xf32, #tpu.memory_space<vmem>>, vector<16xf32>,
        tpu.vector_store %arg14[%swap3A_255, %swap3A_256], %gather3A_253 {strides = array<i32>} : memref<8x1024xf32, #tpu.memory_space<vmem>>, vector<16xf32>,
        %gather3A_258 = tpu.vector_load_idx %arg8[%get3A_244] : memref<256xf32, #tpu.memory_space<vmem>>[vector<16xi32>], vector<16xf32>,
        %swap3A_259 = arith.constant 2 : i32
        %swap3A_260 = arith.index_cast %swap3A_259 : i32 to index
        %swap3A_261 = arith.index_cast %multiple_of3A_247 : i32 to index
        %swap3A_262 = tpu.vector_load %arg14[%swap3A_260, %swap3A_261] {strides = array<i32>} : memref<8x1024xf32, #tpu.memory_space<vmem>>, vector<16xf32>,
        tpu.vector_store %arg14[%swap3A_260, %swap3A_261], %gather3A_258 {strides = array<i32>} : memref<8x1024xf32, #tpu.memory_space<vmem>>, vector<16xf32>,
        %gather3A_263 = tpu.vector_load_idx %arg9[%get3A_244] : memref<256xf32, #tpu.memory_space<vmem>>[vector<16xi32>], vector<16xf32>,
        %swap3A_264 = arith.constant 3 : i32
        %swap3A_265 = arith.index_cast %swap3A_264 : i32 to index
        %swap3A_266 = arith.index_cast %multiple_of3A_247 : i32 to index
        %swap3A_267 = tpu.vector_load %arg14[%swap3A_265, %swap3A_266] {strides = array<i32>} : memref<8x1024xf32, #tpu.memory_space<vmem>>, vector<16xf32>,
        tpu.vector_store %arg14[%swap3A_265, %swap3A_266], %gather3A_263 {strides = array<i32>} : memref<8x1024xf32, #tpu.memory_space<vmem>>, vector<16xf32>,
        %gather3A_268 = tpu.vector_load_idx %arg10[%get3A_244] : memref<256xf32, #tpu.memory_space<vmem>>[vector<16xi32>], vector<16xf32>,
        %swap3A_269 = arith.constant 4 : i32
        %swap3A_270 = arith.index_cast %swap3A_269 : i32 to index
        %swap3A_271 = arith.index_cast %multiple_of3A_247 : i32 to index
        %swap3A_272 = tpu.vector_load %arg14[%swap3A_270, %swap3A_271] {strides = array<i32>} : memref<8x1024xf32, #tpu.memory_space<vmem>>, vector<16xf32>,
        tpu.vector_store %arg14[%swap3A_270, %swap3A_271], %gather3A_268 {strides = array<i32>} : memref<8x1024xf32, #tpu.memory_space<vmem>>, vector<16xf32>,
        %gather3A_273 = tpu.vector_load_idx %arg11[%get3A_244] : memref<256xf32, #tpu.memory_space<vmem>>[vector<16xi32>], vector<16xf32>,
        %swap3A_274 = arith.constant 5 : i32
        %swap3A_275 = arith.index_cast %swap3A_274 : i32 to index
        %swap3A_276 = arith.index_cast %multiple_of3A_247 : i32 to index
        %swap3A_277 = tpu.vector_load %arg14[%swap3A_275, %swap3A_276] {strides = array<i32>} : memref<8x1024xf32, #tpu.memory_space<vmem>>, vector<16xf32>,
        tpu.vector_store %arg14[%swap3A_275, %swap3A_276], %gather3A_273 {strides = array<i32>} : memref<8x1024xf32, #tpu.memory_space<vmem>>, vector<16xf32>,
        %gather3A_278 = tpu.vector_load_idx %arg12[%get3A_244] : memref<256xf32, #tpu.memory_space<vmem>>[vector<16xi32>], vector<16xf32>,
        %swap3A_279 = arith.constant 6 : i32
        %swap3A_280 = arith.index_cast %swap3A_279 : i32 to index
        %swap3A_281 = arith.index_cast %multiple_of3A_247 : i32 to index
        %swap3A_282 = tpu.vector_load %arg14[%swap3A_280, %swap3A_281] {strides = array<i32>} : memref<8x1024xf32, #tpu.memory_space<vmem>>, vector<16xf32>,
        tpu.vector_store %arg14[%swap3A_280, %swap3A_281], %gather3A_278 {strides = array<i32>} : memref<8x1024xf32, #tpu.memory_space<vmem>>, vector<16xf32>,
        %gather3A_283 = tpu.vector_load_idx %arg13[%get3A_244] : memref<256xf32, #tpu.memory_space<vmem>>[vector<16xi32>], vector<16xf32>,
        %swap3A_284 = arith.constant 7 : i32
        %swap3A_285 = arith.index_cast %swap3A_284 : i32 to index
        %swap3A_286 = arith.index_cast %multiple_of3A_247 : i32 to index
        %swap3A_287 = tpu.vector_load %arg14[%swap3A_285, %swap3A_286] {strides = array<i32>} : memref<8x1024xf32, #tpu.memory_space<vmem>>, vector<16xf32>,
        tpu.vector_store %arg14[%swap3A_285, %swap3A_286], %gather3A_283 {strides = array<i32>} : memref<8x1024xf32, #tpu.memory_space<vmem>>, vector<16xf32>,
        %scan3A_288 = arith.constant 3 : i32
        %scan3A_289 = arith.addi %scan3A_133, %scan3A_288 : i32
        %mul3A_290 = arith.constant 1024 : i32
        %mul3A_291 = arith.muli %scan3A_122, %mul3A_290 : i32
        %mul3A_292 = arith.constant 16 : i32
        %mul3A_293 = arith.muli %scan3A_289, %mul3A_292 : i32
        %add3A_294 = arith.addi %mul3A_291, %mul3A_293 : i32
        %multiple_of3A_295 = tpu.assume_multiple %add3A_294, 8 : i32
        %get3A_296 = arith.index_cast %multiple_of3A_295 : i32 to index
        %get3A_297 = tpu.vector_load %arg5[%get3A_296] {strides = array<i32>} : memref<5120xi32, #tpu.memory_space<vmem>>, vector<16xi32>,
        %mul3A_298 = arith.constant 16 : i32
        %mul3A_299 = arith.muli %scan3A_289, %mul3A_298 : i32
        %multiple_of3A_300 = tpu.assume_multiple %mul3A_299, 8 : i32
        %gather3A_301 = tpu.vector_load_idx %arg6[%get3A_297] : memref<256xf32, #tpu.memory_space<vmem>>[vector<16xi32>], vector<16xf32>,
        %swap3A_302 = arith.constant 0 : i32
        %swap3A_303 = arith.index_cast %swap3A_302 : i32 to index
        %swap3A_304 = arith.index_cast %multiple_of3A_300 : i32 to index
        %swap3A_305 = tpu.vector_load %arg14[%swap3A_303, %swap3A_304] {strides = array<i32>} : memref<8x1024xf32, #tpu.memory_space<vmem>>, vector<16xf32>,
        tpu.vector_store %arg14[%swap3A_303, %swap3A_304], %gather3A_301 {strides = array<i32>} : memref<8x1024xf32, #tpu.memory_space<vmem>>, vector<16xf32>,
        %gather3A_306 = tpu.vector_load_idx %arg7[%get3A_297] : memref<256xf32, #tpu.memory_space<vmem>>[vector<16xi32>], vector<16xf32>,
        %swap3A_307 = arith.constant 1 : i32
        %swap3A_308 = arith.index_cast %swap3A_307 : i32 to index
        %swap3A_309 = arith.index_cast %multiple_of3A_300 : i32 to index
        %swap3A_310 = tpu.vector_load %arg14[%swap3A_308, %swap3A_309] {strides = array<i32>} : memref<8x1024xf32, #tpu.memory_space<vmem>>, vector<16xf32>,
        tpu.vector_store %arg14[%swap3A_308, %swap3A_309], %gather3A_306 {strides = array<i32>} : memref<8x1024xf32, #tpu.memory_space<vmem>>, vector<16xf32>,
        %gather3A_311 = tpu.vector_load_idx %arg8[%get3A_297] : memref<256xf32, #tpu.memory_space<vmem>>[vector<16xi32>], vector<16xf32>,
        %swap3A_312 = arith.constant 2 : i32
        %swap3A_313 = arith.index_cast %swap3A_312 : i32 to index
        %swap3A_314 = arith.index_cast %multiple_of3A_300 : i32 to index
        %swap3A_315 = tpu.vector_load %arg14[%swap3A_313, %swap3A_314] {strides = array<i32>} : memref<8x1024xf32, #tpu.memory_space<vmem>>, vector<16xf32>,
        tpu.vector_store %arg14[%swap3A_313, %swap3A_314], %gather3A_311 {strides = array<i32>} : memref<8x1024xf32, #tpu.memory_space<vmem>>, vector<16xf32>,
        %gather3A_316 = tpu.vector_load_idx %arg9[%get3A_297] : memref<256xf32, #tpu.memory_space<vmem>>[vector<16xi32>], vector<16xf32>,
        %swap3A_317 = arith.constant 3 : i32
        %swap3A_318 = arith.index_cast %swap3A_317 : i32 to index
        %swap3A_319 = arith.index_cast %multiple_of3A_300 : i32 to index
        %swap3A_320 = tpu.vector_load %arg14[%swap3A_318, %swap3A_319] {strides = array<i32>} : memref<8x1024xf32, #tpu.memory_space<vmem>>, vector<16xf32>,
        tpu.vector_store %arg14[%swap3A_318, %swap3A_319], %gather3A_316 {strides = array<i32>} : memref<8x1024xf32, #tpu.memory_space<vmem>>, vector<16xf32>,
        %gather3A_321 = tpu.vector_load_idx %arg10[%get3A_297] : memref<256xf32, #tpu.memory_space<vmem>>[vector<16xi32>], vector<16xf32>,
        %swap3A_322 = arith.constant 4 : i32
        %swap3A_323 = arith.index_cast %swap3A_322 : i32 to index
        %swap3A_324 = arith.index_cast %multiple_of3A_300 : i32 to index
        %swap3A_325 = tpu.vector_load %arg14[%swap3A_323, %swap3A_324] {strides = array<i32>} : memref<8x1024xf32, #tpu.memory_space<vmem>>, vector<16xf32>,
        tpu.vector_store %arg14[%swap3A_323, %swap3A_324], %gather3A_321 {strides = array<i32>} : memref<8x1024xf32, #tpu.memory_space<vmem>>, vector<16xf32>,
        %gather3A_326 = tpu.vector_load_idx %arg11[%get3A_297] : memref<256xf32, #tpu.memory_space<vmem>>[vector<16xi32>], vector<16xf32>,
        %swap3A_327 = arith.constant 5 : i32
        %swap3A_328 = arith.index_cast %swap3A_327 : i32 to index
        %swap3A_329 = arith.index_cast %multiple_of3A_300 : i32 to index
        %swap3A_330 = tpu.vector_load %arg14[%swap3A_328, %swap3A_329] {strides = array<i32>} : memref<8x1024xf32, #tpu.memory_space<vmem>>, vector<16xf32>,
        tpu.vector_store %arg14[%swap3A_328, %swap3A_329], %gather3A_326 {strides = array<i32>} : memref<8x1024xf32, #tpu.memory_space<vmem>>, vector<16xf32>,
        %gather3A_331 = tpu.vector_load_idx %arg12[%get3A_297] : memref<256xf32, #tpu.memory_space<vmem>>[vector<16xi32>], vector<16xf32>,
        %swap3A_332 = arith.constant 6 : i32
        %swap3A_333 = arith.index_cast %swap3A_332 : i32 to index
        %swap3A_334 = arith.index_cast %multiple_of3A_300 : i32 to index
        %swap3A_335 = tpu.vector_load %arg14[%swap3A_333, %swap3A_334] {strides = array<i32>} : memref<8x1024xf32, #tpu.memory_space<vmem>>, vector<16xf32>,
        tpu.vector_store %arg14[%swap3A_333, %swap3A_334], %gather3A_331 {strides = array<i32>} : memref<8x1024xf32, #tpu.memory_space<vmem>>, vector<16xf32>,
        %gather3A_336 = tpu.vector_load_idx %arg13[%get3A_297] : memref<256xf32, #tpu.memory_space<vmem>>[vector<16xi32>], vector<16xf32>,
        %swap3A_337 = arith.constant 7 : i32
        %swap3A_338 = arith.index_cast %swap3A_337 : i32 to index
        %swap3A_339 = arith.index_cast %multiple_of3A_300 : i32 to index
        %swap3A_340 = tpu.vector_load %arg14[%swap3A_338, %swap3A_339] {strides = array<i32>} : memref<8x1024xf32, #tpu.memory_space<vmem>>, vector<16xf32>,
        tpu.vector_store %arg14[%swap3A_338, %swap3A_339], %gather3A_336 {strides = array<i32>} : memref<8x1024xf32, #tpu.memory_space<vmem>>, vector<16xf32>,
        %scan3A_341 = arith.constant 4 : i32
        %scan3A_342 = arith.addi %scan3A_133, %scan3A_341 : i32
        %mul3A_343 = arith.constant 1024 : i32
        %mul3A_344 = arith.muli %scan3A_122, %mul3A_343 : i32
        %mul3A_345 = arith.constant 16 : i32
        %mul3A_346 = arith.muli %scan3A_342, %mul3A_345 : i32
        %add3A_347 = arith.addi %mul3A_344, %mul3A_346 : i32
        %multiple_of3A_348 = tpu.assume_multiple %add3A_347, 8 : i32
        %get3A_349 = arith.index_cast %multiple_of3A_348 : i32 to index
        %get3A_350 = tpu.vector_load %arg5[%get3A_349] {strides = array<i32>} : memref<5120xi32, #tpu.memory_space<vmem>>, vector<16xi32>,
        %mul3A_351 = arith.constant 16 : i32
        %mul3A_352 = arith.muli %scan3A_342, %mul3A_351 : i32
        %multiple_of3A_353 = tpu.assume_multiple %mul3A_352, 8 : i32
        %gather3A_354 = tpu.vector_load_idx %arg6[%get3A_350] : memref<256xf32, #tpu.memory_space<vmem>>[vector<16xi32>], vector<16xf32>,
        %swap3A_355 = arith.constant 0 : i32
        %swap3A_356 = arith.index_cast %swap3A_355 : i32 to index
        %swap3A_357 = arith.index_cast %multiple_of3A_353 : i32 to index
        %swap3A_358 = tpu.vector_load %arg14[%swap3A_356, %swap3A_357] {strides = array<i32>} : memref<8x1024xf32, #tpu.memory_space<vmem>>, vector<16xf32>,
        tpu.vector_store %arg14[%swap3A_356, %swap3A_357], %gather3A_354 {strides = array<i32>} : memref<8x1024xf32, #tpu.memory_space<vmem>>, vector<16xf32>,
        %gather3A_359 = tpu.vector_load_idx %arg7[%get3A_350] : memref<256xf32, #tpu.memory_space<vmem>>[vector<16xi32>], vector<16xf32>,
        %swap3A_360 = arith.constant 1 : i32
        %swap3A_361 = arith.index_cast %swap3A_360 : i32 to index
        %swap3A_362 = arith.index_cast %multiple_of3A_353 : i32 to index
        %swap3A_363 = tpu.vector_load %arg14[%swap3A_361, %swap3A_362] {strides = array<i32>} : memref<8x1024xf32, #tpu.memory_space<vmem>>, vector<16xf32>,
        tpu.vector_store %arg14[%swap3A_361, %swap3A_362], %gather3A_359 {strides = array<i32>} : memref<8x1024xf32, #tpu.memory_space<vmem>>, vector<16xf32>,
        %gather3A_364 = tpu.vector_load_idx %arg8[%get3A_350] : memref<256xf32, #tpu.memory_space<vmem>>[vector<16xi32>], vector<16xf32>,
        %swap3A_365 = arith.constant 2 : i32
        %swap3A_366 = arith.index_cast %swap3A_365 : i32 to index
        %swap3A_367 = arith.index_cast %multiple_of3A_353 : i32 to index
        %swap3A_368 = tpu.vector_load %arg14[%swap3A_366, %swap3A_367] {strides = array<i32>} : memref<8x1024xf32, #tpu.memory_space<vmem>>, vector<16xf32>,
        tpu.vector_store %arg14[%swap3A_366, %swap3A_367], %gather3A_364 {strides = array<i32>} : memref<8x1024xf32, #tpu.memory_space<vmem>>, vector<16xf32>,
        %gather3A_369 = tpu.vector_load_idx %arg9[%get3A_350] : memref<256xf32, #tpu.memory_space<vmem>>[vector<16xi32>], vector<16xf32>,
        %swap3A_370 = arith.constant 3 : i32
        %swap3A_371 = arith.index_cast %swap3A_370 : i32 to index
        %swap3A_372 = arith.index_cast %multiple_of3A_353 : i32 to index
        %swap3A_373 = tpu.vector_load %arg14[%swap3A_371, %swap3A_372] {strides = array<i32>} : memref<8x1024xf32, #tpu.memory_space<vmem>>, vector<16xf32>,
        tpu.vector_store %arg14[%swap3A_371, %swap3A_372], %gather3A_369 {strides = array<i32>} : memref<8x1024xf32, #tpu.memory_space<vmem>>, vector<16xf32>,
        %gather3A_374 = tpu.vector_load_idx %arg10[%get3A_350] : memref<256xf32, #tpu.memory_space<vmem>>[vector<16xi32>], vector<16xf32>,
        %swap3A_375 = arith.constant 4 : i32
        %swap3A_376 = arith.index_cast %swap3A_375 : i32 to index
        %swap3A_377 = arith.index_cast %multiple_of3A_353 : i32 to index
        %swap3A_378 = tpu.vector_load %arg14[%swap3A_376, %swap3A_377] {strides = array<i32>} : memref<8x1024xf32, #tpu.memory_space<vmem>>, vector<16xf32>,
        tpu.vector_store %arg14[%swap3A_376, %swap3A_377], %gather3A_374 {strides = array<i32>} : memref<8x1024xf32, #tpu.memory_space<vmem>>, vector<16xf32>,
        %gather3A_379 = tpu.vector_load_idx %arg11[%get3A_350] : memref<256xf32, #tpu.memory_space<vmem>>[vector<16xi32>], vector<16xf32>,
        %swap3A_380 = arith.constant 5 : i32
        %swap3A_381 = arith.index_cast %swap3A_380 : i32 to index
        %swap3A_382 = arith.index_cast %multiple_of3A_353 : i32 to index
        %swap3A_383 = tpu.vector_load %arg14[%swap3A_381, %swap3A_382] {strides = array<i32>} : memref<8x1024xf32, #tpu.memory_space<vmem>>, vector<16xf32>,
        tpu.vector_store %arg14[%swap3A_381, %swap3A_382], %gather3A_379 {strides = array<i32>} : memref<8x1024xf32, #tpu.memory_space<vmem>>, vector<16xf32>,
        %gather3A_384 = tpu.vector_load_idx %arg12[%get3A_350] : memref<256xf32, #tpu.memory_space<vmem>>[vector<16xi32>], vector<16xf32>,
        %swap3A_385 = arith.constant 6 : i32
        %swap3A_386 = arith.index_cast %swap3A_385 : i32 to index
        %swap3A_387 = arith.index_cast %multiple_of3A_353 : i32 to index
        %swap3A_388 = tpu.vector_load %arg14[%swap3A_386, %swap3A_387] {strides = array<i32>} : memref<8x1024xf32, #tpu.memory_space<vmem>>, vector<16xf32>,
        tpu.vector_store %arg14[%swap3A_386, %swap3A_387], %gather3A_384 {strides = array<i32>} : memref<8x1024xf32, #tpu.memory_space<vmem>>, vector<16xf32>,
        %gather3A_389 = tpu.vector_load_idx %arg13[%get3A_350] : memref<256xf32, #tpu.memory_space<vmem>>[vector<16xi32>], vector<16xf32>,
        %swap3A_390 = arith.constant 7 : i32
        %swap3A_391 = arith.index_cast %swap3A_390 : i32 to index
        %swap3A_392 = arith.index_cast %multiple_of3A_353 : i32 to index
        %swap3A_393 = tpu.vector_load %arg14[%swap3A_391, %swap3A_392] {strides = array<i32>} : memref<8x1024xf32, #tpu.memory_space<vmem>>, vector<16xf32>,
        tpu.vector_store %arg14[%swap3A_391, %swap3A_392], %gather3A_389 {strides = array<i32>} : memref<8x1024xf32, #tpu.memory_space<vmem>>, vector<16xf32>,
        %scan3A_394 = arith.constant 5 : i32
        %scan3A_395 = arith.addi %scan3A_133, %scan3A_394 : i32
        %mul3A_396 = arith.constant 1024 : i32
        %mul3A_397 = arith.muli %scan3A_122, %mul3A_396 : i32
        %mul3A_398 = arith.constant 16 : i32
        %mul3A_399 = arith.muli %scan3A_395, %mul3A_398 : i32
        %add3A_400 = arith.addi %mul3A_397, %mul3A_399 : i32
        %multiple_of3A_401 = tpu.assume_multiple %add3A_400, 8 : i32
        %get3A_402 = arith.index_cast %multiple_of3A_401 : i32 to index
        %get3A_403 = tpu.vector_load %arg5[%get3A_402] {strides = array<i32>} : memref<5120xi32, #tpu.memory_space<vmem>>, vector<16xi32>,
        %mul3A_404 = arith.constant 16 : i32
        %mul3A_405 = arith.muli %scan3A_395, %mul3A_404 : i32
        %multiple_of3A_406 = tpu.assume_multiple %mul3A_405, 8 : i32
        %gather3A_407 = tpu.vector_load_idx %arg6[%get3A_403] : memref<256xf32, #tpu.memory_space<vmem>>[vector<16xi32>], vector<16xf32>,
        %swap3A_408 = arith.constant 0 : i32
        %swap3A_409 = arith.index_cast %swap3A_408 : i32 to index
        %swap3A_410 = arith.index_cast %multiple_of3A_406 : i32 to index
        %swap3A_411 = tpu.vector_load %arg14[%swap3A_409, %swap3A_410] {strides = array<i32>} : memref<8x1024xf32, #tpu.memory_space<vmem>>, vector<16xf32>,
        tpu.vector_store %arg14[%swap3A_409, %swap3A_410], %gather3A_407 {strides = array<i32>} : memref<8x1024xf32, #tpu.memory_space<vmem>>, vector<16xf32>,
        %gather3A_412 = tpu.vector_load_idx %arg7[%get3A_403] : memref<256xf32, #tpu.memory_space<vmem>>[vector<16xi32>], vector<16xf32>,
        %swap3A_413 = arith.constant 1 : i32
        %swap3A_414 = arith.index_cast %swap3A_413 : i32 to index
        %swap3A_415 = arith.index_cast %multiple_of3A_406 : i32 to index
        %swap3A_416 = tpu.vector_load %arg14[%swap3A_414, %swap3A_415] {strides = array<i32>} : memref<8x1024xf32, #tpu.memory_space<vmem>>, vector<16xf32>,
        tpu.vector_store %arg14[%swap3A_414, %swap3A_415], %gather3A_412 {strides = array<i32>} : memref<8x1024xf32, #tpu.memory_space<vmem>>, vector<16xf32>,
        %gather3A_417 = tpu.vector_load_idx %arg8[%get3A_403] : memref<256xf32, #tpu.memory_space<vmem>>[vector<16xi32>], vector<16xf32>,
        %swap3A_418 = arith.constant 2 : i32
        %swap3A_419 = arith.index_cast %swap3A_418 : i32 to index
        %swap3A_420 = arith.index_cast %multiple_of3A_406 : i32 to index
        %swap3A_421 = tpu.vector_load %arg14[%swap3A_419, %swap3A_420] {strides = array<i32>} : memref<8x1024xf32, #tpu.memory_space<vmem>>, vector<16xf32>,
        tpu.vector_store %arg14[%swap3A_419, %swap3A_420], %gather3A_417 {strides = array<i32>} : memref<8x1024xf32, #tpu.memory_space<vmem>>, vector<16xf32>,
        %gather3A_422 = tpu.vector_load_idx %arg9[%get3A_403] : memref<256xf32, #tpu.memory_space<vmem>>[vector<16xi32>], vector<16xf32>,
        %swap3A_423 = arith.constant 3 : i32
        %swap3A_424 = arith.index_cast %swap3A_423 : i32 to index
        %swap3A_425 = arith.index_cast %multiple_of3A_406 : i32 to index
        %swap3A_426 = tpu.vector_load %arg14[%swap3A_424, %swap3A_425] {strides = array<i32>} : memref<8x1024xf32, #tpu.memory_space<vmem>>, vector<16xf32>,
        tpu.vector_store %arg14[%swap3A_424, %swap3A_425], %gather3A_422 {strides = array<i32>} : memref<8x1024xf32, #tpu.memory_space<vmem>>, vector<16xf32>,
        %gather3A_427 = tpu.vector_load_idx %arg10[%get3A_403] : memref<256xf32, #tpu.memory_space<vmem>>[vector<16xi32>], vector<16xf32>,
        %swap3A_428 = arith.constant 4 : i32
        %swap3A_429 = arith.index_cast %swap3A_428 : i32 to index
        %swap3A_430 = arith.index_cast %multiple_of3A_406 : i32 to index
        %swap3A_431 = tpu.vector_load %arg14[%swap3A_429, %swap3A_430] {strides = array<i32>} : memref<8x1024xf32, #tpu.memory_space<vmem>>, vector<16xf32>,
        tpu.vector_store %arg14[%swap3A_429, %swap3A_430], %gather3A_427 {strides = array<i32>} : memref<8x1024xf32, #tpu.memory_space<vmem>>, vector<16xf32>,
        %gather3A_432 = tpu.vector_load_idx %arg11[%get3A_403] : memref<256xf32, #tpu.memory_space<vmem>>[vector<16xi32>], vector<16xf32>,
        %swap3A_433 = arith.constant 5 : i32
        %swap3A_434 = arith.index_cast %swap3A_433 : i32 to index
        %swap3A_435 = arith.index_cast %multiple_of3A_406 : i32 to index
        %swap3A_436 = tpu.vector_load %arg14[%swap3A_434, %swap3A_435] {strides = array<i32>} : memref<8x1024xf32, #tpu.memory_space<vmem>>, vector<16xf32>,
        tpu.vector_store %arg14[%swap3A_434, %swap3A_435], %gather3A_432 {strides = array<i32>} : memref<8x1024xf32, #tpu.memory_space<vmem>>, vector<16xf32>,
        %gather3A_437 = tpu.vector_load_idx %arg12[%get3A_403] : memref<256xf32, #tpu.memory_space<vmem>>[vector<16xi32>], vector<16xf32>,
        %swap3A_438 = arith.constant 6 : i32
        %swap3A_439 = arith.index_cast %swap3A_438 : i32 to index
        %swap3A_440 = arith.index_cast %multiple_of3A_406 : i32 to index
        %swap3A_441 = tpu.vector_load %arg14[%swap3A_439, %swap3A_440] {strides = array<i32>} : memref<8x1024xf32, #tpu.memory_space<vmem>>, vector<16xf32>,
        tpu.vector_store %arg14[%swap3A_439, %swap3A_440], %gather3A_437 {strides = array<i32>} : memref<8x1024xf32, #tpu.memory_space<vmem>>, vector<16xf32>,
        %gather3A_442 = tpu.vector_load_idx %arg13[%get3A_403] : memref<256xf32, #tpu.memory_space<vmem>>[vector<16xi32>], vector<16xf32>,
        %swap3A_443 = arith.constant 7 : i32
        %swap3A_444 = arith.index_cast %swap3A_443 : i32 to index
        %swap3A_445 = arith.index_cast %multiple_of3A_406 : i32 to index
        %swap3A_446 = tpu.vector_load %arg14[%swap3A_444, %swap3A_445] {strides = array<i32>} : memref<8x1024xf32, #tpu.memory_space<vmem>>, vector<16xf32>,
        tpu.vector_store %arg14[%swap3A_444, %swap3A_445], %gather3A_442 {strides = array<i32>} : memref<8x1024xf32, #tpu.memory_space<vmem>>, vector<16xf32>,
        %scan3A_447 = arith.constant 6 : i32
        %scan3A_448 = arith.addi %scan3A_133, %scan3A_447 : i32
        %mul3A_449 = arith.constant 1024 : i32
        %mul3A_450 = arith.muli %scan3A_122, %mul3A_449 : i32
        %mul3A_451 = arith.constant 16 : i32
        %mul3A_452 = arith.muli %scan3A_448, %mul3A_451 : i32
        %add3A_453 = arith.addi %mul3A_450, %mul3A_452 : i32
        %multiple_of3A_454 = tpu.assume_multiple %add3A_453, 8 : i32
        %get3A_455 = arith.index_cast %multiple_of3A_454 : i32 to index
        %get3A_456 = tpu.vector_load %arg5[%get3A_455] {strides = array<i32>} : memref<5120xi32, #tpu.memory_space<vmem>>, vector<16xi32>,
        %mul3A_457 = arith.constant 16 : i32
        %mul3A_458 = arith.muli %scan3A_448, %mul3A_457 : i32
        %multiple_of3A_459 = tpu.assume_multiple %mul3A_458, 8 : i32
        %gather3A_460 = tpu.vector_load_idx %arg6[%get3A_456] : memref<256xf32, #tpu.memory_space<vmem>>[vector<16xi32>], vector<16xf32>,
        %swap3A_461 = arith.constant 0 : i32
        %swap3A_462 = arith.index_cast %swap3A_461 : i32 to index
        %swap3A_463 = arith.index_cast %multiple_of3A_459 : i32 to index
        %swap3A_464 = tpu.vector_load %arg14[%swap3A_462, %swap3A_463] {strides = array<i32>} : memref<8x1024xf32, #tpu.memory_space<vmem>>, vector<16xf32>,
        tpu.vector_store %arg14[%swap3A_462, %swap3A_463], %gather3A_460 {strides = array<i32>} : memref<8x1024xf32, #tpu.memory_space<vmem>>, vector<16xf32>,
        %gather3A_465 = tpu.vector_load_idx %arg7[%get3A_456] : memref<256xf32, #tpu.memory_space<vmem>>[vector<16xi32>], vector<16xf32>,
        %swap3A_466 = arith.constant 1 : i32
        %swap3A_467 = arith.index_cast %swap3A_466 : i32 to index
        %swap3A_468 = arith.index_cast %multiple_of3A_459 : i32 to index
        %swap3A_469 = tpu.vector_load %arg14[%swap3A_467, %swap3A_468] {strides = array<i32>} : memref<8x1024xf32, #tpu.memory_space<vmem>>, vector<16xf32>,
        tpu.vector_store %arg14[%swap3A_467, %swap3A_468], %gather3A_465 {strides = array<i32>} : memref<8x1024xf32, #tpu.memory_space<vmem>>, vector<16xf32>,
        %gather3A_470 = tpu.vector_load_idx %arg8[%get3A_456] : memref<256xf32, #tpu.memory_space<vmem>>[vector<16xi32>], vector<16xf32>,
        %swap3A_471 = arith.constant 2 : i32
        %swap3A_472 = arith.index_cast %swap3A_471 : i32 to index
        %swap3A_473 = arith.index_cast %multiple_of3A_459 : i32 to index
        %swap3A_474 = tpu.vector_load %arg14[%swap3A_472, %swap3A_473] {strides = array<i32>} : memref<8x1024xf32, #tpu.memory_space<vmem>>, vector<16xf32>,
        tpu.vector_store %arg14[%swap3A_472, %swap3A_473], %gather3A_470 {strides = array<i32>} : memref<8x1024xf32, #tpu.memory_space<vmem>>, vector<16xf32>,
        %gather3A_475 = tpu.vector_load_idx %arg9[%get3A_456] : memref<256xf32, #tpu.memory_space<vmem>>[vector<16xi32>], vector<16xf32>,
        %swap3A_476 = arith.constant 3 : i32
        %swap3A_477 = arith.index_cast %swap3A_476 : i32 to index
        %swap3A_478 = arith.index_cast %multiple_of3A_459 : i32 to index
        %swap3A_479 = tpu.vector_load %arg14[%swap3A_477, %swap3A_478] {strides = array<i32>} : memref<8x1024xf32, #tpu.memory_space<vmem>>, vector<16xf32>,
        tpu.vector_store %arg14[%swap3A_477, %swap3A_478], %gather3A_475 {strides = array<i32>} : memref<8x1024xf32, #tpu.memory_space<vmem>>, vector<16xf32>,
        %gather3A_480 = tpu.vector_load_idx %arg10[%get3A_456] : memref<256xf32, #tpu.memory_space<vmem>>[vector<16xi32>], vector<16xf32>,
        %swap3A_481 = arith.constant 4 : i32
        %swap3A_482 = arith.index_cast %swap3A_481 : i32 to index
        %swap3A_483 = arith.index_cast %multiple_of3A_459 : i32 to index
        %swap3A_484 = tpu.vector_load %arg14[%swap3A_482, %swap3A_483] {strides = array<i32>} : memref<8x1024xf32, #tpu.memory_space<vmem>>, vector<16xf32>,
        tpu.vector_store %arg14[%swap3A_482, %swap3A_483], %gather3A_480 {strides = array<i32>} : memref<8x1024xf32, #tpu.memory_space<vmem>>, vector<16xf32>,
        %gather3A_485 = tpu.vector_load_idx %arg11[%get3A_456] : memref<256xf32, #tpu.memory_space<vmem>>[vector<16xi32>], vector<16xf32>,
        %swap3A_486 = arith.constant 5 : i32
        %swap3A_487 = arith.index_cast %swap3A_486 : i32 to index
        %swap3A_488 = arith.index_cast %multiple_of3A_459 : i32 to index
        %swap3A_489 = tpu.vector_load %arg14[%swap3A_487, %swap3A_488] {strides = array<i32>} : memref<8x1024xf32, #tpu.memory_space<vmem>>, vector<16xf32>,
        tpu.vector_store %arg14[%swap3A_487, %swap3A_488], %gather3A_485 {strides = array<i32>} : memref<8x1024xf32, #tpu.memory_space<vmem>>, vector<16xf32>,
        %gather3A_490 = tpu.vector_load_idx %arg12[%get3A_456] : memref<256xf32, #tpu.memory_space<vmem>>[vector<16xi32>], vector<16xf32>,
        %swap3A_491 = arith.constant 6 : i32
        %swap3A_492 = arith.index_cast %swap3A_491 : i32 to index
        %swap3A_493 = arith.index_cast %multiple_of3A_459 : i32 to index
        %swap3A_494 = tpu.vector_load %arg14[%swap3A_492, %swap3A_493] {strides = array<i32>} : memref<8x1024xf32, #tpu.memory_space<vmem>>, vector<16xf32>,
        tpu.vector_store %arg14[%swap3A_492, %swap3A_493], %gather3A_490 {strides = array<i32>} : memref<8x1024xf32, #tpu.memory_space<vmem>>, vector<16xf32>,
        %gather3A_495 = tpu.vector_load_idx %arg13[%get3A_456] : memref<256xf32, #tpu.memory_space<vmem>>[vector<16xi32>], vector<16xf32>,
        %swap3A_496 = arith.constant 7 : i32
        %swap3A_497 = arith.index_cast %swap3A_496 : i32 to index
        %swap3A_498 = arith.index_cast %multiple_of3A_459 : i32 to index
        %swap3A_499 = tpu.vector_load %arg14[%swap3A_497, %swap3A_498] {strides = array<i32>} : memref<8x1024xf32, #tpu.memory_space<vmem>>, vector<16xf32>,
        tpu.vector_store %arg14[%swap3A_497, %swap3A_498], %gather3A_495 {strides = array<i32>} : memref<8x1024xf32, #tpu.memory_space<vmem>>, vector<16xf32>,
        %scan3A_500 = arith.constant 7 : i32
        %scan3A_501 = arith.addi %scan3A_133, %scan3A_500 : i32
        %mul3A_502 = arith.constant 1024 : i32
        %mul3A_503 = arith.muli %scan3A_122, %mul3A_502 : i32
        %mul3A_504 = arith.constant 16 : i32
        %mul3A_505 = arith.muli %scan3A_501, %mul3A_504 : i32
        %add3A_506 = arith.addi %mul3A_503, %mul3A_505 : i32
        %multiple_of3A_507 = tpu.assume_multiple %add3A_506, 8 : i32
        %get3A_508 = arith.index_cast %multiple_of3A_507 : i32 to index
        %get3A_509 = tpu.vector_load %arg5[%get3A_508] {strides = array<i32>} : memref<5120xi32, #tpu.memory_space<vmem>>, vector<16xi32>,
        %mul3A_510 = arith.constant 16 : i32
        %mul3A_511 = arith.muli %scan3A_501, %mul3A_510 : i32
        %multiple_of3A_512 = tpu.assume_multiple %mul3A_511, 8 : i32
        %gather3A_513 = tpu.vector_load_idx %arg6[%get3A_509] : memref<256xf32, #tpu.memory_space<vmem>>[vector<16xi32>], vector<16xf32>,
        %swap3A_514 = arith.constant 0 : i32
        %swap3A_515 = arith.index_cast %swap3A_514 : i32 to index
        %swap3A_516 = arith.index_cast %multiple_of3A_512 : i32 to index
        %swap3A_517 = tpu.vector_load %arg14[%swap3A_515, %swap3A_516] {strides = array<i32>} : memref<8x1024xf32, #tpu.memory_space<vmem>>, vector<16xf32>,
        tpu.vector_store %arg14[%swap3A_515, %swap3A_516], %gather3A_513 {strides = array<i32>} : memref<8x1024xf32, #tpu.memory_space<vmem>>, vector<16xf32>,
        %gather3A_518 = tpu.vector_load_idx %arg7[%get3A_509] : memref<256xf32, #tpu.memory_space<vmem>>[vector<16xi32>], vector<16xf32>,
        %swap3A_519 = arith.constant 1 : i32
        %swap3A_520 = arith.index_cast %swap3A_519 : i32 to index
        %swap3A_521 = arith.index_cast %multiple_of3A_512 : i32 to index
        %swap3A_522 = tpu.vector_load %arg14[%swap3A_520, %swap3A_521] {strides = array<i32>} : memref<8x1024xf32, #tpu.memory_space<vmem>>, vector<16xf32>,
        tpu.vector_store %arg14[%swap3A_520, %swap3A_521], %gather3A_518 {strides = array<i32>} : memref<8x1024xf32, #tpu.memory_space<vmem>>, vector<16xf32>,
        %gather3A_523 = tpu.vector_load_idx %arg8[%get3A_509] : memref<256xf32, #tpu.memory_space<vmem>>[vector<16xi32>], vector<16xf32>,
        %swap3A_524 = arith.constant 2 : i32
        %swap3A_525 = arith.index_cast %swap3A_524 : i32 to index
        %swap3A_526 = arith.index_cast %multiple_of3A_512 : i32 to index
        %swap3A_527 = tpu.vector_load %arg14[%swap3A_525, %swap3A_526] {strides = array<i32>} : memref<8x1024xf32, #tpu.memory_space<vmem>>, vector<16xf32>,
        tpu.vector_store %arg14[%swap3A_525, %swap3A_526], %gather3A_523 {strides = array<i32>} : memref<8x1024xf32, #tpu.memory_space<vmem>>, vector<16xf32>,
        %gather3A_528 = tpu.vector_load_idx %arg9[%get3A_509] : memref<256xf32, #tpu.memory_space<vmem>>[vector<16xi32>], vector<16xf32>,
        %swap3A_529 = arith.constant 3 : i32
        %swap3A_530 = arith.index_cast %swap3A_529 : i32 to index
        %swap3A_531 = arith.index_cast %multiple_of3A_512 : i32 to index
        %swap3A_532 = tpu.vector_load %arg14[%swap3A_530, %swap3A_531] {strides = array<i32>} : memref<8x1024xf32, #tpu.memory_space<vmem>>, vector<16xf32>,
        tpu.vector_store %arg14[%swap3A_530, %swap3A_531], %gather3A_528 {strides = array<i32>} : memref<8x1024xf32, #tpu.memory_space<vmem>>, vector<16xf32>,
        %gather3A_533 = tpu.vector_load_idx %arg10[%get3A_509] : memref<256xf32, #tpu.memory_space<vmem>>[vector<16xi32>], vector<16xf32>,
        %swap3A_534 = arith.constant 4 : i32
        %swap3A_535 = arith.index_cast %swap3A_534 : i32 to index
        %swap3A_536 = arith.index_cast %multiple_of3A_512 : i32 to index
        %swap3A_537 = tpu.vector_load %arg14[%swap3A_535, %swap3A_536] {strides = array<i32>} : memref<8x1024xf32, #tpu.memory_space<vmem>>, vector<16xf32>,
        tpu.vector_store %arg14[%swap3A_535, %swap3A_536], %gather3A_533 {strides = array<i32>} : memref<8x1024xf32, #tpu.memory_space<vmem>>, vector<16xf32>,
        %gather3A_538 = tpu.vector_load_idx %arg11[%get3A_509] : memref<256xf32, #tpu.memory_space<vmem>>[vector<16xi32>], vector<16xf32>,
        %swap3A_539 = arith.constant 5 : i32
        %swap3A_540 = arith.index_cast %swap3A_539 : i32 to index
        %swap3A_541 = arith.index_cast %multiple_of3A_512 : i32 to index
        %swap3A_542 = tpu.vector_load %arg14[%swap3A_540, %swap3A_541] {strides = array<i32>} : memref<8x1024xf32, #tpu.memory_space<vmem>>, vector<16xf32>,
        tpu.vector_store %arg14[%swap3A_540, %swap3A_541], %gather3A_538 {strides = array<i32>} : memref<8x1024xf32, #tpu.memory_space<vmem>>, vector<16xf32>,
        %gather3A_543 = tpu.vector_load_idx %arg12[%get3A_509] : memref<256xf32, #tpu.memory_space<vmem>>[vector<16xi32>], vector<16xf32>,
        %swap3A_544 = arith.constant 6 : i32
        %swap3A_545 = arith.index_cast %swap3A_544 : i32 to index
        %swap3A_546 = arith.index_cast %multiple_of3A_512 : i32 to index
        %swap3A_547 = tpu.vector_load %arg14[%swap3A_545, %swap3A_546] {strides = array<i32>} : memref<8x1024xf32, #tpu.memory_space<vmem>>, vector<16xf32>,
        tpu.vector_store %arg14[%swap3A_545, %swap3A_546], %gather3A_543 {strides = array<i32>} : memref<8x1024xf32, #tpu.memory_space<vmem>>, vector<16xf32>,
        %gather3A_548 = tpu.vector_load_idx %arg13[%get3A_509] : memref<256xf32, #tpu.memory_space<vmem>>[vector<16xi32>], vector<16xf32>,
        %swap3A_549 = arith.constant 7 : i32
        %swap3A_550 = arith.index_cast %swap3A_549 : i32 to index
        %swap3A_551 = arith.index_cast %multiple_of3A_512 : i32 to index
        %swap3A_552 = tpu.vector_load %arg14[%swap3A_550, %swap3A_551] {strides = array<i32>} : memref<8x1024xf32, #tpu.memory_space<vmem>>, vector<16xf32>,
        tpu.vector_store %arg14[%swap3A_550, %swap3A_551], %gather3A_548 {strides = array<i32>} : memref<8x1024xf32, #tpu.memory_space<vmem>>, vector<16xf32>,
      }
      %scan3A_128 = arith.constant 64 : i32
      %mul3A_129 = arith.constant 1024 : i32
      %mul3A_130 = arith.muli %scan3A_122, %mul3A_129 : i32
      %add3A_131 = arith.addi %mul3A_2, %mul3A_130 : i32
      %multiple_of3A_132 = tpu.assume_multiple %add3A_131, 128 : i32
      "tpu.region"() ({
        %run_scoped3A = tpu.sem_alloc : memref<!tpu.dma_semaphore, #tpu.memory_space<semaphore_mem>>
        %dma_start3A_133 = arith.constant 0 : i32
        %dma_start3A_134 = tpu.memref_slice %arg4[%dma_start3A_133, %multiple_of3A_132] : memref<8x524288xf32, #tpu.memory_space<hbm>> -> memref<8x1024xf32, #tpu.memory_space<hbm>>
        %dma_start3A_135 = arith.constant 0 : i32
        %dma_start3A_136 = tpu.memref_slice %arg4[%dma_start3A_135, %multiple_of3A_132] : memref<8x524288xf32, #tpu.memory_space<hbm>> -> memref<8x1024xf32, #tpu.memory_space<hbm>>
        tpu.enqueue_dma source(%arg14 : memref<8x1024xf32, #tpu.memory_space<vmem>>) target(%dma_start3A_136 : memref<8x1024xf32, #tpu.memory_space<hbm>>) target_semaphore(%run_scoped3A : memref<!tpu.dma_semaphore, #tpu.memory_space<semaphore_mem>>)
        %dma_wait3A_137 = arith.constant 0 : i32
        %dma_wait3A_138 = tpu.memref_slice %arg4[%dma_wait3A_137, %multiple_of3A_132] : memref<8x524288xf32, #tpu.memory_space<hbm>> -> memref<8x1024xf32, #tpu.memory_space<hbm>>
        %dma_wait3A_139 = arith.constant 0 : i32
        %dma_wait3A_140 = tpu.memref_slice %arg4[%dma_wait3A_139, %multiple_of3A_132] : memref<8x524288xf32, #tpu.memory_space<hbm>> -> memref<8x1024xf32, #tpu.memory_space<hbm>>
        tpu.wait_dma2 semaphore(%run_scoped3A : memref<!tpu.dma_semaphore, #tpu.memory_space<semaphore_mem>>) src(%arg14 : memref<8x1024xf32, #tpu.memory_space<vmem>>) dst(%dma_wait3A_140 : memref<8x1024xf32, #tpu.memory_space<hbm>>)
        tpu.yield
      }) : () -> ()
    }
    %scan3A_121 = arith.constant 5 : i32
    return
  }
}

#map = affine_map<(d0, d1) -> (0)>
#map1 = affine_map<(d0, d1) -> (0, 0)>
module attributes {stable_mosaic.version = 14 : i64} {
  func.func @k(%arg0: i32, %arg1: i32, %arg2: memref<32768xi32, #tpu.memory_space<hbm>>, %arg3: memref<8x256xf32, #tpu.memory_space<hbm>>, %arg4: memref<8x32768xf32, #tpu.memory_space<hbm>>, %arg5: memref<1024xi32, #tpu.memory_space<vmem>>, %arg6: memref<256xf32, #tpu.memory_space<vmem>>, %arg7: memref<256xf32, #tpu.memory_space<vmem>>, %arg8: memref<256xf32, #tpu.memory_space<vmem>>, %arg9: memref<256xf32, #tpu.memory_space<vmem>>, %arg10: memref<256xf32, #tpu.memory_space<vmem>>, %arg11: memref<256xf32, #tpu.memory_space<vmem>>, %arg12: memref<256xf32, #tpu.memory_space<vmem>>, %arg13: memref<256xf32, #tpu.memory_space<vmem>>, %arg14: memref<8x1024xf32, #tpu.memory_space<vmem>>, %arg15: memref<!tpu.dma_semaphore, #tpu.memory_space<semaphore_mem>>) attributes {dimension_semantics = [#tpu.dimension_semantics<core_parallel>, #tpu.dimension_semantics<subcore_parallel>], iteration_bounds = array<i64: 2, 16>, scalar_prefetch = 0 : i64, scratch_operands = 11 : i64, tpu.core_type = #tpu.core_type<sc_vector_subcore>, window_params = [{transform_indices = #map}, {transform_indices = #map1}, {transform_indices = #map1}]} {
    %mul3A = arith.constant 2 : i32
    %mul3A_0 = arith.muli %arg1, %mul3A : i32
    %add3A = arith.addi %mul3A_0, %arg0 : i32
    %mul3A_1 = arith.constant 1024 : i32
    %mul3A_2 = arith.muli %add3A, %mul3A_1 : i32
    %dma_start3A = arith.constant 0 : i32
    %dma_start3A_3 = arith.constant 0 : i32
    %dma_start3A_4 = tpu.memref_slice %arg3[%dma_start3A, %dma_start3A_3] : memref<8x256xf32, #tpu.memory_space<hbm>> -> memref<1x256xf32, #tpu.memory_space<hbm>>
    %dma_start3A_5 = tpu.memref_squeeze %dma_start3A_4 : memref<1x256xf32, #tpu.memory_space<hbm>> -> memref<256xf32, #tpu.memory_space<hbm>>
    %dma_start3A_6 = arith.constant 0 : i32
    %dma_start3A_7 = tpu.memref_slice %arg3[%dma_start3A, %dma_start3A_6] : memref<8x256xf32, #tpu.memory_space<hbm>> -> memref<1x256xf32, #tpu.memory_space<hbm>>
    %dma_start3A_8 = tpu.memref_squeeze %dma_start3A_7 : memref<1x256xf32, #tpu.memory_space<hbm>> -> memref<256xf32, #tpu.memory_space<hbm>>
    tpu.enqueue_dma source(%dma_start3A_8 : memref<256xf32, #tpu.memory_space<hbm>>) target(%arg6 : memref<256xf32, #tpu.memory_space<vmem>>) target_semaphore(%arg15 : memref<!tpu.dma_semaphore, #tpu.memory_space<semaphore_mem>>)
    %dma_start3A_9 = arith.constant 1 : i32
    %dma_start3A_10 = arith.constant 0 : i32
    %dma_start3A_11 = tpu.memref_slice %arg3[%dma_start3A_9, %dma_start3A_10] : memref<8x256xf32, #tpu.memory_space<hbm>> -> memref<1x256xf32, #tpu.memory_space<hbm>>
    %dma_start3A_12 = tpu.memref_squeeze %dma_start3A_11 : memref<1x256xf32, #tpu.memory_space<hbm>> -> memref<256xf32, #tpu.memory_space<hbm>>
    %dma_start3A_13 = arith.constant 0 : i32
    %dma_start3A_14 = tpu.memref_slice %arg3[%dma_start3A_9, %dma_start3A_13] : memref<8x256xf32, #tpu.memory_space<hbm>> -> memref<1x256xf32, #tpu.memory_space<hbm>>
    %dma_start3A_15 = tpu.memref_squeeze %dma_start3A_14 : memref<1x256xf32, #tpu.memory_space<hbm>> -> memref<256xf32, #tpu.memory_space<hbm>>
    tpu.enqueue_dma source(%dma_start3A_15 : memref<256xf32, #tpu.memory_space<hbm>>) target(%arg7 : memref<256xf32, #tpu.memory_space<vmem>>) target_semaphore(%arg15 : memref<!tpu.dma_semaphore, #tpu.memory_space<semaphore_mem>>)
    %dma_start3A_16 = arith.constant 2 : i32
    %dma_start3A_17 = arith.constant 0 : i32
    %dma_start3A_18 = tpu.memref_slice %arg3[%dma_start3A_16, %dma_start3A_17] : memref<8x256xf32, #tpu.memory_space<hbm>> -> memref<1x256xf32, #tpu.memory_space<hbm>>
    %dma_start3A_19 = tpu.memref_squeeze %dma_start3A_18 : memref<1x256xf32, #tpu.memory_space<hbm>> -> memref<256xf32, #tpu.memory_space<hbm>>
    %dma_start3A_20 = arith.constant 0 : i32
    %dma_start3A_21 = tpu.memref_slice %arg3[%dma_start3A_16, %dma_start3A_20] : memref<8x256xf32, #tpu.memory_space<hbm>> -> memref<1x256xf32, #tpu.memory_space<hbm>>
    %dma_start3A_22 = tpu.memref_squeeze %dma_start3A_21 : memref<1x256xf32, #tpu.memory_space<hbm>> -> memref<256xf32, #tpu.memory_space<hbm>>
    tpu.enqueue_dma source(%dma_start3A_22 : memref<256xf32, #tpu.memory_space<hbm>>) target(%arg8 : memref<256xf32, #tpu.memory_space<vmem>>) target_semaphore(%arg15 : memref<!tpu.dma_semaphore, #tpu.memory_space<semaphore_mem>>)
    %dma_start3A_23 = arith.constant 3 : i32
    %dma_start3A_24 = arith.constant 0 : i32
    %dma_start3A_25 = tpu.memref_slice %arg3[%dma_start3A_23, %dma_start3A_24] : memref<8x256xf32, #tpu.memory_space<hbm>> -> memref<1x256xf32, #tpu.memory_space<hbm>>
    %dma_start3A_26 = tpu.memref_squeeze %dma_start3A_25 : memref<1x256xf32, #tpu.memory_space<hbm>> -> memref<256xf32, #tpu.memory_space<hbm>>
    %dma_start3A_27 = arith.constant 0 : i32
    %dma_start3A_28 = tpu.memref_slice %arg3[%dma_start3A_23, %dma_start3A_27] : memref<8x256xf32, #tpu.memory_space<hbm>> -> memref<1x256xf32, #tpu.memory_space<hbm>>
    %dma_start3A_29 = tpu.memref_squeeze %dma_start3A_28 : memref<1x256xf32, #tpu.memory_space<hbm>> -> memref<256xf32, #tpu.memory_space<hbm>>
    tpu.enqueue_dma source(%dma_start3A_29 : memref<256xf32, #tpu.memory_space<hbm>>) target(%arg9 : memref<256xf32, #tpu.memory_space<vmem>>) target_semaphore(%arg15 : memref<!tpu.dma_semaphore, #tpu.memory_space<semaphore_mem>>)
    %dma_start3A_30 = arith.constant 4 : i32
    %dma_start3A_31 = arith.constant 0 : i32
    %dma_start3A_32 = tpu.memref_slice %arg3[%dma_start3A_30, %dma_start3A_31] : memref<8x256xf32, #tpu.memory_space<hbm>> -> memref<1x256xf32, #tpu.memory_space<hbm>>
    %dma_start3A_33 = tpu.memref_squeeze %dma_start3A_32 : memref<1x256xf32, #tpu.memory_space<hbm>> -> memref<256xf32, #tpu.memory_space<hbm>>
    %dma_start3A_34 = arith.constant 0 : i32
    %dma_start3A_35 = tpu.memref_slice %arg3[%dma_start3A_30, %dma_start3A_34] : memref<8x256xf32, #tpu.memory_space<hbm>> -> memref<1x256xf32, #tpu.memory_space<hbm>>
    %dma_start3A_36 = tpu.memref_squeeze %dma_start3A_35 : memref<1x256xf32, #tpu.memory_space<hbm>> -> memref<256xf32, #tpu.memory_space<hbm>>
    tpu.enqueue_dma source(%dma_start3A_36 : memref<256xf32, #tpu.memory_space<hbm>>) target(%arg10 : memref<256xf32, #tpu.memory_space<vmem>>) target_semaphore(%arg15 : memref<!tpu.dma_semaphore, #tpu.memory_space<semaphore_mem>>)
    %dma_start3A_37 = arith.constant 5 : i32
    %dma_start3A_38 = arith.constant 0 : i32
    %dma_start3A_39 = tpu.memref_slice %arg3[%dma_start3A_37, %dma_start3A_38] : memref<8x256xf32, #tpu.memory_space<hbm>> -> memref<1x256xf32, #tpu.memory_space<hbm>>
    %dma_start3A_40 = tpu.memref_squeeze %dma_start3A_39 : memref<1x256xf32, #tpu.memory_space<hbm>> -> memref<256xf32, #tpu.memory_space<hbm>>
    %dma_start3A_41 = arith.constant 0 : i32
    %dma_start3A_42 = tpu.memref_slice %arg3[%dma_start3A_37, %dma_start3A_41] : memref<8x256xf32, #tpu.memory_space<hbm>> -> memref<1x256xf32, #tpu.memory_space<hbm>>
    %dma_start3A_43 = tpu.memref_squeeze %dma_start3A_42 : memref<1x256xf32, #tpu.memory_space<hbm>> -> memref<256xf32, #tpu.memory_space<hbm>>
    tpu.enqueue_dma source(%dma_start3A_43 : memref<256xf32, #tpu.memory_space<hbm>>) target(%arg11 : memref<256xf32, #tpu.memory_space<vmem>>) target_semaphore(%arg15 : memref<!tpu.dma_semaphore, #tpu.memory_space<semaphore_mem>>)
    %dma_start3A_44 = arith.constant 6 : i32
    %dma_start3A_45 = arith.constant 0 : i32
    %dma_start3A_46 = tpu.memref_slice %arg3[%dma_start3A_44, %dma_start3A_45] : memref<8x256xf32, #tpu.memory_space<hbm>> -> memref<1x256xf32, #tpu.memory_space<hbm>>
    %dma_start3A_47 = tpu.memref_squeeze %dma_start3A_46 : memref<1x256xf32, #tpu.memory_space<hbm>> -> memref<256xf32, #tpu.memory_space<hbm>>
    %dma_start3A_48 = arith.constant 0 : i32
    %dma_start3A_49 = tpu.memref_slice %arg3[%dma_start3A_44, %dma_start3A_48] : memref<8x256xf32, #tpu.memory_space<hbm>> -> memref<1x256xf32, #tpu.memory_space<hbm>>
    %dma_start3A_50 = tpu.memref_squeeze %dma_start3A_49 : memref<1x256xf32, #tpu.memory_space<hbm>> -> memref<256xf32, #tpu.memory_space<hbm>>
    tpu.enqueue_dma source(%dma_start3A_50 : memref<256xf32, #tpu.memory_space<hbm>>) target(%arg12 : memref<256xf32, #tpu.memory_space<vmem>>) target_semaphore(%arg15 : memref<!tpu.dma_semaphore, #tpu.memory_space<semaphore_mem>>)
    %dma_start3A_51 = arith.constant 7 : i32
    %dma_start3A_52 = arith.constant 0 : i32
    %dma_start3A_53 = tpu.memref_slice %arg3[%dma_start3A_51, %dma_start3A_52] : memref<8x256xf32, #tpu.memory_space<hbm>> -> memref<1x256xf32, #tpu.memory_space<hbm>>
    %dma_start3A_54 = tpu.memref_squeeze %dma_start3A_53 : memref<1x256xf32, #tpu.memory_space<hbm>> -> memref<256xf32, #tpu.memory_space<hbm>>
    %dma_start3A_55 = arith.constant 0 : i32
    %dma_start3A_56 = tpu.memref_slice %arg3[%dma_start3A_51, %dma_start3A_55] : memref<8x256xf32, #tpu.memory_space<hbm>> -> memref<1x256xf32, #tpu.memory_space<hbm>>
    %dma_start3A_57 = tpu.memref_squeeze %dma_start3A_56 : memref<1x256xf32, #tpu.memory_space<hbm>> -> memref<256xf32, #tpu.memory_space<hbm>>
    tpu.enqueue_dma source(%dma_start3A_57 : memref<256xf32, #tpu.memory_space<hbm>>) target(%arg13 : memref<256xf32, #tpu.memory_space<vmem>>) target_semaphore(%arg15 : memref<!tpu.dma_semaphore, #tpu.memory_space<semaphore_mem>>)
    %multiple_of3A = tpu.assume_multiple %mul3A_2, 128 : i32
    %dma_start3A_58 = tpu.memref_slice %arg2[%multiple_of3A] : memref<32768xi32, #tpu.memory_space<hbm>> -> memref<1024xi32, #tpu.memory_space<hbm>>
    %dma_start3A_59 = tpu.memref_slice %arg2[%multiple_of3A] : memref<32768xi32, #tpu.memory_space<hbm>> -> memref<1024xi32, #tpu.memory_space<hbm>>
    tpu.enqueue_dma source(%dma_start3A_59 : memref<1024xi32, #tpu.memory_space<hbm>>) target(%arg5 : memref<1024xi32, #tpu.memory_space<vmem>>) target_semaphore(%arg15 : memref<!tpu.dma_semaphore, #tpu.memory_space<semaphore_mem>>)
    %dma_wait3A = arith.constant 0 : i32
    %dma_wait3A_60 = arith.constant 0 : i32
    %dma_wait3A_61 = tpu.memref_slice %arg3[%dma_wait3A, %dma_wait3A_60] : memref<8x256xf32, #tpu.memory_space<hbm>> -> memref<1x256xf32, #tpu.memory_space<hbm>>
    %dma_wait3A_62 = tpu.memref_squeeze %dma_wait3A_61 : memref<1x256xf32, #tpu.memory_space<hbm>> -> memref<256xf32, #tpu.memory_space<hbm>>
    %dma_wait3A_63 = arith.constant 0 : i32
    %dma_wait3A_64 = tpu.memref_slice %arg3[%dma_wait3A, %dma_wait3A_63] : memref<8x256xf32, #tpu.memory_space<hbm>> -> memref<1x256xf32, #tpu.memory_space<hbm>>
    %dma_wait3A_65 = tpu.memref_squeeze %dma_wait3A_64 : memref<1x256xf32, #tpu.memory_space<hbm>> -> memref<256xf32, #tpu.memory_space<hbm>>
    tpu.wait_dma2 semaphore(%arg15 : memref<!tpu.dma_semaphore, #tpu.memory_space<semaphore_mem>>) src(%dma_wait3A_65 : memref<256xf32, #tpu.memory_space<hbm>>) dst(%arg6 : memref<256xf32, #tpu.memory_space<vmem>>)
    %dma_wait3A_66 = arith.constant 1 : i32
    %dma_wait3A_67 = arith.constant 0 : i32
    %dma_wait3A_68 = tpu.memref_slice %arg3[%dma_wait3A_66, %dma_wait3A_67] : memref<8x256xf32, #tpu.memory_space<hbm>> -> memref<1x256xf32, #tpu.memory_space<hbm>>
    %dma_wait3A_69 = tpu.memref_squeeze %dma_wait3A_68 : memref<1x256xf32, #tpu.memory_space<hbm>> -> memref<256xf32, #tpu.memory_space<hbm>>
    %dma_wait3A_70 = arith.constant 0 : i32
    %dma_wait3A_71 = tpu.memref_slice %arg3[%dma_wait3A_66, %dma_wait3A_70] : memref<8x256xf32, #tpu.memory_space<hbm>> -> memref<1x256xf32, #tpu.memory_space<hbm>>
    %dma_wait3A_72 = tpu.memref_squeeze %dma_wait3A_71 : memref<1x256xf32, #tpu.memory_space<hbm>> -> memref<256xf32, #tpu.memory_space<hbm>>
    tpu.wait_dma2 semaphore(%arg15 : memref<!tpu.dma_semaphore, #tpu.memory_space<semaphore_mem>>) src(%dma_wait3A_72 : memref<256xf32, #tpu.memory_space<hbm>>) dst(%arg7 : memref<256xf32, #tpu.memory_space<vmem>>)
    %dma_wait3A_73 = arith.constant 2 : i32
    %dma_wait3A_74 = arith.constant 0 : i32
    %dma_wait3A_75 = tpu.memref_slice %arg3[%dma_wait3A_73, %dma_wait3A_74] : memref<8x256xf32, #tpu.memory_space<hbm>> -> memref<1x256xf32, #tpu.memory_space<hbm>>
    %dma_wait3A_76 = tpu.memref_squeeze %dma_wait3A_75 : memref<1x256xf32, #tpu.memory_space<hbm>> -> memref<256xf32, #tpu.memory_space<hbm>>
    %dma_wait3A_77 = arith.constant 0 : i32
    %dma_wait3A_78 = tpu.memref_slice %arg3[%dma_wait3A_73, %dma_wait3A_77] : memref<8x256xf32, #tpu.memory_space<hbm>> -> memref<1x256xf32, #tpu.memory_space<hbm>>
    %dma_wait3A_79 = tpu.memref_squeeze %dma_wait3A_78 : memref<1x256xf32, #tpu.memory_space<hbm>> -> memref<256xf32, #tpu.memory_space<hbm>>
    tpu.wait_dma2 semaphore(%arg15 : memref<!tpu.dma_semaphore, #tpu.memory_space<semaphore_mem>>) src(%dma_wait3A_79 : memref<256xf32, #tpu.memory_space<hbm>>) dst(%arg8 : memref<256xf32, #tpu.memory_space<vmem>>)
    %dma_wait3A_80 = arith.constant 3 : i32
    %dma_wait3A_81 = arith.constant 0 : i32
    %dma_wait3A_82 = tpu.memref_slice %arg3[%dma_wait3A_80, %dma_wait3A_81] : memref<8x256xf32, #tpu.memory_space<hbm>> -> memref<1x256xf32, #tpu.memory_space<hbm>>
    %dma_wait3A_83 = tpu.memref_squeeze %dma_wait3A_82 : memref<1x256xf32, #tpu.memory_space<hbm>> -> memref<256xf32, #tpu.memory_space<hbm>>
    %dma_wait3A_84 = arith.constant 0 : i32
    %dma_wait3A_85 = tpu.memref_slice %arg3[%dma_wait3A_80, %dma_wait3A_84] : memref<8x256xf32, #tpu.memory_space<hbm>> -> memref<1x256xf32, #tpu.memory_space<hbm>>
    %dma_wait3A_86 = tpu.memref_squeeze %dma_wait3A_85 : memref<1x256xf32, #tpu.memory_space<hbm>> -> memref<256xf32, #tpu.memory_space<hbm>>
    tpu.wait_dma2 semaphore(%arg15 : memref<!tpu.dma_semaphore, #tpu.memory_space<semaphore_mem>>) src(%dma_wait3A_86 : memref<256xf32, #tpu.memory_space<hbm>>) dst(%arg9 : memref<256xf32, #tpu.memory_space<vmem>>)
    %dma_wait3A_87 = arith.constant 4 : i32
    %dma_wait3A_88 = arith.constant 0 : i32
    %dma_wait3A_89 = tpu.memref_slice %arg3[%dma_wait3A_87, %dma_wait3A_88] : memref<8x256xf32, #tpu.memory_space<hbm>> -> memref<1x256xf32, #tpu.memory_space<hbm>>
    %dma_wait3A_90 = tpu.memref_squeeze %dma_wait3A_89 : memref<1x256xf32, #tpu.memory_space<hbm>> -> memref<256xf32, #tpu.memory_space<hbm>>
    %dma_wait3A_91 = arith.constant 0 : i32
    %dma_wait3A_92 = tpu.memref_slice %arg3[%dma_wait3A_87, %dma_wait3A_91] : memref<8x256xf32, #tpu.memory_space<hbm>> -> memref<1x256xf32, #tpu.memory_space<hbm>>
    %dma_wait3A_93 = tpu.memref_squeeze %dma_wait3A_92 : memref<1x256xf32, #tpu.memory_space<hbm>> -> memref<256xf32, #tpu.memory_space<hbm>>
    tpu.wait_dma2 semaphore(%arg15 : memref<!tpu.dma_semaphore, #tpu.memory_space<semaphore_mem>>) src(%dma_wait3A_93 : memref<256xf32, #tpu.memory_space<hbm>>) dst(%arg10 : memref<256xf32, #tpu.memory_space<vmem>>)
    %dma_wait3A_94 = arith.constant 5 : i32
    %dma_wait3A_95 = arith.constant 0 : i32
    %dma_wait3A_96 = tpu.memref_slice %arg3[%dma_wait3A_94, %dma_wait3A_95] : memref<8x256xf32, #tpu.memory_space<hbm>> -> memref<1x256xf32, #tpu.memory_space<hbm>>
    %dma_wait3A_97 = tpu.memref_squeeze %dma_wait3A_96 : memref<1x256xf32, #tpu.memory_space<hbm>> -> memref<256xf32, #tpu.memory_space<hbm>>
    %dma_wait3A_98 = arith.constant 0 : i32
    %dma_wait3A_99 = tpu.memref_slice %arg3[%dma_wait3A_94, %dma_wait3A_98] : memref<8x256xf32, #tpu.memory_space<hbm>> -> memref<1x256xf32, #tpu.memory_space<hbm>>
    %dma_wait3A_100 = tpu.memref_squeeze %dma_wait3A_99 : memref<1x256xf32, #tpu.memory_space<hbm>> -> memref<256xf32, #tpu.memory_space<hbm>>
    tpu.wait_dma2 semaphore(%arg15 : memref<!tpu.dma_semaphore, #tpu.memory_space<semaphore_mem>>) src(%dma_wait3A_100 : memref<256xf32, #tpu.memory_space<hbm>>) dst(%arg11 : memref<256xf32, #tpu.memory_space<vmem>>)
    %dma_wait3A_101 = arith.constant 6 : i32
    %dma_wait3A_102 = arith.constant 0 : i32
    %dma_wait3A_103 = tpu.memref_slice %arg3[%dma_wait3A_101, %dma_wait3A_102] : memref<8x256xf32, #tpu.memory_space<hbm>> -> memref<1x256xf32, #tpu.memory_space<hbm>>
    %dma_wait3A_104 = tpu.memref_squeeze %dma_wait3A_103 : memref<1x256xf32, #tpu.memory_space<hbm>> -> memref<256xf32, #tpu.memory_space<hbm>>
    %dma_wait3A_105 = arith.constant 0 : i32
    %dma_wait3A_106 = tpu.memref_slice %arg3[%dma_wait3A_101, %dma_wait3A_105] : memref<8x256xf32, #tpu.memory_space<hbm>> -> memref<1x256xf32, #tpu.memory_space<hbm>>
    %dma_wait3A_107 = tpu.memref_squeeze %dma_wait3A_106 : memref<1x256xf32, #tpu.memory_space<hbm>> -> memref<256xf32, #tpu.memory_space<hbm>>
    tpu.wait_dma2 semaphore(%arg15 : memref<!tpu.dma_semaphore, #tpu.memory_space<semaphore_mem>>) src(%dma_wait3A_107 : memref<256xf32, #tpu.memory_space<hbm>>) dst(%arg12 : memref<256xf32, #tpu.memory_space<vmem>>)
    %dma_wait3A_108 = arith.constant 7 : i32
    %dma_wait3A_109 = arith.constant 0 : i32
    %dma_wait3A_110 = tpu.memref_slice %arg3[%dma_wait3A_108, %dma_wait3A_109] : memref<8x256xf32, #tpu.memory_space<hbm>> -> memref<1x256xf32, #tpu.memory_space<hbm>>
    %dma_wait3A_111 = tpu.memref_squeeze %dma_wait3A_110 : memref<1x256xf32, #tpu.memory_space<hbm>> -> memref<256xf32, #tpu.memory_space<hbm>>
    %dma_wait3A_112 = arith.constant 0 : i32
    %dma_wait3A_113 = tpu.memref_slice %arg3[%dma_wait3A_108, %dma_wait3A_112] : memref<8x256xf32, #tpu.memory_space<hbm>> -> memref<1x256xf32, #tpu.memory_space<hbm>>
    %dma_wait3A_114 = tpu.memref_squeeze %dma_wait3A_113 : memref<1x256xf32, #tpu.memory_space<hbm>> -> memref<256xf32, #tpu.memory_space<hbm>>
    tpu.wait_dma2 semaphore(%arg15 : memref<!tpu.dma_semaphore, #tpu.memory_space<semaphore_mem>>) src(%dma_wait3A_114 : memref<256xf32, #tpu.memory_space<hbm>>) dst(%arg13 : memref<256xf32, #tpu.memory_space<vmem>>)
    %dma_wait3A_115 = tpu.memref_slice %arg2[%multiple_of3A] : memref<32768xi32, #tpu.memory_space<hbm>> -> memref<1024xi32, #tpu.memory_space<hbm>>
    %dma_wait3A_116 = tpu.memref_slice %arg2[%multiple_of3A] : memref<32768xi32, #tpu.memory_space<hbm>> -> memref<1024xi32, #tpu.memory_space<hbm>>
    tpu.wait_dma2 semaphore(%arg15 : memref<!tpu.dma_semaphore, #tpu.memory_space<semaphore_mem>>) src(%dma_wait3A_116 : memref<1024xi32, #tpu.memory_space<hbm>>) dst(%arg5 : memref<1024xi32, #tpu.memory_space<vmem>>)
    %scan3A = arith.constant 0 : i32
    %scan3A_117 = arith.constant 0 : i32
    %scan3A_118 = arith.constant 0 : i32
    %scan3A_119 = arith.constant 0 : i32
    %scan3A_120 = arith.constant 64 : i32
    %scan3A_121 = arith.addi %scan3A_119, %scan3A_120 : i32
    %scan3A_122 = arith.constant 8 : i32
    scf.for %scan3A_129 = %scan3A_119 to %scan3A_121 step %scan3A_122  : i32 {
      %mul3A_130 = arith.constant 1024 : i32
      %mul3A_131 = arith.muli %scan3A_117, %mul3A_130 : i32
      %mul3A_132 = arith.constant 16 : i32
      %mul3A_133 = arith.muli %scan3A_129, %mul3A_132 : i32
      %add3A_134 = arith.addi %mul3A_131, %mul3A_133 : i32
      %multiple_of3A_135 = tpu.assume_multiple %add3A_134, 8 : i32
      %get3A = arith.index_cast %multiple_of3A_135 : i32 to index
      %get3A_136 = tpu.vector_load %arg5[%get3A] {strides = array<i32>} : memref<1024xi32, #tpu.memory_space<vmem>>, vector<16xi32>,
      %mul3A_137 = arith.constant 16 : i32
      %mul3A_138 = arith.muli %scan3A_129, %mul3A_137 : i32
      %multiple_of3A_139 = tpu.assume_multiple %mul3A_138, 8 : i32
      %gather3A = tpu.vector_load_idx %arg6[%get3A_136] : memref<256xf32, #tpu.memory_space<vmem>>[vector<16xi32>], vector<16xf32>,
      %swap3A = arith.constant 0 : i32
      %swap3A_140 = arith.index_cast %swap3A : i32 to index
      %swap3A_141 = arith.index_cast %multiple_of3A_139 : i32 to index
      %swap3A_142 = tpu.vector_load %arg14[%swap3A_140, %swap3A_141] {strides = array<i32>} : memref<8x1024xf32, #tpu.memory_space<vmem>>, vector<16xf32>,
      tpu.vector_store %arg14[%swap3A_140, %swap3A_141], %gather3A {strides = array<i32>} : memref<8x1024xf32, #tpu.memory_space<vmem>>, vector<16xf32>,
      %gather3A_143 = tpu.vector_load_idx %arg7[%get3A_136] : memref<256xf32, #tpu.memory_space<vmem>>[vector<16xi32>], vector<16xf32>,
      %swap3A_144 = arith.constant 1 : i32
      %swap3A_145 = arith.index_cast %swap3A_144 : i32 to index
      %swap3A_146 = arith.index_cast %multiple_of3A_139 : i32 to index
      %swap3A_147 = tpu.vector_load %arg14[%swap3A_145, %swap3A_146] {strides = array<i32>} : memref<8x1024xf32, #tpu.memory_space<vmem>>, vector<16xf32>,
      tpu.vector_store %arg14[%swap3A_145, %swap3A_146], %gather3A_143 {strides = array<i32>} : memref<8x1024xf32, #tpu.memory_space<vmem>>, vector<16xf32>,
      %gather3A_148 = tpu.vector_load_idx %arg8[%get3A_136] : memref<256xf32, #tpu.memory_space<vmem>>[vector<16xi32>], vector<16xf32>,
      %swap3A_149 = arith.constant 2 : i32
      %swap3A_150 = arith.index_cast %swap3A_149 : i32 to index
      %swap3A_151 = arith.index_cast %multiple_of3A_139 : i32 to index
      %swap3A_152 = tpu.vector_load %arg14[%swap3A_150, %swap3A_151] {strides = array<i32>} : memref<8x1024xf32, #tpu.memory_space<vmem>>, vector<16xf32>,
      tpu.vector_store %arg14[%swap3A_150, %swap3A_151], %gather3A_148 {strides = array<i32>} : memref<8x1024xf32, #tpu.memory_space<vmem>>, vector<16xf32>,
      %gather3A_153 = tpu.vector_load_idx %arg9[%get3A_136] : memref<256xf32, #tpu.memory_space<vmem>>[vector<16xi32>], vector<16xf32>,
      %swap3A_154 = arith.constant 3 : i32
      %swap3A_155 = arith.index_cast %swap3A_154 : i32 to index
      %swap3A_156 = arith.index_cast %multiple_of3A_139 : i32 to index
      %swap3A_157 = tpu.vector_load %arg14[%swap3A_155, %swap3A_156] {strides = array<i32>} : memref<8x1024xf32, #tpu.memory_space<vmem>>, vector<16xf32>,
      tpu.vector_store %arg14[%swap3A_155, %swap3A_156], %gather3A_153 {strides = array<i32>} : memref<8x1024xf32, #tpu.memory_space<vmem>>, vector<16xf32>,
      %gather3A_158 = tpu.vector_load_idx %arg10[%get3A_136] : memref<256xf32, #tpu.memory_space<vmem>>[vector<16xi32>], vector<16xf32>,
      %swap3A_159 = arith.constant 4 : i32
      %swap3A_160 = arith.index_cast %swap3A_159 : i32 to index
      %swap3A_161 = arith.index_cast %multiple_of3A_139 : i32 to index
      %swap3A_162 = tpu.vector_load %arg14[%swap3A_160, %swap3A_161] {strides = array<i32>} : memref<8x1024xf32, #tpu.memory_space<vmem>>, vector<16xf32>,
      tpu.vector_store %arg14[%swap3A_160, %swap3A_161], %gather3A_158 {strides = array<i32>} : memref<8x1024xf32, #tpu.memory_space<vmem>>, vector<16xf32>,
      %gather3A_163 = tpu.vector_load_idx %arg11[%get3A_136] : memref<256xf32, #tpu.memory_space<vmem>>[vector<16xi32>], vector<16xf32>,
      %swap3A_164 = arith.constant 5 : i32
      %swap3A_165 = arith.index_cast %swap3A_164 : i32 to index
      %swap3A_166 = arith.index_cast %multiple_of3A_139 : i32 to index
      %swap3A_167 = tpu.vector_load %arg14[%swap3A_165, %swap3A_166] {strides = array<i32>} : memref<8x1024xf32, #tpu.memory_space<vmem>>, vector<16xf32>,
      tpu.vector_store %arg14[%swap3A_165, %swap3A_166], %gather3A_163 {strides = array<i32>} : memref<8x1024xf32, #tpu.memory_space<vmem>>, vector<16xf32>,
      %gather3A_168 = tpu.vector_load_idx %arg12[%get3A_136] : memref<256xf32, #tpu.memory_space<vmem>>[vector<16xi32>], vector<16xf32>,
      %swap3A_169 = arith.constant 6 : i32
      %swap3A_170 = arith.index_cast %swap3A_169 : i32 to index
      %swap3A_171 = arith.index_cast %multiple_of3A_139 : i32 to index
      %swap3A_172 = tpu.vector_load %arg14[%swap3A_170, %swap3A_171] {strides = array<i32>} : memref<8x1024xf32, #tpu.memory_space<vmem>>, vector<16xf32>,
      tpu.vector_store %arg14[%swap3A_170, %swap3A_171], %gather3A_168 {strides = array<i32>} : memref<8x1024xf32, #tpu.memory_space<vmem>>, vector<16xf32>,
      %gather3A_173 = tpu.vector_load_idx %arg13[%get3A_136] : memref<256xf32, #tpu.memory_space<vmem>>[vector<16xi32>], vector<16xf32>,
      %swap3A_174 = arith.constant 7 : i32
      %swap3A_175 = arith.index_cast %swap3A_174 : i32 to index
      %swap3A_176 = arith.index_cast %multiple_of3A_139 : i32 to index
      %swap3A_177 = tpu.vector_load %arg14[%swap3A_175, %swap3A_176] {strides = array<i32>} : memref<8x1024xf32, #tpu.memory_space<vmem>>, vector<16xf32>,
      tpu.vector_store %arg14[%swap3A_175, %swap3A_176], %gather3A_173 {strides = array<i32>} : memref<8x1024xf32, #tpu.memory_space<vmem>>, vector<16xf32>,
      %scan3A_178 = arith.constant 1 : i32
      %scan3A_179 = arith.addi %scan3A_129, %scan3A_178 : i32
      %mul3A_180 = arith.constant 1024 : i32
      %mul3A_181 = arith.muli %scan3A_117, %mul3A_180 : i32
      %mul3A_182 = arith.constant 16 : i32
      %mul3A_183 = arith.muli %scan3A_179, %mul3A_182 : i32
      %add3A_184 = arith.addi %mul3A_181, %mul3A_183 : i32
      %multiple_of3A_185 = tpu.assume_multiple %add3A_184, 8 : i32
      %get3A_186 = arith.index_cast %multiple_of3A_185 : i32 to index
      %get3A_187 = tpu.vector_load %arg5[%get3A_186] {strides = array<i32>} : memref<1024xi32, #tpu.memory_space<vmem>>, vector<16xi32>,
      %mul3A_188 = arith.constant 16 : i32
      %mul3A_189 = arith.muli %scan3A_179, %mul3A_188 : i32
      %multiple_of3A_190 = tpu.assume_multiple %mul3A_189, 8 : i32
      %gather3A_191 = tpu.vector_load_idx %arg6[%get3A_187] : memref<256xf32, #tpu.memory_space<vmem>>[vector<16xi32>], vector<16xf32>,
      %swap3A_192 = arith.constant 0 : i32
      %swap3A_193 = arith.index_cast %swap3A_192 : i32 to index
      %swap3A_194 = arith.index_cast %multiple_of3A_190 : i32 to index
      %swap3A_195 = tpu.vector_load %arg14[%swap3A_193, %swap3A_194] {strides = array<i32>} : memref<8x1024xf32, #tpu.memory_space<vmem>>, vector<16xf32>,
      tpu.vector_store %arg14[%swap3A_193, %swap3A_194], %gather3A_191 {strides = array<i32>} : memref<8x1024xf32, #tpu.memory_space<vmem>>, vector<16xf32>,
      %gather3A_196 = tpu.vector_load_idx %arg7[%get3A_187] : memref<256xf32, #tpu.memory_space<vmem>>[vector<16xi32>], vector<16xf32>,
      %swap3A_197 = arith.constant 1 : i32
      %swap3A_198 = arith.index_cast %swap3A_197 : i32 to index
      %swap3A_199 = arith.index_cast %multiple_of3A_190 : i32 to index
      %swap3A_200 = tpu.vector_load %arg14[%swap3A_198, %swap3A_199] {strides = array<i32>} : memref<8x1024xf32, #tpu.memory_space<vmem>>, vector<16xf32>,
      tpu.vector_store %arg14[%swap3A_198, %swap3A_199], %gather3A_196 {strides = array<i32>} : memref<8x1024xf32, #tpu.memory_space<vmem>>, vector<16xf32>,
      %gather3A_201 = tpu.vector_load_idx %arg8[%get3A_187] : memref<256xf32, #tpu.memory_space<vmem>>[vector<16xi32>], vector<16xf32>,
      %swap3A_202 = arith.constant 2 : i32
      %swap3A_203 = arith.index_cast %swap3A_202 : i32 to index
      %swap3A_204 = arith.index_cast %multiple_of3A_190 : i32 to index
      %swap3A_205 = tpu.vector_load %arg14[%swap3A_203, %swap3A_204] {strides = array<i32>} : memref<8x1024xf32, #tpu.memory_space<vmem>>, vector<16xf32>,
      tpu.vector_store %arg14[%swap3A_203, %swap3A_204], %gather3A_201 {strides = array<i32>} : memref<8x1024xf32, #tpu.memory_space<vmem>>, vector<16xf32>,
      %gather3A_206 = tpu.vector_load_idx %arg9[%get3A_187] : memref<256xf32, #tpu.memory_space<vmem>>[vector<16xi32>], vector<16xf32>,
      %swap3A_207 = arith.constant 3 : i32
      %swap3A_208 = arith.index_cast %swap3A_207 : i32 to index
      %swap3A_209 = arith.index_cast %multiple_of3A_190 : i32 to index
      %swap3A_210 = tpu.vector_load %arg14[%swap3A_208, %swap3A_209] {strides = array<i32>} : memref<8x1024xf32, #tpu.memory_space<vmem>>, vector<16xf32>,
      tpu.vector_store %arg14[%swap3A_208, %swap3A_209], %gather3A_206 {strides = array<i32>} : memref<8x1024xf32, #tpu.memory_space<vmem>>, vector<16xf32>,
      %gather3A_211 = tpu.vector_load_idx %arg10[%get3A_187] : memref<256xf32, #tpu.memory_space<vmem>>[vector<16xi32>], vector<16xf32>,
      %swap3A_212 = arith.constant 4 : i32
      %swap3A_213 = arith.index_cast %swap3A_212 : i32 to index
      %swap3A_214 = arith.index_cast %multiple_of3A_190 : i32 to index
      %swap3A_215 = tpu.vector_load %arg14[%swap3A_213, %swap3A_214] {strides = array<i32>} : memref<8x1024xf32, #tpu.memory_space<vmem>>, vector<16xf32>,
      tpu.vector_store %arg14[%swap3A_213, %swap3A_214], %gather3A_211 {strides = array<i32>} : memref<8x1024xf32, #tpu.memory_space<vmem>>, vector<16xf32>,
      %gather3A_216 = tpu.vector_load_idx %arg11[%get3A_187] : memref<256xf32, #tpu.memory_space<vmem>>[vector<16xi32>], vector<16xf32>,
      %swap3A_217 = arith.constant 5 : i32
      %swap3A_218 = arith.index_cast %swap3A_217 : i32 to index
      %swap3A_219 = arith.index_cast %multiple_of3A_190 : i32 to index
      %swap3A_220 = tpu.vector_load %arg14[%swap3A_218, %swap3A_219] {strides = array<i32>} : memref<8x1024xf32, #tpu.memory_space<vmem>>, vector<16xf32>,
      tpu.vector_store %arg14[%swap3A_218, %swap3A_219], %gather3A_216 {strides = array<i32>} : memref<8x1024xf32, #tpu.memory_space<vmem>>, vector<16xf32>,
      %gather3A_221 = tpu.vector_load_idx %arg12[%get3A_187] : memref<256xf32, #tpu.memory_space<vmem>>[vector<16xi32>], vector<16xf32>,
      %swap3A_222 = arith.constant 6 : i32
      %swap3A_223 = arith.index_cast %swap3A_222 : i32 to index
      %swap3A_224 = arith.index_cast %multiple_of3A_190 : i32 to index
      %swap3A_225 = tpu.vector_load %arg14[%swap3A_223, %swap3A_224] {strides = array<i32>} : memref<8x1024xf32, #tpu.memory_space<vmem>>, vector<16xf32>,
      tpu.vector_store %arg14[%swap3A_223, %swap3A_224], %gather3A_221 {strides = array<i32>} : memref<8x1024xf32, #tpu.memory_space<vmem>>, vector<16xf32>,
      %gather3A_226 = tpu.vector_load_idx %arg13[%get3A_187] : memref<256xf32, #tpu.memory_space<vmem>>[vector<16xi32>], vector<16xf32>,
      %swap3A_227 = arith.constant 7 : i32
      %swap3A_228 = arith.index_cast %swap3A_227 : i32 to index
      %swap3A_229 = arith.index_cast %multiple_of3A_190 : i32 to index
      %swap3A_230 = tpu.vector_load %arg14[%swap3A_228, %swap3A_229] {strides = array<i32>} : memref<8x1024xf32, #tpu.memory_space<vmem>>, vector<16xf32>,
      tpu.vector_store %arg14[%swap3A_228, %swap3A_229], %gather3A_226 {strides = array<i32>} : memref<8x1024xf32, #tpu.memory_space<vmem>>, vector<16xf32>,
      %scan3A_231 = arith.constant 2 : i32
      %scan3A_232 = arith.addi %scan3A_129, %scan3A_231 : i32
      %mul3A_233 = arith.constant 1024 : i32
      %mul3A_234 = arith.muli %scan3A_117, %mul3A_233 : i32
      %mul3A_235 = arith.constant 16 : i32
      %mul3A_236 = arith.muli %scan3A_232, %mul3A_235 : i32
      %add3A_237 = arith.addi %mul3A_234, %mul3A_236 : i32
      %multiple_of3A_238 = tpu.assume_multiple %add3A_237, 8 : i32
      %get3A_239 = arith.index_cast %multiple_of3A_238 : i32 to index
      %get3A_240 = tpu.vector_load %arg5[%get3A_239] {strides = array<i32>} : memref<1024xi32, #tpu.memory_space<vmem>>, vector<16xi32>,
      %mul3A_241 = arith.constant 16 : i32
      %mul3A_242 = arith.muli %scan3A_232, %mul3A_241 : i32
      %multiple_of3A_243 = tpu.assume_multiple %mul3A_242, 8 : i32
      %gather3A_244 = tpu.vector_load_idx %arg6[%get3A_240] : memref<256xf32, #tpu.memory_space<vmem>>[vector<16xi32>], vector<16xf32>,
      %swap3A_245 = arith.constant 0 : i32
      %swap3A_246 = arith.index_cast %swap3A_245 : i32 to index
      %swap3A_247 = arith.index_cast %multiple_of3A_243 : i32 to index
      %swap3A_248 = tpu.vector_load %arg14[%swap3A_246, %swap3A_247] {strides = array<i32>} : memref<8x1024xf32, #tpu.memory_space<vmem>>, vector<16xf32>,
      tpu.vector_store %arg14[%swap3A_246, %swap3A_247], %gather3A_244 {strides = array<i32>} : memref<8x1024xf32, #tpu.memory_space<vmem>>, vector<16xf32>,
      %gather3A_249 = tpu.vector_load_idx %arg7[%get3A_240] : memref<256xf32, #tpu.memory_space<vmem>>[vector<16xi32>], vector<16xf32>,
      %swap3A_250 = arith.constant 1 : i32
      %swap3A_251 = arith.index_cast %swap3A_250 : i32 to index
      %swap3A_252 = arith.index_cast %multiple_of3A_243 : i32 to index
      %swap3A_253 = tpu.vector_load %arg14[%swap3A_251, %swap3A_252] {strides = array<i32>} : memref<8x1024xf32, #tpu.memory_space<vmem>>, vector<16xf32>,
      tpu.vector_store %arg14[%swap3A_251, %swap3A_252], %gather3A_249 {strides = array<i32>} : memref<8x1024xf32, #tpu.memory_space<vmem>>, vector<16xf32>,
      %gather3A_254 = tpu.vector_load_idx %arg8[%get3A_240] : memref<256xf32, #tpu.memory_space<vmem>>[vector<16xi32>], vector<16xf32>,
      %swap3A_255 = arith.constant 2 : i32
      %swap3A_256 = arith.index_cast %swap3A_255 : i32 to index
      %swap3A_257 = arith.index_cast %multiple_of3A_243 : i32 to index
      %swap3A_258 = tpu.vector_load %arg14[%swap3A_256, %swap3A_257] {strides = array<i32>} : memref<8x1024xf32, #tpu.memory_space<vmem>>, vector<16xf32>,
      tpu.vector_store %arg14[%swap3A_256, %swap3A_257], %gather3A_254 {strides = array<i32>} : memref<8x1024xf32, #tpu.memory_space<vmem>>, vector<16xf32>,
      %gather3A_259 = tpu.vector_load_idx %arg9[%get3A_240] : memref<256xf32, #tpu.memory_space<vmem>>[vector<16xi32>], vector<16xf32>,
      %swap3A_260 = arith.constant 3 : i32
      %swap3A_261 = arith.index_cast %swap3A_260 : i32 to index
      %swap3A_262 = arith.index_cast %multiple_of3A_243 : i32 to index
      %swap3A_263 = tpu.vector_load %arg14[%swap3A_261, %swap3A_262] {strides = array<i32>} : memref<8x1024xf32, #tpu.memory_space<vmem>>, vector<16xf32>,
      tpu.vector_store %arg14[%swap3A_261, %swap3A_262], %gather3A_259 {strides = array<i32>} : memref<8x1024xf32, #tpu.memory_space<vmem>>, vector<16xf32>,
      %gather3A_264 = tpu.vector_load_idx %arg10[%get3A_240] : memref<256xf32, #tpu.memory_space<vmem>>[vector<16xi32>], vector<16xf32>,
      %swap3A_265 = arith.constant 4 : i32
      %swap3A_266 = arith.index_cast %swap3A_265 : i32 to index
      %swap3A_267 = arith.index_cast %multiple_of3A_243 : i32 to index
      %swap3A_268 = tpu.vector_load %arg14[%swap3A_266, %swap3A_267] {strides = array<i32>} : memref<8x1024xf32, #tpu.memory_space<vmem>>, vector<16xf32>,
      tpu.vector_store %arg14[%swap3A_266, %swap3A_267], %gather3A_264 {strides = array<i32>} : memref<8x1024xf32, #tpu.memory_space<vmem>>, vector<16xf32>,
      %gather3A_269 = tpu.vector_load_idx %arg11[%get3A_240] : memref<256xf32, #tpu.memory_space<vmem>>[vector<16xi32>], vector<16xf32>,
      %swap3A_270 = arith.constant 5 : i32
      %swap3A_271 = arith.index_cast %swap3A_270 : i32 to index
      %swap3A_272 = arith.index_cast %multiple_of3A_243 : i32 to index
      %swap3A_273 = tpu.vector_load %arg14[%swap3A_271, %swap3A_272] {strides = array<i32>} : memref<8x1024xf32, #tpu.memory_space<vmem>>, vector<16xf32>,
      tpu.vector_store %arg14[%swap3A_271, %swap3A_272], %gather3A_269 {strides = array<i32>} : memref<8x1024xf32, #tpu.memory_space<vmem>>, vector<16xf32>,
      %gather3A_274 = tpu.vector_load_idx %arg12[%get3A_240] : memref<256xf32, #tpu.memory_space<vmem>>[vector<16xi32>], vector<16xf32>,
      %swap3A_275 = arith.constant 6 : i32
      %swap3A_276 = arith.index_cast %swap3A_275 : i32 to index
      %swap3A_277 = arith.index_cast %multiple_of3A_243 : i32 to index
      %swap3A_278 = tpu.vector_load %arg14[%swap3A_276, %swap3A_277] {strides = array<i32>} : memref<8x1024xf32, #tpu.memory_space<vmem>>, vector<16xf32>,
      tpu.vector_store %arg14[%swap3A_276, %swap3A_277], %gather3A_274 {strides = array<i32>} : memref<8x1024xf32, #tpu.memory_space<vmem>>, vector<16xf32>,
      %gather3A_279 = tpu.vector_load_idx %arg13[%get3A_240] : memref<256xf32, #tpu.memory_space<vmem>>[vector<16xi32>], vector<16xf32>,
      %swap3A_280 = arith.constant 7 : i32
      %swap3A_281 = arith.index_cast %swap3A_280 : i32 to index
      %swap3A_282 = arith.index_cast %multiple_of3A_243 : i32 to index
      %swap3A_283 = tpu.vector_load %arg14[%swap3A_281, %swap3A_282] {strides = array<i32>} : memref<8x1024xf32, #tpu.memory_space<vmem>>, vector<16xf32>,
      tpu.vector_store %arg14[%swap3A_281, %swap3A_282], %gather3A_279 {strides = array<i32>} : memref<8x1024xf32, #tpu.memory_space<vmem>>, vector<16xf32>,
      %scan3A_284 = arith.constant 3 : i32
      %scan3A_285 = arith.addi %scan3A_129, %scan3A_284 : i32
      %mul3A_286 = arith.constant 1024 : i32
      %mul3A_287 = arith.muli %scan3A_117, %mul3A_286 : i32
      %mul3A_288 = arith.constant 16 : i32
      %mul3A_289 = arith.muli %scan3A_285, %mul3A_288 : i32
      %add3A_290 = arith.addi %mul3A_287, %mul3A_289 : i32
      %multiple_of3A_291 = tpu.assume_multiple %add3A_290, 8 : i32
      %get3A_292 = arith.index_cast %multiple_of3A_291 : i32 to index
      %get3A_293 = tpu.vector_load %arg5[%get3A_292] {strides = array<i32>} : memref<1024xi32, #tpu.memory_space<vmem>>, vector<16xi32>,
      %mul3A_294 = arith.constant 16 : i32
      %mul3A_295 = arith.muli %scan3A_285, %mul3A_294 : i32
      %multiple_of3A_296 = tpu.assume_multiple %mul3A_295, 8 : i32
      %gather3A_297 = tpu.vector_load_idx %arg6[%get3A_293] : memref<256xf32, #tpu.memory_space<vmem>>[vector<16xi32>], vector<16xf32>,
      %swap3A_298 = arith.constant 0 : i32
      %swap3A_299 = arith.index_cast %swap3A_298 : i32 to index
      %swap3A_300 = arith.index_cast %multiple_of3A_296 : i32 to index
      %swap3A_301 = tpu.vector_load %arg14[%swap3A_299, %swap3A_300] {strides = array<i32>} : memref<8x1024xf32, #tpu.memory_space<vmem>>, vector<16xf32>,
      tpu.vector_store %arg14[%swap3A_299, %swap3A_300], %gather3A_297 {strides = array<i32>} : memref<8x1024xf32, #tpu.memory_space<vmem>>, vector<16xf32>,
      %gather3A_302 = tpu.vector_load_idx %arg7[%get3A_293] : memref<256xf32, #tpu.memory_space<vmem>>[vector<16xi32>], vector<16xf32>,
      %swap3A_303 = arith.constant 1 : i32
      %swap3A_304 = arith.index_cast %swap3A_303 : i32 to index
      %swap3A_305 = arith.index_cast %multiple_of3A_296 : i32 to index
      %swap3A_306 = tpu.vector_load %arg14[%swap3A_304, %swap3A_305] {strides = array<i32>} : memref<8x1024xf32, #tpu.memory_space<vmem>>, vector<16xf32>,
      tpu.vector_store %arg14[%swap3A_304, %swap3A_305], %gather3A_302 {strides = array<i32>} : memref<8x1024xf32, #tpu.memory_space<vmem>>, vector<16xf32>,
      %gather3A_307 = tpu.vector_load_idx %arg8[%get3A_293] : memref<256xf32, #tpu.memory_space<vmem>>[vector<16xi32>], vector<16xf32>,
      %swap3A_308 = arith.constant 2 : i32
      %swap3A_309 = arith.index_cast %swap3A_308 : i32 to index
      %swap3A_310 = arith.index_cast %multiple_of3A_296 : i32 to index
      %swap3A_311 = tpu.vector_load %arg14[%swap3A_309, %swap3A_310] {strides = array<i32>} : memref<8x1024xf32, #tpu.memory_space<vmem>>, vector<16xf32>,
      tpu.vector_store %arg14[%swap3A_309, %swap3A_310], %gather3A_307 {strides = array<i32>} : memref<8x1024xf32, #tpu.memory_space<vmem>>, vector<16xf32>,
      %gather3A_312 = tpu.vector_load_idx %arg9[%get3A_293] : memref<256xf32, #tpu.memory_space<vmem>>[vector<16xi32>], vector<16xf32>,
      %swap3A_313 = arith.constant 3 : i32
      %swap3A_314 = arith.index_cast %swap3A_313 : i32 to index
      %swap3A_315 = arith.index_cast %multiple_of3A_296 : i32 to index
      %swap3A_316 = tpu.vector_load %arg14[%swap3A_314, %swap3A_315] {strides = array<i32>} : memref<8x1024xf32, #tpu.memory_space<vmem>>, vector<16xf32>,
      tpu.vector_store %arg14[%swap3A_314, %swap3A_315], %gather3A_312 {strides = array<i32>} : memref<8x1024xf32, #tpu.memory_space<vmem>>, vector<16xf32>,
      %gather3A_317 = tpu.vector_load_idx %arg10[%get3A_293] : memref<256xf32, #tpu.memory_space<vmem>>[vector<16xi32>], vector<16xf32>,
      %swap3A_318 = arith.constant 4 : i32
      %swap3A_319 = arith.index_cast %swap3A_318 : i32 to index
      %swap3A_320 = arith.index_cast %multiple_of3A_296 : i32 to index
      %swap3A_321 = tpu.vector_load %arg14[%swap3A_319, %swap3A_320] {strides = array<i32>} : memref<8x1024xf32, #tpu.memory_space<vmem>>, vector<16xf32>,
      tpu.vector_store %arg14[%swap3A_319, %swap3A_320], %gather3A_317 {strides = array<i32>} : memref<8x1024xf32, #tpu.memory_space<vmem>>, vector<16xf32>,
      %gather3A_322 = tpu.vector_load_idx %arg11[%get3A_293] : memref<256xf32, #tpu.memory_space<vmem>>[vector<16xi32>], vector<16xf32>,
      %swap3A_323 = arith.constant 5 : i32
      %swap3A_324 = arith.index_cast %swap3A_323 : i32 to index
      %swap3A_325 = arith.index_cast %multiple_of3A_296 : i32 to index
      %swap3A_326 = tpu.vector_load %arg14[%swap3A_324, %swap3A_325] {strides = array<i32>} : memref<8x1024xf32, #tpu.memory_space<vmem>>, vector<16xf32>,
      tpu.vector_store %arg14[%swap3A_324, %swap3A_325], %gather3A_322 {strides = array<i32>} : memref<8x1024xf32, #tpu.memory_space<vmem>>, vector<16xf32>,
      %gather3A_327 = tpu.vector_load_idx %arg12[%get3A_293] : memref<256xf32, #tpu.memory_space<vmem>>[vector<16xi32>], vector<16xf32>,
      %swap3A_328 = arith.constant 6 : i32
      %swap3A_329 = arith.index_cast %swap3A_328 : i32 to index
      %swap3A_330 = arith.index_cast %multiple_of3A_296 : i32 to index
      %swap3A_331 = tpu.vector_load %arg14[%swap3A_329, %swap3A_330] {strides = array<i32>} : memref<8x1024xf32, #tpu.memory_space<vmem>>, vector<16xf32>,
      tpu.vector_store %arg14[%swap3A_329, %swap3A_330], %gather3A_327 {strides = array<i32>} : memref<8x1024xf32, #tpu.memory_space<vmem>>, vector<16xf32>,
      %gather3A_332 = tpu.vector_load_idx %arg13[%get3A_293] : memref<256xf32, #tpu.memory_space<vmem>>[vector<16xi32>], vector<16xf32>,
      %swap3A_333 = arith.constant 7 : i32
      %swap3A_334 = arith.index_cast %swap3A_333 : i32 to index
      %swap3A_335 = arith.index_cast %multiple_of3A_296 : i32 to index
      %swap3A_336 = tpu.vector_load %arg14[%swap3A_334, %swap3A_335] {strides = array<i32>} : memref<8x1024xf32, #tpu.memory_space<vmem>>, vector<16xf32>,
      tpu.vector_store %arg14[%swap3A_334, %swap3A_335], %gather3A_332 {strides = array<i32>} : memref<8x1024xf32, #tpu.memory_space<vmem>>, vector<16xf32>,
      %scan3A_337 = arith.constant 4 : i32
      %scan3A_338 = arith.addi %scan3A_129, %scan3A_337 : i32
      %mul3A_339 = arith.constant 1024 : i32
      %mul3A_340 = arith.muli %scan3A_117, %mul3A_339 : i32
      %mul3A_341 = arith.constant 16 : i32
      %mul3A_342 = arith.muli %scan3A_338, %mul3A_341 : i32
      %add3A_343 = arith.addi %mul3A_340, %mul3A_342 : i32
      %multiple_of3A_344 = tpu.assume_multiple %add3A_343, 8 : i32
      %get3A_345 = arith.index_cast %multiple_of3A_344 : i32 to index
      %get3A_346 = tpu.vector_load %arg5[%get3A_345] {strides = array<i32>} : memref<1024xi32, #tpu.memory_space<vmem>>, vector<16xi32>,
      %mul3A_347 = arith.constant 16 : i32
      %mul3A_348 = arith.muli %scan3A_338, %mul3A_347 : i32
      %multiple_of3A_349 = tpu.assume_multiple %mul3A_348, 8 : i32
      %gather3A_350 = tpu.vector_load_idx %arg6[%get3A_346] : memref<256xf32, #tpu.memory_space<vmem>>[vector<16xi32>], vector<16xf32>,
      %swap3A_351 = arith.constant 0 : i32
      %swap3A_352 = arith.index_cast %swap3A_351 : i32 to index
      %swap3A_353 = arith.index_cast %multiple_of3A_349 : i32 to index
      %swap3A_354 = tpu.vector_load %arg14[%swap3A_352, %swap3A_353] {strides = array<i32>} : memref<8x1024xf32, #tpu.memory_space<vmem>>, vector<16xf32>,
      tpu.vector_store %arg14[%swap3A_352, %swap3A_353], %gather3A_350 {strides = array<i32>} : memref<8x1024xf32, #tpu.memory_space<vmem>>, vector<16xf32>,
      %gather3A_355 = tpu.vector_load_idx %arg7[%get3A_346] : memref<256xf32, #tpu.memory_space<vmem>>[vector<16xi32>], vector<16xf32>,
      %swap3A_356 = arith.constant 1 : i32
      %swap3A_357 = arith.index_cast %swap3A_356 : i32 to index
      %swap3A_358 = arith.index_cast %multiple_of3A_349 : i32 to index
      %swap3A_359 = tpu.vector_load %arg14[%swap3A_357, %swap3A_358] {strides = array<i32>} : memref<8x1024xf32, #tpu.memory_space<vmem>>, vector<16xf32>,
      tpu.vector_store %arg14[%swap3A_357, %swap3A_358], %gather3A_355 {strides = array<i32>} : memref<8x1024xf32, #tpu.memory_space<vmem>>, vector<16xf32>,
      %gather3A_360 = tpu.vector_load_idx %arg8[%get3A_346] : memref<256xf32, #tpu.memory_space<vmem>>[vector<16xi32>], vector<16xf32>,
      %swap3A_361 = arith.constant 2 : i32
      %swap3A_362 = arith.index_cast %swap3A_361 : i32 to index
      %swap3A_363 = arith.index_cast %multiple_of3A_349 : i32 to index
      %swap3A_364 = tpu.vector_load %arg14[%swap3A_362, %swap3A_363] {strides = array<i32>} : memref<8x1024xf32, #tpu.memory_space<vmem>>, vector<16xf32>,
      tpu.vector_store %arg14[%swap3A_362, %swap3A_363], %gather3A_360 {strides = array<i32>} : memref<8x1024xf32, #tpu.memory_space<vmem>>, vector<16xf32>,
      %gather3A_365 = tpu.vector_load_idx %arg9[%get3A_346] : memref<256xf32, #tpu.memory_space<vmem>>[vector<16xi32>], vector<16xf32>,
      %swap3A_366 = arith.constant 3 : i32
      %swap3A_367 = arith.index_cast %swap3A_366 : i32 to index
      %swap3A_368 = arith.index_cast %multiple_of3A_349 : i32 to index
      %swap3A_369 = tpu.vector_load %arg14[%swap3A_367, %swap3A_368] {strides = array<i32>} : memref<8x1024xf32, #tpu.memory_space<vmem>>, vector<16xf32>,
      tpu.vector_store %arg14[%swap3A_367, %swap3A_368], %gather3A_365 {strides = array<i32>} : memref<8x1024xf32, #tpu.memory_space<vmem>>, vector<16xf32>,
      %gather3A_370 = tpu.vector_load_idx %arg10[%get3A_346] : memref<256xf32, #tpu.memory_space<vmem>>[vector<16xi32>], vector<16xf32>,
      %swap3A_371 = arith.constant 4 : i32
      %swap3A_372 = arith.index_cast %swap3A_371 : i32 to index
      %swap3A_373 = arith.index_cast %multiple_of3A_349 : i32 to index
      %swap3A_374 = tpu.vector_load %arg14[%swap3A_372, %swap3A_373] {strides = array<i32>} : memref<8x1024xf32, #tpu.memory_space<vmem>>, vector<16xf32>,
      tpu.vector_store %arg14[%swap3A_372, %swap3A_373], %gather3A_370 {strides = array<i32>} : memref<8x1024xf32, #tpu.memory_space<vmem>>, vector<16xf32>,
      %gather3A_375 = tpu.vector_load_idx %arg11[%get3A_346] : memref<256xf32, #tpu.memory_space<vmem>>[vector<16xi32>], vector<16xf32>,
      %swap3A_376 = arith.constant 5 : i32
      %swap3A_377 = arith.index_cast %swap3A_376 : i32 to index
      %swap3A_378 = arith.index_cast %multiple_of3A_349 : i32 to index
      %swap3A_379 = tpu.vector_load %arg14[%swap3A_377, %swap3A_378] {strides = array<i32>} : memref<8x1024xf32, #tpu.memory_space<vmem>>, vector<16xf32>,
      tpu.vector_store %arg14[%swap3A_377, %swap3A_378], %gather3A_375 {strides = array<i32>} : memref<8x1024xf32, #tpu.memory_space<vmem>>, vector<16xf32>,
      %gather3A_380 = tpu.vector_load_idx %arg12[%get3A_346] : memref<256xf32, #tpu.memory_space<vmem>>[vector<16xi32>], vector<16xf32>,
      %swap3A_381 = arith.constant 6 : i32
      %swap3A_382 = arith.index_cast %swap3A_381 : i32 to index
      %swap3A_383 = arith.index_cast %multiple_of3A_349 : i32 to index
      %swap3A_384 = tpu.vector_load %arg14[%swap3A_382, %swap3A_383] {strides = array<i32>} : memref<8x1024xf32, #tpu.memory_space<vmem>>, vector<16xf32>,
      tpu.vector_store %arg14[%swap3A_382, %swap3A_383], %gather3A_380 {strides = array<i32>} : memref<8x1024xf32, #tpu.memory_space<vmem>>, vector<16xf32>,
      %gather3A_385 = tpu.vector_load_idx %arg13[%get3A_346] : memref<256xf32, #tpu.memory_space<vmem>>[vector<16xi32>], vector<16xf32>,
      %swap3A_386 = arith.constant 7 : i32
      %swap3A_387 = arith.index_cast %swap3A_386 : i32 to index
      %swap3A_388 = arith.index_cast %multiple_of3A_349 : i32 to index
      %swap3A_389 = tpu.vector_load %arg14[%swap3A_387, %swap3A_388] {strides = array<i32>} : memref<8x1024xf32, #tpu.memory_space<vmem>>, vector<16xf32>,
      tpu.vector_store %arg14[%swap3A_387, %swap3A_388], %gather3A_385 {strides = array<i32>} : memref<8x1024xf32, #tpu.memory_space<vmem>>, vector<16xf32>,
      %scan3A_390 = arith.constant 5 : i32
      %scan3A_391 = arith.addi %scan3A_129, %scan3A_390 : i32
      %mul3A_392 = arith.constant 1024 : i32
      %mul3A_393 = arith.muli %scan3A_117, %mul3A_392 : i32
      %mul3A_394 = arith.constant 16 : i32
      %mul3A_395 = arith.muli %scan3A_391, %mul3A_394 : i32
      %add3A_396 = arith.addi %mul3A_393, %mul3A_395 : i32
      %multiple_of3A_397 = tpu.assume_multiple %add3A_396, 8 : i32
      %get3A_398 = arith.index_cast %multiple_of3A_397 : i32 to index
      %get3A_399 = tpu.vector_load %arg5[%get3A_398] {strides = array<i32>} : memref<1024xi32, #tpu.memory_space<vmem>>, vector<16xi32>,
      %mul3A_400 = arith.constant 16 : i32
      %mul3A_401 = arith.muli %scan3A_391, %mul3A_400 : i32
      %multiple_of3A_402 = tpu.assume_multiple %mul3A_401, 8 : i32
      %gather3A_403 = tpu.vector_load_idx %arg6[%get3A_399] : memref<256xf32, #tpu.memory_space<vmem>>[vector<16xi32>], vector<16xf32>,
      %swap3A_404 = arith.constant 0 : i32
      %swap3A_405 = arith.index_cast %swap3A_404 : i32 to index
      %swap3A_406 = arith.index_cast %multiple_of3A_402 : i32 to index
      %swap3A_407 = tpu.vector_load %arg14[%swap3A_405, %swap3A_406] {strides = array<i32>} : memref<8x1024xf32, #tpu.memory_space<vmem>>, vector<16xf32>,
      tpu.vector_store %arg14[%swap3A_405, %swap3A_406], %gather3A_403 {strides = array<i32>} : memref<8x1024xf32, #tpu.memory_space<vmem>>, vector<16xf32>,
      %gather3A_408 = tpu.vector_load_idx %arg7[%get3A_399] : memref<256xf32, #tpu.memory_space<vmem>>[vector<16xi32>], vector<16xf32>,
      %swap3A_409 = arith.constant 1 : i32
      %swap3A_410 = arith.index_cast %swap3A_409 : i32 to index
      %swap3A_411 = arith.index_cast %multiple_of3A_402 : i32 to index
      %swap3A_412 = tpu.vector_load %arg14[%swap3A_410, %swap3A_411] {strides = array<i32>} : memref<8x1024xf32, #tpu.memory_space<vmem>>, vector<16xf32>,
      tpu.vector_store %arg14[%swap3A_410, %swap3A_411], %gather3A_408 {strides = array<i32>} : memref<8x1024xf32, #tpu.memory_space<vmem>>, vector<16xf32>,
      %gather3A_413 = tpu.vector_load_idx %arg8[%get3A_399] : memref<256xf32, #tpu.memory_space<vmem>>[vector<16xi32>], vector<16xf32>,
      %swap3A_414 = arith.constant 2 : i32
      %swap3A_415 = arith.index_cast %swap3A_414 : i32 to index
      %swap3A_416 = arith.index_cast %multiple_of3A_402 : i32 to index
      %swap3A_417 = tpu.vector_load %arg14[%swap3A_415, %swap3A_416] {strides = array<i32>} : memref<8x1024xf32, #tpu.memory_space<vmem>>, vector<16xf32>,
      tpu.vector_store %arg14[%swap3A_415, %swap3A_416], %gather3A_413 {strides = array<i32>} : memref<8x1024xf32, #tpu.memory_space<vmem>>, vector<16xf32>,
      %gather3A_418 = tpu.vector_load_idx %arg9[%get3A_399] : memref<256xf32, #tpu.memory_space<vmem>>[vector<16xi32>], vector<16xf32>,
      %swap3A_419 = arith.constant 3 : i32
      %swap3A_420 = arith.index_cast %swap3A_419 : i32 to index
      %swap3A_421 = arith.index_cast %multiple_of3A_402 : i32 to index
      %swap3A_422 = tpu.vector_load %arg14[%swap3A_420, %swap3A_421] {strides = array<i32>} : memref<8x1024xf32, #tpu.memory_space<vmem>>, vector<16xf32>,
      tpu.vector_store %arg14[%swap3A_420, %swap3A_421], %gather3A_418 {strides = array<i32>} : memref<8x1024xf32, #tpu.memory_space<vmem>>, vector<16xf32>,
      %gather3A_423 = tpu.vector_load_idx %arg10[%get3A_399] : memref<256xf32, #tpu.memory_space<vmem>>[vector<16xi32>], vector<16xf32>,
      %swap3A_424 = arith.constant 4 : i32
      %swap3A_425 = arith.index_cast %swap3A_424 : i32 to index
      %swap3A_426 = arith.index_cast %multiple_of3A_402 : i32 to index
      %swap3A_427 = tpu.vector_load %arg14[%swap3A_425, %swap3A_426] {strides = array<i32>} : memref<8x1024xf32, #tpu.memory_space<vmem>>, vector<16xf32>,
      tpu.vector_store %arg14[%swap3A_425, %swap3A_426], %gather3A_423 {strides = array<i32>} : memref<8x1024xf32, #tpu.memory_space<vmem>>, vector<16xf32>,
      %gather3A_428 = tpu.vector_load_idx %arg11[%get3A_399] : memref<256xf32, #tpu.memory_space<vmem>>[vector<16xi32>], vector<16xf32>,
      %swap3A_429 = arith.constant 5 : i32
      %swap3A_430 = arith.index_cast %swap3A_429 : i32 to index
      %swap3A_431 = arith.index_cast %multiple_of3A_402 : i32 to index
      %swap3A_432 = tpu.vector_load %arg14[%swap3A_430, %swap3A_431] {strides = array<i32>} : memref<8x1024xf32, #tpu.memory_space<vmem>>, vector<16xf32>,
      tpu.vector_store %arg14[%swap3A_430, %swap3A_431], %gather3A_428 {strides = array<i32>} : memref<8x1024xf32, #tpu.memory_space<vmem>>, vector<16xf32>,
      %gather3A_433 = tpu.vector_load_idx %arg12[%get3A_399] : memref<256xf32, #tpu.memory_space<vmem>>[vector<16xi32>], vector<16xf32>,
      %swap3A_434 = arith.constant 6 : i32
      %swap3A_435 = arith.index_cast %swap3A_434 : i32 to index
      %swap3A_436 = arith.index_cast %multiple_of3A_402 : i32 to index
      %swap3A_437 = tpu.vector_load %arg14[%swap3A_435, %swap3A_436] {strides = array<i32>} : memref<8x1024xf32, #tpu.memory_space<vmem>>, vector<16xf32>,
      tpu.vector_store %arg14[%swap3A_435, %swap3A_436], %gather3A_433 {strides = array<i32>} : memref<8x1024xf32, #tpu.memory_space<vmem>>, vector<16xf32>,
      %gather3A_438 = tpu.vector_load_idx %arg13[%get3A_399] : memref<256xf32, #tpu.memory_space<vmem>>[vector<16xi32>], vector<16xf32>,
      %swap3A_439 = arith.constant 7 : i32
      %swap3A_440 = arith.index_cast %swap3A_439 : i32 to index
      %swap3A_441 = arith.index_cast %multiple_of3A_402 : i32 to index
      %swap3A_442 = tpu.vector_load %arg14[%swap3A_440, %swap3A_441] {strides = array<i32>} : memref<8x1024xf32, #tpu.memory_space<vmem>>, vector<16xf32>,
      tpu.vector_store %arg14[%swap3A_440, %swap3A_441], %gather3A_438 {strides = array<i32>} : memref<8x1024xf32, #tpu.memory_space<vmem>>, vector<16xf32>,
      %scan3A_443 = arith.constant 6 : i32
      %scan3A_444 = arith.addi %scan3A_129, %scan3A_443 : i32
      %mul3A_445 = arith.constant 1024 : i32
      %mul3A_446 = arith.muli %scan3A_117, %mul3A_445 : i32
      %mul3A_447 = arith.constant 16 : i32
      %mul3A_448 = arith.muli %scan3A_444, %mul3A_447 : i32
      %add3A_449 = arith.addi %mul3A_446, %mul3A_448 : i32
      %multiple_of3A_450 = tpu.assume_multiple %add3A_449, 8 : i32
      %get3A_451 = arith.index_cast %multiple_of3A_450 : i32 to index
      %get3A_452 = tpu.vector_load %arg5[%get3A_451] {strides = array<i32>} : memref<1024xi32, #tpu.memory_space<vmem>>, vector<16xi32>,
      %mul3A_453 = arith.constant 16 : i32
      %mul3A_454 = arith.muli %scan3A_444, %mul3A_453 : i32
      %multiple_of3A_455 = tpu.assume_multiple %mul3A_454, 8 : i32
      %gather3A_456 = tpu.vector_load_idx %arg6[%get3A_452] : memref<256xf32, #tpu.memory_space<vmem>>[vector<16xi32>], vector<16xf32>,
      %swap3A_457 = arith.constant 0 : i32
      %swap3A_458 = arith.index_cast %swap3A_457 : i32 to index
      %swap3A_459 = arith.index_cast %multiple_of3A_455 : i32 to index
      %swap3A_460 = tpu.vector_load %arg14[%swap3A_458, %swap3A_459] {strides = array<i32>} : memref<8x1024xf32, #tpu.memory_space<vmem>>, vector<16xf32>,
      tpu.vector_store %arg14[%swap3A_458, %swap3A_459], %gather3A_456 {strides = array<i32>} : memref<8x1024xf32, #tpu.memory_space<vmem>>, vector<16xf32>,
      %gather3A_461 = tpu.vector_load_idx %arg7[%get3A_452] : memref<256xf32, #tpu.memory_space<vmem>>[vector<16xi32>], vector<16xf32>,
      %swap3A_462 = arith.constant 1 : i32
      %swap3A_463 = arith.index_cast %swap3A_462 : i32 to index
      %swap3A_464 = arith.index_cast %multiple_of3A_455 : i32 to index
      %swap3A_465 = tpu.vector_load %arg14[%swap3A_463, %swap3A_464] {strides = array<i32>} : memref<8x1024xf32, #tpu.memory_space<vmem>>, vector<16xf32>,
      tpu.vector_store %arg14[%swap3A_463, %swap3A_464], %gather3A_461 {strides = array<i32>} : memref<8x1024xf32, #tpu.memory_space<vmem>>, vector<16xf32>,
      %gather3A_466 = tpu.vector_load_idx %arg8[%get3A_452] : memref<256xf32, #tpu.memory_space<vmem>>[vector<16xi32>], vector<16xf32>,
      %swap3A_467 = arith.constant 2 : i32
      %swap3A_468 = arith.index_cast %swap3A_467 : i32 to index
      %swap3A_469 = arith.index_cast %multiple_of3A_455 : i32 to index
      %swap3A_470 = tpu.vector_load %arg14[%swap3A_468, %swap3A_469] {strides = array<i32>} : memref<8x1024xf32, #tpu.memory_space<vmem>>, vector<16xf32>,
      tpu.vector_store %arg14[%swap3A_468, %swap3A_469], %gather3A_466 {strides = array<i32>} : memref<8x1024xf32, #tpu.memory_space<vmem>>, vector<16xf32>,
      %gather3A_471 = tpu.vector_load_idx %arg9[%get3A_452] : memref<256xf32, #tpu.memory_space<vmem>>[vector<16xi32>], vector<16xf32>,
      %swap3A_472 = arith.constant 3 : i32
      %swap3A_473 = arith.index_cast %swap3A_472 : i32 to index
      %swap3A_474 = arith.index_cast %multiple_of3A_455 : i32 to index
      %swap3A_475 = tpu.vector_load %arg14[%swap3A_473, %swap3A_474] {strides = array<i32>} : memref<8x1024xf32, #tpu.memory_space<vmem>>, vector<16xf32>,
      tpu.vector_store %arg14[%swap3A_473, %swap3A_474], %gather3A_471 {strides = array<i32>} : memref<8x1024xf32, #tpu.memory_space<vmem>>, vector<16xf32>,
      %gather3A_476 = tpu.vector_load_idx %arg10[%get3A_452] : memref<256xf32, #tpu.memory_space<vmem>>[vector<16xi32>], vector<16xf32>,
      %swap3A_477 = arith.constant 4 : i32
      %swap3A_478 = arith.index_cast %swap3A_477 : i32 to index
      %swap3A_479 = arith.index_cast %multiple_of3A_455 : i32 to index
      %swap3A_480 = tpu.vector_load %arg14[%swap3A_478, %swap3A_479] {strides = array<i32>} : memref<8x1024xf32, #tpu.memory_space<vmem>>, vector<16xf32>,
      tpu.vector_store %arg14[%swap3A_478, %swap3A_479], %gather3A_476 {strides = array<i32>} : memref<8x1024xf32, #tpu.memory_space<vmem>>, vector<16xf32>,
      %gather3A_481 = tpu.vector_load_idx %arg11[%get3A_452] : memref<256xf32, #tpu.memory_space<vmem>>[vector<16xi32>], vector<16xf32>,
      %swap3A_482 = arith.constant 5 : i32
      %swap3A_483 = arith.index_cast %swap3A_482 : i32 to index
      %swap3A_484 = arith.index_cast %multiple_of3A_455 : i32 to index
      %swap3A_485 = tpu.vector_load %arg14[%swap3A_483, %swap3A_484] {strides = array<i32>} : memref<8x1024xf32, #tpu.memory_space<vmem>>, vector<16xf32>,
      tpu.vector_store %arg14[%swap3A_483, %swap3A_484], %gather3A_481 {strides = array<i32>} : memref<8x1024xf32, #tpu.memory_space<vmem>>, vector<16xf32>,
      %gather3A_486 = tpu.vector_load_idx %arg12[%get3A_452] : memref<256xf32, #tpu.memory_space<vmem>>[vector<16xi32>], vector<16xf32>,
      %swap3A_487 = arith.constant 6 : i32
      %swap3A_488 = arith.index_cast %swap3A_487 : i32 to index
      %swap3A_489 = arith.index_cast %multiple_of3A_455 : i32 to index
      %swap3A_490 = tpu.vector_load %arg14[%swap3A_488, %swap3A_489] {strides = array<i32>} : memref<8x1024xf32, #tpu.memory_space<vmem>>, vector<16xf32>,
      tpu.vector_store %arg14[%swap3A_488, %swap3A_489], %gather3A_486 {strides = array<i32>} : memref<8x1024xf32, #tpu.memory_space<vmem>>, vector<16xf32>,
      %gather3A_491 = tpu.vector_load_idx %arg13[%get3A_452] : memref<256xf32, #tpu.memory_space<vmem>>[vector<16xi32>], vector<16xf32>,
      %swap3A_492 = arith.constant 7 : i32
      %swap3A_493 = arith.index_cast %swap3A_492 : i32 to index
      %swap3A_494 = arith.index_cast %multiple_of3A_455 : i32 to index
      %swap3A_495 = tpu.vector_load %arg14[%swap3A_493, %swap3A_494] {strides = array<i32>} : memref<8x1024xf32, #tpu.memory_space<vmem>>, vector<16xf32>,
      tpu.vector_store %arg14[%swap3A_493, %swap3A_494], %gather3A_491 {strides = array<i32>} : memref<8x1024xf32, #tpu.memory_space<vmem>>, vector<16xf32>,
      %scan3A_496 = arith.constant 7 : i32
      %scan3A_497 = arith.addi %scan3A_129, %scan3A_496 : i32
      %mul3A_498 = arith.constant 1024 : i32
      %mul3A_499 = arith.muli %scan3A_117, %mul3A_498 : i32
      %mul3A_500 = arith.constant 16 : i32
      %mul3A_501 = arith.muli %scan3A_497, %mul3A_500 : i32
      %add3A_502 = arith.addi %mul3A_499, %mul3A_501 : i32
      %multiple_of3A_503 = tpu.assume_multiple %add3A_502, 8 : i32
      %get3A_504 = arith.index_cast %multiple_of3A_503 : i32 to index
      %get3A_505 = tpu.vector_load %arg5[%get3A_504] {strides = array<i32>} : memref<1024xi32, #tpu.memory_space<vmem>>, vector<16xi32>,
      %mul3A_506 = arith.constant 16 : i32
      %mul3A_507 = arith.muli %scan3A_497, %mul3A_506 : i32
      %multiple_of3A_508 = tpu.assume_multiple %mul3A_507, 8 : i32
      %gather3A_509 = tpu.vector_load_idx %arg6[%get3A_505] : memref<256xf32, #tpu.memory_space<vmem>>[vector<16xi32>], vector<16xf32>,
      %swap3A_510 = arith.constant 0 : i32
      %swap3A_511 = arith.index_cast %swap3A_510 : i32 to index
      %swap3A_512 = arith.index_cast %multiple_of3A_508 : i32 to index
      %swap3A_513 = tpu.vector_load %arg14[%swap3A_511, %swap3A_512] {strides = array<i32>} : memref<8x1024xf32, #tpu.memory_space<vmem>>, vector<16xf32>,
      tpu.vector_store %arg14[%swap3A_511, %swap3A_512], %gather3A_509 {strides = array<i32>} : memref<8x1024xf32, #tpu.memory_space<vmem>>, vector<16xf32>,
      %gather3A_514 = tpu.vector_load_idx %arg7[%get3A_505] : memref<256xf32, #tpu.memory_space<vmem>>[vector<16xi32>], vector<16xf32>,
      %swap3A_515 = arith.constant 1 : i32
      %swap3A_516 = arith.index_cast %swap3A_515 : i32 to index
      %swap3A_517 = arith.index_cast %multiple_of3A_508 : i32 to index
      %swap3A_518 = tpu.vector_load %arg14[%swap3A_516, %swap3A_517] {strides = array<i32>} : memref<8x1024xf32, #tpu.memory_space<vmem>>, vector<16xf32>,
      tpu.vector_store %arg14[%swap3A_516, %swap3A_517], %gather3A_514 {strides = array<i32>} : memref<8x1024xf32, #tpu.memory_space<vmem>>, vector<16xf32>,
      %gather3A_519 = tpu.vector_load_idx %arg8[%get3A_505] : memref<256xf32, #tpu.memory_space<vmem>>[vector<16xi32>], vector<16xf32>,
      %swap3A_520 = arith.constant 2 : i32
      %swap3A_521 = arith.index_cast %swap3A_520 : i32 to index
      %swap3A_522 = arith.index_cast %multiple_of3A_508 : i32 to index
      %swap3A_523 = tpu.vector_load %arg14[%swap3A_521, %swap3A_522] {strides = array<i32>} : memref<8x1024xf32, #tpu.memory_space<vmem>>, vector<16xf32>,
      tpu.vector_store %arg14[%swap3A_521, %swap3A_522], %gather3A_519 {strides = array<i32>} : memref<8x1024xf32, #tpu.memory_space<vmem>>, vector<16xf32>,
      %gather3A_524 = tpu.vector_load_idx %arg9[%get3A_505] : memref<256xf32, #tpu.memory_space<vmem>>[vector<16xi32>], vector<16xf32>,
      %swap3A_525 = arith.constant 3 : i32
      %swap3A_526 = arith.index_cast %swap3A_525 : i32 to index
      %swap3A_527 = arith.index_cast %multiple_of3A_508 : i32 to index
      %swap3A_528 = tpu.vector_load %arg14[%swap3A_526, %swap3A_527] {strides = array<i32>} : memref<8x1024xf32, #tpu.memory_space<vmem>>, vector<16xf32>,
      tpu.vector_store %arg14[%swap3A_526, %swap3A_527], %gather3A_524 {strides = array<i32>} : memref<8x1024xf32, #tpu.memory_space<vmem>>, vector<16xf32>,
      %gather3A_529 = tpu.vector_load_idx %arg10[%get3A_505] : memref<256xf32, #tpu.memory_space<vmem>>[vector<16xi32>], vector<16xf32>,
      %swap3A_530 = arith.constant 4 : i32
      %swap3A_531 = arith.index_cast %swap3A_530 : i32 to index
      %swap3A_532 = arith.index_cast %multiple_of3A_508 : i32 to index
      %swap3A_533 = tpu.vector_load %arg14[%swap3A_531, %swap3A_532] {strides = array<i32>} : memref<8x1024xf32, #tpu.memory_space<vmem>>, vector<16xf32>,
      tpu.vector_store %arg14[%swap3A_531, %swap3A_532], %gather3A_529 {strides = array<i32>} : memref<8x1024xf32, #tpu.memory_space<vmem>>, vector<16xf32>,
      %gather3A_534 = tpu.vector_load_idx %arg11[%get3A_505] : memref<256xf32, #tpu.memory_space<vmem>>[vector<16xi32>], vector<16xf32>,
      %swap3A_535 = arith.constant 5 : i32
      %swap3A_536 = arith.index_cast %swap3A_535 : i32 to index
      %swap3A_537 = arith.index_cast %multiple_of3A_508 : i32 to index
      %swap3A_538 = tpu.vector_load %arg14[%swap3A_536, %swap3A_537] {strides = array<i32>} : memref<8x1024xf32, #tpu.memory_space<vmem>>, vector<16xf32>,
      tpu.vector_store %arg14[%swap3A_536, %swap3A_537], %gather3A_534 {strides = array<i32>} : memref<8x1024xf32, #tpu.memory_space<vmem>>, vector<16xf32>,
      %gather3A_539 = tpu.vector_load_idx %arg12[%get3A_505] : memref<256xf32, #tpu.memory_space<vmem>>[vector<16xi32>], vector<16xf32>,
      %swap3A_540 = arith.constant 6 : i32
      %swap3A_541 = arith.index_cast %swap3A_540 : i32 to index
      %swap3A_542 = arith.index_cast %multiple_of3A_508 : i32 to index
      %swap3A_543 = tpu.vector_load %arg14[%swap3A_541, %swap3A_542] {strides = array<i32>} : memref<8x1024xf32, #tpu.memory_space<vmem>>, vector<16xf32>,
      tpu.vector_store %arg14[%swap3A_541, %swap3A_542], %gather3A_539 {strides = array<i32>} : memref<8x1024xf32, #tpu.memory_space<vmem>>, vector<16xf32>,
      %gather3A_544 = tpu.vector_load_idx %arg13[%get3A_505] : memref<256xf32, #tpu.memory_space<vmem>>[vector<16xi32>], vector<16xf32>,
      %swap3A_545 = arith.constant 7 : i32
      %swap3A_546 = arith.index_cast %swap3A_545 : i32 to index
      %swap3A_547 = arith.index_cast %multiple_of3A_508 : i32 to index
      %swap3A_548 = tpu.vector_load %arg14[%swap3A_546, %swap3A_547] {strides = array<i32>} : memref<8x1024xf32, #tpu.memory_space<vmem>>, vector<16xf32>,
      tpu.vector_store %arg14[%swap3A_546, %swap3A_547], %gather3A_544 {strides = array<i32>} : memref<8x1024xf32, #tpu.memory_space<vmem>>, vector<16xf32>,
    }
    %scan3A_123 = arith.constant 64 : i32
    %mul3A_124 = arith.constant 1024 : i32
    %mul3A_125 = arith.muli %scan3A_117, %mul3A_124 : i32
    %add3A_126 = arith.addi %mul3A_2, %mul3A_125 : i32
    %multiple_of3A_127 = tpu.assume_multiple %add3A_126, 128 : i32
    "tpu.region"() ({
      %run_scoped3A = tpu.sem_alloc : memref<!tpu.dma_semaphore, #tpu.memory_space<semaphore_mem>>
      %dma_start3A_129 = arith.constant 0 : i32
      %dma_start3A_130 = tpu.memref_slice %arg4[%dma_start3A_129, %multiple_of3A_127] : memref<8x32768xf32, #tpu.memory_space<hbm>> -> memref<8x1024xf32, #tpu.memory_space<hbm>>
      %dma_start3A_131 = arith.constant 0 : i32
      %dma_start3A_132 = tpu.memref_slice %arg4[%dma_start3A_131, %multiple_of3A_127] : memref<8x32768xf32, #tpu.memory_space<hbm>> -> memref<8x1024xf32, #tpu.memory_space<hbm>>
      tpu.enqueue_dma source(%arg14 : memref<8x1024xf32, #tpu.memory_space<vmem>>) target(%dma_start3A_132 : memref<8x1024xf32, #tpu.memory_space<hbm>>) target_semaphore(%run_scoped3A : memref<!tpu.dma_semaphore, #tpu.memory_space<semaphore_mem>>)
      %dma_wait3A_133 = arith.constant 0 : i32
      %dma_wait3A_134 = tpu.memref_slice %arg4[%dma_wait3A_133, %multiple_of3A_127] : memref<8x32768xf32, #tpu.memory_space<hbm>> -> memref<8x1024xf32, #tpu.memory_space<hbm>>
      %dma_wait3A_135 = arith.constant 0 : i32
      %dma_wait3A_136 = tpu.memref_slice %arg4[%dma_wait3A_135, %multiple_of3A_127] : memref<8x32768xf32, #tpu.memory_space<hbm>> -> memref<8x1024xf32, #tpu.memory_space<hbm>>
      tpu.wait_dma2 semaphore(%run_scoped3A : memref<!tpu.dma_semaphore, #tpu.memory_space<semaphore_mem>>) src(%arg14 : memref<8x1024xf32, #tpu.memory_space<vmem>>) dst(%dma_wait3A_136 : memref<8x1024xf32, #tpu.memory_space<hbm>>)
      tpu.yield
    }) : () -> ()
    %scan3A_128 = arith.constant 1 : i32
    return
  }
}

#map = affine_map<(d0, d1) -> (0)>
#map1 = affine_map<(d0, d1) -> (0, 0)>
module attributes {stable_mosaic.version = 14 : i64} {
  func.func @k(%arg0: i32, %arg1: i32, %arg2: memref<163840xi32, #tpu.memory_space<hbm>>, %arg3: memref<8x256xf32, #tpu.memory_space<hbm>>, %arg4: memref<8x163840xf32, #tpu.memory_space<hbm>>, %arg5: memref<5120xi32, #tpu.memory_space<vmem>>, %arg6: memref<256xf32, #tpu.memory_space<vmem>>, %arg7: memref<256xf32, #tpu.memory_space<vmem>>, %arg8: memref<256xf32, #tpu.memory_space<vmem>>, %arg9: memref<256xf32, #tpu.memory_space<vmem>>, %arg10: memref<256xf32, #tpu.memory_space<vmem>>, %arg11: memref<256xf32, #tpu.memory_space<vmem>>, %arg12: memref<256xf32, #tpu.memory_space<vmem>>, %arg13: memref<256xf32, #tpu.memory_space<vmem>>, %arg14: memref<8x1024xf32, #tpu.memory_space<vmem>>, %arg15: memref<!tpu.dma_semaphore, #tpu.memory_space<semaphore_mem>>) attributes {dimension_semantics = [#tpu.dimension_semantics<core_parallel>, #tpu.dimension_semantics<subcore_parallel>], iteration_bounds = array<i64: 2, 16>, scalar_prefetch = 0 : i64, scratch_operands = 11 : i64, tpu.core_type = #tpu.core_type<sc_vector_subcore>, window_params = [{transform_indices = #map}, {transform_indices = #map1}, {transform_indices = #map1}]} {
    %mul3A = arith.constant 2 : i32
    %mul3A_0 = arith.muli %arg1, %mul3A : i32
    %add3A = arith.addi %mul3A_0, %arg0 : i32
    %mul3A_1 = arith.constant 5120 : i32
    %mul3A_2 = arith.muli %add3A, %mul3A_1 : i32
    %dma_start3A = arith.constant 0 : i32
    %dma_start3A_3 = arith.constant 0 : i32
    %dma_start3A_4 = tpu.memref_slice %arg3[%dma_start3A, %dma_start3A_3] : memref<8x256xf32, #tpu.memory_space<hbm>> -> memref<1x256xf32, #tpu.memory_space<hbm>>
    %dma_start3A_5 = tpu.memref_squeeze %dma_start3A_4 : memref<1x256xf32, #tpu.memory_space<hbm>> -> memref<256xf32, #tpu.memory_space<hbm>>
    %dma_start3A_6 = arith.constant 0 : i32
    %dma_start3A_7 = tpu.memref_slice %arg3[%dma_start3A, %dma_start3A_6] : memref<8x256xf32, #tpu.memory_space<hbm>> -> memref<1x256xf32, #tpu.memory_space<hbm>>
    %dma_start3A_8 = tpu.memref_squeeze %dma_start3A_7 : memref<1x256xf32, #tpu.memory_space<hbm>> -> memref<256xf32, #tpu.memory_space<hbm>>
    tpu.enqueue_dma source(%dma_start3A_8 : memref<256xf32, #tpu.memory_space<hbm>>) target(%arg6 : memref<256xf32, #tpu.memory_space<vmem>>) target_semaphore(%arg15 : memref<!tpu.dma_semaphore, #tpu.memory_space<semaphore_mem>>)
    %dma_start3A_9 = arith.constant 1 : i32
    %dma_start3A_10 = arith.constant 0 : i32
    %dma_start3A_11 = tpu.memref_slice %arg3[%dma_start3A_9, %dma_start3A_10] : memref<8x256xf32, #tpu.memory_space<hbm>> -> memref<1x256xf32, #tpu.memory_space<hbm>>
    %dma_start3A_12 = tpu.memref_squeeze %dma_start3A_11 : memref<1x256xf32, #tpu.memory_space<hbm>> -> memref<256xf32, #tpu.memory_space<hbm>>
    %dma_start3A_13 = arith.constant 0 : i32
    %dma_start3A_14 = tpu.memref_slice %arg3[%dma_start3A_9, %dma_start3A_13] : memref<8x256xf32, #tpu.memory_space<hbm>> -> memref<1x256xf32, #tpu.memory_space<hbm>>
    %dma_start3A_15 = tpu.memref_squeeze %dma_start3A_14 : memref<1x256xf32, #tpu.memory_space<hbm>> -> memref<256xf32, #tpu.memory_space<hbm>>
    tpu.enqueue_dma source(%dma_start3A_15 : memref<256xf32, #tpu.memory_space<hbm>>) target(%arg7 : memref<256xf32, #tpu.memory_space<vmem>>) target_semaphore(%arg15 : memref<!tpu.dma_semaphore, #tpu.memory_space<semaphore_mem>>)
    %dma_start3A_16 = arith.constant 2 : i32
    %dma_start3A_17 = arith.constant 0 : i32
    %dma_start3A_18 = tpu.memref_slice %arg3[%dma_start3A_16, %dma_start3A_17] : memref<8x256xf32, #tpu.memory_space<hbm>> -> memref<1x256xf32, #tpu.memory_space<hbm>>
    %dma_start3A_19 = tpu.memref_squeeze %dma_start3A_18 : memref<1x256xf32, #tpu.memory_space<hbm>> -> memref<256xf32, #tpu.memory_space<hbm>>
    %dma_start3A_20 = arith.constant 0 : i32
    %dma_start3A_21 = tpu.memref_slice %arg3[%dma_start3A_16, %dma_start3A_20] : memref<8x256xf32, #tpu.memory_space<hbm>> -> memref<1x256xf32, #tpu.memory_space<hbm>>
    %dma_start3A_22 = tpu.memref_squeeze %dma_start3A_21 : memref<1x256xf32, #tpu.memory_space<hbm>> -> memref<256xf32, #tpu.memory_space<hbm>>
    tpu.enqueue_dma source(%dma_start3A_22 : memref<256xf32, #tpu.memory_space<hbm>>) target(%arg8 : memref<256xf32, #tpu.memory_space<vmem>>) target_semaphore(%arg15 : memref<!tpu.dma_semaphore, #tpu.memory_space<semaphore_mem>>)
    %dma_start3A_23 = arith.constant 3 : i32
    %dma_start3A_24 = arith.constant 0 : i32
    %dma_start3A_25 = tpu.memref_slice %arg3[%dma_start3A_23, %dma_start3A_24] : memref<8x256xf32, #tpu.memory_space<hbm>> -> memref<1x256xf32, #tpu.memory_space<hbm>>
    %dma_start3A_26 = tpu.memref_squeeze %dma_start3A_25 : memref<1x256xf32, #tpu.memory_space<hbm>> -> memref<256xf32, #tpu.memory_space<hbm>>
    %dma_start3A_27 = arith.constant 0 : i32
    %dma_start3A_28 = tpu.memref_slice %arg3[%dma_start3A_23, %dma_start3A_27] : memref<8x256xf32, #tpu.memory_space<hbm>> -> memref<1x256xf32, #tpu.memory_space<hbm>>
    %dma_start3A_29 = tpu.memref_squeeze %dma_start3A_28 : memref<1x256xf32, #tpu.memory_space<hbm>> -> memref<256xf32, #tpu.memory_space<hbm>>
    tpu.enqueue_dma source(%dma_start3A_29 : memref<256xf32, #tpu.memory_space<hbm>>) target(%arg9 : memref<256xf32, #tpu.memory_space<vmem>>) target_semaphore(%arg15 : memref<!tpu.dma_semaphore, #tpu.memory_space<semaphore_mem>>)
    %dma_start3A_30 = arith.constant 4 : i32
    %dma_start3A_31 = arith.constant 0 : i32
    %dma_start3A_32 = tpu.memref_slice %arg3[%dma_start3A_30, %dma_start3A_31] : memref<8x256xf32, #tpu.memory_space<hbm>> -> memref<1x256xf32, #tpu.memory_space<hbm>>
    %dma_start3A_33 = tpu.memref_squeeze %dma_start3A_32 : memref<1x256xf32, #tpu.memory_space<hbm>> -> memref<256xf32, #tpu.memory_space<hbm>>
    %dma_start3A_34 = arith.constant 0 : i32
    %dma_start3A_35 = tpu.memref_slice %arg3[%dma_start3A_30, %dma_start3A_34] : memref<8x256xf32, #tpu.memory_space<hbm>> -> memref<1x256xf32, #tpu.memory_space<hbm>>
    %dma_start3A_36 = tpu.memref_squeeze %dma_start3A_35 : memref<1x256xf32, #tpu.memory_space<hbm>> -> memref<256xf32, #tpu.memory_space<hbm>>
    tpu.enqueue_dma source(%dma_start3A_36 : memref<256xf32, #tpu.memory_space<hbm>>) target(%arg10 : memref<256xf32, #tpu.memory_space<vmem>>) target_semaphore(%arg15 : memref<!tpu.dma_semaphore, #tpu.memory_space<semaphore_mem>>)
    %dma_start3A_37 = arith.constant 5 : i32
    %dma_start3A_38 = arith.constant 0 : i32
    %dma_start3A_39 = tpu.memref_slice %arg3[%dma_start3A_37, %dma_start3A_38] : memref<8x256xf32, #tpu.memory_space<hbm>> -> memref<1x256xf32, #tpu.memory_space<hbm>>
    %dma_start3A_40 = tpu.memref_squeeze %dma_start3A_39 : memref<1x256xf32, #tpu.memory_space<hbm>> -> memref<256xf32, #tpu.memory_space<hbm>>
    %dma_start3A_41 = arith.constant 0 : i32
    %dma_start3A_42 = tpu.memref_slice %arg3[%dma_start3A_37, %dma_start3A_41] : memref<8x256xf32, #tpu.memory_space<hbm>> -> memref<1x256xf32, #tpu.memory_space<hbm>>
    %dma_start3A_43 = tpu.memref_squeeze %dma_start3A_42 : memref<1x256xf32, #tpu.memory_space<hbm>> -> memref<256xf32, #tpu.memory_space<hbm>>
    tpu.enqueue_dma source(%dma_start3A_43 : memref<256xf32, #tpu.memory_space<hbm>>) target(%arg11 : memref<256xf32, #tpu.memory_space<vmem>>) target_semaphore(%arg15 : memref<!tpu.dma_semaphore, #tpu.memory_space<semaphore_mem>>)
    %dma_start3A_44 = arith.constant 6 : i32
    %dma_start3A_45 = arith.constant 0 : i32
    %dma_start3A_46 = tpu.memref_slice %arg3[%dma_start3A_44, %dma_start3A_45] : memref<8x256xf32, #tpu.memory_space<hbm>> -> memref<1x256xf32, #tpu.memory_space<hbm>>
    %dma_start3A_47 = tpu.memref_squeeze %dma_start3A_46 : memref<1x256xf32, #tpu.memory_space<hbm>> -> memref<256xf32, #tpu.memory_space<hbm>>
    %dma_start3A_48 = arith.constant 0 : i32
    %dma_start3A_49 = tpu.memref_slice %arg3[%dma_start3A_44, %dma_start3A_48] : memref<8x256xf32, #tpu.memory_space<hbm>> -> memref<1x256xf32, #tpu.memory_space<hbm>>
    %dma_start3A_50 = tpu.memref_squeeze %dma_start3A_49 : memref<1x256xf32, #tpu.memory_space<hbm>> -> memref<256xf32, #tpu.memory_space<hbm>>
    tpu.enqueue_dma source(%dma_start3A_50 : memref<256xf32, #tpu.memory_space<hbm>>) target(%arg12 : memref<256xf32, #tpu.memory_space<vmem>>) target_semaphore(%arg15 : memref<!tpu.dma_semaphore, #tpu.memory_space<semaphore_mem>>)
    %dma_start3A_51 = arith.constant 7 : i32
    %dma_start3A_52 = arith.constant 0 : i32
    %dma_start3A_53 = tpu.memref_slice %arg3[%dma_start3A_51, %dma_start3A_52] : memref<8x256xf32, #tpu.memory_space<hbm>> -> memref<1x256xf32, #tpu.memory_space<hbm>>
    %dma_start3A_54 = tpu.memref_squeeze %dma_start3A_53 : memref<1x256xf32, #tpu.memory_space<hbm>> -> memref<256xf32, #tpu.memory_space<hbm>>
    %dma_start3A_55 = arith.constant 0 : i32
    %dma_start3A_56 = tpu.memref_slice %arg3[%dma_start3A_51, %dma_start3A_55] : memref<8x256xf32, #tpu.memory_space<hbm>> -> memref<1x256xf32, #tpu.memory_space<hbm>>
    %dma_start3A_57 = tpu.memref_squeeze %dma_start3A_56 : memref<1x256xf32, #tpu.memory_space<hbm>> -> memref<256xf32, #tpu.memory_space<hbm>>
    tpu.enqueue_dma source(%dma_start3A_57 : memref<256xf32, #tpu.memory_space<hbm>>) target(%arg13 : memref<256xf32, #tpu.memory_space<vmem>>) target_semaphore(%arg15 : memref<!tpu.dma_semaphore, #tpu.memory_space<semaphore_mem>>)
    %multiple_of3A = tpu.assume_multiple %mul3A_2, 128 : i32
    %dma_start3A_58 = tpu.memref_slice %arg2[%multiple_of3A] : memref<163840xi32, #tpu.memory_space<hbm>> -> memref<5120xi32, #tpu.memory_space<hbm>>
    %dma_start3A_59 = tpu.memref_slice %arg2[%multiple_of3A] : memref<163840xi32, #tpu.memory_space<hbm>> -> memref<5120xi32, #tpu.memory_space<hbm>>
    tpu.enqueue_dma source(%dma_start3A_59 : memref<5120xi32, #tpu.memory_space<hbm>>) target(%arg5 : memref<5120xi32, #tpu.memory_space<vmem>>) target_semaphore(%arg15 : memref<!tpu.dma_semaphore, #tpu.memory_space<semaphore_mem>>)
    %dma_wait3A = arith.constant 0 : i32
    %dma_wait3A_60 = arith.constant 0 : i32
    %dma_wait3A_61 = tpu.memref_slice %arg3[%dma_wait3A, %dma_wait3A_60] : memref<8x256xf32, #tpu.memory_space<hbm>> -> memref<1x256xf32, #tpu.memory_space<hbm>>
    %dma_wait3A_62 = tpu.memref_squeeze %dma_wait3A_61 : memref<1x256xf32, #tpu.memory_space<hbm>> -> memref<256xf32, #tpu.memory_space<hbm>>
    %dma_wait3A_63 = arith.constant 0 : i32
    %dma_wait3A_64 = tpu.memref_slice %arg3[%dma_wait3A, %dma_wait3A_63] : memref<8x256xf32, #tpu.memory_space<hbm>> -> memref<1x256xf32, #tpu.memory_space<hbm>>
    %dma_wait3A_65 = tpu.memref_squeeze %dma_wait3A_64 : memref<1x256xf32, #tpu.memory_space<hbm>> -> memref<256xf32, #tpu.memory_space<hbm>>
    tpu.wait_dma2 semaphore(%arg15 : memref<!tpu.dma_semaphore, #tpu.memory_space<semaphore_mem>>) src(%dma_wait3A_65 : memref<256xf32, #tpu.memory_space<hbm>>) dst(%arg6 : memref<256xf32, #tpu.memory_space<vmem>>)
    %dma_wait3A_66 = arith.constant 1 : i32
    %dma_wait3A_67 = arith.constant 0 : i32
    %dma_wait3A_68 = tpu.memref_slice %arg3[%dma_wait3A_66, %dma_wait3A_67] : memref<8x256xf32, #tpu.memory_space<hbm>> -> memref<1x256xf32, #tpu.memory_space<hbm>>
    %dma_wait3A_69 = tpu.memref_squeeze %dma_wait3A_68 : memref<1x256xf32, #tpu.memory_space<hbm>> -> memref<256xf32, #tpu.memory_space<hbm>>
    %dma_wait3A_70 = arith.constant 0 : i32
    %dma_wait3A_71 = tpu.memref_slice %arg3[%dma_wait3A_66, %dma_wait3A_70] : memref<8x256xf32, #tpu.memory_space<hbm>> -> memref<1x256xf32, #tpu.memory_space<hbm>>
    %dma_wait3A_72 = tpu.memref_squeeze %dma_wait3A_71 : memref<1x256xf32, #tpu.memory_space<hbm>> -> memref<256xf32, #tpu.memory_space<hbm>>
    tpu.wait_dma2 semaphore(%arg15 : memref<!tpu.dma_semaphore, #tpu.memory_space<semaphore_mem>>) src(%dma_wait3A_72 : memref<256xf32, #tpu.memory_space<hbm>>) dst(%arg7 : memref<256xf32, #tpu.memory_space<vmem>>)
    %dma_wait3A_73 = arith.constant 2 : i32
    %dma_wait3A_74 = arith.constant 0 : i32
    %dma_wait3A_75 = tpu.memref_slice %arg3[%dma_wait3A_73, %dma_wait3A_74] : memref<8x256xf32, #tpu.memory_space<hbm>> -> memref<1x256xf32, #tpu.memory_space<hbm>>
    %dma_wait3A_76 = tpu.memref_squeeze %dma_wait3A_75 : memref<1x256xf32, #tpu.memory_space<hbm>> -> memref<256xf32, #tpu.memory_space<hbm>>
    %dma_wait3A_77 = arith.constant 0 : i32
    %dma_wait3A_78 = tpu.memref_slice %arg3[%dma_wait3A_73, %dma_wait3A_77] : memref<8x256xf32, #tpu.memory_space<hbm>> -> memref<1x256xf32, #tpu.memory_space<hbm>>
    %dma_wait3A_79 = tpu.memref_squeeze %dma_wait3A_78 : memref<1x256xf32, #tpu.memory_space<hbm>> -> memref<256xf32, #tpu.memory_space<hbm>>
    tpu.wait_dma2 semaphore(%arg15 : memref<!tpu.dma_semaphore, #tpu.memory_space<semaphore_mem>>) src(%dma_wait3A_79 : memref<256xf32, #tpu.memory_space<hbm>>) dst(%arg8 : memref<256xf32, #tpu.memory_space<vmem>>)
    %dma_wait3A_80 = arith.constant 3 : i32
    %dma_wait3A_81 = arith.constant 0 : i32
    %dma_wait3A_82 = tpu.memref_slice %arg3[%dma_wait3A_80, %dma_wait3A_81] : memref<8x256xf32, #tpu.memory_space<hbm>> -> memref<1x256xf32, #tpu.memory_space<hbm>>
    %dma_wait3A_83 = tpu.memref_squeeze %dma_wait3A_82 : memref<1x256xf32, #tpu.memory_space<hbm>> -> memref<256xf32, #tpu.memory_space<hbm>>
    %dma_wait3A_84 = arith.constant 0 : i32
    %dma_wait3A_85 = tpu.memref_slice %arg3[%dma_wait3A_80, %dma_wait3A_84] : memref<8x256xf32, #tpu.memory_space<hbm>> -> memref<1x256xf32, #tpu.memory_space<hbm>>
    %dma_wait3A_86 = tpu.memref_squeeze %dma_wait3A_85 : memref<1x256xf32, #tpu.memory_space<hbm>> -> memref<256xf32, #tpu.memory_space<hbm>>
    tpu.wait_dma2 semaphore(%arg15 : memref<!tpu.dma_semaphore, #tpu.memory_space<semaphore_mem>>) src(%dma_wait3A_86 : memref<256xf32, #tpu.memory_space<hbm>>) dst(%arg9 : memref<256xf32, #tpu.memory_space<vmem>>)
    %dma_wait3A_87 = arith.constant 4 : i32
    %dma_wait3A_88 = arith.constant 0 : i32
    %dma_wait3A_89 = tpu.memref_slice %arg3[%dma_wait3A_87, %dma_wait3A_88] : memref<8x256xf32, #tpu.memory_space<hbm>> -> memref<1x256xf32, #tpu.memory_space<hbm>>
    %dma_wait3A_90 = tpu.memref_squeeze %dma_wait3A_89 : memref<1x256xf32, #tpu.memory_space<hbm>> -> memref<256xf32, #tpu.memory_space<hbm>>
    %dma_wait3A_91 = arith.constant 0 : i32
    %dma_wait3A_92 = tpu.memref_slice %arg3[%dma_wait3A_87, %dma_wait3A_91] : memref<8x256xf32, #tpu.memory_space<hbm>> -> memref<1x256xf32, #tpu.memory_space<hbm>>
    %dma_wait3A_93 = tpu.memref_squeeze %dma_wait3A_92 : memref<1x256xf32, #tpu.memory_space<hbm>> -> memref<256xf32, #tpu.memory_space<hbm>>
    tpu.wait_dma2 semaphore(%arg15 : memref<!tpu.dma_semaphore, #tpu.memory_space<semaphore_mem>>) src(%dma_wait3A_93 : memref<256xf32, #tpu.memory_space<hbm>>) dst(%arg10 : memref<256xf32, #tpu.memory_space<vmem>>)
    %dma_wait3A_94 = arith.constant 5 : i32
    %dma_wait3A_95 = arith.constant 0 : i32
    %dma_wait3A_96 = tpu.memref_slice %arg3[%dma_wait3A_94, %dma_wait3A_95] : memref<8x256xf32, #tpu.memory_space<hbm>> -> memref<1x256xf32, #tpu.memory_space<hbm>>
    %dma_wait3A_97 = tpu.memref_squeeze %dma_wait3A_96 : memref<1x256xf32, #tpu.memory_space<hbm>> -> memref<256xf32, #tpu.memory_space<hbm>>
    %dma_wait3A_98 = arith.constant 0 : i32
    %dma_wait3A_99 = tpu.memref_slice %arg3[%dma_wait3A_94, %dma_wait3A_98] : memref<8x256xf32, #tpu.memory_space<hbm>> -> memref<1x256xf32, #tpu.memory_space<hbm>>
    %dma_wait3A_100 = tpu.memref_squeeze %dma_wait3A_99 : memref<1x256xf32, #tpu.memory_space<hbm>> -> memref<256xf32, #tpu.memory_space<hbm>>
    tpu.wait_dma2 semaphore(%arg15 : memref<!tpu.dma_semaphore, #tpu.memory_space<semaphore_mem>>) src(%dma_wait3A_100 : memref<256xf32, #tpu.memory_space<hbm>>) dst(%arg11 : memref<256xf32, #tpu.memory_space<vmem>>)
    %dma_wait3A_101 = arith.constant 6 : i32
    %dma_wait3A_102 = arith.constant 0 : i32
    %dma_wait3A_103 = tpu.memref_slice %arg3[%dma_wait3A_101, %dma_wait3A_102] : memref<8x256xf32, #tpu.memory_space<hbm>> -> memref<1x256xf32, #tpu.memory_space<hbm>>
    %dma_wait3A_104 = tpu.memref_squeeze %dma_wait3A_103 : memref<1x256xf32, #tpu.memory_space<hbm>> -> memref<256xf32, #tpu.memory_space<hbm>>
    %dma_wait3A_105 = arith.constant 0 : i32
    %dma_wait3A_106 = tpu.memref_slice %arg3[%dma_wait3A_101, %dma_wait3A_105] : memref<8x256xf32, #tpu.memory_space<hbm>> -> memref<1x256xf32, #tpu.memory_space<hbm>>
    %dma_wait3A_107 = tpu.memref_squeeze %dma_wait3A_106 : memref<1x256xf32, #tpu.memory_space<hbm>> -> memref<256xf32, #tpu.memory_space<hbm>>
    tpu.wait_dma2 semaphore(%arg15 : memref<!tpu.dma_semaphore, #tpu.memory_space<semaphore_mem>>) src(%dma_wait3A_107 : memref<256xf32, #tpu.memory_space<hbm>>) dst(%arg12 : memref<256xf32, #tpu.memory_space<vmem>>)
    %dma_wait3A_108 = arith.constant 7 : i32
    %dma_wait3A_109 = arith.constant 0 : i32
    %dma_wait3A_110 = tpu.memref_slice %arg3[%dma_wait3A_108, %dma_wait3A_109] : memref<8x256xf32, #tpu.memory_space<hbm>> -> memref<1x256xf32, #tpu.memory_space<hbm>>
    %dma_wait3A_111 = tpu.memref_squeeze %dma_wait3A_110 : memref<1x256xf32, #tpu.memory_space<hbm>> -> memref<256xf32, #tpu.memory_space<hbm>>
    %dma_wait3A_112 = arith.constant 0 : i32
    %dma_wait3A_113 = tpu.memref_slice %arg3[%dma_wait3A_108, %dma_wait3A_112] : memref<8x256xf32, #tpu.memory_space<hbm>> -> memref<1x256xf32, #tpu.memory_space<hbm>>
    %dma_wait3A_114 = tpu.memref_squeeze %dma_wait3A_113 : memref<1x256xf32, #tpu.memory_space<hbm>> -> memref<256xf32, #tpu.memory_space<hbm>>
    tpu.wait_dma2 semaphore(%arg15 : memref<!tpu.dma_semaphore, #tpu.memory_space<semaphore_mem>>) src(%dma_wait3A_114 : memref<256xf32, #tpu.memory_space<hbm>>) dst(%arg13 : memref<256xf32, #tpu.memory_space<vmem>>)
    %dma_wait3A_115 = tpu.memref_slice %arg2[%multiple_of3A] : memref<163840xi32, #tpu.memory_space<hbm>> -> memref<5120xi32, #tpu.memory_space<hbm>>
    %dma_wait3A_116 = tpu.memref_slice %arg2[%multiple_of3A] : memref<163840xi32, #tpu.memory_space<hbm>> -> memref<5120xi32, #tpu.memory_space<hbm>>
    tpu.wait_dma2 semaphore(%arg15 : memref<!tpu.dma_semaphore, #tpu.memory_space<semaphore_mem>>) src(%dma_wait3A_116 : memref<5120xi32, #tpu.memory_space<hbm>>) dst(%arg5 : memref<5120xi32, #tpu.memory_space<vmem>>)
    %scan3A = arith.constant 0 : i32
    %scan3A_117 = arith.constant 0 : i32
    %scan3A_118 = arith.constant 5 : i32
    %scan3A_119 = arith.addi %scan3A_117, %scan3A_118 : i32
    %scan3A_120 = arith.constant 1 : i32
    scf.for %scan3A_122 = %scan3A_117 to %scan3A_119 step %scan3A_120  : i32 {
      %scan3A_123 = arith.constant 0 : i32
      %scan3A_124 = arith.constant 0 : i32
      %scan3A_125 = arith.constant 64 : i32
      %scan3A_126 = arith.addi %scan3A_124, %scan3A_125 : i32
      %scan3A_127 = arith.constant 8 : i32
      scf.for %scan3A_133 = %scan3A_124 to %scan3A_126 step %scan3A_127  : i32 {
        %mul3A_134 = arith.constant 1024 : i32
        %mul3A_135 = arith.muli %scan3A_122, %mul3A_134 : i32
        %mul3A_136 = arith.constant 16 : i32
        %mul3A_137 = arith.muli %scan3A_133, %mul3A_136 : i32
        %add3A_138 = arith.addi %mul3A_135, %mul3A_137 : i32
        %multiple_of3A_139 = tpu.assume_multiple %add3A_138, 8 : i32
        %get3A = arith.index_cast %multiple_of3A_139 : i32 to index
        %get3A_140 = tpu.vector_load %arg5[%get3A] {strides = array<i32>} : memref<5120xi32, #tpu.memory_space<vmem>>, vector<16xi32>,
        %mul3A_141 = arith.constant 16 : i32
        %mul3A_142 = arith.muli %scan3A_133, %mul3A_141 : i32
        %multiple_of3A_143 = tpu.assume_multiple %mul3A_142, 8 : i32
        %gather3A = tpu.vector_load_idx %arg6[%get3A_140] : memref<256xf32, #tpu.memory_space<vmem>>[vector<16xi32>], vector<16xf32>,
        %swap3A = arith.constant 0 : i32
        %swap3A_144 = arith.index_cast %swap3A : i32 to index
        %swap3A_145 = arith.index_cast %multiple_of3A_143 : i32 to index
        %swap3A_146 = tpu.vector_load %arg14[%swap3A_144, %swap3A_145] {strides = array<i32>} : memref<8x1024xf32, #tpu.memory_space<vmem>>, vector<16xf32>,
        tpu.vector_store %arg14[%swap3A_144, %swap3A_145], %gather3A {strides = array<i32>} : memref<8x1024xf32, #tpu.memory_space<vmem>>, vector<16xf32>,
        %gather3A_147 = tpu.vector_load_idx %arg7[%get3A_140] : memref<256xf32, #tpu.memory_space<vmem>>[vector<16xi32>], vector<16xf32>,
        %swap3A_148 = arith.constant 1 : i32
        %swap3A_149 = arith.index_cast %swap3A_148 : i32 to index
        %swap3A_150 = arith.index_cast %multiple_of3A_143 : i32 to index
        %swap3A_151 = tpu.vector_load %arg14[%swap3A_149, %swap3A_150] {strides = array<i32>} : memref<8x1024xf32, #tpu.memory_space<vmem>>, vector<16xf32>,
        tpu.vector_store %arg14[%swap3A_149, %swap3A_150], %gather3A_147 {strides = array<i32>} : memref<8x1024xf32, #tpu.memory_space<vmem>>, vector<16xf32>,
        %gather3A_152 = tpu.vector_load_idx %arg8[%get3A_140] : memref<256xf32, #tpu.memory_space<vmem>>[vector<16xi32>], vector<16xf32>,
        %swap3A_153 = arith.constant 2 : i32
        %swap3A_154 = arith.index_cast %swap3A_153 : i32 to index
        %swap3A_155 = arith.index_cast %multiple_of3A_143 : i32 to index
        %swap3A_156 = tpu.vector_load %arg14[%swap3A_154, %swap3A_155] {strides = array<i32>} : memref<8x1024xf32, #tpu.memory_space<vmem>>, vector<16xf32>,
        tpu.vector_store %arg14[%swap3A_154, %swap3A_155], %gather3A_152 {strides = array<i32>} : memref<8x1024xf32, #tpu.memory_space<vmem>>, vector<16xf32>,
        %gather3A_157 = tpu.vector_load_idx %arg9[%get3A_140] : memref<256xf32, #tpu.memory_space<vmem>>[vector<16xi32>], vector<16xf32>,
        %swap3A_158 = arith.constant 3 : i32
        %swap3A_159 = arith.index_cast %swap3A_158 : i32 to index
        %swap3A_160 = arith.index_cast %multiple_of3A_143 : i32 to index
        %swap3A_161 = tpu.vector_load %arg14[%swap3A_159, %swap3A_160] {strides = array<i32>} : memref<8x1024xf32, #tpu.memory_space<vmem>>, vector<16xf32>,
        tpu.vector_store %arg14[%swap3A_159, %swap3A_160], %gather3A_157 {strides = array<i32>} : memref<8x1024xf32, #tpu.memory_space<vmem>>, vector<16xf32>,
        %gather3A_162 = tpu.vector_load_idx %arg10[%get3A_140] : memref<256xf32, #tpu.memory_space<vmem>>[vector<16xi32>], vector<16xf32>,
        %swap3A_163 = arith.constant 4 : i32
        %swap3A_164 = arith.index_cast %swap3A_163 : i32 to index
        %swap3A_165 = arith.index_cast %multiple_of3A_143 : i32 to index
        %swap3A_166 = tpu.vector_load %arg14[%swap3A_164, %swap3A_165] {strides = array<i32>} : memref<8x1024xf32, #tpu.memory_space<vmem>>, vector<16xf32>,
        tpu.vector_store %arg14[%swap3A_164, %swap3A_165], %gather3A_162 {strides = array<i32>} : memref<8x1024xf32, #tpu.memory_space<vmem>>, vector<16xf32>,
        %gather3A_167 = tpu.vector_load_idx %arg11[%get3A_140] : memref<256xf32, #tpu.memory_space<vmem>>[vector<16xi32>], vector<16xf32>,
        %swap3A_168 = arith.constant 5 : i32
        %swap3A_169 = arith.index_cast %swap3A_168 : i32 to index
        %swap3A_170 = arith.index_cast %multiple_of3A_143 : i32 to index
        %swap3A_171 = tpu.vector_load %arg14[%swap3A_169, %swap3A_170] {strides = array<i32>} : memref<8x1024xf32, #tpu.memory_space<vmem>>, vector<16xf32>,
        tpu.vector_store %arg14[%swap3A_169, %swap3A_170], %gather3A_167 {strides = array<i32>} : memref<8x1024xf32, #tpu.memory_space<vmem>>, vector<16xf32>,
        %gather3A_172 = tpu.vector_load_idx %arg12[%get3A_140] : memref<256xf32, #tpu.memory_space<vmem>>[vector<16xi32>], vector<16xf32>,
        %swap3A_173 = arith.constant 6 : i32
        %swap3A_174 = arith.index_cast %swap3A_173 : i32 to index
        %swap3A_175 = arith.index_cast %multiple_of3A_143 : i32 to index
        %swap3A_176 = tpu.vector_load %arg14[%swap3A_174, %swap3A_175] {strides = array<i32>} : memref<8x1024xf32, #tpu.memory_space<vmem>>, vector<16xf32>,
        tpu.vector_store %arg14[%swap3A_174, %swap3A_175], %gather3A_172 {strides = array<i32>} : memref<8x1024xf32, #tpu.memory_space<vmem>>, vector<16xf32>,
        %gather3A_177 = tpu.vector_load_idx %arg13[%get3A_140] : memref<256xf32, #tpu.memory_space<vmem>>[vector<16xi32>], vector<16xf32>,
        %swap3A_178 = arith.constant 7 : i32
        %swap3A_179 = arith.index_cast %swap3A_178 : i32 to index
        %swap3A_180 = arith.index_cast %multiple_of3A_143 : i32 to index
        %swap3A_181 = tpu.vector_load %arg14[%swap3A_179, %swap3A_180] {strides = array<i32>} : memref<8x1024xf32, #tpu.memory_space<vmem>>, vector<16xf32>,
        tpu.vector_store %arg14[%swap3A_179, %swap3A_180], %gather3A_177 {strides = array<i32>} : memref<8x1024xf32, #tpu.memory_space<vmem>>, vector<16xf32>,
        %scan3A_182 = arith.constant 1 : i32
        %scan3A_183 = arith.addi %scan3A_133, %scan3A_182 : i32
        %mul3A_184 = arith.constant 1024 : i32
        %mul3A_185 = arith.muli %scan3A_122, %mul3A_184 : i32
        %mul3A_186 = arith.constant 16 : i32
        %mul3A_187 = arith.muli %scan3A_183, %mul3A_186 : i32
        %add3A_188 = arith.addi %mul3A_185, %mul3A_187 : i32
        %multiple_of3A_189 = tpu.assume_multiple %add3A_188, 8 : i32
        %get3A_190 = arith.index_cast %multiple_of3A_189 : i32 to index
        %get3A_191 = tpu.vector_load %arg5[%get3A_190] {strides = array<i32>} : memref<5120xi32, #tpu.memory_space<vmem>>, vector<16xi32>,
        %mul3A_192 = arith.constant 16 : i32
        %mul3A_193 = arith.muli %scan3A_183, %mul3A_192 : i32
        %multiple_of3A_194 = tpu.assume_multiple %mul3A_193, 8 : i32
        %gather3A_195 = tpu.vector_load_idx %arg6[%get3A_191] : memref<256xf32, #tpu.memory_space<vmem>>[vector<16xi32>], vector<16xf32>,
        %swap3A_196 = arith.constant 0 : i32
        %swap3A_197 = arith.index_cast %swap3A_196 : i32 to index
        %swap3A_198 = arith.index_cast %multiple_of3A_194 : i32 to index
        %swap3A_199 = tpu.vector_load %arg14[%swap3A_197, %swap3A_198] {strides = array<i32>} : memref<8x1024xf32, #tpu.memory_space<vmem>>, vector<16xf32>,
        tpu.vector_store %arg14[%swap3A_197, %swap3A_198], %gather3A_195 {strides = array<i32>} : memref<8x1024xf32, #tpu.memory_space<vmem>>, vector<16xf32>,
        %gather3A_200 = tpu.vector_load_idx %arg7[%get3A_191] : memref<256xf32, #tpu.memory_space<vmem>>[vector<16xi32>], vector<16xf32>,
        %swap3A_201 = arith.constant 1 : i32
        %swap3A_202 = arith.index_cast %swap3A_201 : i32 to index
        %swap3A_203 = arith.index_cast %multiple_of3A_194 : i32 to index
        %swap3A_204 = tpu.vector_load %arg14[%swap3A_202, %swap3A_203] {strides = array<i32>} : memref<8x1024xf32, #tpu.memory_space<vmem>>, vector<16xf32>,
        tpu.vector_store %arg14[%swap3A_202, %swap3A_203], %gather3A_200 {strides = array<i32>} : memref<8x1024xf32, #tpu.memory_space<vmem>>, vector<16xf32>,
        %gather3A_205 = tpu.vector_load_idx %arg8[%get3A_191] : memref<256xf32, #tpu.memory_space<vmem>>[vector<16xi32>], vector<16xf32>,
        %swap3A_206 = arith.constant 2 : i32
        %swap3A_207 = arith.index_cast %swap3A_206 : i32 to index
        %swap3A_208 = arith.index_cast %multiple_of3A_194 : i32 to index
        %swap3A_209 = tpu.vector_load %arg14[%swap3A_207, %swap3A_208] {strides = array<i32>} : memref<8x1024xf32, #tpu.memory_space<vmem>>, vector<16xf32>,
        tpu.vector_store %arg14[%swap3A_207, %swap3A_208], %gather3A_205 {strides = array<i32>} : memref<8x1024xf32, #tpu.memory_space<vmem>>, vector<16xf32>,
        %gather3A_210 = tpu.vector_load_idx %arg9[%get3A_191] : memref<256xf32, #tpu.memory_space<vmem>>[vector<16xi32>], vector<16xf32>,
        %swap3A_211 = arith.constant 3 : i32
        %swap3A_212 = arith.index_cast %swap3A_211 : i32 to index
        %swap3A_213 = arith.index_cast %multiple_of3A_194 : i32 to index
        %swap3A_214 = tpu.vector_load %arg14[%swap3A_212, %swap3A_213] {strides = array<i32>} : memref<8x1024xf32, #tpu.memory_space<vmem>>, vector<16xf32>,
        tpu.vector_store %arg14[%swap3A_212, %swap3A_213], %gather3A_210 {strides = array<i32>} : memref<8x1024xf32, #tpu.memory_space<vmem>>, vector<16xf32>,
        %gather3A_215 = tpu.vector_load_idx %arg10[%get3A_191] : memref<256xf32, #tpu.memory_space<vmem>>[vector<16xi32>], vector<16xf32>,
        %swap3A_216 = arith.constant 4 : i32
        %swap3A_217 = arith.index_cast %swap3A_216 : i32 to index
        %swap3A_218 = arith.index_cast %multiple_of3A_194 : i32 to index
        %swap3A_219 = tpu.vector_load %arg14[%swap3A_217, %swap3A_218] {strides = array<i32>} : memref<8x1024xf32, #tpu.memory_space<vmem>>, vector<16xf32>,
        tpu.vector_store %arg14[%swap3A_217, %swap3A_218], %gather3A_215 {strides = array<i32>} : memref<8x1024xf32, #tpu.memory_space<vmem>>, vector<16xf32>,
        %gather3A_220 = tpu.vector_load_idx %arg11[%get3A_191] : memref<256xf32, #tpu.memory_space<vmem>>[vector<16xi32>], vector<16xf32>,
        %swap3A_221 = arith.constant 5 : i32
        %swap3A_222 = arith.index_cast %swap3A_221 : i32 to index
        %swap3A_223 = arith.index_cast %multiple_of3A_194 : i32 to index
        %swap3A_224 = tpu.vector_load %arg14[%swap3A_222, %swap3A_223] {strides = array<i32>} : memref<8x1024xf32, #tpu.memory_space<vmem>>, vector<16xf32>,
        tpu.vector_store %arg14[%swap3A_222, %swap3A_223], %gather3A_220 {strides = array<i32>} : memref<8x1024xf32, #tpu.memory_space<vmem>>, vector<16xf32>,
        %gather3A_225 = tpu.vector_load_idx %arg12[%get3A_191] : memref<256xf32, #tpu.memory_space<vmem>>[vector<16xi32>], vector<16xf32>,
        %swap3A_226 = arith.constant 6 : i32
        %swap3A_227 = arith.index_cast %swap3A_226 : i32 to index
        %swap3A_228 = arith.index_cast %multiple_of3A_194 : i32 to index
        %swap3A_229 = tpu.vector_load %arg14[%swap3A_227, %swap3A_228] {strides = array<i32>} : memref<8x1024xf32, #tpu.memory_space<vmem>>, vector<16xf32>,
        tpu.vector_store %arg14[%swap3A_227, %swap3A_228], %gather3A_225 {strides = array<i32>} : memref<8x1024xf32, #tpu.memory_space<vmem>>, vector<16xf32>,
        %gather3A_230 = tpu.vector_load_idx %arg13[%get3A_191] : memref<256xf32, #tpu.memory_space<vmem>>[vector<16xi32>], vector<16xf32>,
        %swap3A_231 = arith.constant 7 : i32
        %swap3A_232 = arith.index_cast %swap3A_231 : i32 to index
        %swap3A_233 = arith.index_cast %multiple_of3A_194 : i32 to index
        %swap3A_234 = tpu.vector_load %arg14[%swap3A_232, %swap3A_233] {strides = array<i32>} : memref<8x1024xf32, #tpu.memory_space<vmem>>, vector<16xf32>,
        tpu.vector_store %arg14[%swap3A_232, %swap3A_233], %gather3A_230 {strides = array<i32>} : memref<8x1024xf32, #tpu.memory_space<vmem>>, vector<16xf32>,
        %scan3A_235 = arith.constant 2 : i32
        %scan3A_236 = arith.addi %scan3A_133, %scan3A_235 : i32
        %mul3A_237 = arith.constant 1024 : i32
        %mul3A_238 = arith.muli %scan3A_122, %mul3A_237 : i32
        %mul3A_239 = arith.constant 16 : i32
        %mul3A_240 = arith.muli %scan3A_236, %mul3A_239 : i32
        %add3A_241 = arith.addi %mul3A_238, %mul3A_240 : i32
        %multiple_of3A_242 = tpu.assume_multiple %add3A_241, 8 : i32
        %get3A_243 = arith.index_cast %multiple_of3A_242 : i32 to index
        %get3A_244 = tpu.vector_load %arg5[%get3A_243] {strides = array<i32>} : memref<5120xi32, #tpu.memory_space<vmem>>, vector<16xi32>,
        %mul3A_245 = arith.constant 16 : i32
        %mul3A_246 = arith.muli %scan3A_236, %mul3A_245 : i32
        %multiple_of3A_247 = tpu.assume_multiple %mul3A_246, 8 : i32
        %gather3A_248 = tpu.vector_load_idx %arg6[%get3A_244] : memref<256xf32, #tpu.memory_space<vmem>>[vector<16xi32>], vector<16xf32>,
        %swap3A_249 = arith.constant 0 : i32
        %swap3A_250 = arith.index_cast %swap3A_249 : i32 to index
        %swap3A_251 = arith.index_cast %multiple_of3A_247 : i32 to index
        %swap3A_252 = tpu.vector_load %arg14[%swap3A_250, %swap3A_251] {strides = array<i32>} : memref<8x1024xf32, #tpu.memory_space<vmem>>, vector<16xf32>,
        tpu.vector_store %arg14[%swap3A_250, %swap3A_251], %gather3A_248 {strides = array<i32>} : memref<8x1024xf32, #tpu.memory_space<vmem>>, vector<16xf32>,
        %gather3A_253 = tpu.vector_load_idx %arg7[%get3A_244] : memref<256xf32, #tpu.memory_space<vmem>>[vector<16xi32>], vector<16xf32>,
        %swap3A_254 = arith.constant 1 : i32
        %swap3A_255 = arith.index_cast %swap3A_254 : i32 to index
        %swap3A_256 = arith.index_cast %multiple_of3A_247 : i32 to index
        %swap3A_257 = tpu.vector_load %arg14[%swap3A_255, %swap3A_256] {strides = array<i32>} : memref<8x1024xf32, #tpu.memory_space<vmem>>, vector<16xf32>,
        tpu.vector_store %arg14[%swap3A_255, %swap3A_256], %gather3A_253 {strides = array<i32>} : memref<8x1024xf32, #tpu.memory_space<vmem>>, vector<16xf32>,
        %gather3A_258 = tpu.vector_load_idx %arg8[%get3A_244] : memref<256xf32, #tpu.memory_space<vmem>>[vector<16xi32>], vector<16xf32>,
        %swap3A_259 = arith.constant 2 : i32
        %swap3A_260 = arith.index_cast %swap3A_259 : i32 to index
        %swap3A_261 = arith.index_cast %multiple_of3A_247 : i32 to index
        %swap3A_262 = tpu.vector_load %arg14[%swap3A_260, %swap3A_261] {strides = array<i32>} : memref<8x1024xf32, #tpu.memory_space<vmem>>, vector<16xf32>,
        tpu.vector_store %arg14[%swap3A_260, %swap3A_261], %gather3A_258 {strides = array<i32>} : memref<8x1024xf32, #tpu.memory_space<vmem>>, vector<16xf32>,
        %gather3A_263 = tpu.vector_load_idx %arg9[%get3A_244] : memref<256xf32, #tpu.memory_space<vmem>>[vector<16xi32>], vector<16xf32>,
        %swap3A_264 = arith.constant 3 : i32
        %swap3A_265 = arith.index_cast %swap3A_264 : i32 to index
        %swap3A_266 = arith.index_cast %multiple_of3A_247 : i32 to index
        %swap3A_267 = tpu.vector_load %arg14[%swap3A_265, %swap3A_266] {strides = array<i32>} : memref<8x1024xf32, #tpu.memory_space<vmem>>, vector<16xf32>,
        tpu.vector_store %arg14[%swap3A_265, %swap3A_266], %gather3A_263 {strides = array<i32>} : memref<8x1024xf32, #tpu.memory_space<vmem>>, vector<16xf32>,
        %gather3A_268 = tpu.vector_load_idx %arg10[%get3A_244] : memref<256xf32, #tpu.memory_space<vmem>>[vector<16xi32>], vector<16xf32>,
        %swap3A_269 = arith.constant 4 : i32
        %swap3A_270 = arith.index_cast %swap3A_269 : i32 to index
        %swap3A_271 = arith.index_cast %multiple_of3A_247 : i32 to index
        %swap3A_272 = tpu.vector_load %arg14[%swap3A_270, %swap3A_271] {strides = array<i32>} : memref<8x1024xf32, #tpu.memory_space<vmem>>, vector<16xf32>,
        tpu.vector_store %arg14[%swap3A_270, %swap3A_271], %gather3A_268 {strides = array<i32>} : memref<8x1024xf32, #tpu.memory_space<vmem>>, vector<16xf32>,
        %gather3A_273 = tpu.vector_load_idx %arg11[%get3A_244] : memref<256xf32, #tpu.memory_space<vmem>>[vector<16xi32>], vector<16xf32>,
        %swap3A_274 = arith.constant 5 : i32
        %swap3A_275 = arith.index_cast %swap3A_274 : i32 to index
        %swap3A_276 = arith.index_cast %multiple_of3A_247 : i32 to index
        %swap3A_277 = tpu.vector_load %arg14[%swap3A_275, %swap3A_276] {strides = array<i32>} : memref<8x1024xf32, #tpu.memory_space<vmem>>, vector<16xf32>,
        tpu.vector_store %arg14[%swap3A_275, %swap3A_276], %gather3A_273 {strides = array<i32>} : memref<8x1024xf32, #tpu.memory_space<vmem>>, vector<16xf32>,
        %gather3A_278 = tpu.vector_load_idx %arg12[%get3A_244] : memref<256xf32, #tpu.memory_space<vmem>>[vector<16xi32>], vector<16xf32>,
        %swap3A_279 = arith.constant 6 : i32
        %swap3A_280 = arith.index_cast %swap3A_279 : i32 to index
        %swap3A_281 = arith.index_cast %multiple_of3A_247 : i32 to index
        %swap3A_282 = tpu.vector_load %arg14[%swap3A_280, %swap3A_281] {strides = array<i32>} : memref<8x1024xf32, #tpu.memory_space<vmem>>, vector<16xf32>,
        tpu.vector_store %arg14[%swap3A_280, %swap3A_281], %gather3A_278 {strides = array<i32>} : memref<8x1024xf32, #tpu.memory_space<vmem>>, vector<16xf32>,
        %gather3A_283 = tpu.vector_load_idx %arg13[%get3A_244] : memref<256xf32, #tpu.memory_space<vmem>>[vector<16xi32>], vector<16xf32>,
        %swap3A_284 = arith.constant 7 : i32
        %swap3A_285 = arith.index_cast %swap3A_284 : i32 to index
        %swap3A_286 = arith.index_cast %multiple_of3A_247 : i32 to index
        %swap3A_287 = tpu.vector_load %arg14[%swap3A_285, %swap3A_286] {strides = array<i32>} : memref<8x1024xf32, #tpu.memory_space<vmem>>, vector<16xf32>,
        tpu.vector_store %arg14[%swap3A_285, %swap3A_286], %gather3A_283 {strides = array<i32>} : memref<8x1024xf32, #tpu.memory_space<vmem>>, vector<16xf32>,
        %scan3A_288 = arith.constant 3 : i32
        %scan3A_289 = arith.addi %scan3A_133, %scan3A_288 : i32
        %mul3A_290 = arith.constant 1024 : i32
        %mul3A_291 = arith.muli %scan3A_122, %mul3A_290 : i32
        %mul3A_292 = arith.constant 16 : i32
        %mul3A_293 = arith.muli %scan3A_289, %mul3A_292 : i32
        %add3A_294 = arith.addi %mul3A_291, %mul3A_293 : i32
        %multiple_of3A_295 = tpu.assume_multiple %add3A_294, 8 : i32
        %get3A_296 = arith.index_cast %multiple_of3A_295 : i32 to index
        %get3A_297 = tpu.vector_load %arg5[%get3A_296] {strides = array<i32>} : memref<5120xi32, #tpu.memory_space<vmem>>, vector<16xi32>,
        %mul3A_298 = arith.constant 16 : i32
        %mul3A_299 = arith.muli %scan3A_289, %mul3A_298 : i32
        %multiple_of3A_300 = tpu.assume_multiple %mul3A_299, 8 : i32
        %gather3A_301 = tpu.vector_load_idx %arg6[%get3A_297] : memref<256xf32, #tpu.memory_space<vmem>>[vector<16xi32>], vector<16xf32>,
        %swap3A_302 = arith.constant 0 : i32
        %swap3A_303 = arith.index_cast %swap3A_302 : i32 to index
        %swap3A_304 = arith.index_cast %multiple_of3A_300 : i32 to index
        %swap3A_305 = tpu.vector_load %arg14[%swap3A_303, %swap3A_304] {strides = array<i32>} : memref<8x1024xf32, #tpu.memory_space<vmem>>, vector<16xf32>,
        tpu.vector_store %arg14[%swap3A_303, %swap3A_304], %gather3A_301 {strides = array<i32>} : memref<8x1024xf32, #tpu.memory_space<vmem>>, vector<16xf32>,
        %gather3A_306 = tpu.vector_load_idx %arg7[%get3A_297] : memref<256xf32, #tpu.memory_space<vmem>>[vector<16xi32>], vector<16xf32>,
        %swap3A_307 = arith.constant 1 : i32
        %swap3A_308 = arith.index_cast %swap3A_307 : i32 to index
        %swap3A_309 = arith.index_cast %multiple_of3A_300 : i32 to index
        %swap3A_310 = tpu.vector_load %arg14[%swap3A_308, %swap3A_309] {strides = array<i32>} : memref<8x1024xf32, #tpu.memory_space<vmem>>, vector<16xf32>,
        tpu.vector_store %arg14[%swap3A_308, %swap3A_309], %gather3A_306 {strides = array<i32>} : memref<8x1024xf32, #tpu.memory_space<vmem>>, vector<16xf32>,
        %gather3A_311 = tpu.vector_load_idx %arg8[%get3A_297] : memref<256xf32, #tpu.memory_space<vmem>>[vector<16xi32>], vector<16xf32>,
        %swap3A_312 = arith.constant 2 : i32
        %swap3A_313 = arith.index_cast %swap3A_312 : i32 to index
        %swap3A_314 = arith.index_cast %multiple_of3A_300 : i32 to index
        %swap3A_315 = tpu.vector_load %arg14[%swap3A_313, %swap3A_314] {strides = array<i32>} : memref<8x1024xf32, #tpu.memory_space<vmem>>, vector<16xf32>,
        tpu.vector_store %arg14[%swap3A_313, %swap3A_314], %gather3A_311 {strides = array<i32>} : memref<8x1024xf32, #tpu.memory_space<vmem>>, vector<16xf32>,
        %gather3A_316 = tpu.vector_load_idx %arg9[%get3A_297] : memref<256xf32, #tpu.memory_space<vmem>>[vector<16xi32>], vector<16xf32>,
        %swap3A_317 = arith.constant 3 : i32
        %swap3A_318 = arith.index_cast %swap3A_317 : i32 to index
        %swap3A_319 = arith.index_cast %multiple_of3A_300 : i32 to index
        %swap3A_320 = tpu.vector_load %arg14[%swap3A_318, %swap3A_319] {strides = array<i32>} : memref<8x1024xf32, #tpu.memory_space<vmem>>, vector<16xf32>,
        tpu.vector_store %arg14[%swap3A_318, %swap3A_319], %gather3A_316 {strides = array<i32>} : memref<8x1024xf32, #tpu.memory_space<vmem>>, vector<16xf32>,
        %gather3A_321 = tpu.vector_load_idx %arg10[%get3A_297] : memref<256xf32, #tpu.memory_space<vmem>>[vector<16xi32>], vector<16xf32>,
        %swap3A_322 = arith.constant 4 : i32
        %swap3A_323 = arith.index_cast %swap3A_322 : i32 to index
        %swap3A_324 = arith.index_cast %multiple_of3A_300 : i32 to index
        %swap3A_325 = tpu.vector_load %arg14[%swap3A_323, %swap3A_324] {strides = array<i32>} : memref<8x1024xf32, #tpu.memory_space<vmem>>, vector<16xf32>,
        tpu.vector_store %arg14[%swap3A_323, %swap3A_324], %gather3A_321 {strides = array<i32>} : memref<8x1024xf32, #tpu.memory_space<vmem>>, vector<16xf32>,
        %gather3A_326 = tpu.vector_load_idx %arg11[%get3A_297] : memref<256xf32, #tpu.memory_space<vmem>>[vector<16xi32>], vector<16xf32>,
        %swap3A_327 = arith.constant 5 : i32
        %swap3A_328 = arith.index_cast %swap3A_327 : i32 to index
        %swap3A_329 = arith.index_cast %multiple_of3A_300 : i32 to index
        %swap3A_330 = tpu.vector_load %arg14[%swap3A_328, %swap3A_329] {strides = array<i32>} : memref<8x1024xf32, #tpu.memory_space<vmem>>, vector<16xf32>,
        tpu.vector_store %arg14[%swap3A_328, %swap3A_329], %gather3A_326 {strides = array<i32>} : memref<8x1024xf32, #tpu.memory_space<vmem>>, vector<16xf32>,
        %gather3A_331 = tpu.vector_load_idx %arg12[%get3A_297] : memref<256xf32, #tpu.memory_space<vmem>>[vector<16xi32>], vector<16xf32>,
        %swap3A_332 = arith.constant 6 : i32
        %swap3A_333 = arith.index_cast %swap3A_332 : i32 to index
        %swap3A_334 = arith.index_cast %multiple_of3A_300 : i32 to index
        %swap3A_335 = tpu.vector_load %arg14[%swap3A_333, %swap3A_334] {strides = array<i32>} : memref<8x1024xf32, #tpu.memory_space<vmem>>, vector<16xf32>,
        tpu.vector_store %arg14[%swap3A_333, %swap3A_334], %gather3A_331 {strides = array<i32>} : memref<8x1024xf32, #tpu.memory_space<vmem>>, vector<16xf32>,
        %gather3A_336 = tpu.vector_load_idx %arg13[%get3A_297] : memref<256xf32, #tpu.memory_space<vmem>>[vector<16xi32>], vector<16xf32>,
        %swap3A_337 = arith.constant 7 : i32
        %swap3A_338 = arith.index_cast %swap3A_337 : i32 to index
        %swap3A_339 = arith.index_cast %multiple_of3A_300 : i32 to index
        %swap3A_340 = tpu.vector_load %arg14[%swap3A_338, %swap3A_339] {strides = array<i32>} : memref<8x1024xf32, #tpu.memory_space<vmem>>, vector<16xf32>,
        tpu.vector_store %arg14[%swap3A_338, %swap3A_339], %gather3A_336 {strides = array<i32>} : memref<8x1024xf32, #tpu.memory_space<vmem>>, vector<16xf32>,
        %scan3A_341 = arith.constant 4 : i32
        %scan3A_342 = arith.addi %scan3A_133, %scan3A_341 : i32
        %mul3A_343 = arith.constant 1024 : i32
        %mul3A_344 = arith.muli %scan3A_122, %mul3A_343 : i32
        %mul3A_345 = arith.constant 16 : i32
        %mul3A_346 = arith.muli %scan3A_342, %mul3A_345 : i32
        %add3A_347 = arith.addi %mul3A_344, %mul3A_346 : i32
        %multiple_of3A_348 = tpu.assume_multiple %add3A_347, 8 : i32
        %get3A_349 = arith.index_cast %multiple_of3A_348 : i32 to index
        %get3A_350 = tpu.vector_load %arg5[%get3A_349] {strides = array<i32>} : memref<5120xi32, #tpu.memory_space<vmem>>, vector<16xi32>,
        %mul3A_351 = arith.constant 16 : i32
        %mul3A_352 = arith.muli %scan3A_342, %mul3A_351 : i32
        %multiple_of3A_353 = tpu.assume_multiple %mul3A_352, 8 : i32
        %gather3A_354 = tpu.vector_load_idx %arg6[%get3A_350] : memref<256xf32, #tpu.memory_space<vmem>>[vector<16xi32>], vector<16xf32>,
        %swap3A_355 = arith.constant 0 : i32
        %swap3A_356 = arith.index_cast %swap3A_355 : i32 to index
        %swap3A_357 = arith.index_cast %multiple_of3A_353 : i32 to index
        %swap3A_358 = tpu.vector_load %arg14[%swap3A_356, %swap3A_357] {strides = array<i32>} : memref<8x1024xf32, #tpu.memory_space<vmem>>, vector<16xf32>,
        tpu.vector_store %arg14[%swap3A_356, %swap3A_357], %gather3A_354 {strides = array<i32>} : memref<8x1024xf32, #tpu.memory_space<vmem>>, vector<16xf32>,
        %gather3A_359 = tpu.vector_load_idx %arg7[%get3A_350] : memref<256xf32, #tpu.memory_space<vmem>>[vector<16xi32>], vector<16xf32>,
        %swap3A_360 = arith.constant 1 : i32
        %swap3A_361 = arith.index_cast %swap3A_360 : i32 to index
        %swap3A_362 = arith.index_cast %multiple_of3A_353 : i32 to index
        %swap3A_363 = tpu.vector_load %arg14[%swap3A_361, %swap3A_362] {strides = array<i32>} : memref<8x1024xf32, #tpu.memory_space<vmem>>, vector<16xf32>,
        tpu.vector_store %arg14[%swap3A_361, %swap3A_362], %gather3A_359 {strides = array<i32>} : memref<8x1024xf32, #tpu.memory_space<vmem>>, vector<16xf32>,
        %gather3A_364 = tpu.vector_load_idx %arg8[%get3A_350] : memref<256xf32, #tpu.memory_space<vmem>>[vector<16xi32>], vector<16xf32>,
        %swap3A_365 = arith.constant 2 : i32
        %swap3A_366 = arith.index_cast %swap3A_365 : i32 to index
        %swap3A_367 = arith.index_cast %multiple_of3A_353 : i32 to index
        %swap3A_368 = tpu.vector_load %arg14[%swap3A_366, %swap3A_367] {strides = array<i32>} : memref<8x1024xf32, #tpu.memory_space<vmem>>, vector<16xf32>,
        tpu.vector_store %arg14[%swap3A_366, %swap3A_367], %gather3A_364 {strides = array<i32>} : memref<8x1024xf32, #tpu.memory_space<vmem>>, vector<16xf32>,
        %gather3A_369 = tpu.vector_load_idx %arg9[%get3A_350] : memref<256xf32, #tpu.memory_space<vmem>>[vector<16xi32>], vector<16xf32>,
        %swap3A_370 = arith.constant 3 : i32
        %swap3A_371 = arith.index_cast %swap3A_370 : i32 to index
        %swap3A_372 = arith.index_cast %multiple_of3A_353 : i32 to index
        %swap3A_373 = tpu.vector_load %arg14[%swap3A_371, %swap3A_372] {strides = array<i32>} : memref<8x1024xf32, #tpu.memory_space<vmem>>, vector<16xf32>,
        tpu.vector_store %arg14[%swap3A_371, %swap3A_372], %gather3A_369 {strides = array<i32>} : memref<8x1024xf32, #tpu.memory_space<vmem>>, vector<16xf32>,
        %gather3A_374 = tpu.vector_load_idx %arg10[%get3A_350] : memref<256xf32, #tpu.memory_space<vmem>>[vector<16xi32>], vector<16xf32>,
        %swap3A_375 = arith.constant 4 : i32
        %swap3A_376 = arith.index_cast %swap3A_375 : i32 to index
        %swap3A_377 = arith.index_cast %multiple_of3A_353 : i32 to index
        %swap3A_378 = tpu.vector_load %arg14[%swap3A_376, %swap3A_377] {strides = array<i32>} : memref<8x1024xf32, #tpu.memory_space<vmem>>, vector<16xf32>,
        tpu.vector_store %arg14[%swap3A_376, %swap3A_377], %gather3A_374 {strides = array<i32>} : memref<8x1024xf32, #tpu.memory_space<vmem>>, vector<16xf32>,
        %gather3A_379 = tpu.vector_load_idx %arg11[%get3A_350] : memref<256xf32, #tpu.memory_space<vmem>>[vector<16xi32>], vector<16xf32>,
        %swap3A_380 = arith.constant 5 : i32
        %swap3A_381 = arith.index_cast %swap3A_380 : i32 to index
        %swap3A_382 = arith.index_cast %multiple_of3A_353 : i32 to index
        %swap3A_383 = tpu.vector_load %arg14[%swap3A_381, %swap3A_382] {strides = array<i32>} : memref<8x1024xf32, #tpu.memory_space<vmem>>, vector<16xf32>,
        tpu.vector_store %arg14[%swap3A_381, %swap3A_382], %gather3A_379 {strides = array<i32>} : memref<8x1024xf32, #tpu.memory_space<vmem>>, vector<16xf32>,
        %gather3A_384 = tpu.vector_load_idx %arg12[%get3A_350] : memref<256xf32, #tpu.memory_space<vmem>>[vector<16xi32>], vector<16xf32>,
        %swap3A_385 = arith.constant 6 : i32
        %swap3A_386 = arith.index_cast %swap3A_385 : i32 to index
        %swap3A_387 = arith.index_cast %multiple_of3A_353 : i32 to index
        %swap3A_388 = tpu.vector_load %arg14[%swap3A_386, %swap3A_387] {strides = array<i32>} : memref<8x1024xf32, #tpu.memory_space<vmem>>, vector<16xf32>,
        tpu.vector_store %arg14[%swap3A_386, %swap3A_387], %gather3A_384 {strides = array<i32>} : memref<8x1024xf32, #tpu.memory_space<vmem>>, vector<16xf32>,
        %gather3A_389 = tpu.vector_load_idx %arg13[%get3A_350] : memref<256xf32, #tpu.memory_space<vmem>>[vector<16xi32>], vector<16xf32>,
        %swap3A_390 = arith.constant 7 : i32
        %swap3A_391 = arith.index_cast %swap3A_390 : i32 to index
        %swap3A_392 = arith.index_cast %multiple_of3A_353 : i32 to index
        %swap3A_393 = tpu.vector_load %arg14[%swap3A_391, %swap3A_392] {strides = array<i32>} : memref<8x1024xf32, #tpu.memory_space<vmem>>, vector<16xf32>,
        tpu.vector_store %arg14[%swap3A_391, %swap3A_392], %gather3A_389 {strides = array<i32>} : memref<8x1024xf32, #tpu.memory_space<vmem>>, vector<16xf32>,
        %scan3A_394 = arith.constant 5 : i32
        %scan3A_395 = arith.addi %scan3A_133, %scan3A_394 : i32
        %mul3A_396 = arith.constant 1024 : i32
        %mul3A_397 = arith.muli %scan3A_122, %mul3A_396 : i32
        %mul3A_398 = arith.constant 16 : i32
        %mul3A_399 = arith.muli %scan3A_395, %mul3A_398 : i32
        %add3A_400 = arith.addi %mul3A_397, %mul3A_399 : i32
        %multiple_of3A_401 = tpu.assume_multiple %add3A_400, 8 : i32
        %get3A_402 = arith.index_cast %multiple_of3A_401 : i32 to index
        %get3A_403 = tpu.vector_load %arg5[%get3A_402] {strides = array<i32>} : memref<5120xi32, #tpu.memory_space<vmem>>, vector<16xi32>,
        %mul3A_404 = arith.constant 16 : i32
        %mul3A_405 = arith.muli %scan3A_395, %mul3A_404 : i32
        %multiple_of3A_406 = tpu.assume_multiple %mul3A_405, 8 : i32
        %gather3A_407 = tpu.vector_load_idx %arg6[%get3A_403] : memref<256xf32, #tpu.memory_space<vmem>>[vector<16xi32>], vector<16xf32>,
        %swap3A_408 = arith.constant 0 : i32
        %swap3A_409 = arith.index_cast %swap3A_408 : i32 to index
        %swap3A_410 = arith.index_cast %multiple_of3A_406 : i32 to index
        %swap3A_411 = tpu.vector_load %arg14[%swap3A_409, %swap3A_410] {strides = array<i32>} : memref<8x1024xf32, #tpu.memory_space<vmem>>, vector<16xf32>,
        tpu.vector_store %arg14[%swap3A_409, %swap3A_410], %gather3A_407 {strides = array<i32>} : memref<8x1024xf32, #tpu.memory_space<vmem>>, vector<16xf32>,
        %gather3A_412 = tpu.vector_load_idx %arg7[%get3A_403] : memref<256xf32, #tpu.memory_space<vmem>>[vector<16xi32>], vector<16xf32>,
        %swap3A_413 = arith.constant 1 : i32
        %swap3A_414 = arith.index_cast %swap3A_413 : i32 to index
        %swap3A_415 = arith.index_cast %multiple_of3A_406 : i32 to index
        %swap3A_416 = tpu.vector_load %arg14[%swap3A_414, %swap3A_415] {strides = array<i32>} : memref<8x1024xf32, #tpu.memory_space<vmem>>, vector<16xf32>,
        tpu.vector_store %arg14[%swap3A_414, %swap3A_415], %gather3A_412 {strides = array<i32>} : memref<8x1024xf32, #tpu.memory_space<vmem>>, vector<16xf32>,
        %gather3A_417 = tpu.vector_load_idx %arg8[%get3A_403] : memref<256xf32, #tpu.memory_space<vmem>>[vector<16xi32>], vector<16xf32>,
        %swap3A_418 = arith.constant 2 : i32
        %swap3A_419 = arith.index_cast %swap3A_418 : i32 to index
        %swap3A_420 = arith.index_cast %multiple_of3A_406 : i32 to index
        %swap3A_421 = tpu.vector_load %arg14[%swap3A_419, %swap3A_420] {strides = array<i32>} : memref<8x1024xf32, #tpu.memory_space<vmem>>, vector<16xf32>,
        tpu.vector_store %arg14[%swap3A_419, %swap3A_420], %gather3A_417 {strides = array<i32>} : memref<8x1024xf32, #tpu.memory_space<vmem>>, vector<16xf32>,
        %gather3A_422 = tpu.vector_load_idx %arg9[%get3A_403] : memref<256xf32, #tpu.memory_space<vmem>>[vector<16xi32>], vector<16xf32>,
        %swap3A_423 = arith.constant 3 : i32
        %swap3A_424 = arith.index_cast %swap3A_423 : i32 to index
        %swap3A_425 = arith.index_cast %multiple_of3A_406 : i32 to index
        %swap3A_426 = tpu.vector_load %arg14[%swap3A_424, %swap3A_425] {strides = array<i32>} : memref<8x1024xf32, #tpu.memory_space<vmem>>, vector<16xf32>,
        tpu.vector_store %arg14[%swap3A_424, %swap3A_425], %gather3A_422 {strides = array<i32>} : memref<8x1024xf32, #tpu.memory_space<vmem>>, vector<16xf32>,
        %gather3A_427 = tpu.vector_load_idx %arg10[%get3A_403] : memref<256xf32, #tpu.memory_space<vmem>>[vector<16xi32>], vector<16xf32>,
        %swap3A_428 = arith.constant 4 : i32
        %swap3A_429 = arith.index_cast %swap3A_428 : i32 to index
        %swap3A_430 = arith.index_cast %multiple_of3A_406 : i32 to index
        %swap3A_431 = tpu.vector_load %arg14[%swap3A_429, %swap3A_430] {strides = array<i32>} : memref<8x1024xf32, #tpu.memory_space<vmem>>, vector<16xf32>,
        tpu.vector_store %arg14[%swap3A_429, %swap3A_430], %gather3A_427 {strides = array<i32>} : memref<8x1024xf32, #tpu.memory_space<vmem>>, vector<16xf32>,
        %gather3A_432 = tpu.vector_load_idx %arg11[%get3A_403] : memref<256xf32, #tpu.memory_space<vmem>>[vector<16xi32>], vector<16xf32>,
        %swap3A_433 = arith.constant 5 : i32
        %swap3A_434 = arith.index_cast %swap3A_433 : i32 to index
        %swap3A_435 = arith.index_cast %multiple_of3A_406 : i32 to index
        %swap3A_436 = tpu.vector_load %arg14[%swap3A_434, %swap3A_435] {strides = array<i32>} : memref<8x1024xf32, #tpu.memory_space<vmem>>, vector<16xf32>,
        tpu.vector_store %arg14[%swap3A_434, %swap3A_435], %gather3A_432 {strides = array<i32>} : memref<8x1024xf32, #tpu.memory_space<vmem>>, vector<16xf32>,
        %gather3A_437 = tpu.vector_load_idx %arg12[%get3A_403] : memref<256xf32, #tpu.memory_space<vmem>>[vector<16xi32>], vector<16xf32>,
        %swap3A_438 = arith.constant 6 : i32
        %swap3A_439 = arith.index_cast %swap3A_438 : i32 to index
        %swap3A_440 = arith.index_cast %multiple_of3A_406 : i32 to index
        %swap3A_441 = tpu.vector_load %arg14[%swap3A_439, %swap3A_440] {strides = array<i32>} : memref<8x1024xf32, #tpu.memory_space<vmem>>, vector<16xf32>,
        tpu.vector_store %arg14[%swap3A_439, %swap3A_440], %gather3A_437 {strides = array<i32>} : memref<8x1024xf32, #tpu.memory_space<vmem>>, vector<16xf32>,
        %gather3A_442 = tpu.vector_load_idx %arg13[%get3A_403] : memref<256xf32, #tpu.memory_space<vmem>>[vector<16xi32>], vector<16xf32>,
        %swap3A_443 = arith.constant 7 : i32
        %swap3A_444 = arith.index_cast %swap3A_443 : i32 to index
        %swap3A_445 = arith.index_cast %multiple_of3A_406 : i32 to index
        %swap3A_446 = tpu.vector_load %arg14[%swap3A_444, %swap3A_445] {strides = array<i32>} : memref<8x1024xf32, #tpu.memory_space<vmem>>, vector<16xf32>,
        tpu.vector_store %arg14[%swap3A_444, %swap3A_445], %gather3A_442 {strides = array<i32>} : memref<8x1024xf32, #tpu.memory_space<vmem>>, vector<16xf32>,
        %scan3A_447 = arith.constant 6 : i32
        %scan3A_448 = arith.addi %scan3A_133, %scan3A_447 : i32
        %mul3A_449 = arith.constant 1024 : i32
        %mul3A_450 = arith.muli %scan3A_122, %mul3A_449 : i32
        %mul3A_451 = arith.constant 16 : i32
        %mul3A_452 = arith.muli %scan3A_448, %mul3A_451 : i32
        %add3A_453 = arith.addi %mul3A_450, %mul3A_452 : i32
        %multiple_of3A_454 = tpu.assume_multiple %add3A_453, 8 : i32
        %get3A_455 = arith.index_cast %multiple_of3A_454 : i32 to index
        %get3A_456 = tpu.vector_load %arg5[%get3A_455] {strides = array<i32>} : memref<5120xi32, #tpu.memory_space<vmem>>, vector<16xi32>,
        %mul3A_457 = arith.constant 16 : i32
        %mul3A_458 = arith.muli %scan3A_448, %mul3A_457 : i32
        %multiple_of3A_459 = tpu.assume_multiple %mul3A_458, 8 : i32
        %gather3A_460 = tpu.vector_load_idx %arg6[%get3A_456] : memref<256xf32, #tpu.memory_space<vmem>>[vector<16xi32>], vector<16xf32>,
        %swap3A_461 = arith.constant 0 : i32
        %swap3A_462 = arith.index_cast %swap3A_461 : i32 to index
        %swap3A_463 = arith.index_cast %multiple_of3A_459 : i32 to index
        %swap3A_464 = tpu.vector_load %arg14[%swap3A_462, %swap3A_463] {strides = array<i32>} : memref<8x1024xf32, #tpu.memory_space<vmem>>, vector<16xf32>,
        tpu.vector_store %arg14[%swap3A_462, %swap3A_463], %gather3A_460 {strides = array<i32>} : memref<8x1024xf32, #tpu.memory_space<vmem>>, vector<16xf32>,
        %gather3A_465 = tpu.vector_load_idx %arg7[%get3A_456] : memref<256xf32, #tpu.memory_space<vmem>>[vector<16xi32>], vector<16xf32>,
        %swap3A_466 = arith.constant 1 : i32
        %swap3A_467 = arith.index_cast %swap3A_466 : i32 to index
        %swap3A_468 = arith.index_cast %multiple_of3A_459 : i32 to index
        %swap3A_469 = tpu.vector_load %arg14[%swap3A_467, %swap3A_468] {strides = array<i32>} : memref<8x1024xf32, #tpu.memory_space<vmem>>, vector<16xf32>,
        tpu.vector_store %arg14[%swap3A_467, %swap3A_468], %gather3A_465 {strides = array<i32>} : memref<8x1024xf32, #tpu.memory_space<vmem>>, vector<16xf32>,
        %gather3A_470 = tpu.vector_load_idx %arg8[%get3A_456] : memref<256xf32, #tpu.memory_space<vmem>>[vector<16xi32>], vector<16xf32>,
        %swap3A_471 = arith.constant 2 : i32
        %swap3A_472 = arith.index_cast %swap3A_471 : i32 to index
        %swap3A_473 = arith.index_cast %multiple_of3A_459 : i32 to index
        %swap3A_474 = tpu.vector_load %arg14[%swap3A_472, %swap3A_473] {strides = array<i32>} : memref<8x1024xf32, #tpu.memory_space<vmem>>, vector<16xf32>,
        tpu.vector_store %arg14[%swap3A_472, %swap3A_473], %gather3A_470 {strides = array<i32>} : memref<8x1024xf32, #tpu.memory_space<vmem>>, vector<16xf32>,
        %gather3A_475 = tpu.vector_load_idx %arg9[%get3A_456] : memref<256xf32, #tpu.memory_space<vmem>>[vector<16xi32>], vector<16xf32>,
        %swap3A_476 = arith.constant 3 : i32
        %swap3A_477 = arith.index_cast %swap3A_476 : i32 to index
        %swap3A_478 = arith.index_cast %multiple_of3A_459 : i32 to index
        %swap3A_479 = tpu.vector_load %arg14[%swap3A_477, %swap3A_478] {strides = array<i32>} : memref<8x1024xf32, #tpu.memory_space<vmem>>, vector<16xf32>,
        tpu.vector_store %arg14[%swap3A_477, %swap3A_478], %gather3A_475 {strides = array<i32>} : memref<8x1024xf32, #tpu.memory_space<vmem>>, vector<16xf32>,
        %gather3A_480 = tpu.vector_load_idx %arg10[%get3A_456] : memref<256xf32, #tpu.memory_space<vmem>>[vector<16xi32>], vector<16xf32>,
        %swap3A_481 = arith.constant 4 : i32
        %swap3A_482 = arith.index_cast %swap3A_481 : i32 to index
        %swap3A_483 = arith.index_cast %multiple_of3A_459 : i32 to index
        %swap3A_484 = tpu.vector_load %arg14[%swap3A_482, %swap3A_483] {strides = array<i32>} : memref<8x1024xf32, #tpu.memory_space<vmem>>, vector<16xf32>,
        tpu.vector_store %arg14[%swap3A_482, %swap3A_483], %gather3A_480 {strides = array<i32>} : memref<8x1024xf32, #tpu.memory_space<vmem>>, vector<16xf32>,
        %gather3A_485 = tpu.vector_load_idx %arg11[%get3A_456] : memref<256xf32, #tpu.memory_space<vmem>>[vector<16xi32>], vector<16xf32>,
        %swap3A_486 = arith.constant 5 : i32
        %swap3A_487 = arith.index_cast %swap3A_486 : i32 to index
        %swap3A_488 = arith.index_cast %multiple_of3A_459 : i32 to index
        %swap3A_489 = tpu.vector_load %arg14[%swap3A_487, %swap3A_488] {strides = array<i32>} : memref<8x1024xf32, #tpu.memory_space<vmem>>, vector<16xf32>,
        tpu.vector_store %arg14[%swap3A_487, %swap3A_488], %gather3A_485 {strides = array<i32>} : memref<8x1024xf32, #tpu.memory_space<vmem>>, vector<16xf32>,
        %gather3A_490 = tpu.vector_load_idx %arg12[%get3A_456] : memref<256xf32, #tpu.memory_space<vmem>>[vector<16xi32>], vector<16xf32>,
        %swap3A_491 = arith.constant 6 : i32
        %swap3A_492 = arith.index_cast %swap3A_491 : i32 to index
        %swap3A_493 = arith.index_cast %multiple_of3A_459 : i32 to index
        %swap3A_494 = tpu.vector_load %arg14[%swap3A_492, %swap3A_493] {strides = array<i32>} : memref<8x1024xf32, #tpu.memory_space<vmem>>, vector<16xf32>,
        tpu.vector_store %arg14[%swap3A_492, %swap3A_493], %gather3A_490 {strides = array<i32>} : memref<8x1024xf32, #tpu.memory_space<vmem>>, vector<16xf32>,
        %gather3A_495 = tpu.vector_load_idx %arg13[%get3A_456] : memref<256xf32, #tpu.memory_space<vmem>>[vector<16xi32>], vector<16xf32>,
        %swap3A_496 = arith.constant 7 : i32
        %swap3A_497 = arith.index_cast %swap3A_496 : i32 to index
        %swap3A_498 = arith.index_cast %multiple_of3A_459 : i32 to index
        %swap3A_499 = tpu.vector_load %arg14[%swap3A_497, %swap3A_498] {strides = array<i32>} : memref<8x1024xf32, #tpu.memory_space<vmem>>, vector<16xf32>,
        tpu.vector_store %arg14[%swap3A_497, %swap3A_498], %gather3A_495 {strides = array<i32>} : memref<8x1024xf32, #tpu.memory_space<vmem>>, vector<16xf32>,
        %scan3A_500 = arith.constant 7 : i32
        %scan3A_501 = arith.addi %scan3A_133, %scan3A_500 : i32
        %mul3A_502 = arith.constant 1024 : i32
        %mul3A_503 = arith.muli %scan3A_122, %mul3A_502 : i32
        %mul3A_504 = arith.constant 16 : i32
        %mul3A_505 = arith.muli %scan3A_501, %mul3A_504 : i32
        %add3A_506 = arith.addi %mul3A_503, %mul3A_505 : i32
        %multiple_of3A_507 = tpu.assume_multiple %add3A_506, 8 : i32
        %get3A_508 = arith.index_cast %multiple_of3A_507 : i32 to index
        %get3A_509 = tpu.vector_load %arg5[%get3A_508] {strides = array<i32>} : memref<5120xi32, #tpu.memory_space<vmem>>, vector<16xi32>,
        %mul3A_510 = arith.constant 16 : i32
        %mul3A_511 = arith.muli %scan3A_501, %mul3A_510 : i32
        %multiple_of3A_512 = tpu.assume_multiple %mul3A_511, 8 : i32
        %gather3A_513 = tpu.vector_load_idx %arg6[%get3A_509] : memref<256xf32, #tpu.memory_space<vmem>>[vector<16xi32>], vector<16xf32>,
        %swap3A_514 = arith.constant 0 : i32
        %swap3A_515 = arith.index_cast %swap3A_514 : i32 to index
        %swap3A_516 = arith.index_cast %multiple_of3A_512 : i32 to index
        %swap3A_517 = tpu.vector_load %arg14[%swap3A_515, %swap3A_516] {strides = array<i32>} : memref<8x1024xf32, #tpu.memory_space<vmem>>, vector<16xf32>,
        tpu.vector_store %arg14[%swap3A_515, %swap3A_516], %gather3A_513 {strides = array<i32>} : memref<8x1024xf32, #tpu.memory_space<vmem>>, vector<16xf32>,
        %gather3A_518 = tpu.vector_load_idx %arg7[%get3A_509] : memref<256xf32, #tpu.memory_space<vmem>>[vector<16xi32>], vector<16xf32>,
        %swap3A_519 = arith.constant 1 : i32
        %swap3A_520 = arith.index_cast %swap3A_519 : i32 to index
        %swap3A_521 = arith.index_cast %multiple_of3A_512 : i32 to index
        %swap3A_522 = tpu.vector_load %arg14[%swap3A_520, %swap3A_521] {strides = array<i32>} : memref<8x1024xf32, #tpu.memory_space<vmem>>, vector<16xf32>,
        tpu.vector_store %arg14[%swap3A_520, %swap3A_521], %gather3A_518 {strides = array<i32>} : memref<8x1024xf32, #tpu.memory_space<vmem>>, vector<16xf32>,
        %gather3A_523 = tpu.vector_load_idx %arg8[%get3A_509] : memref<256xf32, #tpu.memory_space<vmem>>[vector<16xi32>], vector<16xf32>,
        %swap3A_524 = arith.constant 2 : i32
        %swap3A_525 = arith.index_cast %swap3A_524 : i32 to index
        %swap3A_526 = arith.index_cast %multiple_of3A_512 : i32 to index
        %swap3A_527 = tpu.vector_load %arg14[%swap3A_525, %swap3A_526] {strides = array<i32>} : memref<8x1024xf32, #tpu.memory_space<vmem>>, vector<16xf32>,
        tpu.vector_store %arg14[%swap3A_525, %swap3A_526], %gather3A_523 {strides = array<i32>} : memref<8x1024xf32, #tpu.memory_space<vmem>>, vector<16xf32>,
        %gather3A_528 = tpu.vector_load_idx %arg9[%get3A_509] : memref<256xf32, #tpu.memory_space<vmem>>[vector<16xi32>], vector<16xf32>,
        %swap3A_529 = arith.constant 3 : i32
        %swap3A_530 = arith.index_cast %swap3A_529 : i32 to index
        %swap3A_531 = arith.index_cast %multiple_of3A_512 : i32 to index
        %swap3A_532 = tpu.vector_load %arg14[%swap3A_530, %swap3A_531] {strides = array<i32>} : memref<8x1024xf32, #tpu.memory_space<vmem>>, vector<16xf32>,
        tpu.vector_store %arg14[%swap3A_530, %swap3A_531], %gather3A_528 {strides = array<i32>} : memref<8x1024xf32, #tpu.memory_space<vmem>>, vector<16xf32>,
        %gather3A_533 = tpu.vector_load_idx %arg10[%get3A_509] : memref<256xf32, #tpu.memory_space<vmem>>[vector<16xi32>], vector<16xf32>,
        %swap3A_534 = arith.constant 4 : i32
        %swap3A_535 = arith.index_cast %swap3A_534 : i32 to index
        %swap3A_536 = arith.index_cast %multiple_of3A_512 : i32 to index
        %swap3A_537 = tpu.vector_load %arg14[%swap3A_535, %swap3A_536] {strides = array<i32>} : memref<8x1024xf32, #tpu.memory_space<vmem>>, vector<16xf32>,
        tpu.vector_store %arg14[%swap3A_535, %swap3A_536], %gather3A_533 {strides = array<i32>} : memref<8x1024xf32, #tpu.memory_space<vmem>>, vector<16xf32>,
        %gather3A_538 = tpu.vector_load_idx %arg11[%get3A_509] : memref<256xf32, #tpu.memory_space<vmem>>[vector<16xi32>], vector<16xf32>,
        %swap3A_539 = arith.constant 5 : i32
        %swap3A_540 = arith.index_cast %swap3A_539 : i32 to index
        %swap3A_541 = arith.index_cast %multiple_of3A_512 : i32 to index
        %swap3A_542 = tpu.vector_load %arg14[%swap3A_540, %swap3A_541] {strides = array<i32>} : memref<8x1024xf32, #tpu.memory_space<vmem>>, vector<16xf32>,
        tpu.vector_store %arg14[%swap3A_540, %swap3A_541], %gather3A_538 {strides = array<i32>} : memref<8x1024xf32, #tpu.memory_space<vmem>>, vector<16xf32>,
        %gather3A_543 = tpu.vector_load_idx %arg12[%get3A_509] : memref<256xf32, #tpu.memory_space<vmem>>[vector<16xi32>], vector<16xf32>,
        %swap3A_544 = arith.constant 6 : i32
        %swap3A_545 = arith.index_cast %swap3A_544 : i32 to index
        %swap3A_546 = arith.index_cast %multiple_of3A_512 : i32 to index
        %swap3A_547 = tpu.vector_load %arg14[%swap3A_545, %swap3A_546] {strides = array<i32>} : memref<8x1024xf32, #tpu.memory_space<vmem>>, vector<16xf32>,
        tpu.vector_store %arg14[%swap3A_545, %swap3A_546], %gather3A_543 {strides = array<i32>} : memref<8x1024xf32, #tpu.memory_space<vmem>>, vector<16xf32>,
        %gather3A_548 = tpu.vector_load_idx %arg13[%get3A_509] : memref<256xf32, #tpu.memory_space<vmem>>[vector<16xi32>], vector<16xf32>,
        %swap3A_549 = arith.constant 7 : i32
        %swap3A_550 = arith.index_cast %swap3A_549 : i32 to index
        %swap3A_551 = arith.index_cast %multiple_of3A_512 : i32 to index
        %swap3A_552 = tpu.vector_load %arg14[%swap3A_550, %swap3A_551] {strides = array<i32>} : memref<8x1024xf32, #tpu.memory_space<vmem>>, vector<16xf32>,
        tpu.vector_store %arg14[%swap3A_550, %swap3A_551], %gather3A_548 {strides = array<i32>} : memref<8x1024xf32, #tpu.memory_space<vmem>>, vector<16xf32>,
      }
      %scan3A_128 = arith.constant 64 : i32
      %mul3A_129 = arith.constant 1024 : i32
      %mul3A_130 = arith.muli %scan3A_122, %mul3A_129 : i32
      %add3A_131 = arith.addi %mul3A_2, %mul3A_130 : i32
      %multiple_of3A_132 = tpu.assume_multiple %add3A_131, 128 : i32
      "tpu.region"() ({
        %run_scoped3A = tpu.sem_alloc : memref<!tpu.dma_semaphore, #tpu.memory_space<semaphore_mem>>
        %dma_start3A_133 = arith.constant 0 : i32
        %dma_start3A_134 = tpu.memref_slice %arg4[%dma_start3A_133, %multiple_of3A_132] : memref<8x163840xf32, #tpu.memory_space<hbm>> -> memref<8x1024xf32, #tpu.memory_space<hbm>>
        %dma_start3A_135 = arith.constant 0 : i32
        %dma_start3A_136 = tpu.memref_slice %arg4[%dma_start3A_135, %multiple_of3A_132] : memref<8x163840xf32, #tpu.memory_space<hbm>> -> memref<8x1024xf32, #tpu.memory_space<hbm>>
        tpu.enqueue_dma source(%arg14 : memref<8x1024xf32, #tpu.memory_space<vmem>>) target(%dma_start3A_136 : memref<8x1024xf32, #tpu.memory_space<hbm>>) target_semaphore(%run_scoped3A : memref<!tpu.dma_semaphore, #tpu.memory_space<semaphore_mem>>)
        %dma_wait3A_137 = arith.constant 0 : i32
        %dma_wait3A_138 = tpu.memref_slice %arg4[%dma_wait3A_137, %multiple_of3A_132] : memref<8x163840xf32, #tpu.memory_space<hbm>> -> memref<8x1024xf32, #tpu.memory_space<hbm>>
        %dma_wait3A_139 = arith.constant 0 : i32
        %dma_wait3A_140 = tpu.memref_slice %arg4[%dma_wait3A_139, %multiple_of3A_132] : memref<8x163840xf32, #tpu.memory_space<hbm>> -> memref<8x1024xf32, #tpu.memory_space<hbm>>
        tpu.wait_dma2 semaphore(%run_scoped3A : memref<!tpu.dma_semaphore, #tpu.memory_space<semaphore_mem>>) src(%arg14 : memref<8x1024xf32, #tpu.memory_space<vmem>>) dst(%dma_wait3A_140 : memref<8x1024xf32, #tpu.memory_space<hbm>>)
        tpu.yield
      }) : () -> ()
    }
    %scan3A_121 = arith.constant 5 : i32
    return
  }
}

#map = affine_map<(d0, d1) -> (0)>
#map1 = affine_map<(d0, d1) -> (0, 0)>
module attributes {stable_mosaic.version = 14 : i64} {
  func.func @k(%arg0: i32, %arg1: i32, %arg2: memref<163840xi32, #tpu.memory_space<hbm>>, %arg3: memref<8x256xf32, #tpu.memory_space<hbm>>, %arg4: memref<8x163840xf32, #tpu.memory_space<hbm>>, %arg5: memref<5120xi32, #tpu.memory_space<vmem>>, %arg6: memref<256xf32, #tpu.memory_space<vmem>>, %arg7: memref<256xf32, #tpu.memory_space<vmem>>, %arg8: memref<256xf32, #tpu.memory_space<vmem>>, %arg9: memref<256xf32, #tpu.memory_space<vmem>>, %arg10: memref<256xf32, #tpu.memory_space<vmem>>, %arg11: memref<256xf32, #tpu.memory_space<vmem>>, %arg12: memref<256xf32, #tpu.memory_space<vmem>>, %arg13: memref<256xf32, #tpu.memory_space<vmem>>, %arg14: memref<8x1024xf32, #tpu.memory_space<vmem>>, %arg15: memref<!tpu.dma_semaphore, #tpu.memory_space<semaphore_mem>>) attributes {dimension_semantics = [#tpu.dimension_semantics<core_parallel>, #tpu.dimension_semantics<subcore_parallel>], iteration_bounds = array<i64: 2, 16>, scalar_prefetch = 0 : i64, scratch_operands = 11 : i64, tpu.core_type = #tpu.core_type<sc_vector_subcore>, window_params = [{transform_indices = #map}, {transform_indices = #map1}, {transform_indices = #map1}]} {
    %mul3A = arith.constant 2 : i32
    %mul3A_0 = arith.muli %arg1, %mul3A : i32
    %add3A = arith.addi %mul3A_0, %arg0 : i32
    %mul3A_1 = arith.constant 5120 : i32
    %mul3A_2 = arith.muli %add3A, %mul3A_1 : i32
    %dma_start3A = arith.constant 0 : i32
    %dma_start3A_3 = arith.constant 0 : i32
    %dma_start3A_4 = tpu.memref_slice %arg3[%dma_start3A, %dma_start3A_3] : memref<8x256xf32, #tpu.memory_space<hbm>> -> memref<1x256xf32, #tpu.memory_space<hbm>>
    %dma_start3A_5 = tpu.memref_squeeze %dma_start3A_4 : memref<1x256xf32, #tpu.memory_space<hbm>> -> memref<256xf32, #tpu.memory_space<hbm>>
    %dma_start3A_6 = arith.constant 0 : i32
    %dma_start3A_7 = tpu.memref_slice %arg3[%dma_start3A, %dma_start3A_6] : memref<8x256xf32, #tpu.memory_space<hbm>> -> memref<1x256xf32, #tpu.memory_space<hbm>>
    %dma_start3A_8 = tpu.memref_squeeze %dma_start3A_7 : memref<1x256xf32, #tpu.memory_space<hbm>> -> memref<256xf32, #tpu.memory_space<hbm>>
    tpu.enqueue_dma source(%dma_start3A_8 : memref<256xf32, #tpu.memory_space<hbm>>) target(%arg6 : memref<256xf32, #tpu.memory_space<vmem>>) target_semaphore(%arg15 : memref<!tpu.dma_semaphore, #tpu.memory_space<semaphore_mem>>)
    %dma_start3A_9 = arith.constant 1 : i32
    %dma_start3A_10 = arith.constant 0 : i32
    %dma_start3A_11 = tpu.memref_slice %arg3[%dma_start3A_9, %dma_start3A_10] : memref<8x256xf32, #tpu.memory_space<hbm>> -> memref<1x256xf32, #tpu.memory_space<hbm>>
    %dma_start3A_12 = tpu.memref_squeeze %dma_start3A_11 : memref<1x256xf32, #tpu.memory_space<hbm>> -> memref<256xf32, #tpu.memory_space<hbm>>
    %dma_start3A_13 = arith.constant 0 : i32
    %dma_start3A_14 = tpu.memref_slice %arg3[%dma_start3A_9, %dma_start3A_13] : memref<8x256xf32, #tpu.memory_space<hbm>> -> memref<1x256xf32, #tpu.memory_space<hbm>>
    %dma_start3A_15 = tpu.memref_squeeze %dma_start3A_14 : memref<1x256xf32, #tpu.memory_space<hbm>> -> memref<256xf32, #tpu.memory_space<hbm>>
    tpu.enqueue_dma source(%dma_start3A_15 : memref<256xf32, #tpu.memory_space<hbm>>) target(%arg7 : memref<256xf32, #tpu.memory_space<vmem>>) target_semaphore(%arg15 : memref<!tpu.dma_semaphore, #tpu.memory_space<semaphore_mem>>)
    %dma_start3A_16 = arith.constant 2 : i32
    %dma_start3A_17 = arith.constant 0 : i32
    %dma_start3A_18 = tpu.memref_slice %arg3[%dma_start3A_16, %dma_start3A_17] : memref<8x256xf32, #tpu.memory_space<hbm>> -> memref<1x256xf32, #tpu.memory_space<hbm>>
    %dma_start3A_19 = tpu.memref_squeeze %dma_start3A_18 : memref<1x256xf32, #tpu.memory_space<hbm>> -> memref<256xf32, #tpu.memory_space<hbm>>
    %dma_start3A_20 = arith.constant 0 : i32
    %dma_start3A_21 = tpu.memref_slice %arg3[%dma_start3A_16, %dma_start3A_20] : memref<8x256xf32, #tpu.memory_space<hbm>> -> memref<1x256xf32, #tpu.memory_space<hbm>>
    %dma_start3A_22 = tpu.memref_squeeze %dma_start3A_21 : memref<1x256xf32, #tpu.memory_space<hbm>> -> memref<256xf32, #tpu.memory_space<hbm>>
    tpu.enqueue_dma source(%dma_start3A_22 : memref<256xf32, #tpu.memory_space<hbm>>) target(%arg8 : memref<256xf32, #tpu.memory_space<vmem>>) target_semaphore(%arg15 : memref<!tpu.dma_semaphore, #tpu.memory_space<semaphore_mem>>)
    %dma_start3A_23 = arith.constant 3 : i32
    %dma_start3A_24 = arith.constant 0 : i32
    %dma_start3A_25 = tpu.memref_slice %arg3[%dma_start3A_23, %dma_start3A_24] : memref<8x256xf32, #tpu.memory_space<hbm>> -> memref<1x256xf32, #tpu.memory_space<hbm>>
    %dma_start3A_26 = tpu.memref_squeeze %dma_start3A_25 : memref<1x256xf32, #tpu.memory_space<hbm>> -> memref<256xf32, #tpu.memory_space<hbm>>
    %dma_start3A_27 = arith.constant 0 : i32
    %dma_start3A_28 = tpu.memref_slice %arg3[%dma_start3A_23, %dma_start3A_27] : memref<8x256xf32, #tpu.memory_space<hbm>> -> memref<1x256xf32, #tpu.memory_space<hbm>>
    %dma_start3A_29 = tpu.memref_squeeze %dma_start3A_28 : memref<1x256xf32, #tpu.memory_space<hbm>> -> memref<256xf32, #tpu.memory_space<hbm>>
    tpu.enqueue_dma source(%dma_start3A_29 : memref<256xf32, #tpu.memory_space<hbm>>) target(%arg9 : memref<256xf32, #tpu.memory_space<vmem>>) target_semaphore(%arg15 : memref<!tpu.dma_semaphore, #tpu.memory_space<semaphore_mem>>)
    %dma_start3A_30 = arith.constant 4 : i32
    %dma_start3A_31 = arith.constant 0 : i32
    %dma_start3A_32 = tpu.memref_slice %arg3[%dma_start3A_30, %dma_start3A_31] : memref<8x256xf32, #tpu.memory_space<hbm>> -> memref<1x256xf32, #tpu.memory_space<hbm>>
    %dma_start3A_33 = tpu.memref_squeeze %dma_start3A_32 : memref<1x256xf32, #tpu.memory_space<hbm>> -> memref<256xf32, #tpu.memory_space<hbm>>
    %dma_start3A_34 = arith.constant 0 : i32
    %dma_start3A_35 = tpu.memref_slice %arg3[%dma_start3A_30, %dma_start3A_34] : memref<8x256xf32, #tpu.memory_space<hbm>> -> memref<1x256xf32, #tpu.memory_space<hbm>>
    %dma_start3A_36 = tpu.memref_squeeze %dma_start3A_35 : memref<1x256xf32, #tpu.memory_space<hbm>> -> memref<256xf32, #tpu.memory_space<hbm>>
    tpu.enqueue_dma source(%dma_start3A_36 : memref<256xf32, #tpu.memory_space<hbm>>) target(%arg10 : memref<256xf32, #tpu.memory_space<vmem>>) target_semaphore(%arg15 : memref<!tpu.dma_semaphore, #tpu.memory_space<semaphore_mem>>)
    %dma_start3A_37 = arith.constant 5 : i32
    %dma_start3A_38 = arith.constant 0 : i32
    %dma_start3A_39 = tpu.memref_slice %arg3[%dma_start3A_37, %dma_start3A_38] : memref<8x256xf32, #tpu.memory_space<hbm>> -> memref<1x256xf32, #tpu.memory_space<hbm>>
    %dma_start3A_40 = tpu.memref_squeeze %dma_start3A_39 : memref<1x256xf32, #tpu.memory_space<hbm>> -> memref<256xf32, #tpu.memory_space<hbm>>
    %dma_start3A_41 = arith.constant 0 : i32
    %dma_start3A_42 = tpu.memref_slice %arg3[%dma_start3A_37, %dma_start3A_41] : memref<8x256xf32, #tpu.memory_space<hbm>> -> memref<1x256xf32, #tpu.memory_space<hbm>>
    %dma_start3A_43 = tpu.memref_squeeze %dma_start3A_42 : memref<1x256xf32, #tpu.memory_space<hbm>> -> memref<256xf32, #tpu.memory_space<hbm>>
    tpu.enqueue_dma source(%dma_start3A_43 : memref<256xf32, #tpu.memory_space<hbm>>) target(%arg11 : memref<256xf32, #tpu.memory_space<vmem>>) target_semaphore(%arg15 : memref<!tpu.dma_semaphore, #tpu.memory_space<semaphore_mem>>)
    %dma_start3A_44 = arith.constant 6 : i32
    %dma_start3A_45 = arith.constant 0 : i32
    %dma_start3A_46 = tpu.memref_slice %arg3[%dma_start3A_44, %dma_start3A_45] : memref<8x256xf32, #tpu.memory_space<hbm>> -> memref<1x256xf32, #tpu.memory_space<hbm>>
    %dma_start3A_47 = tpu.memref_squeeze %dma_start3A_46 : memref<1x256xf32, #tpu.memory_space<hbm>> -> memref<256xf32, #tpu.memory_space<hbm>>
    %dma_start3A_48 = arith.constant 0 : i32
    %dma_start3A_49 = tpu.memref_slice %arg3[%dma_start3A_44, %dma_start3A_48] : memref<8x256xf32, #tpu.memory_space<hbm>> -> memref<1x256xf32, #tpu.memory_space<hbm>>
    %dma_start3A_50 = tpu.memref_squeeze %dma_start3A_49 : memref<1x256xf32, #tpu.memory_space<hbm>> -> memref<256xf32, #tpu.memory_space<hbm>>
    tpu.enqueue_dma source(%dma_start3A_50 : memref<256xf32, #tpu.memory_space<hbm>>) target(%arg12 : memref<256xf32, #tpu.memory_space<vmem>>) target_semaphore(%arg15 : memref<!tpu.dma_semaphore, #tpu.memory_space<semaphore_mem>>)
    %dma_start3A_51 = arith.constant 7 : i32
    %dma_start3A_52 = arith.constant 0 : i32
    %dma_start3A_53 = tpu.memref_slice %arg3[%dma_start3A_51, %dma_start3A_52] : memref<8x256xf32, #tpu.memory_space<hbm>> -> memref<1x256xf32, #tpu.memory_space<hbm>>
    %dma_start3A_54 = tpu.memref_squeeze %dma_start3A_53 : memref<1x256xf32, #tpu.memory_space<hbm>> -> memref<256xf32, #tpu.memory_space<hbm>>
    %dma_start3A_55 = arith.constant 0 : i32
    %dma_start3A_56 = tpu.memref_slice %arg3[%dma_start3A_51, %dma_start3A_55] : memref<8x256xf32, #tpu.memory_space<hbm>> -> memref<1x256xf32, #tpu.memory_space<hbm>>
    %dma_start3A_57 = tpu.memref_squeeze %dma_start3A_56 : memref<1x256xf32, #tpu.memory_space<hbm>> -> memref<256xf32, #tpu.memory_space<hbm>>
    tpu.enqueue_dma source(%dma_start3A_57 : memref<256xf32, #tpu.memory_space<hbm>>) target(%arg13 : memref<256xf32, #tpu.memory_space<vmem>>) target_semaphore(%arg15 : memref<!tpu.dma_semaphore, #tpu.memory_space<semaphore_mem>>)
    %multiple_of3A = tpu.assume_multiple %mul3A_2, 128 : i32
    %dma_start3A_58 = tpu.memref_slice %arg2[%multiple_of3A] : memref<163840xi32, #tpu.memory_space<hbm>> -> memref<5120xi32, #tpu.memory_space<hbm>>
    %dma_start3A_59 = tpu.memref_slice %arg2[%multiple_of3A] : memref<163840xi32, #tpu.memory_space<hbm>> -> memref<5120xi32, #tpu.memory_space<hbm>>
    tpu.enqueue_dma source(%dma_start3A_59 : memref<5120xi32, #tpu.memory_space<hbm>>) target(%arg5 : memref<5120xi32, #tpu.memory_space<vmem>>) target_semaphore(%arg15 : memref<!tpu.dma_semaphore, #tpu.memory_space<semaphore_mem>>)
    %dma_wait3A = arith.constant 0 : i32
    %dma_wait3A_60 = arith.constant 0 : i32
    %dma_wait3A_61 = tpu.memref_slice %arg3[%dma_wait3A, %dma_wait3A_60] : memref<8x256xf32, #tpu.memory_space<hbm>> -> memref<1x256xf32, #tpu.memory_space<hbm>>
    %dma_wait3A_62 = tpu.memref_squeeze %dma_wait3A_61 : memref<1x256xf32, #tpu.memory_space<hbm>> -> memref<256xf32, #tpu.memory_space<hbm>>
    %dma_wait3A_63 = arith.constant 0 : i32
    %dma_wait3A_64 = tpu.memref_slice %arg3[%dma_wait3A, %dma_wait3A_63] : memref<8x256xf32, #tpu.memory_space<hbm>> -> memref<1x256xf32, #tpu.memory_space<hbm>>
    %dma_wait3A_65 = tpu.memref_squeeze %dma_wait3A_64 : memref<1x256xf32, #tpu.memory_space<hbm>> -> memref<256xf32, #tpu.memory_space<hbm>>
    tpu.wait_dma2 semaphore(%arg15 : memref<!tpu.dma_semaphore, #tpu.memory_space<semaphore_mem>>) src(%dma_wait3A_65 : memref<256xf32, #tpu.memory_space<hbm>>) dst(%arg6 : memref<256xf32, #tpu.memory_space<vmem>>)
    %dma_wait3A_66 = arith.constant 1 : i32
    %dma_wait3A_67 = arith.constant 0 : i32
    %dma_wait3A_68 = tpu.memref_slice %arg3[%dma_wait3A_66, %dma_wait3A_67] : memref<8x256xf32, #tpu.memory_space<hbm>> -> memref<1x256xf32, #tpu.memory_space<hbm>>
    %dma_wait3A_69 = tpu.memref_squeeze %dma_wait3A_68 : memref<1x256xf32, #tpu.memory_space<hbm>> -> memref<256xf32, #tpu.memory_space<hbm>>
    %dma_wait3A_70 = arith.constant 0 : i32
    %dma_wait3A_71 = tpu.memref_slice %arg3[%dma_wait3A_66, %dma_wait3A_70] : memref<8x256xf32, #tpu.memory_space<hbm>> -> memref<1x256xf32, #tpu.memory_space<hbm>>
    %dma_wait3A_72 = tpu.memref_squeeze %dma_wait3A_71 : memref<1x256xf32, #tpu.memory_space<hbm>> -> memref<256xf32, #tpu.memory_space<hbm>>
    tpu.wait_dma2 semaphore(%arg15 : memref<!tpu.dma_semaphore, #tpu.memory_space<semaphore_mem>>) src(%dma_wait3A_72 : memref<256xf32, #tpu.memory_space<hbm>>) dst(%arg7 : memref<256xf32, #tpu.memory_space<vmem>>)
    %dma_wait3A_73 = arith.constant 2 : i32
    %dma_wait3A_74 = arith.constant 0 : i32
    %dma_wait3A_75 = tpu.memref_slice %arg3[%dma_wait3A_73, %dma_wait3A_74] : memref<8x256xf32, #tpu.memory_space<hbm>> -> memref<1x256xf32, #tpu.memory_space<hbm>>
    %dma_wait3A_76 = tpu.memref_squeeze %dma_wait3A_75 : memref<1x256xf32, #tpu.memory_space<hbm>> -> memref<256xf32, #tpu.memory_space<hbm>>
    %dma_wait3A_77 = arith.constant 0 : i32
    %dma_wait3A_78 = tpu.memref_slice %arg3[%dma_wait3A_73, %dma_wait3A_77] : memref<8x256xf32, #tpu.memory_space<hbm>> -> memref<1x256xf32, #tpu.memory_space<hbm>>
    %dma_wait3A_79 = tpu.memref_squeeze %dma_wait3A_78 : memref<1x256xf32, #tpu.memory_space<hbm>> -> memref<256xf32, #tpu.memory_space<hbm>>
    tpu.wait_dma2 semaphore(%arg15 : memref<!tpu.dma_semaphore, #tpu.memory_space<semaphore_mem>>) src(%dma_wait3A_79 : memref<256xf32, #tpu.memory_space<hbm>>) dst(%arg8 : memref<256xf32, #tpu.memory_space<vmem>>)
    %dma_wait3A_80 = arith.constant 3 : i32
    %dma_wait3A_81 = arith.constant 0 : i32
    %dma_wait3A_82 = tpu.memref_slice %arg3[%dma_wait3A_80, %dma_wait3A_81] : memref<8x256xf32, #tpu.memory_space<hbm>> -> memref<1x256xf32, #tpu.memory_space<hbm>>
    %dma_wait3A_83 = tpu.memref_squeeze %dma_wait3A_82 : memref<1x256xf32, #tpu.memory_space<hbm>> -> memref<256xf32, #tpu.memory_space<hbm>>
    %dma_wait3A_84 = arith.constant 0 : i32
    %dma_wait3A_85 = tpu.memref_slice %arg3[%dma_wait3A_80, %dma_wait3A_84] : memref<8x256xf32, #tpu.memory_space<hbm>> -> memref<1x256xf32, #tpu.memory_space<hbm>>
    %dma_wait3A_86 = tpu.memref_squeeze %dma_wait3A_85 : memref<1x256xf32, #tpu.memory_space<hbm>> -> memref<256xf32, #tpu.memory_space<hbm>>
    tpu.wait_dma2 semaphore(%arg15 : memref<!tpu.dma_semaphore, #tpu.memory_space<semaphore_mem>>) src(%dma_wait3A_86 : memref<256xf32, #tpu.memory_space<hbm>>) dst(%arg9 : memref<256xf32, #tpu.memory_space<vmem>>)
    %dma_wait3A_87 = arith.constant 4 : i32
    %dma_wait3A_88 = arith.constant 0 : i32
    %dma_wait3A_89 = tpu.memref_slice %arg3[%dma_wait3A_87, %dma_wait3A_88] : memref<8x256xf32, #tpu.memory_space<hbm>> -> memref<1x256xf32, #tpu.memory_space<hbm>>
    %dma_wait3A_90 = tpu.memref_squeeze %dma_wait3A_89 : memref<1x256xf32, #tpu.memory_space<hbm>> -> memref<256xf32, #tpu.memory_space<hbm>>
    %dma_wait3A_91 = arith.constant 0 : i32
    %dma_wait3A_92 = tpu.memref_slice %arg3[%dma_wait3A_87, %dma_wait3A_91] : memref<8x256xf32, #tpu.memory_space<hbm>> -> memref<1x256xf32, #tpu.memory_space<hbm>>
    %dma_wait3A_93 = tpu.memref_squeeze %dma_wait3A_92 : memref<1x256xf32, #tpu.memory_space<hbm>> -> memref<256xf32, #tpu.memory_space<hbm>>
    tpu.wait_dma2 semaphore(%arg15 : memref<!tpu.dma_semaphore, #tpu.memory_space<semaphore_mem>>) src(%dma_wait3A_93 : memref<256xf32, #tpu.memory_space<hbm>>) dst(%arg10 : memref<256xf32, #tpu.memory_space<vmem>>)
    %dma_wait3A_94 = arith.constant 5 : i32
    %dma_wait3A_95 = arith.constant 0 : i32
    %dma_wait3A_96 = tpu.memref_slice %arg3[%dma_wait3A_94, %dma_wait3A_95] : memref<8x256xf32, #tpu.memory_space<hbm>> -> memref<1x256xf32, #tpu.memory_space<hbm>>
    %dma_wait3A_97 = tpu.memref_squeeze %dma_wait3A_96 : memref<1x256xf32, #tpu.memory_space<hbm>> -> memref<256xf32, #tpu.memory_space<hbm>>
    %dma_wait3A_98 = arith.constant 0 : i32
    %dma_wait3A_99 = tpu.memref_slice %arg3[%dma_wait3A_94, %dma_wait3A_98] : memref<8x256xf32, #tpu.memory_space<hbm>> -> memref<1x256xf32, #tpu.memory_space<hbm>>
    %dma_wait3A_100 = tpu.memref_squeeze %dma_wait3A_99 : memref<1x256xf32, #tpu.memory_space<hbm>> -> memref<256xf32, #tpu.memory_space<hbm>>
    tpu.wait_dma2 semaphore(%arg15 : memref<!tpu.dma_semaphore, #tpu.memory_space<semaphore_mem>>) src(%dma_wait3A_100 : memref<256xf32, #tpu.memory_space<hbm>>) dst(%arg11 : memref<256xf32, #tpu.memory_space<vmem>>)
    %dma_wait3A_101 = arith.constant 6 : i32
    %dma_wait3A_102 = arith.constant 0 : i32
    %dma_wait3A_103 = tpu.memref_slice %arg3[%dma_wait3A_101, %dma_wait3A_102] : memref<8x256xf32, #tpu.memory_space<hbm>> -> memref<1x256xf32, #tpu.memory_space<hbm>>
    %dma_wait3A_104 = tpu.memref_squeeze %dma_wait3A_103 : memref<1x256xf32, #tpu.memory_space<hbm>> -> memref<256xf32, #tpu.memory_space<hbm>>
    %dma_wait3A_105 = arith.constant 0 : i32
    %dma_wait3A_106 = tpu.memref_slice %arg3[%dma_wait3A_101, %dma_wait3A_105] : memref<8x256xf32, #tpu.memory_space<hbm>> -> memref<1x256xf32, #tpu.memory_space<hbm>>
    %dma_wait3A_107 = tpu.memref_squeeze %dma_wait3A_106 : memref<1x256xf32, #tpu.memory_space<hbm>> -> memref<256xf32, #tpu.memory_space<hbm>>
    tpu.wait_dma2 semaphore(%arg15 : memref<!tpu.dma_semaphore, #tpu.memory_space<semaphore_mem>>) src(%dma_wait3A_107 : memref<256xf32, #tpu.memory_space<hbm>>) dst(%arg12 : memref<256xf32, #tpu.memory_space<vmem>>)
    %dma_wait3A_108 = arith.constant 7 : i32
    %dma_wait3A_109 = arith.constant 0 : i32
    %dma_wait3A_110 = tpu.memref_slice %arg3[%dma_wait3A_108, %dma_wait3A_109] : memref<8x256xf32, #tpu.memory_space<hbm>> -> memref<1x256xf32, #tpu.memory_space<hbm>>
    %dma_wait3A_111 = tpu.memref_squeeze %dma_wait3A_110 : memref<1x256xf32, #tpu.memory_space<hbm>> -> memref<256xf32, #tpu.memory_space<hbm>>
    %dma_wait3A_112 = arith.constant 0 : i32
    %dma_wait3A_113 = tpu.memref_slice %arg3[%dma_wait3A_108, %dma_wait3A_112] : memref<8x256xf32, #tpu.memory_space<hbm>> -> memref<1x256xf32, #tpu.memory_space<hbm>>
    %dma_wait3A_114 = tpu.memref_squeeze %dma_wait3A_113 : memref<1x256xf32, #tpu.memory_space<hbm>> -> memref<256xf32, #tpu.memory_space<hbm>>
    tpu.wait_dma2 semaphore(%arg15 : memref<!tpu.dma_semaphore, #tpu.memory_space<semaphore_mem>>) src(%dma_wait3A_114 : memref<256xf32, #tpu.memory_space<hbm>>) dst(%arg13 : memref<256xf32, #tpu.memory_space<vmem>>)
    %dma_wait3A_115 = tpu.memref_slice %arg2[%multiple_of3A] : memref<163840xi32, #tpu.memory_space<hbm>> -> memref<5120xi32, #tpu.memory_space<hbm>>
    %dma_wait3A_116 = tpu.memref_slice %arg2[%multiple_of3A] : memref<163840xi32, #tpu.memory_space<hbm>> -> memref<5120xi32, #tpu.memory_space<hbm>>
    tpu.wait_dma2 semaphore(%arg15 : memref<!tpu.dma_semaphore, #tpu.memory_space<semaphore_mem>>) src(%dma_wait3A_116 : memref<5120xi32, #tpu.memory_space<hbm>>) dst(%arg5 : memref<5120xi32, #tpu.memory_space<vmem>>)
    %scan3A = arith.constant 0 : i32
    %scan3A_117 = arith.constant 0 : i32
    %scan3A_118 = arith.constant 5 : i32
    %scan3A_119 = arith.addi %scan3A_117, %scan3A_118 : i32
    %scan3A_120 = arith.constant 1 : i32
    scf.for %scan3A_122 = %scan3A_117 to %scan3A_119 step %scan3A_120  : i32 {
      %scan3A_123 = arith.constant 0 : i32
      %scan3A_124 = arith.constant 0 : i32
      %scan3A_125 = arith.constant 64 : i32
      %scan3A_126 = arith.addi %scan3A_124, %scan3A_125 : i32
      %scan3A_127 = arith.constant 8 : i32
      scf.for %scan3A_133 = %scan3A_124 to %scan3A_126 step %scan3A_127  : i32 {
        %mul3A_134 = arith.constant 1024 : i32
        %mul3A_135 = arith.muli %scan3A_122, %mul3A_134 : i32
        %mul3A_136 = arith.constant 16 : i32
        %mul3A_137 = arith.muli %scan3A_133, %mul3A_136 : i32
        %add3A_138 = arith.addi %mul3A_135, %mul3A_137 : i32
        %multiple_of3A_139 = tpu.assume_multiple %add3A_138, 8 : i32
        %get3A = arith.index_cast %multiple_of3A_139 : i32 to index
        %get3A_140 = tpu.vector_load %arg5[%get3A] {strides = array<i32>} : memref<5120xi32, #tpu.memory_space<vmem>>, vector<16xi32>,
        %mul3A_141 = arith.constant 16 : i32
        %mul3A_142 = arith.muli %scan3A_133, %mul3A_141 : i32
        %multiple_of3A_143 = tpu.assume_multiple %mul3A_142, 8 : i32
        %gather3A = tpu.vector_load_idx %arg6[%get3A_140] : memref<256xf32, #tpu.memory_space<vmem>>[vector<16xi32>], vector<16xf32>,
        %swap3A = arith.constant 0 : i32
        %swap3A_144 = arith.index_cast %swap3A : i32 to index
        %swap3A_145 = arith.index_cast %multiple_of3A_143 : i32 to index
        %swap3A_146 = tpu.vector_load %arg14[%swap3A_144, %swap3A_145] {strides = array<i32>} : memref<8x1024xf32, #tpu.memory_space<vmem>>, vector<16xf32>,
        tpu.vector_store %arg14[%swap3A_144, %swap3A_145], %gather3A {strides = array<i32>} : memref<8x1024xf32, #tpu.memory_space<vmem>>, vector<16xf32>,
        %gather3A_147 = tpu.vector_load_idx %arg7[%get3A_140] : memref<256xf32, #tpu.memory_space<vmem>>[vector<16xi32>], vector<16xf32>,
        %swap3A_148 = arith.constant 1 : i32
        %swap3A_149 = arith.index_cast %swap3A_148 : i32 to index
        %swap3A_150 = arith.index_cast %multiple_of3A_143 : i32 to index
        %swap3A_151 = tpu.vector_load %arg14[%swap3A_149, %swap3A_150] {strides = array<i32>} : memref<8x1024xf32, #tpu.memory_space<vmem>>, vector<16xf32>,
        tpu.vector_store %arg14[%swap3A_149, %swap3A_150], %gather3A_147 {strides = array<i32>} : memref<8x1024xf32, #tpu.memory_space<vmem>>, vector<16xf32>,
        %gather3A_152 = tpu.vector_load_idx %arg8[%get3A_140] : memref<256xf32, #tpu.memory_space<vmem>>[vector<16xi32>], vector<16xf32>,
        %swap3A_153 = arith.constant 2 : i32
        %swap3A_154 = arith.index_cast %swap3A_153 : i32 to index
        %swap3A_155 = arith.index_cast %multiple_of3A_143 : i32 to index
        %swap3A_156 = tpu.vector_load %arg14[%swap3A_154, %swap3A_155] {strides = array<i32>} : memref<8x1024xf32, #tpu.memory_space<vmem>>, vector<16xf32>,
        tpu.vector_store %arg14[%swap3A_154, %swap3A_155], %gather3A_152 {strides = array<i32>} : memref<8x1024xf32, #tpu.memory_space<vmem>>, vector<16xf32>,
        %gather3A_157 = tpu.vector_load_idx %arg9[%get3A_140] : memref<256xf32, #tpu.memory_space<vmem>>[vector<16xi32>], vector<16xf32>,
        %swap3A_158 = arith.constant 3 : i32
        %swap3A_159 = arith.index_cast %swap3A_158 : i32 to index
        %swap3A_160 = arith.index_cast %multiple_of3A_143 : i32 to index
        %swap3A_161 = tpu.vector_load %arg14[%swap3A_159, %swap3A_160] {strides = array<i32>} : memref<8x1024xf32, #tpu.memory_space<vmem>>, vector<16xf32>,
        tpu.vector_store %arg14[%swap3A_159, %swap3A_160], %gather3A_157 {strides = array<i32>} : memref<8x1024xf32, #tpu.memory_space<vmem>>, vector<16xf32>,
        %gather3A_162 = tpu.vector_load_idx %arg10[%get3A_140] : memref<256xf32, #tpu.memory_space<vmem>>[vector<16xi32>], vector<16xf32>,
        %swap3A_163 = arith.constant 4 : i32
        %swap3A_164 = arith.index_cast %swap3A_163 : i32 to index
        %swap3A_165 = arith.index_cast %multiple_of3A_143 : i32 to index
        %swap3A_166 = tpu.vector_load %arg14[%swap3A_164, %swap3A_165] {strides = array<i32>} : memref<8x1024xf32, #tpu.memory_space<vmem>>, vector<16xf32>,
        tpu.vector_store %arg14[%swap3A_164, %swap3A_165], %gather3A_162 {strides = array<i32>} : memref<8x1024xf32, #tpu.memory_space<vmem>>, vector<16xf32>,
        %gather3A_167 = tpu.vector_load_idx %arg11[%get3A_140] : memref<256xf32, #tpu.memory_space<vmem>>[vector<16xi32>], vector<16xf32>,
        %swap3A_168 = arith.constant 5 : i32
        %swap3A_169 = arith.index_cast %swap3A_168 : i32 to index
        %swap3A_170 = arith.index_cast %multiple_of3A_143 : i32 to index
        %swap3A_171 = tpu.vector_load %arg14[%swap3A_169, %swap3A_170] {strides = array<i32>} : memref<8x1024xf32, #tpu.memory_space<vmem>>, vector<16xf32>,
        tpu.vector_store %arg14[%swap3A_169, %swap3A_170], %gather3A_167 {strides = array<i32>} : memref<8x1024xf32, #tpu.memory_space<vmem>>, vector<16xf32>,
        %gather3A_172 = tpu.vector_load_idx %arg12[%get3A_140] : memref<256xf32, #tpu.memory_space<vmem>>[vector<16xi32>], vector<16xf32>,
        %swap3A_173 = arith.constant 6 : i32
        %swap3A_174 = arith.index_cast %swap3A_173 : i32 to index
        %swap3A_175 = arith.index_cast %multiple_of3A_143 : i32 to index
        %swap3A_176 = tpu.vector_load %arg14[%swap3A_174, %swap3A_175] {strides = array<i32>} : memref<8x1024xf32, #tpu.memory_space<vmem>>, vector<16xf32>,
        tpu.vector_store %arg14[%swap3A_174, %swap3A_175], %gather3A_172 {strides = array<i32>} : memref<8x1024xf32, #tpu.memory_space<vmem>>, vector<16xf32>,
        %gather3A_177 = tpu.vector_load_idx %arg13[%get3A_140] : memref<256xf32, #tpu.memory_space<vmem>>[vector<16xi32>], vector<16xf32>,
        %swap3A_178 = arith.constant 7 : i32
        %swap3A_179 = arith.index_cast %swap3A_178 : i32 to index
        %swap3A_180 = arith.index_cast %multiple_of3A_143 : i32 to index
        %swap3A_181 = tpu.vector_load %arg14[%swap3A_179, %swap3A_180] {strides = array<i32>} : memref<8x1024xf32, #tpu.memory_space<vmem>>, vector<16xf32>,
        tpu.vector_store %arg14[%swap3A_179, %swap3A_180], %gather3A_177 {strides = array<i32>} : memref<8x1024xf32, #tpu.memory_space<vmem>>, vector<16xf32>,
        %scan3A_182 = arith.constant 1 : i32
        %scan3A_183 = arith.addi %scan3A_133, %scan3A_182 : i32
        %mul3A_184 = arith.constant 1024 : i32
        %mul3A_185 = arith.muli %scan3A_122, %mul3A_184 : i32
        %mul3A_186 = arith.constant 16 : i32
        %mul3A_187 = arith.muli %scan3A_183, %mul3A_186 : i32
        %add3A_188 = arith.addi %mul3A_185, %mul3A_187 : i32
        %multiple_of3A_189 = tpu.assume_multiple %add3A_188, 8 : i32
        %get3A_190 = arith.index_cast %multiple_of3A_189 : i32 to index
        %get3A_191 = tpu.vector_load %arg5[%get3A_190] {strides = array<i32>} : memref<5120xi32, #tpu.memory_space<vmem>>, vector<16xi32>,
        %mul3A_192 = arith.constant 16 : i32
        %mul3A_193 = arith.muli %scan3A_183, %mul3A_192 : i32
        %multiple_of3A_194 = tpu.assume_multiple %mul3A_193, 8 : i32
        %gather3A_195 = tpu.vector_load_idx %arg6[%get3A_191] : memref<256xf32, #tpu.memory_space<vmem>>[vector<16xi32>], vector<16xf32>,
        %swap3A_196 = arith.constant 0 : i32
        %swap3A_197 = arith.index_cast %swap3A_196 : i32 to index
        %swap3A_198 = arith.index_cast %multiple_of3A_194 : i32 to index
        %swap3A_199 = tpu.vector_load %arg14[%swap3A_197, %swap3A_198] {strides = array<i32>} : memref<8x1024xf32, #tpu.memory_space<vmem>>, vector<16xf32>,
        tpu.vector_store %arg14[%swap3A_197, %swap3A_198], %gather3A_195 {strides = array<i32>} : memref<8x1024xf32, #tpu.memory_space<vmem>>, vector<16xf32>,
        %gather3A_200 = tpu.vector_load_idx %arg7[%get3A_191] : memref<256xf32, #tpu.memory_space<vmem>>[vector<16xi32>], vector<16xf32>,
        %swap3A_201 = arith.constant 1 : i32
        %swap3A_202 = arith.index_cast %swap3A_201 : i32 to index
        %swap3A_203 = arith.index_cast %multiple_of3A_194 : i32 to index
        %swap3A_204 = tpu.vector_load %arg14[%swap3A_202, %swap3A_203] {strides = array<i32>} : memref<8x1024xf32, #tpu.memory_space<vmem>>, vector<16xf32>,
        tpu.vector_store %arg14[%swap3A_202, %swap3A_203], %gather3A_200 {strides = array<i32>} : memref<8x1024xf32, #tpu.memory_space<vmem>>, vector<16xf32>,
        %gather3A_205 = tpu.vector_load_idx %arg8[%get3A_191] : memref<256xf32, #tpu.memory_space<vmem>>[vector<16xi32>], vector<16xf32>,
        %swap3A_206 = arith.constant 2 : i32
        %swap3A_207 = arith.index_cast %swap3A_206 : i32 to index
        %swap3A_208 = arith.index_cast %multiple_of3A_194 : i32 to index
        %swap3A_209 = tpu.vector_load %arg14[%swap3A_207, %swap3A_208] {strides = array<i32>} : memref<8x1024xf32, #tpu.memory_space<vmem>>, vector<16xf32>,
        tpu.vector_store %arg14[%swap3A_207, %swap3A_208], %gather3A_205 {strides = array<i32>} : memref<8x1024xf32, #tpu.memory_space<vmem>>, vector<16xf32>,
        %gather3A_210 = tpu.vector_load_idx %arg9[%get3A_191] : memref<256xf32, #tpu.memory_space<vmem>>[vector<16xi32>], vector<16xf32>,
        %swap3A_211 = arith.constant 3 : i32
        %swap3A_212 = arith.index_cast %swap3A_211 : i32 to index
        %swap3A_213 = arith.index_cast %multiple_of3A_194 : i32 to index
        %swap3A_214 = tpu.vector_load %arg14[%swap3A_212, %swap3A_213] {strides = array<i32>} : memref<8x1024xf32, #tpu.memory_space<vmem>>, vector<16xf32>,
        tpu.vector_store %arg14[%swap3A_212, %swap3A_213], %gather3A_210 {strides = array<i32>} : memref<8x1024xf32, #tpu.memory_space<vmem>>, vector<16xf32>,
        %gather3A_215 = tpu.vector_load_idx %arg10[%get3A_191] : memref<256xf32, #tpu.memory_space<vmem>>[vector<16xi32>], vector<16xf32>,
        %swap3A_216 = arith.constant 4 : i32
        %swap3A_217 = arith.index_cast %swap3A_216 : i32 to index
        %swap3A_218 = arith.index_cast %multiple_of3A_194 : i32 to index
        %swap3A_219 = tpu.vector_load %arg14[%swap3A_217, %swap3A_218] {strides = array<i32>} : memref<8x1024xf32, #tpu.memory_space<vmem>>, vector<16xf32>,
        tpu.vector_store %arg14[%swap3A_217, %swap3A_218], %gather3A_215 {strides = array<i32>} : memref<8x1024xf32, #tpu.memory_space<vmem>>, vector<16xf32>,
        %gather3A_220 = tpu.vector_load_idx %arg11[%get3A_191] : memref<256xf32, #tpu.memory_space<vmem>>[vector<16xi32>], vector<16xf32>,
        %swap3A_221 = arith.constant 5 : i32
        %swap3A_222 = arith.index_cast %swap3A_221 : i32 to index
        %swap3A_223 = arith.index_cast %multiple_of3A_194 : i32 to index
        %swap3A_224 = tpu.vector_load %arg14[%swap3A_222, %swap3A_223] {strides = array<i32>} : memref<8x1024xf32, #tpu.memory_space<vmem>>, vector<16xf32>,
        tpu.vector_store %arg14[%swap3A_222, %swap3A_223], %gather3A_220 {strides = array<i32>} : memref<8x1024xf32, #tpu.memory_space<vmem>>, vector<16xf32>,
        %gather3A_225 = tpu.vector_load_idx %arg12[%get3A_191] : memref<256xf32, #tpu.memory_space<vmem>>[vector<16xi32>], vector<16xf32>,
        %swap3A_226 = arith.constant 6 : i32
        %swap3A_227 = arith.index_cast %swap3A_226 : i32 to index
        %swap3A_228 = arith.index_cast %multiple_of3A_194 : i32 to index
        %swap3A_229 = tpu.vector_load %arg14[%swap3A_227, %swap3A_228] {strides = array<i32>} : memref<8x1024xf32, #tpu.memory_space<vmem>>, vector<16xf32>,
        tpu.vector_store %arg14[%swap3A_227, %swap3A_228], %gather3A_225 {strides = array<i32>} : memref<8x1024xf32, #tpu.memory_space<vmem>>, vector<16xf32>,
        %gather3A_230 = tpu.vector_load_idx %arg13[%get3A_191] : memref<256xf32, #tpu.memory_space<vmem>>[vector<16xi32>], vector<16xf32>,
        %swap3A_231 = arith.constant 7 : i32
        %swap3A_232 = arith.index_cast %swap3A_231 : i32 to index
        %swap3A_233 = arith.index_cast %multiple_of3A_194 : i32 to index
        %swap3A_234 = tpu.vector_load %arg14[%swap3A_232, %swap3A_233] {strides = array<i32>} : memref<8x1024xf32, #tpu.memory_space<vmem>>, vector<16xf32>,
        tpu.vector_store %arg14[%swap3A_232, %swap3A_233], %gather3A_230 {strides = array<i32>} : memref<8x1024xf32, #tpu.memory_space<vmem>>, vector<16xf32>,
        %scan3A_235 = arith.constant 2 : i32
        %scan3A_236 = arith.addi %scan3A_133, %scan3A_235 : i32
        %mul3A_237 = arith.constant 1024 : i32
        %mul3A_238 = arith.muli %scan3A_122, %mul3A_237 : i32
        %mul3A_239 = arith.constant 16 : i32
        %mul3A_240 = arith.muli %scan3A_236, %mul3A_239 : i32
        %add3A_241 = arith.addi %mul3A_238, %mul3A_240 : i32
        %multiple_of3A_242 = tpu.assume_multiple %add3A_241, 8 : i32
        %get3A_243 = arith.index_cast %multiple_of3A_242 : i32 to index
        %get3A_244 = tpu.vector_load %arg5[%get3A_243] {strides = array<i32>} : memref<5120xi32, #tpu.memory_space<vmem>>, vector<16xi32>,
        %mul3A_245 = arith.constant 16 : i32
        %mul3A_246 = arith.muli %scan3A_236, %mul3A_245 : i32
        %multiple_of3A_247 = tpu.assume_multiple %mul3A_246, 8 : i32
        %gather3A_248 = tpu.vector_load_idx %arg6[%get3A_244] : memref<256xf32, #tpu.memory_space<vmem>>[vector<16xi32>], vector<16xf32>,
        %swap3A_249 = arith.constant 0 : i32
        %swap3A_250 = arith.index_cast %swap3A_249 : i32 to index
        %swap3A_251 = arith.index_cast %multiple_of3A_247 : i32 to index
        %swap3A_252 = tpu.vector_load %arg14[%swap3A_250, %swap3A_251] {strides = array<i32>} : memref<8x1024xf32, #tpu.memory_space<vmem>>, vector<16xf32>,
        tpu.vector_store %arg14[%swap3A_250, %swap3A_251], %gather3A_248 {strides = array<i32>} : memref<8x1024xf32, #tpu.memory_space<vmem>>, vector<16xf32>,
        %gather3A_253 = tpu.vector_load_idx %arg7[%get3A_244] : memref<256xf32, #tpu.memory_space<vmem>>[vector<16xi32>], vector<16xf32>,
        %swap3A_254 = arith.constant 1 : i32
        %swap3A_255 = arith.index_cast %swap3A_254 : i32 to index
        %swap3A_256 = arith.index_cast %multiple_of3A_247 : i32 to index
        %swap3A_257 = tpu.vector_load %arg14[%swap3A_255, %swap3A_256] {strides = array<i32>} : memref<8x1024xf32, #tpu.memory_space<vmem>>, vector<16xf32>,
        tpu.vector_store %arg14[%swap3A_255, %swap3A_256], %gather3A_253 {strides = array<i32>} : memref<8x1024xf32, #tpu.memory_space<vmem>>, vector<16xf32>,
        %gather3A_258 = tpu.vector_load_idx %arg8[%get3A_244] : memref<256xf32, #tpu.memory_space<vmem>>[vector<16xi32>], vector<16xf32>,
        %swap3A_259 = arith.constant 2 : i32
        %swap3A_260 = arith.index_cast %swap3A_259 : i32 to index
        %swap3A_261 = arith.index_cast %multiple_of3A_247 : i32 to index
        %swap3A_262 = tpu.vector_load %arg14[%swap3A_260, %swap3A_261] {strides = array<i32>} : memref<8x1024xf32, #tpu.memory_space<vmem>>, vector<16xf32>,
        tpu.vector_store %arg14[%swap3A_260, %swap3A_261], %gather3A_258 {strides = array<i32>} : memref<8x1024xf32, #tpu.memory_space<vmem>>, vector<16xf32>,
        %gather3A_263 = tpu.vector_load_idx %arg9[%get3A_244] : memref<256xf32, #tpu.memory_space<vmem>>[vector<16xi32>], vector<16xf32>,
        %swap3A_264 = arith.constant 3 : i32
        %swap3A_265 = arith.index_cast %swap3A_264 : i32 to index
        %swap3A_266 = arith.index_cast %multiple_of3A_247 : i32 to index
        %swap3A_267 = tpu.vector_load %arg14[%swap3A_265, %swap3A_266] {strides = array<i32>} : memref<8x1024xf32, #tpu.memory_space<vmem>>, vector<16xf32>,
        tpu.vector_store %arg14[%swap3A_265, %swap3A_266], %gather3A_263 {strides = array<i32>} : memref<8x1024xf32, #tpu.memory_space<vmem>>, vector<16xf32>,
        %gather3A_268 = tpu.vector_load_idx %arg10[%get3A_244] : memref<256xf32, #tpu.memory_space<vmem>>[vector<16xi32>], vector<16xf32>,
        %swap3A_269 = arith.constant 4 : i32
        %swap3A_270 = arith.index_cast %swap3A_269 : i32 to index
        %swap3A_271 = arith.index_cast %multiple_of3A_247 : i32 to index
        %swap3A_272 = tpu.vector_load %arg14[%swap3A_270, %swap3A_271] {strides = array<i32>} : memref<8x1024xf32, #tpu.memory_space<vmem>>, vector<16xf32>,
        tpu.vector_store %arg14[%swap3A_270, %swap3A_271], %gather3A_268 {strides = array<i32>} : memref<8x1024xf32, #tpu.memory_space<vmem>>, vector<16xf32>,
        %gather3A_273 = tpu.vector_load_idx %arg11[%get3A_244] : memref<256xf32, #tpu.memory_space<vmem>>[vector<16xi32>], vector<16xf32>,
        %swap3A_274 = arith.constant 5 : i32
        %swap3A_275 = arith.index_cast %swap3A_274 : i32 to index
        %swap3A_276 = arith.index_cast %multiple_of3A_247 : i32 to index
        %swap3A_277 = tpu.vector_load %arg14[%swap3A_275, %swap3A_276] {strides = array<i32>} : memref<8x1024xf32, #tpu.memory_space<vmem>>, vector<16xf32>,
        tpu.vector_store %arg14[%swap3A_275, %swap3A_276], %gather3A_273 {strides = array<i32>} : memref<8x1024xf32, #tpu.memory_space<vmem>>, vector<16xf32>,
        %gather3A_278 = tpu.vector_load_idx %arg12[%get3A_244] : memref<256xf32, #tpu.memory_space<vmem>>[vector<16xi32>], vector<16xf32>,
        %swap3A_279 = arith.constant 6 : i32
        %swap3A_280 = arith.index_cast %swap3A_279 : i32 to index
        %swap3A_281 = arith.index_cast %multiple_of3A_247 : i32 to index
        %swap3A_282 = tpu.vector_load %arg14[%swap3A_280, %swap3A_281] {strides = array<i32>} : memref<8x1024xf32, #tpu.memory_space<vmem>>, vector<16xf32>,
        tpu.vector_store %arg14[%swap3A_280, %swap3A_281], %gather3A_278 {strides = array<i32>} : memref<8x1024xf32, #tpu.memory_space<vmem>>, vector<16xf32>,
        %gather3A_283 = tpu.vector_load_idx %arg13[%get3A_244] : memref<256xf32, #tpu.memory_space<vmem>>[vector<16xi32>], vector<16xf32>,
        %swap3A_284 = arith.constant 7 : i32
        %swap3A_285 = arith.index_cast %swap3A_284 : i32 to index
        %swap3A_286 = arith.index_cast %multiple_of3A_247 : i32 to index
        %swap3A_287 = tpu.vector_load %arg14[%swap3A_285, %swap3A_286] {strides = array<i32>} : memref<8x1024xf32, #tpu.memory_space<vmem>>, vector<16xf32>,
        tpu.vector_store %arg14[%swap3A_285, %swap3A_286], %gather3A_283 {strides = array<i32>} : memref<8x1024xf32, #tpu.memory_space<vmem>>, vector<16xf32>,
        %scan3A_288 = arith.constant 3 : i32
        %scan3A_289 = arith.addi %scan3A_133, %scan3A_288 : i32
        %mul3A_290 = arith.constant 1024 : i32
        %mul3A_291 = arith.muli %scan3A_122, %mul3A_290 : i32
        %mul3A_292 = arith.constant 16 : i32
        %mul3A_293 = arith.muli %scan3A_289, %mul3A_292 : i32
        %add3A_294 = arith.addi %mul3A_291, %mul3A_293 : i32
        %multiple_of3A_295 = tpu.assume_multiple %add3A_294, 8 : i32
        %get3A_296 = arith.index_cast %multiple_of3A_295 : i32 to index
        %get3A_297 = tpu.vector_load %arg5[%get3A_296] {strides = array<i32>} : memref<5120xi32, #tpu.memory_space<vmem>>, vector<16xi32>,
        %mul3A_298 = arith.constant 16 : i32
        %mul3A_299 = arith.muli %scan3A_289, %mul3A_298 : i32
        %multiple_of3A_300 = tpu.assume_multiple %mul3A_299, 8 : i32
        %gather3A_301 = tpu.vector_load_idx %arg6[%get3A_297] : memref<256xf32, #tpu.memory_space<vmem>>[vector<16xi32>], vector<16xf32>,
        %swap3A_302 = arith.constant 0 : i32
        %swap3A_303 = arith.index_cast %swap3A_302 : i32 to index
        %swap3A_304 = arith.index_cast %multiple_of3A_300 : i32 to index
        %swap3A_305 = tpu.vector_load %arg14[%swap3A_303, %swap3A_304] {strides = array<i32>} : memref<8x1024xf32, #tpu.memory_space<vmem>>, vector<16xf32>,
        tpu.vector_store %arg14[%swap3A_303, %swap3A_304], %gather3A_301 {strides = array<i32>} : memref<8x1024xf32, #tpu.memory_space<vmem>>, vector<16xf32>,
        %gather3A_306 = tpu.vector_load_idx %arg7[%get3A_297] : memref<256xf32, #tpu.memory_space<vmem>>[vector<16xi32>], vector<16xf32>,
        %swap3A_307 = arith.constant 1 : i32
        %swap3A_308 = arith.index_cast %swap3A_307 : i32 to index
        %swap3A_309 = arith.index_cast %multiple_of3A_300 : i32 to index
        %swap3A_310 = tpu.vector_load %arg14[%swap3A_308, %swap3A_309] {strides = array<i32>} : memref<8x1024xf32, #tpu.memory_space<vmem>>, vector<16xf32>,
        tpu.vector_store %arg14[%swap3A_308, %swap3A_309], %gather3A_306 {strides = array<i32>} : memref<8x1024xf32, #tpu.memory_space<vmem>>, vector<16xf32>,
        %gather3A_311 = tpu.vector_load_idx %arg8[%get3A_297] : memref<256xf32, #tpu.memory_space<vmem>>[vector<16xi32>], vector<16xf32>,
        %swap3A_312 = arith.constant 2 : i32
        %swap3A_313 = arith.index_cast %swap3A_312 : i32 to index
        %swap3A_314 = arith.index_cast %multiple_of3A_300 : i32 to index
        %swap3A_315 = tpu.vector_load %arg14[%swap3A_313, %swap3A_314] {strides = array<i32>} : memref<8x1024xf32, #tpu.memory_space<vmem>>, vector<16xf32>,
        tpu.vector_store %arg14[%swap3A_313, %swap3A_314], %gather3A_311 {strides = array<i32>} : memref<8x1024xf32, #tpu.memory_space<vmem>>, vector<16xf32>,
        %gather3A_316 = tpu.vector_load_idx %arg9[%get3A_297] : memref<256xf32, #tpu.memory_space<vmem>>[vector<16xi32>], vector<16xf32>,
        %swap3A_317 = arith.constant 3 : i32
        %swap3A_318 = arith.index_cast %swap3A_317 : i32 to index
        %swap3A_319 = arith.index_cast %multiple_of3A_300 : i32 to index
        %swap3A_320 = tpu.vector_load %arg14[%swap3A_318, %swap3A_319] {strides = array<i32>} : memref<8x1024xf32, #tpu.memory_space<vmem>>, vector<16xf32>,
        tpu.vector_store %arg14[%swap3A_318, %swap3A_319], %gather3A_316 {strides = array<i32>} : memref<8x1024xf32, #tpu.memory_space<vmem>>, vector<16xf32>,
        %gather3A_321 = tpu.vector_load_idx %arg10[%get3A_297] : memref<256xf32, #tpu.memory_space<vmem>>[vector<16xi32>], vector<16xf32>,
        %swap3A_322 = arith.constant 4 : i32
        %swap3A_323 = arith.index_cast %swap3A_322 : i32 to index
        %swap3A_324 = arith.index_cast %multiple_of3A_300 : i32 to index
        %swap3A_325 = tpu.vector_load %arg14[%swap3A_323, %swap3A_324] {strides = array<i32>} : memref<8x1024xf32, #tpu.memory_space<vmem>>, vector<16xf32>,
        tpu.vector_store %arg14[%swap3A_323, %swap3A_324], %gather3A_321 {strides = array<i32>} : memref<8x1024xf32, #tpu.memory_space<vmem>>, vector<16xf32>,
        %gather3A_326 = tpu.vector_load_idx %arg11[%get3A_297] : memref<256xf32, #tpu.memory_space<vmem>>[vector<16xi32>], vector<16xf32>,
        %swap3A_327 = arith.constant 5 : i32
        %swap3A_328 = arith.index_cast %swap3A_327 : i32 to index
        %swap3A_329 = arith.index_cast %multiple_of3A_300 : i32 to index
        %swap3A_330 = tpu.vector_load %arg14[%swap3A_328, %swap3A_329] {strides = array<i32>} : memref<8x1024xf32, #tpu.memory_space<vmem>>, vector<16xf32>,
        tpu.vector_store %arg14[%swap3A_328, %swap3A_329], %gather3A_326 {strides = array<i32>} : memref<8x1024xf32, #tpu.memory_space<vmem>>, vector<16xf32>,
        %gather3A_331 = tpu.vector_load_idx %arg12[%get3A_297] : memref<256xf32, #tpu.memory_space<vmem>>[vector<16xi32>], vector<16xf32>,
        %swap3A_332 = arith.constant 6 : i32
        %swap3A_333 = arith.index_cast %swap3A_332 : i32 to index
        %swap3A_334 = arith.index_cast %multiple_of3A_300 : i32 to index
        %swap3A_335 = tpu.vector_load %arg14[%swap3A_333, %swap3A_334] {strides = array<i32>} : memref<8x1024xf32, #tpu.memory_space<vmem>>, vector<16xf32>,
        tpu.vector_store %arg14[%swap3A_333, %swap3A_334], %gather3A_331 {strides = array<i32>} : memref<8x1024xf32, #tpu.memory_space<vmem>>, vector<16xf32>,
        %gather3A_336 = tpu.vector_load_idx %arg13[%get3A_297] : memref<256xf32, #tpu.memory_space<vmem>>[vector<16xi32>], vector<16xf32>,
        %swap3A_337 = arith.constant 7 : i32
        %swap3A_338 = arith.index_cast %swap3A_337 : i32 to index
        %swap3A_339 = arith.index_cast %multiple_of3A_300 : i32 to index
        %swap3A_340 = tpu.vector_load %arg14[%swap3A_338, %swap3A_339] {strides = array<i32>} : memref<8x1024xf32, #tpu.memory_space<vmem>>, vector<16xf32>,
        tpu.vector_store %arg14[%swap3A_338, %swap3A_339], %gather3A_336 {strides = array<i32>} : memref<8x1024xf32, #tpu.memory_space<vmem>>, vector<16xf32>,
        %scan3A_341 = arith.constant 4 : i32
        %scan3A_342 = arith.addi %scan3A_133, %scan3A_341 : i32
        %mul3A_343 = arith.constant 1024 : i32
        %mul3A_344 = arith.muli %scan3A_122, %mul3A_343 : i32
        %mul3A_345 = arith.constant 16 : i32
        %mul3A_346 = arith.muli %scan3A_342, %mul3A_345 : i32
        %add3A_347 = arith.addi %mul3A_344, %mul3A_346 : i32
        %multiple_of3A_348 = tpu.assume_multiple %add3A_347, 8 : i32
        %get3A_349 = arith.index_cast %multiple_of3A_348 : i32 to index
        %get3A_350 = tpu.vector_load %arg5[%get3A_349] {strides = array<i32>} : memref<5120xi32, #tpu.memory_space<vmem>>, vector<16xi32>,
        %mul3A_351 = arith.constant 16 : i32
        %mul3A_352 = arith.muli %scan3A_342, %mul3A_351 : i32
        %multiple_of3A_353 = tpu.assume_multiple %mul3A_352, 8 : i32
        %gather3A_354 = tpu.vector_load_idx %arg6[%get3A_350] : memref<256xf32, #tpu.memory_space<vmem>>[vector<16xi32>], vector<16xf32>,
        %swap3A_355 = arith.constant 0 : i32
        %swap3A_356 = arith.index_cast %swap3A_355 : i32 to index
        %swap3A_357 = arith.index_cast %multiple_of3A_353 : i32 to index
        %swap3A_358 = tpu.vector_load %arg14[%swap3A_356, %swap3A_357] {strides = array<i32>} : memref<8x1024xf32, #tpu.memory_space<vmem>>, vector<16xf32>,
        tpu.vector_store %arg14[%swap3A_356, %swap3A_357], %gather3A_354 {strides = array<i32>} : memref<8x1024xf32, #tpu.memory_space<vmem>>, vector<16xf32>,
        %gather3A_359 = tpu.vector_load_idx %arg7[%get3A_350] : memref<256xf32, #tpu.memory_space<vmem>>[vector<16xi32>], vector<16xf32>,
        %swap3A_360 = arith.constant 1 : i32
        %swap3A_361 = arith.index_cast %swap3A_360 : i32 to index
        %swap3A_362 = arith.index_cast %multiple_of3A_353 : i32 to index
        %swap3A_363 = tpu.vector_load %arg14[%swap3A_361, %swap3A_362] {strides = array<i32>} : memref<8x1024xf32, #tpu.memory_space<vmem>>, vector<16xf32>,
        tpu.vector_store %arg14[%swap3A_361, %swap3A_362], %gather3A_359 {strides = array<i32>} : memref<8x1024xf32, #tpu.memory_space<vmem>>, vector<16xf32>,
        %gather3A_364 = tpu.vector_load_idx %arg8[%get3A_350] : memref<256xf32, #tpu.memory_space<vmem>>[vector<16xi32>], vector<16xf32>,
        %swap3A_365 = arith.constant 2 : i32
        %swap3A_366 = arith.index_cast %swap3A_365 : i32 to index
        %swap3A_367 = arith.index_cast %multiple_of3A_353 : i32 to index
        %swap3A_368 = tpu.vector_load %arg14[%swap3A_366, %swap3A_367] {strides = array<i32>} : memref<8x1024xf32, #tpu.memory_space<vmem>>, vector<16xf32>,
        tpu.vector_store %arg14[%swap3A_366, %swap3A_367], %gather3A_364 {strides = array<i32>} : memref<8x1024xf32, #tpu.memory_space<vmem>>, vector<16xf32>,
        %gather3A_369 = tpu.vector_load_idx %arg9[%get3A_350] : memref<256xf32, #tpu.memory_space<vmem>>[vector<16xi32>], vector<16xf32>,
        %swap3A_370 = arith.constant 3 : i32
        %swap3A_371 = arith.index_cast %swap3A_370 : i32 to index
        %swap3A_372 = arith.index_cast %multiple_of3A_353 : i32 to index
        %swap3A_373 = tpu.vector_load %arg14[%swap3A_371, %swap3A_372] {strides = array<i32>} : memref<8x1024xf32, #tpu.memory_space<vmem>>, vector<16xf32>,
        tpu.vector_store %arg14[%swap3A_371, %swap3A_372], %gather3A_369 {strides = array<i32>} : memref<8x1024xf32, #tpu.memory_space<vmem>>, vector<16xf32>,
        %gather3A_374 = tpu.vector_load_idx %arg10[%get3A_350] : memref<256xf32, #tpu.memory_space<vmem>>[vector<16xi32>], vector<16xf32>,
        %swap3A_375 = arith.constant 4 : i32
        %swap3A_376 = arith.index_cast %swap3A_375 : i32 to index
        %swap3A_377 = arith.index_cast %multiple_of3A_353 : i32 to index
        %swap3A_378 = tpu.vector_load %arg14[%swap3A_376, %swap3A_377] {strides = array<i32>} : memref<8x1024xf32, #tpu.memory_space<vmem>>, vector<16xf32>,
        tpu.vector_store %arg14[%swap3A_376, %swap3A_377], %gather3A_374 {strides = array<i32>} : memref<8x1024xf32, #tpu.memory_space<vmem>>, vector<16xf32>,
        %gather3A_379 = tpu.vector_load_idx %arg11[%get3A_350] : memref<256xf32, #tpu.memory_space<vmem>>[vector<16xi32>], vector<16xf32>,
        %swap3A_380 = arith.constant 5 : i32
        %swap3A_381 = arith.index_cast %swap3A_380 : i32 to index
        %swap3A_382 = arith.index_cast %multiple_of3A_353 : i32 to index
        %swap3A_383 = tpu.vector_load %arg14[%swap3A_381, %swap3A_382] {strides = array<i32>} : memref<8x1024xf32, #tpu.memory_space<vmem>>, vector<16xf32>,
        tpu.vector_store %arg14[%swap3A_381, %swap3A_382], %gather3A_379 {strides = array<i32>} : memref<8x1024xf32, #tpu.memory_space<vmem>>, vector<16xf32>,
        %gather3A_384 = tpu.vector_load_idx %arg12[%get3A_350] : memref<256xf32, #tpu.memory_space<vmem>>[vector<16xi32>], vector<16xf32>,
        %swap3A_385 = arith.constant 6 : i32
        %swap3A_386 = arith.index_cast %swap3A_385 : i32 to index
        %swap3A_387 = arith.index_cast %multiple_of3A_353 : i32 to index
        %swap3A_388 = tpu.vector_load %arg14[%swap3A_386, %swap3A_387] {strides = array<i32>} : memref<8x1024xf32, #tpu.memory_space<vmem>>, vector<16xf32>,
        tpu.vector_store %arg14[%swap3A_386, %swap3A_387], %gather3A_384 {strides = array<i32>} : memref<8x1024xf32, #tpu.memory_space<vmem>>, vector<16xf32>,
        %gather3A_389 = tpu.vector_load_idx %arg13[%get3A_350] : memref<256xf32, #tpu.memory_space<vmem>>[vector<16xi32>], vector<16xf32>,
        %swap3A_390 = arith.constant 7 : i32
        %swap3A_391 = arith.index_cast %swap3A_390 : i32 to index
        %swap3A_392 = arith.index_cast %multiple_of3A_353 : i32 to index
        %swap3A_393 = tpu.vector_load %arg14[%swap3A_391, %swap3A_392] {strides = array<i32>} : memref<8x1024xf32, #tpu.memory_space<vmem>>, vector<16xf32>,
        tpu.vector_store %arg14[%swap3A_391, %swap3A_392], %gather3A_389 {strides = array<i32>} : memref<8x1024xf32, #tpu.memory_space<vmem>>, vector<16xf32>,
        %scan3A_394 = arith.constant 5 : i32
        %scan3A_395 = arith.addi %scan3A_133, %scan3A_394 : i32
        %mul3A_396 = arith.constant 1024 : i32
        %mul3A_397 = arith.muli %scan3A_122, %mul3A_396 : i32
        %mul3A_398 = arith.constant 16 : i32
        %mul3A_399 = arith.muli %scan3A_395, %mul3A_398 : i32
        %add3A_400 = arith.addi %mul3A_397, %mul3A_399 : i32
        %multiple_of3A_401 = tpu.assume_multiple %add3A_400, 8 : i32
        %get3A_402 = arith.index_cast %multiple_of3A_401 : i32 to index
        %get3A_403 = tpu.vector_load %arg5[%get3A_402] {strides = array<i32>} : memref<5120xi32, #tpu.memory_space<vmem>>, vector<16xi32>,
        %mul3A_404 = arith.constant 16 : i32
        %mul3A_405 = arith.muli %scan3A_395, %mul3A_404 : i32
        %multiple_of3A_406 = tpu.assume_multiple %mul3A_405, 8 : i32
        %gather3A_407 = tpu.vector_load_idx %arg6[%get3A_403] : memref<256xf32, #tpu.memory_space<vmem>>[vector<16xi32>], vector<16xf32>,
        %swap3A_408 = arith.constant 0 : i32
        %swap3A_409 = arith.index_cast %swap3A_408 : i32 to index
        %swap3A_410 = arith.index_cast %multiple_of3A_406 : i32 to index
        %swap3A_411 = tpu.vector_load %arg14[%swap3A_409, %swap3A_410] {strides = array<i32>} : memref<8x1024xf32, #tpu.memory_space<vmem>>, vector<16xf32>,
        tpu.vector_store %arg14[%swap3A_409, %swap3A_410], %gather3A_407 {strides = array<i32>} : memref<8x1024xf32, #tpu.memory_space<vmem>>, vector<16xf32>,
        %gather3A_412 = tpu.vector_load_idx %arg7[%get3A_403] : memref<256xf32, #tpu.memory_space<vmem>>[vector<16xi32>], vector<16xf32>,
        %swap3A_413 = arith.constant 1 : i32
        %swap3A_414 = arith.index_cast %swap3A_413 : i32 to index
        %swap3A_415 = arith.index_cast %multiple_of3A_406 : i32 to index
        %swap3A_416 = tpu.vector_load %arg14[%swap3A_414, %swap3A_415] {strides = array<i32>} : memref<8x1024xf32, #tpu.memory_space<vmem>>, vector<16xf32>,
        tpu.vector_store %arg14[%swap3A_414, %swap3A_415], %gather3A_412 {strides = array<i32>} : memref<8x1024xf32, #tpu.memory_space<vmem>>, vector<16xf32>,
        %gather3A_417 = tpu.vector_load_idx %arg8[%get3A_403] : memref<256xf32, #tpu.memory_space<vmem>>[vector<16xi32>], vector<16xf32>,
        %swap3A_418 = arith.constant 2 : i32
        %swap3A_419 = arith.index_cast %swap3A_418 : i32 to index
        %swap3A_420 = arith.index_cast %multiple_of3A_406 : i32 to index
        %swap3A_421 = tpu.vector_load %arg14[%swap3A_419, %swap3A_420] {strides = array<i32>} : memref<8x1024xf32, #tpu.memory_space<vmem>>, vector<16xf32>,
        tpu.vector_store %arg14[%swap3A_419, %swap3A_420], %gather3A_417 {strides = array<i32>} : memref<8x1024xf32, #tpu.memory_space<vmem>>, vector<16xf32>,
        %gather3A_422 = tpu.vector_load_idx %arg9[%get3A_403] : memref<256xf32, #tpu.memory_space<vmem>>[vector<16xi32>], vector<16xf32>,
        %swap3A_423 = arith.constant 3 : i32
        %swap3A_424 = arith.index_cast %swap3A_423 : i32 to index
        %swap3A_425 = arith.index_cast %multiple_of3A_406 : i32 to index
        %swap3A_426 = tpu.vector_load %arg14[%swap3A_424, %swap3A_425] {strides = array<i32>} : memref<8x1024xf32, #tpu.memory_space<vmem>>, vector<16xf32>,
        tpu.vector_store %arg14[%swap3A_424, %swap3A_425], %gather3A_422 {strides = array<i32>} : memref<8x1024xf32, #tpu.memory_space<vmem>>, vector<16xf32>,
        %gather3A_427 = tpu.vector_load_idx %arg10[%get3A_403] : memref<256xf32, #tpu.memory_space<vmem>>[vector<16xi32>], vector<16xf32>,
        %swap3A_428 = arith.constant 4 : i32
        %swap3A_429 = arith.index_cast %swap3A_428 : i32 to index
        %swap3A_430 = arith.index_cast %multiple_of3A_406 : i32 to index
        %swap3A_431 = tpu.vector_load %arg14[%swap3A_429, %swap3A_430] {strides = array<i32>} : memref<8x1024xf32, #tpu.memory_space<vmem>>, vector<16xf32>,
        tpu.vector_store %arg14[%swap3A_429, %swap3A_430], %gather3A_427 {strides = array<i32>} : memref<8x1024xf32, #tpu.memory_space<vmem>>, vector<16xf32>,
        %gather3A_432 = tpu.vector_load_idx %arg11[%get3A_403] : memref<256xf32, #tpu.memory_space<vmem>>[vector<16xi32>], vector<16xf32>,
        %swap3A_433 = arith.constant 5 : i32
        %swap3A_434 = arith.index_cast %swap3A_433 : i32 to index
        %swap3A_435 = arith.index_cast %multiple_of3A_406 : i32 to index
        %swap3A_436 = tpu.vector_load %arg14[%swap3A_434, %swap3A_435] {strides = array<i32>} : memref<8x1024xf32, #tpu.memory_space<vmem>>, vector<16xf32>,
        tpu.vector_store %arg14[%swap3A_434, %swap3A_435], %gather3A_432 {strides = array<i32>} : memref<8x1024xf32, #tpu.memory_space<vmem>>, vector<16xf32>,
        %gather3A_437 = tpu.vector_load_idx %arg12[%get3A_403] : memref<256xf32, #tpu.memory_space<vmem>>[vector<16xi32>], vector<16xf32>,
        %swap3A_438 = arith.constant 6 : i32
        %swap3A_439 = arith.index_cast %swap3A_438 : i32 to index
        %swap3A_440 = arith.index_cast %multiple_of3A_406 : i32 to index
        %swap3A_441 = tpu.vector_load %arg14[%swap3A_439, %swap3A_440] {strides = array<i32>} : memref<8x1024xf32, #tpu.memory_space<vmem>>, vector<16xf32>,
        tpu.vector_store %arg14[%swap3A_439, %swap3A_440], %gather3A_437 {strides = array<i32>} : memref<8x1024xf32, #tpu.memory_space<vmem>>, vector<16xf32>,
        %gather3A_442 = tpu.vector_load_idx %arg13[%get3A_403] : memref<256xf32, #tpu.memory_space<vmem>>[vector<16xi32>], vector<16xf32>,
        %swap3A_443 = arith.constant 7 : i32
        %swap3A_444 = arith.index_cast %swap3A_443 : i32 to index
        %swap3A_445 = arith.index_cast %multiple_of3A_406 : i32 to index
        %swap3A_446 = tpu.vector_load %arg14[%swap3A_444, %swap3A_445] {strides = array<i32>} : memref<8x1024xf32, #tpu.memory_space<vmem>>, vector<16xf32>,
        tpu.vector_store %arg14[%swap3A_444, %swap3A_445], %gather3A_442 {strides = array<i32>} : memref<8x1024xf32, #tpu.memory_space<vmem>>, vector<16xf32>,
        %scan3A_447 = arith.constant 6 : i32
        %scan3A_448 = arith.addi %scan3A_133, %scan3A_447 : i32
        %mul3A_449 = arith.constant 1024 : i32
        %mul3A_450 = arith.muli %scan3A_122, %mul3A_449 : i32
        %mul3A_451 = arith.constant 16 : i32
        %mul3A_452 = arith.muli %scan3A_448, %mul3A_451 : i32
        %add3A_453 = arith.addi %mul3A_450, %mul3A_452 : i32
        %multiple_of3A_454 = tpu.assume_multiple %add3A_453, 8 : i32
        %get3A_455 = arith.index_cast %multiple_of3A_454 : i32 to index
        %get3A_456 = tpu.vector_load %arg5[%get3A_455] {strides = array<i32>} : memref<5120xi32, #tpu.memory_space<vmem>>, vector<16xi32>,
        %mul3A_457 = arith.constant 16 : i32
        %mul3A_458 = arith.muli %scan3A_448, %mul3A_457 : i32
        %multiple_of3A_459 = tpu.assume_multiple %mul3A_458, 8 : i32
        %gather3A_460 = tpu.vector_load_idx %arg6[%get3A_456] : memref<256xf32, #tpu.memory_space<vmem>>[vector<16xi32>], vector<16xf32>,
        %swap3A_461 = arith.constant 0 : i32
        %swap3A_462 = arith.index_cast %swap3A_461 : i32 to index
        %swap3A_463 = arith.index_cast %multiple_of3A_459 : i32 to index
        %swap3A_464 = tpu.vector_load %arg14[%swap3A_462, %swap3A_463] {strides = array<i32>} : memref<8x1024xf32, #tpu.memory_space<vmem>>, vector<16xf32>,
        tpu.vector_store %arg14[%swap3A_462, %swap3A_463], %gather3A_460 {strides = array<i32>} : memref<8x1024xf32, #tpu.memory_space<vmem>>, vector<16xf32>,
        %gather3A_465 = tpu.vector_load_idx %arg7[%get3A_456] : memref<256xf32, #tpu.memory_space<vmem>>[vector<16xi32>], vector<16xf32>,
        %swap3A_466 = arith.constant 1 : i32
        %swap3A_467 = arith.index_cast %swap3A_466 : i32 to index
        %swap3A_468 = arith.index_cast %multiple_of3A_459 : i32 to index
        %swap3A_469 = tpu.vector_load %arg14[%swap3A_467, %swap3A_468] {strides = array<i32>} : memref<8x1024xf32, #tpu.memory_space<vmem>>, vector<16xf32>,
        tpu.vector_store %arg14[%swap3A_467, %swap3A_468], %gather3A_465 {strides = array<i32>} : memref<8x1024xf32, #tpu.memory_space<vmem>>, vector<16xf32>,
        %gather3A_470 = tpu.vector_load_idx %arg8[%get3A_456] : memref<256xf32, #tpu.memory_space<vmem>>[vector<16xi32>], vector<16xf32>,
        %swap3A_471 = arith.constant 2 : i32
        %swap3A_472 = arith.index_cast %swap3A_471 : i32 to index
        %swap3A_473 = arith.index_cast %multiple_of3A_459 : i32 to index
        %swap3A_474 = tpu.vector_load %arg14[%swap3A_472, %swap3A_473] {strides = array<i32>} : memref<8x1024xf32, #tpu.memory_space<vmem>>, vector<16xf32>,
        tpu.vector_store %arg14[%swap3A_472, %swap3A_473], %gather3A_470 {strides = array<i32>} : memref<8x1024xf32, #tpu.memory_space<vmem>>, vector<16xf32>,
        %gather3A_475 = tpu.vector_load_idx %arg9[%get3A_456] : memref<256xf32, #tpu.memory_space<vmem>>[vector<16xi32>], vector<16xf32>,
        %swap3A_476 = arith.constant 3 : i32
        %swap3A_477 = arith.index_cast %swap3A_476 : i32 to index
        %swap3A_478 = arith.index_cast %multiple_of3A_459 : i32 to index
        %swap3A_479 = tpu.vector_load %arg14[%swap3A_477, %swap3A_478] {strides = array<i32>} : memref<8x1024xf32, #tpu.memory_space<vmem>>, vector<16xf32>,
        tpu.vector_store %arg14[%swap3A_477, %swap3A_478], %gather3A_475 {strides = array<i32>} : memref<8x1024xf32, #tpu.memory_space<vmem>>, vector<16xf32>,
        %gather3A_480 = tpu.vector_load_idx %arg10[%get3A_456] : memref<256xf32, #tpu.memory_space<vmem>>[vector<16xi32>], vector<16xf32>,
        %swap3A_481 = arith.constant 4 : i32
        %swap3A_482 = arith.index_cast %swap3A_481 : i32 to index
        %swap3A_483 = arith.index_cast %multiple_of3A_459 : i32 to index
        %swap3A_484 = tpu.vector_load %arg14[%swap3A_482, %swap3A_483] {strides = array<i32>} : memref<8x1024xf32, #tpu.memory_space<vmem>>, vector<16xf32>,
        tpu.vector_store %arg14[%swap3A_482, %swap3A_483], %gather3A_480 {strides = array<i32>} : memref<8x1024xf32, #tpu.memory_space<vmem>>, vector<16xf32>,
        %gather3A_485 = tpu.vector_load_idx %arg11[%get3A_456] : memref<256xf32, #tpu.memory_space<vmem>>[vector<16xi32>], vector<16xf32>,
        %swap3A_486 = arith.constant 5 : i32
        %swap3A_487 = arith.index_cast %swap3A_486 : i32 to index
        %swap3A_488 = arith.index_cast %multiple_of3A_459 : i32 to index
        %swap3A_489 = tpu.vector_load %arg14[%swap3A_487, %swap3A_488] {strides = array<i32>} : memref<8x1024xf32, #tpu.memory_space<vmem>>, vector<16xf32>,
        tpu.vector_store %arg14[%swap3A_487, %swap3A_488], %gather3A_485 {strides = array<i32>} : memref<8x1024xf32, #tpu.memory_space<vmem>>, vector<16xf32>,
        %gather3A_490 = tpu.vector_load_idx %arg12[%get3A_456] : memref<256xf32, #tpu.memory_space<vmem>>[vector<16xi32>], vector<16xf32>,
        %swap3A_491 = arith.constant 6 : i32
        %swap3A_492 = arith.index_cast %swap3A_491 : i32 to index
        %swap3A_493 = arith.index_cast %multiple_of3A_459 : i32 to index
        %swap3A_494 = tpu.vector_load %arg14[%swap3A_492, %swap3A_493] {strides = array<i32>} : memref<8x1024xf32, #tpu.memory_space<vmem>>, vector<16xf32>,
        tpu.vector_store %arg14[%swap3A_492, %swap3A_493], %gather3A_490 {strides = array<i32>} : memref<8x1024xf32, #tpu.memory_space<vmem>>, vector<16xf32>,
        %gather3A_495 = tpu.vector_load_idx %arg13[%get3A_456] : memref<256xf32, #tpu.memory_space<vmem>>[vector<16xi32>], vector<16xf32>,
        %swap3A_496 = arith.constant 7 : i32
        %swap3A_497 = arith.index_cast %swap3A_496 : i32 to index
        %swap3A_498 = arith.index_cast %multiple_of3A_459 : i32 to index
        %swap3A_499 = tpu.vector_load %arg14[%swap3A_497, %swap3A_498] {strides = array<i32>} : memref<8x1024xf32, #tpu.memory_space<vmem>>, vector<16xf32>,
        tpu.vector_store %arg14[%swap3A_497, %swap3A_498], %gather3A_495 {strides = array<i32>} : memref<8x1024xf32, #tpu.memory_space<vmem>>, vector<16xf32>,
        %scan3A_500 = arith.constant 7 : i32
        %scan3A_501 = arith.addi %scan3A_133, %scan3A_500 : i32
        %mul3A_502 = arith.constant 1024 : i32
        %mul3A_503 = arith.muli %scan3A_122, %mul3A_502 : i32
        %mul3A_504 = arith.constant 16 : i32
        %mul3A_505 = arith.muli %scan3A_501, %mul3A_504 : i32
        %add3A_506 = arith.addi %mul3A_503, %mul3A_505 : i32
        %multiple_of3A_507 = tpu.assume_multiple %add3A_506, 8 : i32
        %get3A_508 = arith.index_cast %multiple_of3A_507 : i32 to index
        %get3A_509 = tpu.vector_load %arg5[%get3A_508] {strides = array<i32>} : memref<5120xi32, #tpu.memory_space<vmem>>, vector<16xi32>,
        %mul3A_510 = arith.constant 16 : i32
        %mul3A_511 = arith.muli %scan3A_501, %mul3A_510 : i32
        %multiple_of3A_512 = tpu.assume_multiple %mul3A_511, 8 : i32
        %gather3A_513 = tpu.vector_load_idx %arg6[%get3A_509] : memref<256xf32, #tpu.memory_space<vmem>>[vector<16xi32>], vector<16xf32>,
        %swap3A_514 = arith.constant 0 : i32
        %swap3A_515 = arith.index_cast %swap3A_514 : i32 to index
        %swap3A_516 = arith.index_cast %multiple_of3A_512 : i32 to index
        %swap3A_517 = tpu.vector_load %arg14[%swap3A_515, %swap3A_516] {strides = array<i32>} : memref<8x1024xf32, #tpu.memory_space<vmem>>, vector<16xf32>,
        tpu.vector_store %arg14[%swap3A_515, %swap3A_516], %gather3A_513 {strides = array<i32>} : memref<8x1024xf32, #tpu.memory_space<vmem>>, vector<16xf32>,
        %gather3A_518 = tpu.vector_load_idx %arg7[%get3A_509] : memref<256xf32, #tpu.memory_space<vmem>>[vector<16xi32>], vector<16xf32>,
        %swap3A_519 = arith.constant 1 : i32
        %swap3A_520 = arith.index_cast %swap3A_519 : i32 to index
        %swap3A_521 = arith.index_cast %multiple_of3A_512 : i32 to index
        %swap3A_522 = tpu.vector_load %arg14[%swap3A_520, %swap3A_521] {strides = array<i32>} : memref<8x1024xf32, #tpu.memory_space<vmem>>, vector<16xf32>,
        tpu.vector_store %arg14[%swap3A_520, %swap3A_521], %gather3A_518 {strides = array<i32>} : memref<8x1024xf32, #tpu.memory_space<vmem>>, vector<16xf32>,
        %gather3A_523 = tpu.vector_load_idx %arg8[%get3A_509] : memref<256xf32, #tpu.memory_space<vmem>>[vector<16xi32>], vector<16xf32>,
        %swap3A_524 = arith.constant 2 : i32
        %swap3A_525 = arith.index_cast %swap3A_524 : i32 to index
        %swap3A_526 = arith.index_cast %multiple_of3A_512 : i32 to index
        %swap3A_527 = tpu.vector_load %arg14[%swap3A_525, %swap3A_526] {strides = array<i32>} : memref<8x1024xf32, #tpu.memory_space<vmem>>, vector<16xf32>,
        tpu.vector_store %arg14[%swap3A_525, %swap3A_526], %gather3A_523 {strides = array<i32>} : memref<8x1024xf32, #tpu.memory_space<vmem>>, vector<16xf32>,
        %gather3A_528 = tpu.vector_load_idx %arg9[%get3A_509] : memref<256xf32, #tpu.memory_space<vmem>>[vector<16xi32>], vector<16xf32>,
        %swap3A_529 = arith.constant 3 : i32
        %swap3A_530 = arith.index_cast %swap3A_529 : i32 to index
        %swap3A_531 = arith.index_cast %multiple_of3A_512 : i32 to index
        %swap3A_532 = tpu.vector_load %arg14[%swap3A_530, %swap3A_531] {strides = array<i32>} : memref<8x1024xf32, #tpu.memory_space<vmem>>, vector<16xf32>,
        tpu.vector_store %arg14[%swap3A_530, %swap3A_531], %gather3A_528 {strides = array<i32>} : memref<8x1024xf32, #tpu.memory_space<vmem>>, vector<16xf32>,
        %gather3A_533 = tpu.vector_load_idx %arg10[%get3A_509] : memref<256xf32, #tpu.memory_space<vmem>>[vector<16xi32>], vector<16xf32>,
        %swap3A_534 = arith.constant 4 : i32
        %swap3A_535 = arith.index_cast %swap3A_534 : i32 to index
        %swap3A_536 = arith.index_cast %multiple_of3A_512 : i32 to index
        %swap3A_537 = tpu.vector_load %arg14[%swap3A_535, %swap3A_536] {strides = array<i32>} : memref<8x1024xf32, #tpu.memory_space<vmem>>, vector<16xf32>,
        tpu.vector_store %arg14[%swap3A_535, %swap3A_536], %gather3A_533 {strides = array<i32>} : memref<8x1024xf32, #tpu.memory_space<vmem>>, vector<16xf32>,
        %gather3A_538 = tpu.vector_load_idx %arg11[%get3A_509] : memref<256xf32, #tpu.memory_space<vmem>>[vector<16xi32>], vector<16xf32>,
        %swap3A_539 = arith.constant 5 : i32
        %swap3A_540 = arith.index_cast %swap3A_539 : i32 to index
        %swap3A_541 = arith.index_cast %multiple_of3A_512 : i32 to index
        %swap3A_542 = tpu.vector_load %arg14[%swap3A_540, %swap3A_541] {strides = array<i32>} : memref<8x1024xf32, #tpu.memory_space<vmem>>, vector<16xf32>,
        tpu.vector_store %arg14[%swap3A_540, %swap3A_541], %gather3A_538 {strides = array<i32>} : memref<8x1024xf32, #tpu.memory_space<vmem>>, vector<16xf32>,
        %gather3A_543 = tpu.vector_load_idx %arg12[%get3A_509] : memref<256xf32, #tpu.memory_space<vmem>>[vector<16xi32>], vector<16xf32>,
        %swap3A_544 = arith.constant 6 : i32
        %swap3A_545 = arith.index_cast %swap3A_544 : i32 to index
        %swap3A_546 = arith.index_cast %multiple_of3A_512 : i32 to index
        %swap3A_547 = tpu.vector_load %arg14[%swap3A_545, %swap3A_546] {strides = array<i32>} : memref<8x1024xf32, #tpu.memory_space<vmem>>, vector<16xf32>,
        tpu.vector_store %arg14[%swap3A_545, %swap3A_546], %gather3A_543 {strides = array<i32>} : memref<8x1024xf32, #tpu.memory_space<vmem>>, vector<16xf32>,
        %gather3A_548 = tpu.vector_load_idx %arg13[%get3A_509] : memref<256xf32, #tpu.memory_space<vmem>>[vector<16xi32>], vector<16xf32>,
        %swap3A_549 = arith.constant 7 : i32
        %swap3A_550 = arith.index_cast %swap3A_549 : i32 to index
        %swap3A_551 = arith.index_cast %multiple_of3A_512 : i32 to index
        %swap3A_552 = tpu.vector_load %arg14[%swap3A_550, %swap3A_551] {strides = array<i32>} : memref<8x1024xf32, #tpu.memory_space<vmem>>, vector<16xf32>,
        tpu.vector_store %arg14[%swap3A_550, %swap3A_551], %gather3A_548 {strides = array<i32>} : memref<8x1024xf32, #tpu.memory_space<vmem>>, vector<16xf32>,
      }
      %scan3A_128 = arith.constant 64 : i32
      %mul3A_129 = arith.constant 1024 : i32
      %mul3A_130 = arith.muli %scan3A_122, %mul3A_129 : i32
      %add3A_131 = arith.addi %mul3A_2, %mul3A_130 : i32
      %multiple_of3A_132 = tpu.assume_multiple %add3A_131, 128 : i32
      "tpu.region"() ({
        %run_scoped3A = tpu.sem_alloc : memref<!tpu.dma_semaphore, #tpu.memory_space<semaphore_mem>>
        %dma_start3A_133 = arith.constant 0 : i32
        %dma_start3A_134 = tpu.memref_slice %arg4[%dma_start3A_133, %multiple_of3A_132] : memref<8x163840xf32, #tpu.memory_space<hbm>> -> memref<8x1024xf32, #tpu.memory_space<hbm>>
        %dma_start3A_135 = arith.constant 0 : i32
        %dma_start3A_136 = tpu.memref_slice %arg4[%dma_start3A_135, %multiple_of3A_132] : memref<8x163840xf32, #tpu.memory_space<hbm>> -> memref<8x1024xf32, #tpu.memory_space<hbm>>
        tpu.enqueue_dma source(%arg14 : memref<8x1024xf32, #tpu.memory_space<vmem>>) target(%dma_start3A_136 : memref<8x1024xf32, #tpu.memory_space<hbm>>) target_semaphore(%run_scoped3A : memref<!tpu.dma_semaphore, #tpu.memory_space<semaphore_mem>>)
        %dma_wait3A_137 = arith.constant 0 : i32
        %dma_wait3A_138 = tpu.memref_slice %arg4[%dma_wait3A_137, %multiple_of3A_132] : memref<8x163840xf32, #tpu.memory_space<hbm>> -> memref<8x1024xf32, #tpu.memory_space<hbm>>
        %dma_wait3A_139 = arith.constant 0 : i32
        %dma_wait3A_140 = tpu.memref_slice %arg4[%dma_wait3A_139, %multiple_of3A_132] : memref<8x163840xf32, #tpu.memory_space<hbm>> -> memref<8x1024xf32, #tpu.memory_space<hbm>>
        tpu.wait_dma2 semaphore(%run_scoped3A : memref<!tpu.dma_semaphore, #tpu.memory_space<semaphore_mem>>) src(%arg14 : memref<8x1024xf32, #tpu.memory_space<vmem>>) dst(%dma_wait3A_140 : memref<8x1024xf32, #tpu.memory_space<hbm>>)
        tpu.yield
      }) : () -> ()
    }
    %scan3A_121 = arith.constant 5 : i32
    return
  }
}

module attributes {stable_mosaic.version = 14 : i64} {
  func.func @_score_argmax_body(%arg0: i32, %arg1: memref<8x16384xf32, #tpu.memory_space<vmem>>, %arg2: memref<256x16xf32, #tpu.memory_space<vmem>>, %arg3: memref<1x128x128xi32, #tpu.memory_space<vmem>>) attributes {dimension_semantics = [#tpu.dimension_semantics<arbitrary>], iteration_bounds = array<i64: 2>, scalar_prefetch = 0 : i64, scratch_operands = 0 : i64, tpu.core_type = #tpu.core_type<tc>, window_params = [{transform_indices = @transform_0, window_bounds = array<i64: 8, 16384>}, {pipeline_mode = #tpu.pipeline_mode<synchronous>, transform_indices = @transform_1, window_bounds = array<i64: 256, 16>}, {transform_indices = @transform_2, window_bounds = array<i64: 1, 128, 128>}]} {
    %get3A = arith.constant 0 : index
    %get3A_0 = arith.constant 0 : index
    %get3A_1 = vector.load %arg2[%get3A, %get3A_0] : memref<256x16xf32, #tpu.memory_space<vmem>>, vector<256x16xf32>
    %slice3A = vector.extract_strided_slice %get3A_1 {offsets = [0, 0], sizes = [256, 8], strides = [1, 1]} : vector<256x16xf32> to vector<256x8xf32>
    %slice3A_2 = vector.extract_strided_slice %get3A_1 {offsets = [0, 8], sizes = [256, 1], strides = [1, 1]} : vector<256x16xf32> to vector<256x1xf32>
    %get3A_3 = arith.constant 0 : index
    %get3A_4 = arith.constant 0 : index
    %get3A_5 = vector.load %arg1[%get3A_3, %get3A_4] : memref<8x16384xf32, #tpu.memory_space<vmem>>, vector<8x16384xf32>
    %dot_general3A = arith.constant dense<0.000000e+00> : vector<256x16384xf32>
    %dot_general3A_6 = tpu.matmul %slice3A, %get3A_5, %dot_general3A {dimension_numbers = #tpu.dot_dimension_numbers<[1], [0], [0], [1], [0, 0, 1, 1], [], []>, transpose_lhs_hint = false} : vector<256x8xf32>, vector<8x16384xf32>, vector<256x16384xf32> -> vector<256x16384xf32>
    %sub3A = vector.broadcast %slice3A_2 : vector<256x1xf32> to vector<256x16384xf32>
    %sub3A_7 = arith.subf %dot_general3A_6, %sub3A : vector<256x16384xf32>
    %slice3A_8 = vector.extract_strided_slice %sub3A_7 {offsets = [0, 0], sizes = [8, 16384], strides = [1, 1]} : vector<256x16384xf32> to vector<8x16384xf32>
    %broadcast_in_dim3A = arith.constant 0 : i32
    %broadcast_in_dim3A_9 = vector.broadcast %broadcast_in_dim3A : i32 to vector<8x16384xi32>
    %slice3A_10 = vector.extract_strided_slice %sub3A_7 {offsets = [8, 0], sizes = [8, 16384], strides = [1, 1]} : vector<256x16384xf32> to vector<8x16384xf32>
    %gt3A = arith.cmpf ogt, %slice3A_10, %slice3A_8 : vector<8x16384xf32>
    %select_n3A = arith.select %gt3A, %slice3A_10, %slice3A_8 : vector<8x16384xi1>, vector<8x16384xf32>
    %jit3A = arith.constant 1 : i32
    %broadcast_in_dim3A_11 = vector.broadcast %jit3A : i32 to vector<8x16384xi32>
    %select_n3A_12 = arith.select %gt3A, %broadcast_in_dim3A_11, %broadcast_in_dim3A_9 : vector<8x16384xi1>, vector<8x16384xi32>
    %slice3A_13 = vector.extract_strided_slice %sub3A_7 {offsets = [16, 0], sizes = [8, 16384], strides = [1, 1]} : vector<256x16384xf32> to vector<8x16384xf32>
    %gt3A_14 = arith.cmpf ogt, %slice3A_13, %select_n3A : vector<8x16384xf32>
    %select_n3A_15 = arith.select %gt3A_14, %slice3A_13, %select_n3A : vector<8x16384xi1>, vector<8x16384xf32>
    %jit3A_16 = arith.constant 2 : i32
    %broadcast_in_dim3A_17 = vector.broadcast %jit3A_16 : i32 to vector<8x16384xi32>
    %select_n3A_18 = arith.select %gt3A_14, %broadcast_in_dim3A_17, %select_n3A_12 : vector<8x16384xi1>, vector<8x16384xi32>
    %slice3A_19 = vector.extract_strided_slice %sub3A_7 {offsets = [24, 0], sizes = [8, 16384], strides = [1, 1]} : vector<256x16384xf32> to vector<8x16384xf32>
    %gt3A_20 = arith.cmpf ogt, %slice3A_19, %select_n3A_15 : vector<8x16384xf32>
    %select_n3A_21 = arith.select %gt3A_20, %slice3A_19, %select_n3A_15 : vector<8x16384xi1>, vector<8x16384xf32>
    %jit3A_22 = arith.constant 3 : i32
    %broadcast_in_dim3A_23 = vector.broadcast %jit3A_22 : i32 to vector<8x16384xi32>
    %select_n3A_24 = arith.select %gt3A_20, %broadcast_in_dim3A_23, %select_n3A_18 : vector<8x16384xi1>, vector<8x16384xi32>
    %slice3A_25 = vector.extract_strided_slice %sub3A_7 {offsets = [32, 0], sizes = [8, 16384], strides = [1, 1]} : vector<256x16384xf32> to vector<8x16384xf32>
    %gt3A_26 = arith.cmpf ogt, %slice3A_25, %select_n3A_21 : vector<8x16384xf32>
    %select_n3A_27 = arith.select %gt3A_26, %slice3A_25, %select_n3A_21 : vector<8x16384xi1>, vector<8x16384xf32>
    %jit3A_28 = arith.constant 4 : i32
    %broadcast_in_dim3A_29 = vector.broadcast %jit3A_28 : i32 to vector<8x16384xi32>
    %select_n3A_30 = arith.select %gt3A_26, %broadcast_in_dim3A_29, %select_n3A_24 : vector<8x16384xi1>, vector<8x16384xi32>
    %slice3A_31 = vector.extract_strided_slice %sub3A_7 {offsets = [40, 0], sizes = [8, 16384], strides = [1, 1]} : vector<256x16384xf32> to vector<8x16384xf32>
    %gt3A_32 = arith.cmpf ogt, %slice3A_31, %select_n3A_27 : vector<8x16384xf32>
    %select_n3A_33 = arith.select %gt3A_32, %slice3A_31, %select_n3A_27 : vector<8x16384xi1>, vector<8x16384xf32>
    %jit3A_34 = arith.constant 5 : i32
    %broadcast_in_dim3A_35 = vector.broadcast %jit3A_34 : i32 to vector<8x16384xi32>
    %select_n3A_36 = arith.select %gt3A_32, %broadcast_in_dim3A_35, %select_n3A_30 : vector<8x16384xi1>, vector<8x16384xi32>
    %slice3A_37 = vector.extract_strided_slice %sub3A_7 {offsets = [48, 0], sizes = [8, 16384], strides = [1, 1]} : vector<256x16384xf32> to vector<8x16384xf32>
    %gt3A_38 = arith.cmpf ogt, %slice3A_37, %select_n3A_33 : vector<8x16384xf32>
    %select_n3A_39 = arith.select %gt3A_38, %slice3A_37, %select_n3A_33 : vector<8x16384xi1>, vector<8x16384xf32>
    %jit3A_40 = arith.constant 6 : i32
    %broadcast_in_dim3A_41 = vector.broadcast %jit3A_40 : i32 to vector<8x16384xi32>
    %select_n3A_42 = arith.select %gt3A_38, %broadcast_in_dim3A_41, %select_n3A_36 : vector<8x16384xi1>, vector<8x16384xi32>
    %slice3A_43 = vector.extract_strided_slice %sub3A_7 {offsets = [56, 0], sizes = [8, 16384], strides = [1, 1]} : vector<256x16384xf32> to vector<8x16384xf32>
    %gt3A_44 = arith.cmpf ogt, %slice3A_43, %select_n3A_39 : vector<8x16384xf32>
    %select_n3A_45 = arith.select %gt3A_44, %slice3A_43, %select_n3A_39 : vector<8x16384xi1>, vector<8x16384xf32>
    %jit3A_46 = arith.constant 7 : i32
    %broadcast_in_dim3A_47 = vector.broadcast %jit3A_46 : i32 to vector<8x16384xi32>
    %select_n3A_48 = arith.select %gt3A_44, %broadcast_in_dim3A_47, %select_n3A_42 : vector<8x16384xi1>, vector<8x16384xi32>
    %slice3A_49 = vector.extract_strided_slice %sub3A_7 {offsets = [64, 0], sizes = [8, 16384], strides = [1, 1]} : vector<256x16384xf32> to vector<8x16384xf32>
    %gt3A_50 = arith.cmpf ogt, %slice3A_49, %select_n3A_45 : vector<8x16384xf32>
    %select_n3A_51 = arith.select %gt3A_50, %slice3A_49, %select_n3A_45 : vector<8x16384xi1>, vector<8x16384xf32>
    %jit3A_52 = arith.constant 8 : i32
    %broadcast_in_dim3A_53 = vector.broadcast %jit3A_52 : i32 to vector<8x16384xi32>
    %select_n3A_54 = arith.select %gt3A_50, %broadcast_in_dim3A_53, %select_n3A_48 : vector<8x16384xi1>, vector<8x16384xi32>
    %slice3A_55 = vector.extract_strided_slice %sub3A_7 {offsets = [72, 0], sizes = [8, 16384], strides = [1, 1]} : vector<256x16384xf32> to vector<8x16384xf32>
    %gt3A_56 = arith.cmpf ogt, %slice3A_55, %select_n3A_51 : vector<8x16384xf32>
    %select_n3A_57 = arith.select %gt3A_56, %slice3A_55, %select_n3A_51 : vector<8x16384xi1>, vector<8x16384xf32>
    %jit3A_58 = arith.constant 9 : i32
    %broadcast_in_dim3A_59 = vector.broadcast %jit3A_58 : i32 to vector<8x16384xi32>
    %select_n3A_60 = arith.select %gt3A_56, %broadcast_in_dim3A_59, %select_n3A_54 : vector<8x16384xi1>, vector<8x16384xi32>
    %slice3A_61 = vector.extract_strided_slice %sub3A_7 {offsets = [80, 0], sizes = [8, 16384], strides = [1, 1]} : vector<256x16384xf32> to vector<8x16384xf32>
    %gt3A_62 = arith.cmpf ogt, %slice3A_61, %select_n3A_57 : vector<8x16384xf32>
    %select_n3A_63 = arith.select %gt3A_62, %slice3A_61, %select_n3A_57 : vector<8x16384xi1>, vector<8x16384xf32>
    %jit3A_64 = arith.constant 10 : i32
    %broadcast_in_dim3A_65 = vector.broadcast %jit3A_64 : i32 to vector<8x16384xi32>
    %select_n3A_66 = arith.select %gt3A_62, %broadcast_in_dim3A_65, %select_n3A_60 : vector<8x16384xi1>, vector<8x16384xi32>
    %slice3A_67 = vector.extract_strided_slice %sub3A_7 {offsets = [88, 0], sizes = [8, 16384], strides = [1, 1]} : vector<256x16384xf32> to vector<8x16384xf32>
    %gt3A_68 = arith.cmpf ogt, %slice3A_67, %select_n3A_63 : vector<8x16384xf32>
    %select_n3A_69 = arith.select %gt3A_68, %slice3A_67, %select_n3A_63 : vector<8x16384xi1>, vector<8x16384xf32>
    %jit3A_70 = arith.constant 11 : i32
    %broadcast_in_dim3A_71 = vector.broadcast %jit3A_70 : i32 to vector<8x16384xi32>
    %select_n3A_72 = arith.select %gt3A_68, %broadcast_in_dim3A_71, %select_n3A_66 : vector<8x16384xi1>, vector<8x16384xi32>
    %slice3A_73 = vector.extract_strided_slice %sub3A_7 {offsets = [96, 0], sizes = [8, 16384], strides = [1, 1]} : vector<256x16384xf32> to vector<8x16384xf32>
    %gt3A_74 = arith.cmpf ogt, %slice3A_73, %select_n3A_69 : vector<8x16384xf32>
    %select_n3A_75 = arith.select %gt3A_74, %slice3A_73, %select_n3A_69 : vector<8x16384xi1>, vector<8x16384xf32>
    %jit3A_76 = arith.constant 12 : i32
    %broadcast_in_dim3A_77 = vector.broadcast %jit3A_76 : i32 to vector<8x16384xi32>
    %select_n3A_78 = arith.select %gt3A_74, %broadcast_in_dim3A_77, %select_n3A_72 : vector<8x16384xi1>, vector<8x16384xi32>
    %slice3A_79 = vector.extract_strided_slice %sub3A_7 {offsets = [104, 0], sizes = [8, 16384], strides = [1, 1]} : vector<256x16384xf32> to vector<8x16384xf32>
    %gt3A_80 = arith.cmpf ogt, %slice3A_79, %select_n3A_75 : vector<8x16384xf32>
    %select_n3A_81 = arith.select %gt3A_80, %slice3A_79, %select_n3A_75 : vector<8x16384xi1>, vector<8x16384xf32>
    %jit3A_82 = arith.constant 13 : i32
    %broadcast_in_dim3A_83 = vector.broadcast %jit3A_82 : i32 to vector<8x16384xi32>
    %select_n3A_84 = arith.select %gt3A_80, %broadcast_in_dim3A_83, %select_n3A_78 : vector<8x16384xi1>, vector<8x16384xi32>
    %slice3A_85 = vector.extract_strided_slice %sub3A_7 {offsets = [112, 0], sizes = [8, 16384], strides = [1, 1]} : vector<256x16384xf32> to vector<8x16384xf32>
    %gt3A_86 = arith.cmpf ogt, %slice3A_85, %select_n3A_81 : vector<8x16384xf32>
    %select_n3A_87 = arith.select %gt3A_86, %slice3A_85, %select_n3A_81 : vector<8x16384xi1>, vector<8x16384xf32>
    %jit3A_88 = arith.constant 14 : i32
    %broadcast_in_dim3A_89 = vector.broadcast %jit3A_88 : i32 to vector<8x16384xi32>
    %select_n3A_90 = arith.select %gt3A_86, %broadcast_in_dim3A_89, %select_n3A_84 : vector<8x16384xi1>, vector<8x16384xi32>
    %slice3A_91 = vector.extract_strided_slice %sub3A_7 {offsets = [120, 0], sizes = [8, 16384], strides = [1, 1]} : vector<256x16384xf32> to vector<8x16384xf32>
    %gt3A_92 = arith.cmpf ogt, %slice3A_91, %select_n3A_87 : vector<8x16384xf32>
    %select_n3A_93 = arith.select %gt3A_92, %slice3A_91, %select_n3A_87 : vector<8x16384xi1>, vector<8x16384xf32>
    %jit3A_94 = arith.constant 15 : i32
    %broadcast_in_dim3A_95 = vector.broadcast %jit3A_94 : i32 to vector<8x16384xi32>
    %select_n3A_96 = arith.select %gt3A_92, %broadcast_in_dim3A_95, %select_n3A_90 : vector<8x16384xi1>, vector<8x16384xi32>
    %slice3A_97 = vector.extract_strided_slice %sub3A_7 {offsets = [128, 0], sizes = [8, 16384], strides = [1, 1]} : vector<256x16384xf32> to vector<8x16384xf32>
    %gt3A_98 = arith.cmpf ogt, %slice3A_97, %select_n3A_93 : vector<8x16384xf32>
    %select_n3A_99 = arith.select %gt3A_98, %slice3A_97, %select_n3A_93 : vector<8x16384xi1>, vector<8x16384xf32>
    %jit3A_100 = arith.constant 16 : i32
    %broadcast_in_dim3A_101 = vector.broadcast %jit3A_100 : i32 to vector<8x16384xi32>
    %select_n3A_102 = arith.select %gt3A_98, %broadcast_in_dim3A_101, %select_n3A_96 : vector<8x16384xi1>, vector<8x16384xi32>
    %slice3A_103 = vector.extract_strided_slice %sub3A_7 {offsets = [136, 0], sizes = [8, 16384], strides = [1, 1]} : vector<256x16384xf32> to vector<8x16384xf32>
    %gt3A_104 = arith.cmpf ogt, %slice3A_103, %select_n3A_99 : vector<8x16384xf32>
    %select_n3A_105 = arith.select %gt3A_104, %slice3A_103, %select_n3A_99 : vector<8x16384xi1>, vector<8x16384xf32>
    %jit3A_106 = arith.constant 17 : i32
    %broadcast_in_dim3A_107 = vector.broadcast %jit3A_106 : i32 to vector<8x16384xi32>
    %select_n3A_108 = arith.select %gt3A_104, %broadcast_in_dim3A_107, %select_n3A_102 : vector<8x16384xi1>, vector<8x16384xi32>
    %slice3A_109 = vector.extract_strided_slice %sub3A_7 {offsets = [144, 0], sizes = [8, 16384], strides = [1, 1]} : vector<256x16384xf32> to vector<8x16384xf32>
    %gt3A_110 = arith.cmpf ogt, %slice3A_109, %select_n3A_105 : vector<8x16384xf32>
    %select_n3A_111 = arith.select %gt3A_110, %slice3A_109, %select_n3A_105 : vector<8x16384xi1>, vector<8x16384xf32>
    %jit3A_112 = arith.constant 18 : i32
    %broadcast_in_dim3A_113 = vector.broadcast %jit3A_112 : i32 to vector<8x16384xi32>
    %select_n3A_114 = arith.select %gt3A_110, %broadcast_in_dim3A_113, %select_n3A_108 : vector<8x16384xi1>, vector<8x16384xi32>
    %slice3A_115 = vector.extract_strided_slice %sub3A_7 {offsets = [152, 0], sizes = [8, 16384], strides = [1, 1]} : vector<256x16384xf32> to vector<8x16384xf32>
    %gt3A_116 = arith.cmpf ogt, %slice3A_115, %select_n3A_111 : vector<8x16384xf32>
    %select_n3A_117 = arith.select %gt3A_116, %slice3A_115, %select_n3A_111 : vector<8x16384xi1>, vector<8x16384xf32>
    %jit3A_118 = arith.constant 19 : i32
    %broadcast_in_dim3A_119 = vector.broadcast %jit3A_118 : i32 to vector<8x16384xi32>
    %select_n3A_120 = arith.select %gt3A_116, %broadcast_in_dim3A_119, %select_n3A_114 : vector<8x16384xi1>, vector<8x16384xi32>
    %slice3A_121 = vector.extract_strided_slice %sub3A_7 {offsets = [160, 0], sizes = [8, 16384], strides = [1, 1]} : vector<256x16384xf32> to vector<8x16384xf32>
    %gt3A_122 = arith.cmpf ogt, %slice3A_121, %select_n3A_117 : vector<8x16384xf32>
    %select_n3A_123 = arith.select %gt3A_122, %slice3A_121, %select_n3A_117 : vector<8x16384xi1>, vector<8x16384xf32>
    %jit3A_124 = arith.constant 20 : i32
    %broadcast_in_dim3A_125 = vector.broadcast %jit3A_124 : i32 to vector<8x16384xi32>
    %select_n3A_126 = arith.select %gt3A_122, %broadcast_in_dim3A_125, %select_n3A_120 : vector<8x16384xi1>, vector<8x16384xi32>
    %slice3A_127 = vector.extract_strided_slice %sub3A_7 {offsets = [168, 0], sizes = [8, 16384], strides = [1, 1]} : vector<256x16384xf32> to vector<8x16384xf32>
    %gt3A_128 = arith.cmpf ogt, %slice3A_127, %select_n3A_123 : vector<8x16384xf32>
    %select_n3A_129 = arith.select %gt3A_128, %slice3A_127, %select_n3A_123 : vector<8x16384xi1>, vector<8x16384xf32>
    %jit3A_130 = arith.constant 21 : i32
    %broadcast_in_dim3A_131 = vector.broadcast %jit3A_130 : i32 to vector<8x16384xi32>
    %select_n3A_132 = arith.select %gt3A_128, %broadcast_in_dim3A_131, %select_n3A_126 : vector<8x16384xi1>, vector<8x16384xi32>
    %slice3A_133 = vector.extract_strided_slice %sub3A_7 {offsets = [176, 0], sizes = [8, 16384], strides = [1, 1]} : vector<256x16384xf32> to vector<8x16384xf32>
    %gt3A_134 = arith.cmpf ogt, %slice3A_133, %select_n3A_129 : vector<8x16384xf32>
    %select_n3A_135 = arith.select %gt3A_134, %slice3A_133, %select_n3A_129 : vector<8x16384xi1>, vector<8x16384xf32>
    %jit3A_136 = arith.constant 22 : i32
    %broadcast_in_dim3A_137 = vector.broadcast %jit3A_136 : i32 to vector<8x16384xi32>
    %select_n3A_138 = arith.select %gt3A_134, %broadcast_in_dim3A_137, %select_n3A_132 : vector<8x16384xi1>, vector<8x16384xi32>
    %slice3A_139 = vector.extract_strided_slice %sub3A_7 {offsets = [184, 0], sizes = [8, 16384], strides = [1, 1]} : vector<256x16384xf32> to vector<8x16384xf32>
    %gt3A_140 = arith.cmpf ogt, %slice3A_139, %select_n3A_135 : vector<8x16384xf32>
    %select_n3A_141 = arith.select %gt3A_140, %slice3A_139, %select_n3A_135 : vector<8x16384xi1>, vector<8x16384xf32>
    %jit3A_142 = arith.constant 23 : i32
    %broadcast_in_dim3A_143 = vector.broadcast %jit3A_142 : i32 to vector<8x16384xi32>
    %select_n3A_144 = arith.select %gt3A_140, %broadcast_in_dim3A_143, %select_n3A_138 : vector<8x16384xi1>, vector<8x16384xi32>
    %slice3A_145 = vector.extract_strided_slice %sub3A_7 {offsets = [192, 0], sizes = [8, 16384], strides = [1, 1]} : vector<256x16384xf32> to vector<8x16384xf32>
    %gt3A_146 = arith.cmpf ogt, %slice3A_145, %select_n3A_141 : vector<8x16384xf32>
    %select_n3A_147 = arith.select %gt3A_146, %slice3A_145, %select_n3A_141 : vector<8x16384xi1>, vector<8x16384xf32>
    %jit3A_148 = arith.constant 24 : i32
    %broadcast_in_dim3A_149 = vector.broadcast %jit3A_148 : i32 to vector<8x16384xi32>
    %select_n3A_150 = arith.select %gt3A_146, %broadcast_in_dim3A_149, %select_n3A_144 : vector<8x16384xi1>, vector<8x16384xi32>
    %slice3A_151 = vector.extract_strided_slice %sub3A_7 {offsets = [200, 0], sizes = [8, 16384], strides = [1, 1]} : vector<256x16384xf32> to vector<8x16384xf32>
    %gt3A_152 = arith.cmpf ogt, %slice3A_151, %select_n3A_147 : vector<8x16384xf32>
    %select_n3A_153 = arith.select %gt3A_152, %slice3A_151, %select_n3A_147 : vector<8x16384xi1>, vector<8x16384xf32>
    %jit3A_154 = arith.constant 25 : i32
    %broadcast_in_dim3A_155 = vector.broadcast %jit3A_154 : i32 to vector<8x16384xi32>
    %select_n3A_156 = arith.select %gt3A_152, %broadcast_in_dim3A_155, %select_n3A_150 : vector<8x16384xi1>, vector<8x16384xi32>
    %slice3A_157 = vector.extract_strided_slice %sub3A_7 {offsets = [208, 0], sizes = [8, 16384], strides = [1, 1]} : vector<256x16384xf32> to vector<8x16384xf32>
    %gt3A_158 = arith.cmpf ogt, %slice3A_157, %select_n3A_153 : vector<8x16384xf32>
    %select_n3A_159 = arith.select %gt3A_158, %slice3A_157, %select_n3A_153 : vector<8x16384xi1>, vector<8x16384xf32>
    %jit3A_160 = arith.constant 26 : i32
    %broadcast_in_dim3A_161 = vector.broadcast %jit3A_160 : i32 to vector<8x16384xi32>
    %select_n3A_162 = arith.select %gt3A_158, %broadcast_in_dim3A_161, %select_n3A_156 : vector<8x16384xi1>, vector<8x16384xi32>
    %slice3A_163 = vector.extract_strided_slice %sub3A_7 {offsets = [216, 0], sizes = [8, 16384], strides = [1, 1]} : vector<256x16384xf32> to vector<8x16384xf32>
    %gt3A_164 = arith.cmpf ogt, %slice3A_163, %select_n3A_159 : vector<8x16384xf32>
    %select_n3A_165 = arith.select %gt3A_164, %slice3A_163, %select_n3A_159 : vector<8x16384xi1>, vector<8x16384xf32>
    %jit3A_166 = arith.constant 27 : i32
    %broadcast_in_dim3A_167 = vector.broadcast %jit3A_166 : i32 to vector<8x16384xi32>
    %select_n3A_168 = arith.select %gt3A_164, %broadcast_in_dim3A_167, %select_n3A_162 : vector<8x16384xi1>, vector<8x16384xi32>
    %slice3A_169 = vector.extract_strided_slice %sub3A_7 {offsets = [224, 0], sizes = [8, 16384], strides = [1, 1]} : vector<256x16384xf32> to vector<8x16384xf32>
    %gt3A_170 = arith.cmpf ogt, %slice3A_169, %select_n3A_165 : vector<8x16384xf32>
    %select_n3A_171 = arith.select %gt3A_170, %slice3A_169, %select_n3A_165 : vector<8x16384xi1>, vector<8x16384xf32>
    %jit3A_172 = arith.constant 28 : i32
    %broadcast_in_dim3A_173 = vector.broadcast %jit3A_172 : i32 to vector<8x16384xi32>
    %select_n3A_174 = arith.select %gt3A_170, %broadcast_in_dim3A_173, %select_n3A_168 : vector<8x16384xi1>, vector<8x16384xi32>
    %slice3A_175 = vector.extract_strided_slice %sub3A_7 {offsets = [232, 0], sizes = [8, 16384], strides = [1, 1]} : vector<256x16384xf32> to vector<8x16384xf32>
    %gt3A_176 = arith.cmpf ogt, %slice3A_175, %select_n3A_171 : vector<8x16384xf32>
    %select_n3A_177 = arith.select %gt3A_176, %slice3A_175, %select_n3A_171 : vector<8x16384xi1>, vector<8x16384xf32>
    %jit3A_178 = arith.constant 29 : i32
    %broadcast_in_dim3A_179 = vector.broadcast %jit3A_178 : i32 to vector<8x16384xi32>
    %select_n3A_180 = arith.select %gt3A_176, %broadcast_in_dim3A_179, %select_n3A_174 : vector<8x16384xi1>, vector<8x16384xi32>
    %slice3A_181 = vector.extract_strided_slice %sub3A_7 {offsets = [240, 0], sizes = [8, 16384], strides = [1, 1]} : vector<256x16384xf32> to vector<8x16384xf32>
    %gt3A_182 = arith.cmpf ogt, %slice3A_181, %select_n3A_177 : vector<8x16384xf32>
    %select_n3A_183 = arith.select %gt3A_182, %slice3A_181, %select_n3A_177 : vector<8x16384xi1>, vector<8x16384xf32>
    %jit3A_184 = arith.constant 30 : i32
    %broadcast_in_dim3A_185 = vector.broadcast %jit3A_184 : i32 to vector<8x16384xi32>
    %select_n3A_186 = arith.select %gt3A_182, %broadcast_in_dim3A_185, %select_n3A_180 : vector<8x16384xi1>, vector<8x16384xi32>
    %slice3A_187 = vector.extract_strided_slice %sub3A_7 {offsets = [248, 0], sizes = [8, 16384], strides = [1, 1]} : vector<256x16384xf32> to vector<8x16384xf32>
    %gt3A_188 = arith.cmpf ogt, %slice3A_187, %select_n3A_183 : vector<8x16384xf32>
    %select_n3A_189 = arith.select %gt3A_188, %slice3A_187, %select_n3A_183 : vector<8x16384xi1>, vector<8x16384xf32>
    %jit3A_190 = arith.constant 31 : i32
    %broadcast_in_dim3A_191 = vector.broadcast %jit3A_190 : i32 to vector<8x16384xi32>
    %select_n3A_192 = arith.select %gt3A_188, %broadcast_in_dim3A_191, %select_n3A_186 : vector<8x16384xi1>, vector<8x16384xi32>
    %reduce_max3A = arith.constant dense<0xFF800000> : vector<16384xf32>
    %reduce_max3A_193 = vector.multi_reduction <maximumf>, %select_n3A_189, %reduce_max3A [0] : vector<8x16384xf32> to vector<16384xf32>
    %broadcast_in_dim3A_194 = vector.shape_cast %reduce_max3A_193 : vector<16384xf32> to vector<1x16384xf32>
    %mul3A = arith.constant 8 : i32
    %mul3A_195 = vector.broadcast %mul3A : i32 to vector<8x16384xi32>
    %mul3A_196 = arith.muli %select_n3A_192, %mul3A_195 : vector<8x16384xi32>
    %iota3A = tpu.iota {dimensions = array<i32: 0>} : vector<8x16384xi32>
    %add3A = arith.addi %mul3A_196, %iota3A : vector<8x16384xi32>
    %eq3A = vector.broadcast %broadcast_in_dim3A_194 : vector<1x16384xf32> to vector<8x16384xf32>
    %eq3A_197 = arith.cmpf oeq, %select_n3A_189, %eq3A : vector<8x16384xf32>
    %jit3A_198 = arith.constant 256 : i32
    %broadcast_in_dim3A_199 = vector.broadcast %jit3A_198 : i32 to vector<8x16384xi32>
    %select_n3A_200 = arith.select %eq3A_197, %add3A, %broadcast_in_dim3A_199 : vector<8x16384xi1>, vector<8x16384xi32>
    %reduce_min3A = arith.constant dense<2147483647> : vector<16384xi32>
    %reduce_min3A_201 = vector.multi_reduction <minsi>, %select_n3A_200, %reduce_min3A [0] : vector<8x16384xi32> to vector<16384xi32>
    %reshape3A = vector.shape_cast %reduce_min3A_201 : vector<16384xi32> to vector<128x128xi32>
    %swap3A = arith.constant 0 : index
    %swap3A_202 = arith.constant 0 : index
    %swap3A_203 = arith.constant 0 : index
    %swap3A_204 = vector.load %arg3[%swap3A, %swap3A_202, %swap3A_203] : memref<1x128x128xi32, #tpu.memory_space<vmem>>, vector<1x128x128xi32>
    %swap3A_205 = vector.shape_cast %swap3A_204 : vector<1x128x128xi32> to vector<128x128xi32>
    %swap3A_206 = vector.shape_cast %reshape3A : vector<128x128xi32> to vector<1x128x128xi32>
    tpu.vector_store %arg3[%swap3A, %swap3A_202, %swap3A_203], %swap3A_206 {strides = array<i32>} : memref<1x128x128xi32, #tpu.memory_space<vmem>>, vector<1x128x128xi32>,
    return
  }
  func.func @transform_0(%arg0: i32) -> (i32, i32) {
    %add3A = arith.constant 30 : i32
    %add3A_0 = arith.addi %add3A, %arg0 : i32
    %c0_i32 = arith.constant 0 : i32
    %c0_i32_1 = arith.constant 0 : i32
    return %c0_i32, %add3A_0 : i32, i32
  }
  func.func @transform_1(%arg0: i32) -> (i32, i32) {
    %c0_i32 = arith.constant 0 : i32
    %c0_i32_0 = arith.constant 0 : i32
    %c0_i32_1 = arith.constant 0 : i32
    return %c0_i32, %c0_i32_0 : i32, i32
  }
  func.func @transform_2(%arg0: i32) -> (i32, i32, i32) {
    %c0_i32 = arith.constant 0 : i32
    %c0_i32_0 = arith.constant 0 : i32
    %c0_i32_1 = arith.constant 0 : i32
    return %arg0, %c0_i32, %c0_i32_0 : i32, i32, i32
  }
}

module attributes {stable_mosaic.version = 14 : i64} {
  func.func @_score_argmax_body(%arg0: i32, %arg1: memref<8x16384xf32, #tpu.memory_space<vmem>>, %arg2: memref<256x16xf32, #tpu.memory_space<vmem>>, %arg3: memref<1x128x128xi32, #tpu.memory_space<vmem>>) attributes {dimension_semantics = [#tpu.dimension_semantics<arbitrary>], iteration_bounds = array<i64: 10>, scalar_prefetch = 0 : i64, scratch_operands = 0 : i64, tpu.core_type = #tpu.core_type<tc>, window_params = [{transform_indices = @transform_0, window_bounds = array<i64: 8, 16384>}, {pipeline_mode = #tpu.pipeline_mode<synchronous>, transform_indices = @transform_1, window_bounds = array<i64: 256, 16>}, {transform_indices = @transform_2, window_bounds = array<i64: 1, 128, 128>}]} {
    %get3A = arith.constant 0 : index
    %get3A_0 = arith.constant 0 : index
    %get3A_1 = vector.load %arg2[%get3A, %get3A_0] : memref<256x16xf32, #tpu.memory_space<vmem>>, vector<256x16xf32>
    %slice3A = vector.extract_strided_slice %get3A_1 {offsets = [0, 0], sizes = [256, 8], strides = [1, 1]} : vector<256x16xf32> to vector<256x8xf32>
    %slice3A_2 = vector.extract_strided_slice %get3A_1 {offsets = [0, 8], sizes = [256, 1], strides = [1, 1]} : vector<256x16xf32> to vector<256x1xf32>
    %get3A_3 = arith.constant 0 : index
    %get3A_4 = arith.constant 0 : index
    %get3A_5 = vector.load %arg1[%get3A_3, %get3A_4] : memref<8x16384xf32, #tpu.memory_space<vmem>>, vector<8x16384xf32>
    %dot_general3A = arith.constant dense<0.000000e+00> : vector<256x16384xf32>
    %dot_general3A_6 = tpu.matmul %slice3A, %get3A_5, %dot_general3A {dimension_numbers = #tpu.dot_dimension_numbers<[1], [0], [0], [1], [0, 0, 1, 1], [], []>, transpose_lhs_hint = false} : vector<256x8xf32>, vector<8x16384xf32>, vector<256x16384xf32> -> vector<256x16384xf32>
    %sub3A = vector.broadcast %slice3A_2 : vector<256x1xf32> to vector<256x16384xf32>
    %sub3A_7 = arith.subf %dot_general3A_6, %sub3A : vector<256x16384xf32>
    %slice3A_8 = vector.extract_strided_slice %sub3A_7 {offsets = [0, 0], sizes = [8, 16384], strides = [1, 1]} : vector<256x16384xf32> to vector<8x16384xf32>
    %broadcast_in_dim3A = arith.constant 0 : i32
    %broadcast_in_dim3A_9 = vector.broadcast %broadcast_in_dim3A : i32 to vector<8x16384xi32>
    %slice3A_10 = vector.extract_strided_slice %sub3A_7 {offsets = [8, 0], sizes = [8, 16384], strides = [1, 1]} : vector<256x16384xf32> to vector<8x16384xf32>
    %gt3A = arith.cmpf ogt, %slice3A_10, %slice3A_8 : vector<8x16384xf32>
    %select_n3A = arith.select %gt3A, %slice3A_10, %slice3A_8 : vector<8x16384xi1>, vector<8x16384xf32>
    %jit3A = arith.constant 1 : i32
    %broadcast_in_dim3A_11 = vector.broadcast %jit3A : i32 to vector<8x16384xi32>
    %select_n3A_12 = arith.select %gt3A, %broadcast_in_dim3A_11, %broadcast_in_dim3A_9 : vector<8x16384xi1>, vector<8x16384xi32>
    %slice3A_13 = vector.extract_strided_slice %sub3A_7 {offsets = [16, 0], sizes = [8, 16384], strides = [1, 1]} : vector<256x16384xf32> to vector<8x16384xf32>
    %gt3A_14 = arith.cmpf ogt, %slice3A_13, %select_n3A : vector<8x16384xf32>
    %select_n3A_15 = arith.select %gt3A_14, %slice3A_13, %select_n3A : vector<8x16384xi1>, vector<8x16384xf32>
    %jit3A_16 = arith.constant 2 : i32
    %broadcast_in_dim3A_17 = vector.broadcast %jit3A_16 : i32 to vector<8x16384xi32>
    %select_n3A_18 = arith.select %gt3A_14, %broadcast_in_dim3A_17, %select_n3A_12 : vector<8x16384xi1>, vector<8x16384xi32>
    %slice3A_19 = vector.extract_strided_slice %sub3A_7 {offsets = [24, 0], sizes = [8, 16384], strides = [1, 1]} : vector<256x16384xf32> to vector<8x16384xf32>
    %gt3A_20 = arith.cmpf ogt, %slice3A_19, %select_n3A_15 : vector<8x16384xf32>
    %select_n3A_21 = arith.select %gt3A_20, %slice3A_19, %select_n3A_15 : vector<8x16384xi1>, vector<8x16384xf32>
    %jit3A_22 = arith.constant 3 : i32
    %broadcast_in_dim3A_23 = vector.broadcast %jit3A_22 : i32 to vector<8x16384xi32>
    %select_n3A_24 = arith.select %gt3A_20, %broadcast_in_dim3A_23, %select_n3A_18 : vector<8x16384xi1>, vector<8x16384xi32>
    %slice3A_25 = vector.extract_strided_slice %sub3A_7 {offsets = [32, 0], sizes = [8, 16384], strides = [1, 1]} : vector<256x16384xf32> to vector<8x16384xf32>
    %gt3A_26 = arith.cmpf ogt, %slice3A_25, %select_n3A_21 : vector<8x16384xf32>
    %select_n3A_27 = arith.select %gt3A_26, %slice3A_25, %select_n3A_21 : vector<8x16384xi1>, vector<8x16384xf32>
    %jit3A_28 = arith.constant 4 : i32
    %broadcast_in_dim3A_29 = vector.broadcast %jit3A_28 : i32 to vector<8x16384xi32>
    %select_n3A_30 = arith.select %gt3A_26, %broadcast_in_dim3A_29, %select_n3A_24 : vector<8x16384xi1>, vector<8x16384xi32>
    %slice3A_31 = vector.extract_strided_slice %sub3A_7 {offsets = [40, 0], sizes = [8, 16384], strides = [1, 1]} : vector<256x16384xf32> to vector<8x16384xf32>
    %gt3A_32 = arith.cmpf ogt, %slice3A_31, %select_n3A_27 : vector<8x16384xf32>
    %select_n3A_33 = arith.select %gt3A_32, %slice3A_31, %select_n3A_27 : vector<8x16384xi1>, vector<8x16384xf32>
    %jit3A_34 = arith.constant 5 : i32
    %broadcast_in_dim3A_35 = vector.broadcast %jit3A_34 : i32 to vector<8x16384xi32>
    %select_n3A_36 = arith.select %gt3A_32, %broadcast_in_dim3A_35, %select_n3A_30 : vector<8x16384xi1>, vector<8x16384xi32>
    %slice3A_37 = vector.extract_strided_slice %sub3A_7 {offsets = [48, 0], sizes = [8, 16384], strides = [1, 1]} : vector<256x16384xf32> to vector<8x16384xf32>
    %gt3A_38 = arith.cmpf ogt, %slice3A_37, %select_n3A_33 : vector<8x16384xf32>
    %select_n3A_39 = arith.select %gt3A_38, %slice3A_37, %select_n3A_33 : vector<8x16384xi1>, vector<8x16384xf32>
    %jit3A_40 = arith.constant 6 : i32
    %broadcast_in_dim3A_41 = vector.broadcast %jit3A_40 : i32 to vector<8x16384xi32>
    %select_n3A_42 = arith.select %gt3A_38, %broadcast_in_dim3A_41, %select_n3A_36 : vector<8x16384xi1>, vector<8x16384xi32>
    %slice3A_43 = vector.extract_strided_slice %sub3A_7 {offsets = [56, 0], sizes = [8, 16384], strides = [1, 1]} : vector<256x16384xf32> to vector<8x16384xf32>
    %gt3A_44 = arith.cmpf ogt, %slice3A_43, %select_n3A_39 : vector<8x16384xf32>
    %select_n3A_45 = arith.select %gt3A_44, %slice3A_43, %select_n3A_39 : vector<8x16384xi1>, vector<8x16384xf32>
    %jit3A_46 = arith.constant 7 : i32
    %broadcast_in_dim3A_47 = vector.broadcast %jit3A_46 : i32 to vector<8x16384xi32>
    %select_n3A_48 = arith.select %gt3A_44, %broadcast_in_dim3A_47, %select_n3A_42 : vector<8x16384xi1>, vector<8x16384xi32>
    %slice3A_49 = vector.extract_strided_slice %sub3A_7 {offsets = [64, 0], sizes = [8, 16384], strides = [1, 1]} : vector<256x16384xf32> to vector<8x16384xf32>
    %gt3A_50 = arith.cmpf ogt, %slice3A_49, %select_n3A_45 : vector<8x16384xf32>
    %select_n3A_51 = arith.select %gt3A_50, %slice3A_49, %select_n3A_45 : vector<8x16384xi1>, vector<8x16384xf32>
    %jit3A_52 = arith.constant 8 : i32
    %broadcast_in_dim3A_53 = vector.broadcast %jit3A_52 : i32 to vector<8x16384xi32>
    %select_n3A_54 = arith.select %gt3A_50, %broadcast_in_dim3A_53, %select_n3A_48 : vector<8x16384xi1>, vector<8x16384xi32>
    %slice3A_55 = vector.extract_strided_slice %sub3A_7 {offsets = [72, 0], sizes = [8, 16384], strides = [1, 1]} : vector<256x16384xf32> to vector<8x16384xf32>
    %gt3A_56 = arith.cmpf ogt, %slice3A_55, %select_n3A_51 : vector<8x16384xf32>
    %select_n3A_57 = arith.select %gt3A_56, %slice3A_55, %select_n3A_51 : vector<8x16384xi1>, vector<8x16384xf32>
    %jit3A_58 = arith.constant 9 : i32
    %broadcast_in_dim3A_59 = vector.broadcast %jit3A_58 : i32 to vector<8x16384xi32>
    %select_n3A_60 = arith.select %gt3A_56, %broadcast_in_dim3A_59, %select_n3A_54 : vector<8x16384xi1>, vector<8x16384xi32>
    %slice3A_61 = vector.extract_strided_slice %sub3A_7 {offsets = [80, 0], sizes = [8, 16384], strides = [1, 1]} : vector<256x16384xf32> to vector<8x16384xf32>
    %gt3A_62 = arith.cmpf ogt, %slice3A_61, %select_n3A_57 : vector<8x16384xf32>
    %select_n3A_63 = arith.select %gt3A_62, %slice3A_61, %select_n3A_57 : vector<8x16384xi1>, vector<8x16384xf32>
    %jit3A_64 = arith.constant 10 : i32
    %broadcast_in_dim3A_65 = vector.broadcast %jit3A_64 : i32 to vector<8x16384xi32>
    %select_n3A_66 = arith.select %gt3A_62, %broadcast_in_dim3A_65, %select_n3A_60 : vector<8x16384xi1>, vector<8x16384xi32>
    %slice3A_67 = vector.extract_strided_slice %sub3A_7 {offsets = [88, 0], sizes = [8, 16384], strides = [1, 1]} : vector<256x16384xf32> to vector<8x16384xf32>
    %gt3A_68 = arith.cmpf ogt, %slice3A_67, %select_n3A_63 : vector<8x16384xf32>
    %select_n3A_69 = arith.select %gt3A_68, %slice3A_67, %select_n3A_63 : vector<8x16384xi1>, vector<8x16384xf32>
    %jit3A_70 = arith.constant 11 : i32
    %broadcast_in_dim3A_71 = vector.broadcast %jit3A_70 : i32 to vector<8x16384xi32>
    %select_n3A_72 = arith.select %gt3A_68, %broadcast_in_dim3A_71, %select_n3A_66 : vector<8x16384xi1>, vector<8x16384xi32>
    %slice3A_73 = vector.extract_strided_slice %sub3A_7 {offsets = [96, 0], sizes = [8, 16384], strides = [1, 1]} : vector<256x16384xf32> to vector<8x16384xf32>
    %gt3A_74 = arith.cmpf ogt, %slice3A_73, %select_n3A_69 : vector<8x16384xf32>
    %select_n3A_75 = arith.select %gt3A_74, %slice3A_73, %select_n3A_69 : vector<8x16384xi1>, vector<8x16384xf32>
    %jit3A_76 = arith.constant 12 : i32
    %broadcast_in_dim3A_77 = vector.broadcast %jit3A_76 : i32 to vector<8x16384xi32>
    %select_n3A_78 = arith.select %gt3A_74, %broadcast_in_dim3A_77, %select_n3A_72 : vector<8x16384xi1>, vector<8x16384xi32>
    %slice3A_79 = vector.extract_strided_slice %sub3A_7 {offsets = [104, 0], sizes = [8, 16384], strides = [1, 1]} : vector<256x16384xf32> to vector<8x16384xf32>
    %gt3A_80 = arith.cmpf ogt, %slice3A_79, %select_n3A_75 : vector<8x16384xf32>
    %select_n3A_81 = arith.select %gt3A_80, %slice3A_79, %select_n3A_75 : vector<8x16384xi1>, vector<8x16384xf32>
    %jit3A_82 = arith.constant 13 : i32
    %broadcast_in_dim3A_83 = vector.broadcast %jit3A_82 : i32 to vector<8x16384xi32>
    %select_n3A_84 = arith.select %gt3A_80, %broadcast_in_dim3A_83, %select_n3A_78 : vector<8x16384xi1>, vector<8x16384xi32>
    %slice3A_85 = vector.extract_strided_slice %sub3A_7 {offsets = [112, 0], sizes = [8, 16384], strides = [1, 1]} : vector<256x16384xf32> to vector<8x16384xf32>
    %gt3A_86 = arith.cmpf ogt, %slice3A_85, %select_n3A_81 : vector<8x16384xf32>
    %select_n3A_87 = arith.select %gt3A_86, %slice3A_85, %select_n3A_81 : vector<8x16384xi1>, vector<8x16384xf32>
    %jit3A_88 = arith.constant 14 : i32
    %broadcast_in_dim3A_89 = vector.broadcast %jit3A_88 : i32 to vector<8x16384xi32>
    %select_n3A_90 = arith.select %gt3A_86, %broadcast_in_dim3A_89, %select_n3A_84 : vector<8x16384xi1>, vector<8x16384xi32>
    %slice3A_91 = vector.extract_strided_slice %sub3A_7 {offsets = [120, 0], sizes = [8, 16384], strides = [1, 1]} : vector<256x16384xf32> to vector<8x16384xf32>
    %gt3A_92 = arith.cmpf ogt, %slice3A_91, %select_n3A_87 : vector<8x16384xf32>
    %select_n3A_93 = arith.select %gt3A_92, %slice3A_91, %select_n3A_87 : vector<8x16384xi1>, vector<8x16384xf32>
    %jit3A_94 = arith.constant 15 : i32
    %broadcast_in_dim3A_95 = vector.broadcast %jit3A_94 : i32 to vector<8x16384xi32>
    %select_n3A_96 = arith.select %gt3A_92, %broadcast_in_dim3A_95, %select_n3A_90 : vector<8x16384xi1>, vector<8x16384xi32>
    %slice3A_97 = vector.extract_strided_slice %sub3A_7 {offsets = [128, 0], sizes = [8, 16384], strides = [1, 1]} : vector<256x16384xf32> to vector<8x16384xf32>
    %gt3A_98 = arith.cmpf ogt, %slice3A_97, %select_n3A_93 : vector<8x16384xf32>
    %select_n3A_99 = arith.select %gt3A_98, %slice3A_97, %select_n3A_93 : vector<8x16384xi1>, vector<8x16384xf32>
    %jit3A_100 = arith.constant 16 : i32
    %broadcast_in_dim3A_101 = vector.broadcast %jit3A_100 : i32 to vector<8x16384xi32>
    %select_n3A_102 = arith.select %gt3A_98, %broadcast_in_dim3A_101, %select_n3A_96 : vector<8x16384xi1>, vector<8x16384xi32>
    %slice3A_103 = vector.extract_strided_slice %sub3A_7 {offsets = [136, 0], sizes = [8, 16384], strides = [1, 1]} : vector<256x16384xf32> to vector<8x16384xf32>
    %gt3A_104 = arith.cmpf ogt, %slice3A_103, %select_n3A_99 : vector<8x16384xf32>
    %select_n3A_105 = arith.select %gt3A_104, %slice3A_103, %select_n3A_99 : vector<8x16384xi1>, vector<8x16384xf32>
    %jit3A_106 = arith.constant 17 : i32
    %broadcast_in_dim3A_107 = vector.broadcast %jit3A_106 : i32 to vector<8x16384xi32>
    %select_n3A_108 = arith.select %gt3A_104, %broadcast_in_dim3A_107, %select_n3A_102 : vector<8x16384xi1>, vector<8x16384xi32>
    %slice3A_109 = vector.extract_strided_slice %sub3A_7 {offsets = [144, 0], sizes = [8, 16384], strides = [1, 1]} : vector<256x16384xf32> to vector<8x16384xf32>
    %gt3A_110 = arith.cmpf ogt, %slice3A_109, %select_n3A_105 : vector<8x16384xf32>
    %select_n3A_111 = arith.select %gt3A_110, %slice3A_109, %select_n3A_105 : vector<8x16384xi1>, vector<8x16384xf32>
    %jit3A_112 = arith.constant 18 : i32
    %broadcast_in_dim3A_113 = vector.broadcast %jit3A_112 : i32 to vector<8x16384xi32>
    %select_n3A_114 = arith.select %gt3A_110, %broadcast_in_dim3A_113, %select_n3A_108 : vector<8x16384xi1>, vector<8x16384xi32>
    %slice3A_115 = vector.extract_strided_slice %sub3A_7 {offsets = [152, 0], sizes = [8, 16384], strides = [1, 1]} : vector<256x16384xf32> to vector<8x16384xf32>
    %gt3A_116 = arith.cmpf ogt, %slice3A_115, %select_n3A_111 : vector<8x16384xf32>
    %select_n3A_117 = arith.select %gt3A_116, %slice3A_115, %select_n3A_111 : vector<8x16384xi1>, vector<8x16384xf32>
    %jit3A_118 = arith.constant 19 : i32
    %broadcast_in_dim3A_119 = vector.broadcast %jit3A_118 : i32 to vector<8x16384xi32>
    %select_n3A_120 = arith.select %gt3A_116, %broadcast_in_dim3A_119, %select_n3A_114 : vector<8x16384xi1>, vector<8x16384xi32>
    %slice3A_121 = vector.extract_strided_slice %sub3A_7 {offsets = [160, 0], sizes = [8, 16384], strides = [1, 1]} : vector<256x16384xf32> to vector<8x16384xf32>
    %gt3A_122 = arith.cmpf ogt, %slice3A_121, %select_n3A_117 : vector<8x16384xf32>
    %select_n3A_123 = arith.select %gt3A_122, %slice3A_121, %select_n3A_117 : vector<8x16384xi1>, vector<8x16384xf32>
    %jit3A_124 = arith.constant 20 : i32
    %broadcast_in_dim3A_125 = vector.broadcast %jit3A_124 : i32 to vector<8x16384xi32>
    %select_n3A_126 = arith.select %gt3A_122, %broadcast_in_dim3A_125, %select_n3A_120 : vector<8x16384xi1>, vector<8x16384xi32>
    %slice3A_127 = vector.extract_strided_slice %sub3A_7 {offsets = [168, 0], sizes = [8, 16384], strides = [1, 1]} : vector<256x16384xf32> to vector<8x16384xf32>
    %gt3A_128 = arith.cmpf ogt, %slice3A_127, %select_n3A_123 : vector<8x16384xf32>
    %select_n3A_129 = arith.select %gt3A_128, %slice3A_127, %select_n3A_123 : vector<8x16384xi1>, vector<8x16384xf32>
    %jit3A_130 = arith.constant 21 : i32
    %broadcast_in_dim3A_131 = vector.broadcast %jit3A_130 : i32 to vector<8x16384xi32>
    %select_n3A_132 = arith.select %gt3A_128, %broadcast_in_dim3A_131, %select_n3A_126 : vector<8x16384xi1>, vector<8x16384xi32>
    %slice3A_133 = vector.extract_strided_slice %sub3A_7 {offsets = [176, 0], sizes = [8, 16384], strides = [1, 1]} : vector<256x16384xf32> to vector<8x16384xf32>
    %gt3A_134 = arith.cmpf ogt, %slice3A_133, %select_n3A_129 : vector<8x16384xf32>
    %select_n3A_135 = arith.select %gt3A_134, %slice3A_133, %select_n3A_129 : vector<8x16384xi1>, vector<8x16384xf32>
    %jit3A_136 = arith.constant 22 : i32
    %broadcast_in_dim3A_137 = vector.broadcast %jit3A_136 : i32 to vector<8x16384xi32>
    %select_n3A_138 = arith.select %gt3A_134, %broadcast_in_dim3A_137, %select_n3A_132 : vector<8x16384xi1>, vector<8x16384xi32>
    %slice3A_139 = vector.extract_strided_slice %sub3A_7 {offsets = [184, 0], sizes = [8, 16384], strides = [1, 1]} : vector<256x16384xf32> to vector<8x16384xf32>
    %gt3A_140 = arith.cmpf ogt, %slice3A_139, %select_n3A_135 : vector<8x16384xf32>
    %select_n3A_141 = arith.select %gt3A_140, %slice3A_139, %select_n3A_135 : vector<8x16384xi1>, vector<8x16384xf32>
    %jit3A_142 = arith.constant 23 : i32
    %broadcast_in_dim3A_143 = vector.broadcast %jit3A_142 : i32 to vector<8x16384xi32>
    %select_n3A_144 = arith.select %gt3A_140, %broadcast_in_dim3A_143, %select_n3A_138 : vector<8x16384xi1>, vector<8x16384xi32>
    %slice3A_145 = vector.extract_strided_slice %sub3A_7 {offsets = [192, 0], sizes = [8, 16384], strides = [1, 1]} : vector<256x16384xf32> to vector<8x16384xf32>
    %gt3A_146 = arith.cmpf ogt, %slice3A_145, %select_n3A_141 : vector<8x16384xf32>
    %select_n3A_147 = arith.select %gt3A_146, %slice3A_145, %select_n3A_141 : vector<8x16384xi1>, vector<8x16384xf32>
    %jit3A_148 = arith.constant 24 : i32
    %broadcast_in_dim3A_149 = vector.broadcast %jit3A_148 : i32 to vector<8x16384xi32>
    %select_n3A_150 = arith.select %gt3A_146, %broadcast_in_dim3A_149, %select_n3A_144 : vector<8x16384xi1>, vector<8x16384xi32>
    %slice3A_151 = vector.extract_strided_slice %sub3A_7 {offsets = [200, 0], sizes = [8, 16384], strides = [1, 1]} : vector<256x16384xf32> to vector<8x16384xf32>
    %gt3A_152 = arith.cmpf ogt, %slice3A_151, %select_n3A_147 : vector<8x16384xf32>
    %select_n3A_153 = arith.select %gt3A_152, %slice3A_151, %select_n3A_147 : vector<8x16384xi1>, vector<8x16384xf32>
    %jit3A_154 = arith.constant 25 : i32
    %broadcast_in_dim3A_155 = vector.broadcast %jit3A_154 : i32 to vector<8x16384xi32>
    %select_n3A_156 = arith.select %gt3A_152, %broadcast_in_dim3A_155, %select_n3A_150 : vector<8x16384xi1>, vector<8x16384xi32>
    %slice3A_157 = vector.extract_strided_slice %sub3A_7 {offsets = [208, 0], sizes = [8, 16384], strides = [1, 1]} : vector<256x16384xf32> to vector<8x16384xf32>
    %gt3A_158 = arith.cmpf ogt, %slice3A_157, %select_n3A_153 : vector<8x16384xf32>
    %select_n3A_159 = arith.select %gt3A_158, %slice3A_157, %select_n3A_153 : vector<8x16384xi1>, vector<8x16384xf32>
    %jit3A_160 = arith.constant 26 : i32
    %broadcast_in_dim3A_161 = vector.broadcast %jit3A_160 : i32 to vector<8x16384xi32>
    %select_n3A_162 = arith.select %gt3A_158, %broadcast_in_dim3A_161, %select_n3A_156 : vector<8x16384xi1>, vector<8x16384xi32>
    %slice3A_163 = vector.extract_strided_slice %sub3A_7 {offsets = [216, 0], sizes = [8, 16384], strides = [1, 1]} : vector<256x16384xf32> to vector<8x16384xf32>
    %gt3A_164 = arith.cmpf ogt, %slice3A_163, %select_n3A_159 : vector<8x16384xf32>
    %select_n3A_165 = arith.select %gt3A_164, %slice3A_163, %select_n3A_159 : vector<8x16384xi1>, vector<8x16384xf32>
    %jit3A_166 = arith.constant 27 : i32
    %broadcast_in_dim3A_167 = vector.broadcast %jit3A_166 : i32 to vector<8x16384xi32>
    %select_n3A_168 = arith.select %gt3A_164, %broadcast_in_dim3A_167, %select_n3A_162 : vector<8x16384xi1>, vector<8x16384xi32>
    %slice3A_169 = vector.extract_strided_slice %sub3A_7 {offsets = [224, 0], sizes = [8, 16384], strides = [1, 1]} : vector<256x16384xf32> to vector<8x16384xf32>
    %gt3A_170 = arith.cmpf ogt, %slice3A_169, %select_n3A_165 : vector<8x16384xf32>
    %select_n3A_171 = arith.select %gt3A_170, %slice3A_169, %select_n3A_165 : vector<8x16384xi1>, vector<8x16384xf32>
    %jit3A_172 = arith.constant 28 : i32
    %broadcast_in_dim3A_173 = vector.broadcast %jit3A_172 : i32 to vector<8x16384xi32>
    %select_n3A_174 = arith.select %gt3A_170, %broadcast_in_dim3A_173, %select_n3A_168 : vector<8x16384xi1>, vector<8x16384xi32>
    %slice3A_175 = vector.extract_strided_slice %sub3A_7 {offsets = [232, 0], sizes = [8, 16384], strides = [1, 1]} : vector<256x16384xf32> to vector<8x16384xf32>
    %gt3A_176 = arith.cmpf ogt, %slice3A_175, %select_n3A_171 : vector<8x16384xf32>
    %select_n3A_177 = arith.select %gt3A_176, %slice3A_175, %select_n3A_171 : vector<8x16384xi1>, vector<8x16384xf32>
    %jit3A_178 = arith.constant 29 : i32
    %broadcast_in_dim3A_179 = vector.broadcast %jit3A_178 : i32 to vector<8x16384xi32>
    %select_n3A_180 = arith.select %gt3A_176, %broadcast_in_dim3A_179, %select_n3A_174 : vector<8x16384xi1>, vector<8x16384xi32>
    %slice3A_181 = vector.extract_strided_slice %sub3A_7 {offsets = [240, 0], sizes = [8, 16384], strides = [1, 1]} : vector<256x16384xf32> to vector<8x16384xf32>
    %gt3A_182 = arith.cmpf ogt, %slice3A_181, %select_n3A_177 : vector<8x16384xf32>
    %select_n3A_183 = arith.select %gt3A_182, %slice3A_181, %select_n3A_177 : vector<8x16384xi1>, vector<8x16384xf32>
    %jit3A_184 = arith.constant 30 : i32
    %broadcast_in_dim3A_185 = vector.broadcast %jit3A_184 : i32 to vector<8x16384xi32>
    %select_n3A_186 = arith.select %gt3A_182, %broadcast_in_dim3A_185, %select_n3A_180 : vector<8x16384xi1>, vector<8x16384xi32>
    %slice3A_187 = vector.extract_strided_slice %sub3A_7 {offsets = [248, 0], sizes = [8, 16384], strides = [1, 1]} : vector<256x16384xf32> to vector<8x16384xf32>
    %gt3A_188 = arith.cmpf ogt, %slice3A_187, %select_n3A_183 : vector<8x16384xf32>
    %select_n3A_189 = arith.select %gt3A_188, %slice3A_187, %select_n3A_183 : vector<8x16384xi1>, vector<8x16384xf32>
    %jit3A_190 = arith.constant 31 : i32
    %broadcast_in_dim3A_191 = vector.broadcast %jit3A_190 : i32 to vector<8x16384xi32>
    %select_n3A_192 = arith.select %gt3A_188, %broadcast_in_dim3A_191, %select_n3A_186 : vector<8x16384xi1>, vector<8x16384xi32>
    %reduce_max3A = arith.constant dense<0xFF800000> : vector<16384xf32>
    %reduce_max3A_193 = vector.multi_reduction <maximumf>, %select_n3A_189, %reduce_max3A [0] : vector<8x16384xf32> to vector<16384xf32>
    %broadcast_in_dim3A_194 = vector.shape_cast %reduce_max3A_193 : vector<16384xf32> to vector<1x16384xf32>
    %mul3A = arith.constant 8 : i32
    %mul3A_195 = vector.broadcast %mul3A : i32 to vector<8x16384xi32>
    %mul3A_196 = arith.muli %select_n3A_192, %mul3A_195 : vector<8x16384xi32>
    %iota3A = tpu.iota {dimensions = array<i32: 0>} : vector<8x16384xi32>
    %add3A = arith.addi %mul3A_196, %iota3A : vector<8x16384xi32>
    %eq3A = vector.broadcast %broadcast_in_dim3A_194 : vector<1x16384xf32> to vector<8x16384xf32>
    %eq3A_197 = arith.cmpf oeq, %select_n3A_189, %eq3A : vector<8x16384xf32>
    %jit3A_198 = arith.constant 256 : i32
    %broadcast_in_dim3A_199 = vector.broadcast %jit3A_198 : i32 to vector<8x16384xi32>
    %select_n3A_200 = arith.select %eq3A_197, %add3A, %broadcast_in_dim3A_199 : vector<8x16384xi1>, vector<8x16384xi32>
    %reduce_min3A = arith.constant dense<2147483647> : vector<16384xi32>
    %reduce_min3A_201 = vector.multi_reduction <minsi>, %select_n3A_200, %reduce_min3A [0] : vector<8x16384xi32> to vector<16384xi32>
    %reshape3A = vector.shape_cast %reduce_min3A_201 : vector<16384xi32> to vector<128x128xi32>
    %swap3A = arith.constant 0 : index
    %swap3A_202 = arith.constant 0 : index
    %swap3A_203 = arith.constant 0 : index
    %swap3A_204 = vector.load %arg3[%swap3A, %swap3A_202, %swap3A_203] : memref<1x128x128xi32, #tpu.memory_space<vmem>>, vector<1x128x128xi32>
    %swap3A_205 = vector.shape_cast %swap3A_204 : vector<1x128x128xi32> to vector<128x128xi32>
    %swap3A_206 = vector.shape_cast %reshape3A : vector<128x128xi32> to vector<1x128x128xi32>
    tpu.vector_store %arg3[%swap3A, %swap3A_202, %swap3A_203], %swap3A_206 {strides = array<i32>} : memref<1x128x128xi32, #tpu.memory_space<vmem>>, vector<1x128x128xi32>,
    return
  }
  func.func @transform_0(%arg0: i32) -> (i32, i32) {
    %add3A = arith.constant 10 : i32
    %add3A_0 = arith.addi %add3A, %arg0 : i32
    %c0_i32 = arith.constant 0 : i32
    %c0_i32_1 = arith.constant 0 : i32
    return %c0_i32, %add3A_0 : i32, i32
  }
  func.func @transform_1(%arg0: i32) -> (i32, i32) {
    %c0_i32 = arith.constant 0 : i32
    %c0_i32_0 = arith.constant 0 : i32
    %c0_i32_1 = arith.constant 0 : i32
    return %c0_i32, %c0_i32_0 : i32, i32
  }
  func.func @transform_2(%arg0: i32) -> (i32, i32, i32) {
    %c0_i32 = arith.constant 0 : i32
    %c0_i32_0 = arith.constant 0 : i32
    %c0_i32_1 = arith.constant 0 : i32
    return %arg0, %c0_i32, %c0_i32_0 : i32, i32, i32
  }
}

module attributes {stable_mosaic.version = 14 : i64} {
  func.func @_score_argmax_body(%arg0: i32, %arg1: memref<8x16384xf32, #tpu.memory_space<vmem>>, %arg2: memref<256x16xf32, #tpu.memory_space<vmem>>, %arg3: memref<1x128x128xi32, #tpu.memory_space<vmem>>) attributes {dimension_semantics = [#tpu.dimension_semantics<arbitrary>], iteration_bounds = array<i64: 10>, scalar_prefetch = 0 : i64, scratch_operands = 0 : i64, tpu.core_type = #tpu.core_type<tc>, window_params = [{transform_indices = @transform_0, window_bounds = array<i64: 8, 16384>}, {pipeline_mode = #tpu.pipeline_mode<synchronous>, transform_indices = @transform_1, window_bounds = array<i64: 256, 16>}, {transform_indices = @transform_2, window_bounds = array<i64: 1, 128, 128>}]} {
    %get3A = arith.constant 0 : index
    %get3A_0 = arith.constant 0 : index
    %get3A_1 = vector.load %arg2[%get3A, %get3A_0] : memref<256x16xf32, #tpu.memory_space<vmem>>, vector<256x16xf32>
    %slice3A = vector.extract_strided_slice %get3A_1 {offsets = [0, 0], sizes = [256, 8], strides = [1, 1]} : vector<256x16xf32> to vector<256x8xf32>
    %slice3A_2 = vector.extract_strided_slice %get3A_1 {offsets = [0, 8], sizes = [256, 1], strides = [1, 1]} : vector<256x16xf32> to vector<256x1xf32>
    %get3A_3 = arith.constant 0 : index
    %get3A_4 = arith.constant 0 : index
    %get3A_5 = vector.load %arg1[%get3A_3, %get3A_4] : memref<8x16384xf32, #tpu.memory_space<vmem>>, vector<8x16384xf32>
    %dot_general3A = arith.constant dense<0.000000e+00> : vector<256x16384xf32>
    %dot_general3A_6 = tpu.matmul %slice3A, %get3A_5, %dot_general3A {dimension_numbers = #tpu.dot_dimension_numbers<[1], [0], [0], [1], [0, 0, 1, 1], [], []>, transpose_lhs_hint = false} : vector<256x8xf32>, vector<8x16384xf32>, vector<256x16384xf32> -> vector<256x16384xf32>
    %sub3A = vector.broadcast %slice3A_2 : vector<256x1xf32> to vector<256x16384xf32>
    %sub3A_7 = arith.subf %dot_general3A_6, %sub3A : vector<256x16384xf32>
    %slice3A_8 = vector.extract_strided_slice %sub3A_7 {offsets = [0, 0], sizes = [8, 16384], strides = [1, 1]} : vector<256x16384xf32> to vector<8x16384xf32>
    %broadcast_in_dim3A = arith.constant 0 : i32
    %broadcast_in_dim3A_9 = vector.broadcast %broadcast_in_dim3A : i32 to vector<8x16384xi32>
    %slice3A_10 = vector.extract_strided_slice %sub3A_7 {offsets = [8, 0], sizes = [8, 16384], strides = [1, 1]} : vector<256x16384xf32> to vector<8x16384xf32>
    %gt3A = arith.cmpf ogt, %slice3A_10, %slice3A_8 : vector<8x16384xf32>
    %select_n3A = arith.select %gt3A, %slice3A_10, %slice3A_8 : vector<8x16384xi1>, vector<8x16384xf32>
    %jit3A = arith.constant 1 : i32
    %broadcast_in_dim3A_11 = vector.broadcast %jit3A : i32 to vector<8x16384xi32>
    %select_n3A_12 = arith.select %gt3A, %broadcast_in_dim3A_11, %broadcast_in_dim3A_9 : vector<8x16384xi1>, vector<8x16384xi32>
    %slice3A_13 = vector.extract_strided_slice %sub3A_7 {offsets = [16, 0], sizes = [8, 16384], strides = [1, 1]} : vector<256x16384xf32> to vector<8x16384xf32>
    %gt3A_14 = arith.cmpf ogt, %slice3A_13, %select_n3A : vector<8x16384xf32>
    %select_n3A_15 = arith.select %gt3A_14, %slice3A_13, %select_n3A : vector<8x16384xi1>, vector<8x16384xf32>
    %jit3A_16 = arith.constant 2 : i32
    %broadcast_in_dim3A_17 = vector.broadcast %jit3A_16 : i32 to vector<8x16384xi32>
    %select_n3A_18 = arith.select %gt3A_14, %broadcast_in_dim3A_17, %select_n3A_12 : vector<8x16384xi1>, vector<8x16384xi32>
    %slice3A_19 = vector.extract_strided_slice %sub3A_7 {offsets = [24, 0], sizes = [8, 16384], strides = [1, 1]} : vector<256x16384xf32> to vector<8x16384xf32>
    %gt3A_20 = arith.cmpf ogt, %slice3A_19, %select_n3A_15 : vector<8x16384xf32>
    %select_n3A_21 = arith.select %gt3A_20, %slice3A_19, %select_n3A_15 : vector<8x16384xi1>, vector<8x16384xf32>
    %jit3A_22 = arith.constant 3 : i32
    %broadcast_in_dim3A_23 = vector.broadcast %jit3A_22 : i32 to vector<8x16384xi32>
    %select_n3A_24 = arith.select %gt3A_20, %broadcast_in_dim3A_23, %select_n3A_18 : vector<8x16384xi1>, vector<8x16384xi32>
    %slice3A_25 = vector.extract_strided_slice %sub3A_7 {offsets = [32, 0], sizes = [8, 16384], strides = [1, 1]} : vector<256x16384xf32> to vector<8x16384xf32>
    %gt3A_26 = arith.cmpf ogt, %slice3A_25, %select_n3A_21 : vector<8x16384xf32>
    %select_n3A_27 = arith.select %gt3A_26, %slice3A_25, %select_n3A_21 : vector<8x16384xi1>, vector<8x16384xf32>
    %jit3A_28 = arith.constant 4 : i32
    %broadcast_in_dim3A_29 = vector.broadcast %jit3A_28 : i32 to vector<8x16384xi32>
    %select_n3A_30 = arith.select %gt3A_26, %broadcast_in_dim3A_29, %select_n3A_24 : vector<8x16384xi1>, vector<8x16384xi32>
    %slice3A_31 = vector.extract_strided_slice %sub3A_7 {offsets = [40, 0], sizes = [8, 16384], strides = [1, 1]} : vector<256x16384xf32> to vector<8x16384xf32>
    %gt3A_32 = arith.cmpf ogt, %slice3A_31, %select_n3A_27 : vector<8x16384xf32>
    %select_n3A_33 = arith.select %gt3A_32, %slice3A_31, %select_n3A_27 : vector<8x16384xi1>, vector<8x16384xf32>
    %jit3A_34 = arith.constant 5 : i32
    %broadcast_in_dim3A_35 = vector.broadcast %jit3A_34 : i32 to vector<8x16384xi32>
    %select_n3A_36 = arith.select %gt3A_32, %broadcast_in_dim3A_35, %select_n3A_30 : vector<8x16384xi1>, vector<8x16384xi32>
    %slice3A_37 = vector.extract_strided_slice %sub3A_7 {offsets = [48, 0], sizes = [8, 16384], strides = [1, 1]} : vector<256x16384xf32> to vector<8x16384xf32>
    %gt3A_38 = arith.cmpf ogt, %slice3A_37, %select_n3A_33 : vector<8x16384xf32>
    %select_n3A_39 = arith.select %gt3A_38, %slice3A_37, %select_n3A_33 : vector<8x16384xi1>, vector<8x16384xf32>
    %jit3A_40 = arith.constant 6 : i32
    %broadcast_in_dim3A_41 = vector.broadcast %jit3A_40 : i32 to vector<8x16384xi32>
    %select_n3A_42 = arith.select %gt3A_38, %broadcast_in_dim3A_41, %select_n3A_36 : vector<8x16384xi1>, vector<8x16384xi32>
    %slice3A_43 = vector.extract_strided_slice %sub3A_7 {offsets = [56, 0], sizes = [8, 16384], strides = [1, 1]} : vector<256x16384xf32> to vector<8x16384xf32>
    %gt3A_44 = arith.cmpf ogt, %slice3A_43, %select_n3A_39 : vector<8x16384xf32>
    %select_n3A_45 = arith.select %gt3A_44, %slice3A_43, %select_n3A_39 : vector<8x16384xi1>, vector<8x16384xf32>
    %jit3A_46 = arith.constant 7 : i32
    %broadcast_in_dim3A_47 = vector.broadcast %jit3A_46 : i32 to vector<8x16384xi32>
    %select_n3A_48 = arith.select %gt3A_44, %broadcast_in_dim3A_47, %select_n3A_42 : vector<8x16384xi1>, vector<8x16384xi32>
    %slice3A_49 = vector.extract_strided_slice %sub3A_7 {offsets = [64, 0], sizes = [8, 16384], strides = [1, 1]} : vector<256x16384xf32> to vector<8x16384xf32>
    %gt3A_50 = arith.cmpf ogt, %slice3A_49, %select_n3A_45 : vector<8x16384xf32>
    %select_n3A_51 = arith.select %gt3A_50, %slice3A_49, %select_n3A_45 : vector<8x16384xi1>, vector<8x16384xf32>
    %jit3A_52 = arith.constant 8 : i32
    %broadcast_in_dim3A_53 = vector.broadcast %jit3A_52 : i32 to vector<8x16384xi32>
    %select_n3A_54 = arith.select %gt3A_50, %broadcast_in_dim3A_53, %select_n3A_48 : vector<8x16384xi1>, vector<8x16384xi32>
    %slice3A_55 = vector.extract_strided_slice %sub3A_7 {offsets = [72, 0], sizes = [8, 16384], strides = [1, 1]} : vector<256x16384xf32> to vector<8x16384xf32>
    %gt3A_56 = arith.cmpf ogt, %slice3A_55, %select_n3A_51 : vector<8x16384xf32>
    %select_n3A_57 = arith.select %gt3A_56, %slice3A_55, %select_n3A_51 : vector<8x16384xi1>, vector<8x16384xf32>
    %jit3A_58 = arith.constant 9 : i32
    %broadcast_in_dim3A_59 = vector.broadcast %jit3A_58 : i32 to vector<8x16384xi32>
    %select_n3A_60 = arith.select %gt3A_56, %broadcast_in_dim3A_59, %select_n3A_54 : vector<8x16384xi1>, vector<8x16384xi32>
    %slice3A_61 = vector.extract_strided_slice %sub3A_7 {offsets = [80, 0], sizes = [8, 16384], strides = [1, 1]} : vector<256x16384xf32> to vector<8x16384xf32>
    %gt3A_62 = arith.cmpf ogt, %slice3A_61, %select_n3A_57 : vector<8x16384xf32>
    %select_n3A_63 = arith.select %gt3A_62, %slice3A_61, %select_n3A_57 : vector<8x16384xi1>, vector<8x16384xf32>
    %jit3A_64 = arith.constant 10 : i32
    %broadcast_in_dim3A_65 = vector.broadcast %jit3A_64 : i32 to vector<8x16384xi32>
    %select_n3A_66 = arith.select %gt3A_62, %broadcast_in_dim3A_65, %select_n3A_60 : vector<8x16384xi1>, vector<8x16384xi32>
    %slice3A_67 = vector.extract_strided_slice %sub3A_7 {offsets = [88, 0], sizes = [8, 16384], strides = [1, 1]} : vector<256x16384xf32> to vector<8x16384xf32>
    %gt3A_68 = arith.cmpf ogt, %slice3A_67, %select_n3A_63 : vector<8x16384xf32>
    %select_n3A_69 = arith.select %gt3A_68, %slice3A_67, %select_n3A_63 : vector<8x16384xi1>, vector<8x16384xf32>
    %jit3A_70 = arith.constant 11 : i32
    %broadcast_in_dim3A_71 = vector.broadcast %jit3A_70 : i32 to vector<8x16384xi32>
    %select_n3A_72 = arith.select %gt3A_68, %broadcast_in_dim3A_71, %select_n3A_66 : vector<8x16384xi1>, vector<8x16384xi32>
    %slice3A_73 = vector.extract_strided_slice %sub3A_7 {offsets = [96, 0], sizes = [8, 16384], strides = [1, 1]} : vector<256x16384xf32> to vector<8x16384xf32>
    %gt3A_74 = arith.cmpf ogt, %slice3A_73, %select_n3A_69 : vector<8x16384xf32>
    %select_n3A_75 = arith.select %gt3A_74, %slice3A_73, %select_n3A_69 : vector<8x16384xi1>, vector<8x16384xf32>
    %jit3A_76 = arith.constant 12 : i32
    %broadcast_in_dim3A_77 = vector.broadcast %jit3A_76 : i32 to vector<8x16384xi32>
    %select_n3A_78 = arith.select %gt3A_74, %broadcast_in_dim3A_77, %select_n3A_72 : vector<8x16384xi1>, vector<8x16384xi32>
    %slice3A_79 = vector.extract_strided_slice %sub3A_7 {offsets = [104, 0], sizes = [8, 16384], strides = [1, 1]} : vector<256x16384xf32> to vector<8x16384xf32>
    %gt3A_80 = arith.cmpf ogt, %slice3A_79, %select_n3A_75 : vector<8x16384xf32>
    %select_n3A_81 = arith.select %gt3A_80, %slice3A_79, %select_n3A_75 : vector<8x16384xi1>, vector<8x16384xf32>
    %jit3A_82 = arith.constant 13 : i32
    %broadcast_in_dim3A_83 = vector.broadcast %jit3A_82 : i32 to vector<8x16384xi32>
    %select_n3A_84 = arith.select %gt3A_80, %broadcast_in_dim3A_83, %select_n3A_78 : vector<8x16384xi1>, vector<8x16384xi32>
    %slice3A_85 = vector.extract_strided_slice %sub3A_7 {offsets = [112, 0], sizes = [8, 16384], strides = [1, 1]} : vector<256x16384xf32> to vector<8x16384xf32>
    %gt3A_86 = arith.cmpf ogt, %slice3A_85, %select_n3A_81 : vector<8x16384xf32>
    %select_n3A_87 = arith.select %gt3A_86, %slice3A_85, %select_n3A_81 : vector<8x16384xi1>, vector<8x16384xf32>
    %jit3A_88 = arith.constant 14 : i32
    %broadcast_in_dim3A_89 = vector.broadcast %jit3A_88 : i32 to vector<8x16384xi32>
    %select_n3A_90 = arith.select %gt3A_86, %broadcast_in_dim3A_89, %select_n3A_84 : vector<8x16384xi1>, vector<8x16384xi32>
    %slice3A_91 = vector.extract_strided_slice %sub3A_7 {offsets = [120, 0], sizes = [8, 16384], strides = [1, 1]} : vector<256x16384xf32> to vector<8x16384xf32>
    %gt3A_92 = arith.cmpf ogt, %slice3A_91, %select_n3A_87 : vector<8x16384xf32>
    %select_n3A_93 = arith.select %gt3A_92, %slice3A_91, %select_n3A_87 : vector<8x16384xi1>, vector<8x16384xf32>
    %jit3A_94 = arith.constant 15 : i32
    %broadcast_in_dim3A_95 = vector.broadcast %jit3A_94 : i32 to vector<8x16384xi32>
    %select_n3A_96 = arith.select %gt3A_92, %broadcast_in_dim3A_95, %select_n3A_90 : vector<8x16384xi1>, vector<8x16384xi32>
    %slice3A_97 = vector.extract_strided_slice %sub3A_7 {offsets = [128, 0], sizes = [8, 16384], strides = [1, 1]} : vector<256x16384xf32> to vector<8x16384xf32>
    %gt3A_98 = arith.cmpf ogt, %slice3A_97, %select_n3A_93 : vector<8x16384xf32>
    %select_n3A_99 = arith.select %gt3A_98, %slice3A_97, %select_n3A_93 : vector<8x16384xi1>, vector<8x16384xf32>
    %jit3A_100 = arith.constant 16 : i32
    %broadcast_in_dim3A_101 = vector.broadcast %jit3A_100 : i32 to vector<8x16384xi32>
    %select_n3A_102 = arith.select %gt3A_98, %broadcast_in_dim3A_101, %select_n3A_96 : vector<8x16384xi1>, vector<8x16384xi32>
    %slice3A_103 = vector.extract_strided_slice %sub3A_7 {offsets = [136, 0], sizes = [8, 16384], strides = [1, 1]} : vector<256x16384xf32> to vector<8x16384xf32>
    %gt3A_104 = arith.cmpf ogt, %slice3A_103, %select_n3A_99 : vector<8x16384xf32>
    %select_n3A_105 = arith.select %gt3A_104, %slice3A_103, %select_n3A_99 : vector<8x16384xi1>, vector<8x16384xf32>
    %jit3A_106 = arith.constant 17 : i32
    %broadcast_in_dim3A_107 = vector.broadcast %jit3A_106 : i32 to vector<8x16384xi32>
    %select_n3A_108 = arith.select %gt3A_104, %broadcast_in_dim3A_107, %select_n3A_102 : vector<8x16384xi1>, vector<8x16384xi32>
    %slice3A_109 = vector.extract_strided_slice %sub3A_7 {offsets = [144, 0], sizes = [8, 16384], strides = [1, 1]} : vector<256x16384xf32> to vector<8x16384xf32>
    %gt3A_110 = arith.cmpf ogt, %slice3A_109, %select_n3A_105 : vector<8x16384xf32>
    %select_n3A_111 = arith.select %gt3A_110, %slice3A_109, %select_n3A_105 : vector<8x16384xi1>, vector<8x16384xf32>
    %jit3A_112 = arith.constant 18 : i32
    %broadcast_in_dim3A_113 = vector.broadcast %jit3A_112 : i32 to vector<8x16384xi32>
    %select_n3A_114 = arith.select %gt3A_110, %broadcast_in_dim3A_113, %select_n3A_108 : vector<8x16384xi1>, vector<8x16384xi32>
    %slice3A_115 = vector.extract_strided_slice %sub3A_7 {offsets = [152, 0], sizes = [8, 16384], strides = [1, 1]} : vector<256x16384xf32> to vector<8x16384xf32>
    %gt3A_116 = arith.cmpf ogt, %slice3A_115, %select_n3A_111 : vector<8x16384xf32>
    %select_n3A_117 = arith.select %gt3A_116, %slice3A_115, %select_n3A_111 : vector<8x16384xi1>, vector<8x16384xf32>
    %jit3A_118 = arith.constant 19 : i32
    %broadcast_in_dim3A_119 = vector.broadcast %jit3A_118 : i32 to vector<8x16384xi32>
    %select_n3A_120 = arith.select %gt3A_116, %broadcast_in_dim3A_119, %select_n3A_114 : vector<8x16384xi1>, vector<8x16384xi32>
    %slice3A_121 = vector.extract_strided_slice %sub3A_7 {offsets = [160, 0], sizes = [8, 16384], strides = [1, 1]} : vector<256x16384xf32> to vector<8x16384xf32>
    %gt3A_122 = arith.cmpf ogt, %slice3A_121, %select_n3A_117 : vector<8x16384xf32>
    %select_n3A_123 = arith.select %gt3A_122, %slice3A_121, %select_n3A_117 : vector<8x16384xi1>, vector<8x16384xf32>
    %jit3A_124 = arith.constant 20 : i32
    %broadcast_in_dim3A_125 = vector.broadcast %jit3A_124 : i32 to vector<8x16384xi32>
    %select_n3A_126 = arith.select %gt3A_122, %broadcast_in_dim3A_125, %select_n3A_120 : vector<8x16384xi1>, vector<8x16384xi32>
    %slice3A_127 = vector.extract_strided_slice %sub3A_7 {offsets = [168, 0], sizes = [8, 16384], strides = [1, 1]} : vector<256x16384xf32> to vector<8x16384xf32>
    %gt3A_128 = arith.cmpf ogt, %slice3A_127, %select_n3A_123 : vector<8x16384xf32>
    %select_n3A_129 = arith.select %gt3A_128, %slice3A_127, %select_n3A_123 : vector<8x16384xi1>, vector<8x16384xf32>
    %jit3A_130 = arith.constant 21 : i32
    %broadcast_in_dim3A_131 = vector.broadcast %jit3A_130 : i32 to vector<8x16384xi32>
    %select_n3A_132 = arith.select %gt3A_128, %broadcast_in_dim3A_131, %select_n3A_126 : vector<8x16384xi1>, vector<8x16384xi32>
    %slice3A_133 = vector.extract_strided_slice %sub3A_7 {offsets = [176, 0], sizes = [8, 16384], strides = [1, 1]} : vector<256x16384xf32> to vector<8x16384xf32>
    %gt3A_134 = arith.cmpf ogt, %slice3A_133, %select_n3A_129 : vector<8x16384xf32>
    %select_n3A_135 = arith.select %gt3A_134, %slice3A_133, %select_n3A_129 : vector<8x16384xi1>, vector<8x16384xf32>
    %jit3A_136 = arith.constant 22 : i32
    %broadcast_in_dim3A_137 = vector.broadcast %jit3A_136 : i32 to vector<8x16384xi32>
    %select_n3A_138 = arith.select %gt3A_134, %broadcast_in_dim3A_137, %select_n3A_132 : vector<8x16384xi1>, vector<8x16384xi32>
    %slice3A_139 = vector.extract_strided_slice %sub3A_7 {offsets = [184, 0], sizes = [8, 16384], strides = [1, 1]} : vector<256x16384xf32> to vector<8x16384xf32>
    %gt3A_140 = arith.cmpf ogt, %slice3A_139, %select_n3A_135 : vector<8x16384xf32>
    %select_n3A_141 = arith.select %gt3A_140, %slice3A_139, %select_n3A_135 : vector<8x16384xi1>, vector<8x16384xf32>
    %jit3A_142 = arith.constant 23 : i32
    %broadcast_in_dim3A_143 = vector.broadcast %jit3A_142 : i32 to vector<8x16384xi32>
    %select_n3A_144 = arith.select %gt3A_140, %broadcast_in_dim3A_143, %select_n3A_138 : vector<8x16384xi1>, vector<8x16384xi32>
    %slice3A_145 = vector.extract_strided_slice %sub3A_7 {offsets = [192, 0], sizes = [8, 16384], strides = [1, 1]} : vector<256x16384xf32> to vector<8x16384xf32>
    %gt3A_146 = arith.cmpf ogt, %slice3A_145, %select_n3A_141 : vector<8x16384xf32>
    %select_n3A_147 = arith.select %gt3A_146, %slice3A_145, %select_n3A_141 : vector<8x16384xi1>, vector<8x16384xf32>
    %jit3A_148 = arith.constant 24 : i32
    %broadcast_in_dim3A_149 = vector.broadcast %jit3A_148 : i32 to vector<8x16384xi32>
    %select_n3A_150 = arith.select %gt3A_146, %broadcast_in_dim3A_149, %select_n3A_144 : vector<8x16384xi1>, vector<8x16384xi32>
    %slice3A_151 = vector.extract_strided_slice %sub3A_7 {offsets = [200, 0], sizes = [8, 16384], strides = [1, 1]} : vector<256x16384xf32> to vector<8x16384xf32>
    %gt3A_152 = arith.cmpf ogt, %slice3A_151, %select_n3A_147 : vector<8x16384xf32>
    %select_n3A_153 = arith.select %gt3A_152, %slice3A_151, %select_n3A_147 : vector<8x16384xi1>, vector<8x16384xf32>
    %jit3A_154 = arith.constant 25 : i32
    %broadcast_in_dim3A_155 = vector.broadcast %jit3A_154 : i32 to vector<8x16384xi32>
    %select_n3A_156 = arith.select %gt3A_152, %broadcast_in_dim3A_155, %select_n3A_150 : vector<8x16384xi1>, vector<8x16384xi32>
    %slice3A_157 = vector.extract_strided_slice %sub3A_7 {offsets = [208, 0], sizes = [8, 16384], strides = [1, 1]} : vector<256x16384xf32> to vector<8x16384xf32>
    %gt3A_158 = arith.cmpf ogt, %slice3A_157, %select_n3A_153 : vector<8x16384xf32>
    %select_n3A_159 = arith.select %gt3A_158, %slice3A_157, %select_n3A_153 : vector<8x16384xi1>, vector<8x16384xf32>
    %jit3A_160 = arith.constant 26 : i32
    %broadcast_in_dim3A_161 = vector.broadcast %jit3A_160 : i32 to vector<8x16384xi32>
    %select_n3A_162 = arith.select %gt3A_158, %broadcast_in_dim3A_161, %select_n3A_156 : vector<8x16384xi1>, vector<8x16384xi32>
    %slice3A_163 = vector.extract_strided_slice %sub3A_7 {offsets = [216, 0], sizes = [8, 16384], strides = [1, 1]} : vector<256x16384xf32> to vector<8x16384xf32>
    %gt3A_164 = arith.cmpf ogt, %slice3A_163, %select_n3A_159 : vector<8x16384xf32>
    %select_n3A_165 = arith.select %gt3A_164, %slice3A_163, %select_n3A_159 : vector<8x16384xi1>, vector<8x16384xf32>
    %jit3A_166 = arith.constant 27 : i32
    %broadcast_in_dim3A_167 = vector.broadcast %jit3A_166 : i32 to vector<8x16384xi32>
    %select_n3A_168 = arith.select %gt3A_164, %broadcast_in_dim3A_167, %select_n3A_162 : vector<8x16384xi1>, vector<8x16384xi32>
    %slice3A_169 = vector.extract_strided_slice %sub3A_7 {offsets = [224, 0], sizes = [8, 16384], strides = [1, 1]} : vector<256x16384xf32> to vector<8x16384xf32>
    %gt3A_170 = arith.cmpf ogt, %slice3A_169, %select_n3A_165 : vector<8x16384xf32>
    %select_n3A_171 = arith.select %gt3A_170, %slice3A_169, %select_n3A_165 : vector<8x16384xi1>, vector<8x16384xf32>
    %jit3A_172 = arith.constant 28 : i32
    %broadcast_in_dim3A_173 = vector.broadcast %jit3A_172 : i32 to vector<8x16384xi32>
    %select_n3A_174 = arith.select %gt3A_170, %broadcast_in_dim3A_173, %select_n3A_168 : vector<8x16384xi1>, vector<8x16384xi32>
    %slice3A_175 = vector.extract_strided_slice %sub3A_7 {offsets = [232, 0], sizes = [8, 16384], strides = [1, 1]} : vector<256x16384xf32> to vector<8x16384xf32>
    %gt3A_176 = arith.cmpf ogt, %slice3A_175, %select_n3A_171 : vector<8x16384xf32>
    %select_n3A_177 = arith.select %gt3A_176, %slice3A_175, %select_n3A_171 : vector<8x16384xi1>, vector<8x16384xf32>
    %jit3A_178 = arith.constant 29 : i32
    %broadcast_in_dim3A_179 = vector.broadcast %jit3A_178 : i32 to vector<8x16384xi32>
    %select_n3A_180 = arith.select %gt3A_176, %broadcast_in_dim3A_179, %select_n3A_174 : vector<8x16384xi1>, vector<8x16384xi32>
    %slice3A_181 = vector.extract_strided_slice %sub3A_7 {offsets = [240, 0], sizes = [8, 16384], strides = [1, 1]} : vector<256x16384xf32> to vector<8x16384xf32>
    %gt3A_182 = arith.cmpf ogt, %slice3A_181, %select_n3A_177 : vector<8x16384xf32>
    %select_n3A_183 = arith.select %gt3A_182, %slice3A_181, %select_n3A_177 : vector<8x16384xi1>, vector<8x16384xf32>
    %jit3A_184 = arith.constant 30 : i32
    %broadcast_in_dim3A_185 = vector.broadcast %jit3A_184 : i32 to vector<8x16384xi32>
    %select_n3A_186 = arith.select %gt3A_182, %broadcast_in_dim3A_185, %select_n3A_180 : vector<8x16384xi1>, vector<8x16384xi32>
    %slice3A_187 = vector.extract_strided_slice %sub3A_7 {offsets = [248, 0], sizes = [8, 16384], strides = [1, 1]} : vector<256x16384xf32> to vector<8x16384xf32>
    %gt3A_188 = arith.cmpf ogt, %slice3A_187, %select_n3A_183 : vector<8x16384xf32>
    %select_n3A_189 = arith.select %gt3A_188, %slice3A_187, %select_n3A_183 : vector<8x16384xi1>, vector<8x16384xf32>
    %jit3A_190 = arith.constant 31 : i32
    %broadcast_in_dim3A_191 = vector.broadcast %jit3A_190 : i32 to vector<8x16384xi32>
    %select_n3A_192 = arith.select %gt3A_188, %broadcast_in_dim3A_191, %select_n3A_186 : vector<8x16384xi1>, vector<8x16384xi32>
    %reduce_max3A = arith.constant dense<0xFF800000> : vector<16384xf32>
    %reduce_max3A_193 = vector.multi_reduction <maximumf>, %select_n3A_189, %reduce_max3A [0] : vector<8x16384xf32> to vector<16384xf32>
    %broadcast_in_dim3A_194 = vector.shape_cast %reduce_max3A_193 : vector<16384xf32> to vector<1x16384xf32>
    %mul3A = arith.constant 8 : i32
    %mul3A_195 = vector.broadcast %mul3A : i32 to vector<8x16384xi32>
    %mul3A_196 = arith.muli %select_n3A_192, %mul3A_195 : vector<8x16384xi32>
    %iota3A = tpu.iota {dimensions = array<i32: 0>} : vector<8x16384xi32>
    %add3A = arith.addi %mul3A_196, %iota3A : vector<8x16384xi32>
    %eq3A = vector.broadcast %broadcast_in_dim3A_194 : vector<1x16384xf32> to vector<8x16384xf32>
    %eq3A_197 = arith.cmpf oeq, %select_n3A_189, %eq3A : vector<8x16384xf32>
    %jit3A_198 = arith.constant 256 : i32
    %broadcast_in_dim3A_199 = vector.broadcast %jit3A_198 : i32 to vector<8x16384xi32>
    %select_n3A_200 = arith.select %eq3A_197, %add3A, %broadcast_in_dim3A_199 : vector<8x16384xi1>, vector<8x16384xi32>
    %reduce_min3A = arith.constant dense<2147483647> : vector<16384xi32>
    %reduce_min3A_201 = vector.multi_reduction <minsi>, %select_n3A_200, %reduce_min3A [0] : vector<8x16384xi32> to vector<16384xi32>
    %reshape3A = vector.shape_cast %reduce_min3A_201 : vector<16384xi32> to vector<128x128xi32>
    %swap3A = arith.constant 0 : index
    %swap3A_202 = arith.constant 0 : index
    %swap3A_203 = arith.constant 0 : index
    %swap3A_204 = vector.load %arg3[%swap3A, %swap3A_202, %swap3A_203] : memref<1x128x128xi32, #tpu.memory_space<vmem>>, vector<1x128x128xi32>
    %swap3A_205 = vector.shape_cast %swap3A_204 : vector<1x128x128xi32> to vector<128x128xi32>
    %swap3A_206 = vector.shape_cast %reshape3A : vector<128x128xi32> to vector<1x128x128xi32>
    tpu.vector_store %arg3[%swap3A, %swap3A_202, %swap3A_203], %swap3A_206 {strides = array<i32>} : memref<1x128x128xi32, #tpu.memory_space<vmem>>, vector<1x128x128xi32>,
    return
  }
  func.func @transform_0(%arg0: i32) -> (i32, i32) {
    %add3A = arith.constant 0 : i32
    %add3A_0 = arith.addi %add3A, %arg0 : i32
    %c0_i32 = arith.constant 0 : i32
    %c0_i32_1 = arith.constant 0 : i32
    return %c0_i32, %add3A_0 : i32, i32
  }
  func.func @transform_1(%arg0: i32) -> (i32, i32) {
    %c0_i32 = arith.constant 0 : i32
    %c0_i32_0 = arith.constant 0 : i32
    %c0_i32_1 = arith.constant 0 : i32
    return %c0_i32, %c0_i32_0 : i32, i32
  }
  func.func @transform_2(%arg0: i32) -> (i32, i32, i32) {
    %c0_i32 = arith.constant 0 : i32
    %c0_i32_0 = arith.constant 0 : i32
    %c0_i32_1 = arith.constant 0 : i32
    return %arg0, %c0_i32, %c0_i32_0 : i32, i32, i32
  }
}

module attributes {stable_mosaic.version = 14 : i64} {
  func.func @_score_argmax_body(%arg0: i32, %arg1: memref<8x16384xf32, #tpu.memory_space<vmem>>, %arg2: memref<256x16xf32, #tpu.memory_space<vmem>>, %arg3: memref<1x128x128xi32, #tpu.memory_space<vmem>>) attributes {dimension_semantics = [#tpu.dimension_semantics<arbitrary>], iteration_bounds = array<i64: 10>, scalar_prefetch = 0 : i64, scratch_operands = 0 : i64, tpu.core_type = #tpu.core_type<tc>, window_params = [{transform_indices = @transform_0, window_bounds = array<i64: 8, 16384>}, {pipeline_mode = #tpu.pipeline_mode<synchronous>, transform_indices = @transform_1, window_bounds = array<i64: 256, 16>}, {transform_indices = @transform_2, window_bounds = array<i64: 1, 128, 128>}]} {
    %get3A = arith.constant 0 : index
    %get3A_0 = arith.constant 0 : index
    %get3A_1 = vector.load %arg2[%get3A, %get3A_0] : memref<256x16xf32, #tpu.memory_space<vmem>>, vector<256x16xf32>
    %slice3A = vector.extract_strided_slice %get3A_1 {offsets = [0, 0], sizes = [256, 8], strides = [1, 1]} : vector<256x16xf32> to vector<256x8xf32>
    %slice3A_2 = vector.extract_strided_slice %get3A_1 {offsets = [0, 8], sizes = [256, 1], strides = [1, 1]} : vector<256x16xf32> to vector<256x1xf32>
    %get3A_3 = arith.constant 0 : index
    %get3A_4 = arith.constant 0 : index
    %get3A_5 = vector.load %arg1[%get3A_3, %get3A_4] : memref<8x16384xf32, #tpu.memory_space<vmem>>, vector<8x16384xf32>
    %dot_general3A = arith.constant dense<0.000000e+00> : vector<256x16384xf32>
    %dot_general3A_6 = tpu.matmul %slice3A, %get3A_5, %dot_general3A {dimension_numbers = #tpu.dot_dimension_numbers<[1], [0], [0], [1], [0, 0, 1, 1], [], []>, transpose_lhs_hint = false} : vector<256x8xf32>, vector<8x16384xf32>, vector<256x16384xf32> -> vector<256x16384xf32>
    %sub3A = vector.broadcast %slice3A_2 : vector<256x1xf32> to vector<256x16384xf32>
    %sub3A_7 = arith.subf %dot_general3A_6, %sub3A : vector<256x16384xf32>
    %slice3A_8 = vector.extract_strided_slice %sub3A_7 {offsets = [0, 0], sizes = [8, 16384], strides = [1, 1]} : vector<256x16384xf32> to vector<8x16384xf32>
    %broadcast_in_dim3A = arith.constant 0 : i32
    %broadcast_in_dim3A_9 = vector.broadcast %broadcast_in_dim3A : i32 to vector<8x16384xi32>
    %slice3A_10 = vector.extract_strided_slice %sub3A_7 {offsets = [8, 0], sizes = [8, 16384], strides = [1, 1]} : vector<256x16384xf32> to vector<8x16384xf32>
    %gt3A = arith.cmpf ogt, %slice3A_10, %slice3A_8 : vector<8x16384xf32>
    %select_n3A = arith.select %gt3A, %slice3A_10, %slice3A_8 : vector<8x16384xi1>, vector<8x16384xf32>
    %jit3A = arith.constant 1 : i32
    %broadcast_in_dim3A_11 = vector.broadcast %jit3A : i32 to vector<8x16384xi32>
    %select_n3A_12 = arith.select %gt3A, %broadcast_in_dim3A_11, %broadcast_in_dim3A_9 : vector<8x16384xi1>, vector<8x16384xi32>
    %slice3A_13 = vector.extract_strided_slice %sub3A_7 {offsets = [16, 0], sizes = [8, 16384], strides = [1, 1]} : vector<256x16384xf32> to vector<8x16384xf32>
    %gt3A_14 = arith.cmpf ogt, %slice3A_13, %select_n3A : vector<8x16384xf32>
    %select_n3A_15 = arith.select %gt3A_14, %slice3A_13, %select_n3A : vector<8x16384xi1>, vector<8x16384xf32>
    %jit3A_16 = arith.constant 2 : i32
    %broadcast_in_dim3A_17 = vector.broadcast %jit3A_16 : i32 to vector<8x16384xi32>
    %select_n3A_18 = arith.select %gt3A_14, %broadcast_in_dim3A_17, %select_n3A_12 : vector<8x16384xi1>, vector<8x16384xi32>
    %slice3A_19 = vector.extract_strided_slice %sub3A_7 {offsets = [24, 0], sizes = [8, 16384], strides = [1, 1]} : vector<256x16384xf32> to vector<8x16384xf32>
    %gt3A_20 = arith.cmpf ogt, %slice3A_19, %select_n3A_15 : vector<8x16384xf32>
    %select_n3A_21 = arith.select %gt3A_20, %slice3A_19, %select_n3A_15 : vector<8x16384xi1>, vector<8x16384xf32>
    %jit3A_22 = arith.constant 3 : i32
    %broadcast_in_dim3A_23 = vector.broadcast %jit3A_22 : i32 to vector<8x16384xi32>
    %select_n3A_24 = arith.select %gt3A_20, %broadcast_in_dim3A_23, %select_n3A_18 : vector<8x16384xi1>, vector<8x16384xi32>
    %slice3A_25 = vector.extract_strided_slice %sub3A_7 {offsets = [32, 0], sizes = [8, 16384], strides = [1, 1]} : vector<256x16384xf32> to vector<8x16384xf32>
    %gt3A_26 = arith.cmpf ogt, %slice3A_25, %select_n3A_21 : vector<8x16384xf32>
    %select_n3A_27 = arith.select %gt3A_26, %slice3A_25, %select_n3A_21 : vector<8x16384xi1>, vector<8x16384xf32>
    %jit3A_28 = arith.constant 4 : i32
    %broadcast_in_dim3A_29 = vector.broadcast %jit3A_28 : i32 to vector<8x16384xi32>
    %select_n3A_30 = arith.select %gt3A_26, %broadcast_in_dim3A_29, %select_n3A_24 : vector<8x16384xi1>, vector<8x16384xi32>
    %slice3A_31 = vector.extract_strided_slice %sub3A_7 {offsets = [40, 0], sizes = [8, 16384], strides = [1, 1]} : vector<256x16384xf32> to vector<8x16384xf32>
    %gt3A_32 = arith.cmpf ogt, %slice3A_31, %select_n3A_27 : vector<8x16384xf32>
    %select_n3A_33 = arith.select %gt3A_32, %slice3A_31, %select_n3A_27 : vector<8x16384xi1>, vector<8x16384xf32>
    %jit3A_34 = arith.constant 5 : i32
    %broadcast_in_dim3A_35 = vector.broadcast %jit3A_34 : i32 to vector<8x16384xi32>
    %select_n3A_36 = arith.select %gt3A_32, %broadcast_in_dim3A_35, %select_n3A_30 : vector<8x16384xi1>, vector<8x16384xi32>
    %slice3A_37 = vector.extract_strided_slice %sub3A_7 {offsets = [48, 0], sizes = [8, 16384], strides = [1, 1]} : vector<256x16384xf32> to vector<8x16384xf32>
    %gt3A_38 = arith.cmpf ogt, %slice3A_37, %select_n3A_33 : vector<8x16384xf32>
    %select_n3A_39 = arith.select %gt3A_38, %slice3A_37, %select_n3A_33 : vector<8x16384xi1>, vector<8x16384xf32>
    %jit3A_40 = arith.constant 6 : i32
    %broadcast_in_dim3A_41 = vector.broadcast %jit3A_40 : i32 to vector<8x16384xi32>
    %select_n3A_42 = arith.select %gt3A_38, %broadcast_in_dim3A_41, %select_n3A_36 : vector<8x16384xi1>, vector<8x16384xi32>
    %slice3A_43 = vector.extract_strided_slice %sub3A_7 {offsets = [56, 0], sizes = [8, 16384], strides = [1, 1]} : vector<256x16384xf32> to vector<8x16384xf32>
    %gt3A_44 = arith.cmpf ogt, %slice3A_43, %select_n3A_39 : vector<8x16384xf32>
    %select_n3A_45 = arith.select %gt3A_44, %slice3A_43, %select_n3A_39 : vector<8x16384xi1>, vector<8x16384xf32>
    %jit3A_46 = arith.constant 7 : i32
    %broadcast_in_dim3A_47 = vector.broadcast %jit3A_46 : i32 to vector<8x16384xi32>
    %select_n3A_48 = arith.select %gt3A_44, %broadcast_in_dim3A_47, %select_n3A_42 : vector<8x16384xi1>, vector<8x16384xi32>
    %slice3A_49 = vector.extract_strided_slice %sub3A_7 {offsets = [64, 0], sizes = [8, 16384], strides = [1, 1]} : vector<256x16384xf32> to vector<8x16384xf32>
    %gt3A_50 = arith.cmpf ogt, %slice3A_49, %select_n3A_45 : vector<8x16384xf32>
    %select_n3A_51 = arith.select %gt3A_50, %slice3A_49, %select_n3A_45 : vector<8x16384xi1>, vector<8x16384xf32>
    %jit3A_52 = arith.constant 8 : i32
    %broadcast_in_dim3A_53 = vector.broadcast %jit3A_52 : i32 to vector<8x16384xi32>
    %select_n3A_54 = arith.select %gt3A_50, %broadcast_in_dim3A_53, %select_n3A_48 : vector<8x16384xi1>, vector<8x16384xi32>
    %slice3A_55 = vector.extract_strided_slice %sub3A_7 {offsets = [72, 0], sizes = [8, 16384], strides = [1, 1]} : vector<256x16384xf32> to vector<8x16384xf32>
    %gt3A_56 = arith.cmpf ogt, %slice3A_55, %select_n3A_51 : vector<8x16384xf32>
    %select_n3A_57 = arith.select %gt3A_56, %slice3A_55, %select_n3A_51 : vector<8x16384xi1>, vector<8x16384xf32>
    %jit3A_58 = arith.constant 9 : i32
    %broadcast_in_dim3A_59 = vector.broadcast %jit3A_58 : i32 to vector<8x16384xi32>
    %select_n3A_60 = arith.select %gt3A_56, %broadcast_in_dim3A_59, %select_n3A_54 : vector<8x16384xi1>, vector<8x16384xi32>
    %slice3A_61 = vector.extract_strided_slice %sub3A_7 {offsets = [80, 0], sizes = [8, 16384], strides = [1, 1]} : vector<256x16384xf32> to vector<8x16384xf32>
    %gt3A_62 = arith.cmpf ogt, %slice3A_61, %select_n3A_57 : vector<8x16384xf32>
    %select_n3A_63 = arith.select %gt3A_62, %slice3A_61, %select_n3A_57 : vector<8x16384xi1>, vector<8x16384xf32>
    %jit3A_64 = arith.constant 10 : i32
    %broadcast_in_dim3A_65 = vector.broadcast %jit3A_64 : i32 to vector<8x16384xi32>
    %select_n3A_66 = arith.select %gt3A_62, %broadcast_in_dim3A_65, %select_n3A_60 : vector<8x16384xi1>, vector<8x16384xi32>
    %slice3A_67 = vector.extract_strided_slice %sub3A_7 {offsets = [88, 0], sizes = [8, 16384], strides = [1, 1]} : vector<256x16384xf32> to vector<8x16384xf32>
    %gt3A_68 = arith.cmpf ogt, %slice3A_67, %select_n3A_63 : vector<8x16384xf32>
    %select_n3A_69 = arith.select %gt3A_68, %slice3A_67, %select_n3A_63 : vector<8x16384xi1>, vector<8x16384xf32>
    %jit3A_70 = arith.constant 11 : i32
    %broadcast_in_dim3A_71 = vector.broadcast %jit3A_70 : i32 to vector<8x16384xi32>
    %select_n3A_72 = arith.select %gt3A_68, %broadcast_in_dim3A_71, %select_n3A_66 : vector<8x16384xi1>, vector<8x16384xi32>
    %slice3A_73 = vector.extract_strided_slice %sub3A_7 {offsets = [96, 0], sizes = [8, 16384], strides = [1, 1]} : vector<256x16384xf32> to vector<8x16384xf32>
    %gt3A_74 = arith.cmpf ogt, %slice3A_73, %select_n3A_69 : vector<8x16384xf32>
    %select_n3A_75 = arith.select %gt3A_74, %slice3A_73, %select_n3A_69 : vector<8x16384xi1>, vector<8x16384xf32>
    %jit3A_76 = arith.constant 12 : i32
    %broadcast_in_dim3A_77 = vector.broadcast %jit3A_76 : i32 to vector<8x16384xi32>
    %select_n3A_78 = arith.select %gt3A_74, %broadcast_in_dim3A_77, %select_n3A_72 : vector<8x16384xi1>, vector<8x16384xi32>
    %slice3A_79 = vector.extract_strided_slice %sub3A_7 {offsets = [104, 0], sizes = [8, 16384], strides = [1, 1]} : vector<256x16384xf32> to vector<8x16384xf32>
    %gt3A_80 = arith.cmpf ogt, %slice3A_79, %select_n3A_75 : vector<8x16384xf32>
    %select_n3A_81 = arith.select %gt3A_80, %slice3A_79, %select_n3A_75 : vector<8x16384xi1>, vector<8x16384xf32>
    %jit3A_82 = arith.constant 13 : i32
    %broadcast_in_dim3A_83 = vector.broadcast %jit3A_82 : i32 to vector<8x16384xi32>
    %select_n3A_84 = arith.select %gt3A_80, %broadcast_in_dim3A_83, %select_n3A_78 : vector<8x16384xi1>, vector<8x16384xi32>
    %slice3A_85 = vector.extract_strided_slice %sub3A_7 {offsets = [112, 0], sizes = [8, 16384], strides = [1, 1]} : vector<256x16384xf32> to vector<8x16384xf32>
    %gt3A_86 = arith.cmpf ogt, %slice3A_85, %select_n3A_81 : vector<8x16384xf32>
    %select_n3A_87 = arith.select %gt3A_86, %slice3A_85, %select_n3A_81 : vector<8x16384xi1>, vector<8x16384xf32>
    %jit3A_88 = arith.constant 14 : i32
    %broadcast_in_dim3A_89 = vector.broadcast %jit3A_88 : i32 to vector<8x16384xi32>
    %select_n3A_90 = arith.select %gt3A_86, %broadcast_in_dim3A_89, %select_n3A_84 : vector<8x16384xi1>, vector<8x16384xi32>
    %slice3A_91 = vector.extract_strided_slice %sub3A_7 {offsets = [120, 0], sizes = [8, 16384], strides = [1, 1]} : vector<256x16384xf32> to vector<8x16384xf32>
    %gt3A_92 = arith.cmpf ogt, %slice3A_91, %select_n3A_87 : vector<8x16384xf32>
    %select_n3A_93 = arith.select %gt3A_92, %slice3A_91, %select_n3A_87 : vector<8x16384xi1>, vector<8x16384xf32>
    %jit3A_94 = arith.constant 15 : i32
    %broadcast_in_dim3A_95 = vector.broadcast %jit3A_94 : i32 to vector<8x16384xi32>
    %select_n3A_96 = arith.select %gt3A_92, %broadcast_in_dim3A_95, %select_n3A_90 : vector<8x16384xi1>, vector<8x16384xi32>
    %slice3A_97 = vector.extract_strided_slice %sub3A_7 {offsets = [128, 0], sizes = [8, 16384], strides = [1, 1]} : vector<256x16384xf32> to vector<8x16384xf32>
    %gt3A_98 = arith.cmpf ogt, %slice3A_97, %select_n3A_93 : vector<8x16384xf32>
    %select_n3A_99 = arith.select %gt3A_98, %slice3A_97, %select_n3A_93 : vector<8x16384xi1>, vector<8x16384xf32>
    %jit3A_100 = arith.constant 16 : i32
    %broadcast_in_dim3A_101 = vector.broadcast %jit3A_100 : i32 to vector<8x16384xi32>
    %select_n3A_102 = arith.select %gt3A_98, %broadcast_in_dim3A_101, %select_n3A_96 : vector<8x16384xi1>, vector<8x16384xi32>
    %slice3A_103 = vector.extract_strided_slice %sub3A_7 {offsets = [136, 0], sizes = [8, 16384], strides = [1, 1]} : vector<256x16384xf32> to vector<8x16384xf32>
    %gt3A_104 = arith.cmpf ogt, %slice3A_103, %select_n3A_99 : vector<8x16384xf32>
    %select_n3A_105 = arith.select %gt3A_104, %slice3A_103, %select_n3A_99 : vector<8x16384xi1>, vector<8x16384xf32>
    %jit3A_106 = arith.constant 17 : i32
    %broadcast_in_dim3A_107 = vector.broadcast %jit3A_106 : i32 to vector<8x16384xi32>
    %select_n3A_108 = arith.select %gt3A_104, %broadcast_in_dim3A_107, %select_n3A_102 : vector<8x16384xi1>, vector<8x16384xi32>
    %slice3A_109 = vector.extract_strided_slice %sub3A_7 {offsets = [144, 0], sizes = [8, 16384], strides = [1, 1]} : vector<256x16384xf32> to vector<8x16384xf32>
    %gt3A_110 = arith.cmpf ogt, %slice3A_109, %select_n3A_105 : vector<8x16384xf32>
    %select_n3A_111 = arith.select %gt3A_110, %slice3A_109, %select_n3A_105 : vector<8x16384xi1>, vector<8x16384xf32>
    %jit3A_112 = arith.constant 18 : i32
    %broadcast_in_dim3A_113 = vector.broadcast %jit3A_112 : i32 to vector<8x16384xi32>
    %select_n3A_114 = arith.select %gt3A_110, %broadcast_in_dim3A_113, %select_n3A_108 : vector<8x16384xi1>, vector<8x16384xi32>
    %slice3A_115 = vector.extract_strided_slice %sub3A_7 {offsets = [152, 0], sizes = [8, 16384], strides = [1, 1]} : vector<256x16384xf32> to vector<8x16384xf32>
    %gt3A_116 = arith.cmpf ogt, %slice3A_115, %select_n3A_111 : vector<8x16384xf32>
    %select_n3A_117 = arith.select %gt3A_116, %slice3A_115, %select_n3A_111 : vector<8x16384xi1>, vector<8x16384xf32>
    %jit3A_118 = arith.constant 19 : i32
    %broadcast_in_dim3A_119 = vector.broadcast %jit3A_118 : i32 to vector<8x16384xi32>
    %select_n3A_120 = arith.select %gt3A_116, %broadcast_in_dim3A_119, %select_n3A_114 : vector<8x16384xi1>, vector<8x16384xi32>
    %slice3A_121 = vector.extract_strided_slice %sub3A_7 {offsets = [160, 0], sizes = [8, 16384], strides = [1, 1]} : vector<256x16384xf32> to vector<8x16384xf32>
    %gt3A_122 = arith.cmpf ogt, %slice3A_121, %select_n3A_117 : vector<8x16384xf32>
    %select_n3A_123 = arith.select %gt3A_122, %slice3A_121, %select_n3A_117 : vector<8x16384xi1>, vector<8x16384xf32>
    %jit3A_124 = arith.constant 20 : i32
    %broadcast_in_dim3A_125 = vector.broadcast %jit3A_124 : i32 to vector<8x16384xi32>
    %select_n3A_126 = arith.select %gt3A_122, %broadcast_in_dim3A_125, %select_n3A_120 : vector<8x16384xi1>, vector<8x16384xi32>
    %slice3A_127 = vector.extract_strided_slice %sub3A_7 {offsets = [168, 0], sizes = [8, 16384], strides = [1, 1]} : vector<256x16384xf32> to vector<8x16384xf32>
    %gt3A_128 = arith.cmpf ogt, %slice3A_127, %select_n3A_123 : vector<8x16384xf32>
    %select_n3A_129 = arith.select %gt3A_128, %slice3A_127, %select_n3A_123 : vector<8x16384xi1>, vector<8x16384xf32>
    %jit3A_130 = arith.constant 21 : i32
    %broadcast_in_dim3A_131 = vector.broadcast %jit3A_130 : i32 to vector<8x16384xi32>
    %select_n3A_132 = arith.select %gt3A_128, %broadcast_in_dim3A_131, %select_n3A_126 : vector<8x16384xi1>, vector<8x16384xi32>
    %slice3A_133 = vector.extract_strided_slice %sub3A_7 {offsets = [176, 0], sizes = [8, 16384], strides = [1, 1]} : vector<256x16384xf32> to vector<8x16384xf32>
    %gt3A_134 = arith.cmpf ogt, %slice3A_133, %select_n3A_129 : vector<8x16384xf32>
    %select_n3A_135 = arith.select %gt3A_134, %slice3A_133, %select_n3A_129 : vector<8x16384xi1>, vector<8x16384xf32>
    %jit3A_136 = arith.constant 22 : i32
    %broadcast_in_dim3A_137 = vector.broadcast %jit3A_136 : i32 to vector<8x16384xi32>
    %select_n3A_138 = arith.select %gt3A_134, %broadcast_in_dim3A_137, %select_n3A_132 : vector<8x16384xi1>, vector<8x16384xi32>
    %slice3A_139 = vector.extract_strided_slice %sub3A_7 {offsets = [184, 0], sizes = [8, 16384], strides = [1, 1]} : vector<256x16384xf32> to vector<8x16384xf32>
    %gt3A_140 = arith.cmpf ogt, %slice3A_139, %select_n3A_135 : vector<8x16384xf32>
    %select_n3A_141 = arith.select %gt3A_140, %slice3A_139, %select_n3A_135 : vector<8x16384xi1>, vector<8x16384xf32>
    %jit3A_142 = arith.constant 23 : i32
    %broadcast_in_dim3A_143 = vector.broadcast %jit3A_142 : i32 to vector<8x16384xi32>
    %select_n3A_144 = arith.select %gt3A_140, %broadcast_in_dim3A_143, %select_n3A_138 : vector<8x16384xi1>, vector<8x16384xi32>
    %slice3A_145 = vector.extract_strided_slice %sub3A_7 {offsets = [192, 0], sizes = [8, 16384], strides = [1, 1]} : vector<256x16384xf32> to vector<8x16384xf32>
    %gt3A_146 = arith.cmpf ogt, %slice3A_145, %select_n3A_141 : vector<8x16384xf32>
    %select_n3A_147 = arith.select %gt3A_146, %slice3A_145, %select_n3A_141 : vector<8x16384xi1>, vector<8x16384xf32>
    %jit3A_148 = arith.constant 24 : i32
    %broadcast_in_dim3A_149 = vector.broadcast %jit3A_148 : i32 to vector<8x16384xi32>
    %select_n3A_150 = arith.select %gt3A_146, %broadcast_in_dim3A_149, %select_n3A_144 : vector<8x16384xi1>, vector<8x16384xi32>
    %slice3A_151 = vector.extract_strided_slice %sub3A_7 {offsets = [200, 0], sizes = [8, 16384], strides = [1, 1]} : vector<256x16384xf32> to vector<8x16384xf32>
    %gt3A_152 = arith.cmpf ogt, %slice3A_151, %select_n3A_147 : vector<8x16384xf32>
    %select_n3A_153 = arith.select %gt3A_152, %slice3A_151, %select_n3A_147 : vector<8x16384xi1>, vector<8x16384xf32>
    %jit3A_154 = arith.constant 25 : i32
    %broadcast_in_dim3A_155 = vector.broadcast %jit3A_154 : i32 to vector<8x16384xi32>
    %select_n3A_156 = arith.select %gt3A_152, %broadcast_in_dim3A_155, %select_n3A_150 : vector<8x16384xi1>, vector<8x16384xi32>
    %slice3A_157 = vector.extract_strided_slice %sub3A_7 {offsets = [208, 0], sizes = [8, 16384], strides = [1, 1]} : vector<256x16384xf32> to vector<8x16384xf32>
    %gt3A_158 = arith.cmpf ogt, %slice3A_157, %select_n3A_153 : vector<8x16384xf32>
    %select_n3A_159 = arith.select %gt3A_158, %slice3A_157, %select_n3A_153 : vector<8x16384xi1>, vector<8x16384xf32>
    %jit3A_160 = arith.constant 26 : i32
    %broadcast_in_dim3A_161 = vector.broadcast %jit3A_160 : i32 to vector<8x16384xi32>
    %select_n3A_162 = arith.select %gt3A_158, %broadcast_in_dim3A_161, %select_n3A_156 : vector<8x16384xi1>, vector<8x16384xi32>
    %slice3A_163 = vector.extract_strided_slice %sub3A_7 {offsets = [216, 0], sizes = [8, 16384], strides = [1, 1]} : vector<256x16384xf32> to vector<8x16384xf32>
    %gt3A_164 = arith.cmpf ogt, %slice3A_163, %select_n3A_159 : vector<8x16384xf32>
    %select_n3A_165 = arith.select %gt3A_164, %slice3A_163, %select_n3A_159 : vector<8x16384xi1>, vector<8x16384xf32>
    %jit3A_166 = arith.constant 27 : i32
    %broadcast_in_dim3A_167 = vector.broadcast %jit3A_166 : i32 to vector<8x16384xi32>
    %select_n3A_168 = arith.select %gt3A_164, %broadcast_in_dim3A_167, %select_n3A_162 : vector<8x16384xi1>, vector<8x16384xi32>
    %slice3A_169 = vector.extract_strided_slice %sub3A_7 {offsets = [224, 0], sizes = [8, 16384], strides = [1, 1]} : vector<256x16384xf32> to vector<8x16384xf32>
    %gt3A_170 = arith.cmpf ogt, %slice3A_169, %select_n3A_165 : vector<8x16384xf32>
    %select_n3A_171 = arith.select %gt3A_170, %slice3A_169, %select_n3A_165 : vector<8x16384xi1>, vector<8x16384xf32>
    %jit3A_172 = arith.constant 28 : i32
    %broadcast_in_dim3A_173 = vector.broadcast %jit3A_172 : i32 to vector<8x16384xi32>
    %select_n3A_174 = arith.select %gt3A_170, %broadcast_in_dim3A_173, %select_n3A_168 : vector<8x16384xi1>, vector<8x16384xi32>
    %slice3A_175 = vector.extract_strided_slice %sub3A_7 {offsets = [232, 0], sizes = [8, 16384], strides = [1, 1]} : vector<256x16384xf32> to vector<8x16384xf32>
    %gt3A_176 = arith.cmpf ogt, %slice3A_175, %select_n3A_171 : vector<8x16384xf32>
    %select_n3A_177 = arith.select %gt3A_176, %slice3A_175, %select_n3A_171 : vector<8x16384xi1>, vector<8x16384xf32>
    %jit3A_178 = arith.constant 29 : i32
    %broadcast_in_dim3A_179 = vector.broadcast %jit3A_178 : i32 to vector<8x16384xi32>
    %select_n3A_180 = arith.select %gt3A_176, %broadcast_in_dim3A_179, %select_n3A_174 : vector<8x16384xi1>, vector<8x16384xi32>
    %slice3A_181 = vector.extract_strided_slice %sub3A_7 {offsets = [240, 0], sizes = [8, 16384], strides = [1, 1]} : vector<256x16384xf32> to vector<8x16384xf32>
    %gt3A_182 = arith.cmpf ogt, %slice3A_181, %select_n3A_177 : vector<8x16384xf32>
    %select_n3A_183 = arith.select %gt3A_182, %slice3A_181, %select_n3A_177 : vector<8x16384xi1>, vector<8x16384xf32>
    %jit3A_184 = arith.constant 30 : i32
    %broadcast_in_dim3A_185 = vector.broadcast %jit3A_184 : i32 to vector<8x16384xi32>
    %select_n3A_186 = arith.select %gt3A_182, %broadcast_in_dim3A_185, %select_n3A_180 : vector<8x16384xi1>, vector<8x16384xi32>
    %slice3A_187 = vector.extract_strided_slice %sub3A_7 {offsets = [248, 0], sizes = [8, 16384], strides = [1, 1]} : vector<256x16384xf32> to vector<8x16384xf32>
    %gt3A_188 = arith.cmpf ogt, %slice3A_187, %select_n3A_183 : vector<8x16384xf32>
    %select_n3A_189 = arith.select %gt3A_188, %slice3A_187, %select_n3A_183 : vector<8x16384xi1>, vector<8x16384xf32>
    %jit3A_190 = arith.constant 31 : i32
    %broadcast_in_dim3A_191 = vector.broadcast %jit3A_190 : i32 to vector<8x16384xi32>
    %select_n3A_192 = arith.select %gt3A_188, %broadcast_in_dim3A_191, %select_n3A_186 : vector<8x16384xi1>, vector<8x16384xi32>
    %reduce_max3A = arith.constant dense<0xFF800000> : vector<16384xf32>
    %reduce_max3A_193 = vector.multi_reduction <maximumf>, %select_n3A_189, %reduce_max3A [0] : vector<8x16384xf32> to vector<16384xf32>
    %broadcast_in_dim3A_194 = vector.shape_cast %reduce_max3A_193 : vector<16384xf32> to vector<1x16384xf32>
    %mul3A = arith.constant 8 : i32
    %mul3A_195 = vector.broadcast %mul3A : i32 to vector<8x16384xi32>
    %mul3A_196 = arith.muli %select_n3A_192, %mul3A_195 : vector<8x16384xi32>
    %iota3A = tpu.iota {dimensions = array<i32: 0>} : vector<8x16384xi32>
    %add3A = arith.addi %mul3A_196, %iota3A : vector<8x16384xi32>
    %eq3A = vector.broadcast %broadcast_in_dim3A_194 : vector<1x16384xf32> to vector<8x16384xf32>
    %eq3A_197 = arith.cmpf oeq, %select_n3A_189, %eq3A : vector<8x16384xf32>
    %jit3A_198 = arith.constant 256 : i32
    %broadcast_in_dim3A_199 = vector.broadcast %jit3A_198 : i32 to vector<8x16384xi32>
    %select_n3A_200 = arith.select %eq3A_197, %add3A, %broadcast_in_dim3A_199 : vector<8x16384xi1>, vector<8x16384xi32>
    %reduce_min3A = arith.constant dense<2147483647> : vector<16384xi32>
    %reduce_min3A_201 = vector.multi_reduction <minsi>, %select_n3A_200, %reduce_min3A [0] : vector<8x16384xi32> to vector<16384xi32>
    %reshape3A = vector.shape_cast %reduce_min3A_201 : vector<16384xi32> to vector<128x128xi32>
    %swap3A = arith.constant 0 : index
    %swap3A_202 = arith.constant 0 : index
    %swap3A_203 = arith.constant 0 : index
    %swap3A_204 = vector.load %arg3[%swap3A, %swap3A_202, %swap3A_203] : memref<1x128x128xi32, #tpu.memory_space<vmem>>, vector<1x128x128xi32>
    %swap3A_205 = vector.shape_cast %swap3A_204 : vector<1x128x128xi32> to vector<128x128xi32>
    %swap3A_206 = vector.shape_cast %reshape3A : vector<128x128xi32> to vector<1x128x128xi32>
    tpu.vector_store %arg3[%swap3A, %swap3A_202, %swap3A_203], %swap3A_206 {strides = array<i32>} : memref<1x128x128xi32, #tpu.memory_space<vmem>>, vector<1x128x128xi32>,
    return
  }
  func.func @transform_0(%arg0: i32) -> (i32, i32) {
    %add3A = arith.constant 20 : i32
    %add3A_0 = arith.addi %add3A, %arg0 : i32
    %c0_i32 = arith.constant 0 : i32
    %c0_i32_1 = arith.constant 0 : i32
    return %c0_i32, %add3A_0 : i32, i32
  }
  func.func @transform_1(%arg0: i32) -> (i32, i32) {
    %c0_i32 = arith.constant 0 : i32
    %c0_i32_0 = arith.constant 0 : i32
    %c0_i32_1 = arith.constant 0 : i32
    return %c0_i32, %c0_i32_0 : i32, i32
  }
  func.func @transform_2(%arg0: i32) -> (i32, i32, i32) {
    %c0_i32 = arith.constant 0 : i32
    %c0_i32_0 = arith.constant 0 : i32
    %c0_i32_1 = arith.constant 0 : i32
    return %arg0, %c0_i32, %c0_i32_0 : i32, i32, i32
  }
}

</mosaic_0001>

<sc_bundles>
// kernel: kernel.10.cloned.1.call-start
scs
__scs_entry_jumppad:
0x0: {  	(pc) =	sbr.rel $0x88, $3  }
0x1: {  	(tag) =	ssettag $0x0;
	lr =	simm.s32 $0x1  }
0x2: {  	[smem:$0x3F9E] =	sst lr;
	_ =	strace $0xD0000000  }
0x3: {  	_ = 	snop  }
0x4: {  	_ = 	snop  }
0x5: {  	_ = 	snop  }
0x6: {  	_ = 	snop  }
0x7: {  	_ = 	snop  }
__scs_overlays_trampoline_lowered:
0x8: {  	[smem:$0x3FAD] =	sst s0  }
0x9: {  	[smem:$0x3FAE] =	sst s1  }
0xa: {  	[smem:$0x3FAF] =	sst s2  }
0xb: {  	[smem:$0x3FB0] =	sst s3  }
0xc: {  	[smem:$0x3FB1] =	sst s4  }
0xd: {  	[smem:$0x3FB2] =	sst s5  }
0xe: {  	[smem:$0x3FB3] =	sst s6  }
0xf: {  	[smem:$0x3FB4] =	sst s7  }
0x10: {  	[smem:$0x3FB5] =	sst s8  }
0x11: {  	[smem:$0x3FB6] =	sst s9;
	s0 =	simm.s32 @!p0 $0x0  }
0x12: {  	s1 =	sld [smem:$0x3F9C];
	s0 =	simm.s32 @p0 $0x1  }
0x13: {  	[smem:$0x3FB7] =	sst s0;
	s0 =	simm.s32 @!p1 $0x0  }
0x14: {  	s2 =	sld [smem:$0x3F9B];
	s0 =	simm.s32 @p1 $0x1  }
0x15: {  	[smem:$0x3FB8] =	sst s0;
	s0 =	simm.s32 @!p2 $0x0  }
0x16: {  	s3 =	sld [smem:$0x3FDB];
	s0 =	simm.s32 @p2 $0x1  }
0x17: {  	s4 =	simm.s32 $0x1BF5;
	[smem:$0x3FBA] =	sst s0  }
0x18: {  	s0 =	sld [smem:$0x3F9D];
	_ =	swait.ge [sflag:s4], $0x0  }
0x19: {  	s7 =	sld [smem:$0x3F9E]  }
0x1a: {  	s8 =	sadd.s32 $0xFFFFE003, lr  }
0x1b: {  	s9 =	sadd.s32 $0xFFFFFEF7, lr;
	s5 =	simm.s32 $0xFFFFFFFF;
	p2 =	slt.u32 s8, $0xFFFFF086  }
0x1c: {  	p1 =	slt.u32 s9, $0xF7A;
	s5 =	simm.s32 @!p2 $0x0  }
0x1d: {  	s5 =	simm.s32 @p1 $0x1;
	p0 =	seq.s32 s7, s2  }
0x1e: {  	s7 =	smul.u32 @!p0 $0xF7A, s2;
	p2 =	seq.s32 @!p0 s5, $0x0  }
0x1f: {  	s9 =	smul.u32 $0xF7A, s1;
	s8 =	simm.s32 @!p0 $0x1BF5;
	p2 =	por !p2, p0  }
0x20: {  	[sflag:s8] =	ssyncset.s32 @!p0 $0xFFFFF086;
	s6 =	sadd.s32 @!p0 s3, s7;
	s7 =	simm.s32 @!p0 $0x108  }
0x21: {  	s3 =	sadd.s32 s3, s9;
	s6 =	sadd.s32 @!p0 $0x88, s6;
	s7 =	simm.s32 @p2 $0x1082  }
0x22: {  	[simem:s7], [sflag:s8] =	dma.local @!p0 [hbm:s6], $0xF7A  }
0x23: {  	s9 =	sor.u32 $0xD0000000, s2;
	s6 =	simm.s32 $0x108;
	_ =	swait.ge @!p0 [sflag:s8], $0x0  }
0x24: {  	s3 =	sadd.s32 $0x88, s3;
	s6 =	simm.s32 @!p1 $0x1082;
	[sflag:s4] =	ssyncset.s32 $0xFFFFF086  }
0x25: {  	[simem:s6], [sflag:s4] =	dma.local [hbm:s3], $0xF7A  }
0x26: {  	[smem:$0x3F9E] =	sst s1;
	(tag) =	ssettag s2;
	_ =	strace s9  }
0x27: {  	s1 =	sld [smem:$0x3FAE]  }
0x28: {  	s2 =	sld [smem:$0x3FAF]  }
0x29: {  	s4 =	sld [smem:$0x3FB1]  }
0x2a: {  	p0 =	seq.s32 s5, $0x0;
	s5 =	sld [smem:$0x3FB2]  }
0x2b: {  	s6 =	sld [smem:$0x3FB3]  }
0x2c: {  	s7 =	sld [smem:$0x3FB4]  }
0x2d: {  	s3 =	simm.s32 $0x108;
	s8 =	sld [smem:$0x3FB5]  }
0x2e: {  	s3 =	simm.s32 @!p0 $0x1082;
	s9 =	sld [smem:$0x3FB6]  }
0x2f: {  	lr =	sadd.s32 s0, s3;
	s0 =	sld [smem:$0x3FAD]  }
0x30: {  	s3 =	sld [smem:$0x3FB0]  }
0x31: {  	[smem:$0x3FB9] =	sst s10  }
0x32: {  	s10 =	sld [smem:$0x3FB7];
	_ =	sdelay $0x3  }
0x33: {  	p0 =	seq.s32 s10, $0x1;
	s10 =	sld [smem:$0x3FB9];
	_ =	sdelay $0x3  }
0x34: {  	[smem:$0x3FB9] =	sst s10  }
0x35: {  	s10 =	sld [smem:$0x3FB8];
	_ =	sdelay $0x3  }
0x36: {  	p1 =	seq.s32 s10, $0x1;
	s10 =	sld [smem:$0x3FB9];
	_ =	sdelay $0x3  }
0x37: {  	[smem:$0x3FB9] =	sst s10  }
0x38: {  	s10 =	sld [smem:$0x3FBA]  }
0x39: {  	_ = 	snop;
	(pc) =	sbr.ind lr, $3  }
0x3a: {  	_ = 	snop  }
0x3b: {  	_ = 	snop  }
0x3c: {  	p2 =	seq.s32 s10, $0x1;
	s10 =	sld [smem:$0x3FB9]  }
0x3d: {  	_ =	shalt  }
0x3e: {  	_ =	shalt  }
0x3f: {  	_ =	shalt  }
0x40: {  	_ =	shalt  }
0x41: {  	_ =	shalt  }
0x42: {  	_ =	shalt  }
0x43: {  	_ =	shalt  }
0x44: {  	_ =	shalt  }
0x45: {  	_ =	shalt  }
0x46: {  	_ =	shalt  }
0x47: {  	_ =	shalt  }
0x48: {  	_ =	shalt  }
0x49: {  	_ =	shalt  }
0x4a: {  	_ =	shalt  }
0x4b: {  	_ =	shalt  }
0x4c: {  	_ =	shalt  }
0x4d: {  	_ =	shalt  }
0x4e: {  	_ =	shalt  }
0x4f: {  	_ =	shalt  }
0x50: {  	_ =	shalt  }
0x51: {  	_ =	shalt  }
0x52: {  	_ =	shalt  }
0x53: {  	_ =	shalt  }
0x54: {  	_ =	shalt  }
0x55: {  	_ =	shalt  }
0x56: {  	_ =	shalt  }
0x57: {  	_ =	shalt  }
0x58: {  	_ =	shalt  }
0x59: {  	_ =	shalt  }
0x5a: {  	_ =	shalt  }
0x5b: {  	_ =	shalt  }
0x5c: {  	_ =	shalt  }
0x5d: {  	_ =	shalt  }
0x5e: {  	_ =	shalt  }
0x5f: {  	_ =	shalt  }
0x60: {  	_ =	shalt  }
0x61: {  	_ =	shalt  }
0x62: {  	_ =	shalt  }
0x63: {  	_ =	shalt  }
0x64: {  	_ =	shalt  }
0x65: {  	_ =	shalt  }
0x66: {  	_ =	shalt  }
0x67: {  	_ =	shalt  }
0x68: {  	_ =	shalt  }
0x69: {  	_ =	shalt  }
0x6a: {  	_ =	shalt  }
0x6b: {  	_ =	shalt  }
0x6c: {  	_ =	shalt  }
0x6d: {  	_ =	shalt  }
0x6e: {  	_ =	shalt  }
0x6f: {  	_ =	shalt  }
0x70: {  	_ =	shalt  }
0x71: {  	_ =	shalt  }
0x72: {  	_ =	shalt  }
0x73: {  	_ =	shalt  }
0x74: {  	_ =	shalt  }
0x75: {  	_ =	shalt  }
0x76: {  	_ =	shalt  }
0x77: {  	_ =	shalt  }
0x78: {  	_ =	shalt  }
0x79: {  	_ =	shalt  }
0x7a: {  	_ =	shalt  }
0x7b: {  	_ =	shalt  }
0x7c: {  	_ =	shalt  }
0x7d: {  	_ =	shalt  }
0x7e: {  	_ =	shalt  }
0x7f: {  	_ =	shalt  }
0x80: {  	_ =	shalt  }
0x81: {  	_ =	shalt  }
0x82: {  	_ =	shalt  }
0x83: {  	_ =	shalt  }
0x84: {  	_ =	shalt  }
0x85: {  	_ =	shalt  }
0x86: {  	_ =	shalt  }
0x87: {  	_ =	shalt  }
.Lfunc_end0:
.L_simem_size_0:
called_computation_lowered:
.L_overlay_start_0:
0x88: {  	s2 =	sld [smem:$0x3FD9]  }
0x89: {  	s3 =	sld [smem:$0x3FFE];
	_ =	sdelay $0x1  }
0x8a: {  	s1 =	srdreg.scid  }
0x8b: {  	s0 =	sand.u32 $0x1, s1  }
0x8c: {  	s14 =	sshll.u32 s0, $0xA;
	s2 =	sadd.s32 s3, s2  }
0x8d: {  	s2 =	sadd.s32 s2, s14  }
0x8e: {  	[smem:$0x3FC5] =	sst s2  }
0x8f: {  	_ = 	snop  }
0x90: {  	s2 =	sld [smem:$0x3FD0];
	_ =	sdelay $0x2  }
0x91: {  	s4 =	simm.s32 $0xD;
	s5 =	simm.s32 $0x10;
	s15 =	sld [smem:$0x3FC8]  }
0x92: {  	[smem:s5], [sflag:s4] =	dma.local [hbm:s2], $0x1  }
0x93: {  	_ =	swait.eq [sflag:s4], $0x1  }
0x94: {  	[sflag:s4] =	ssyncset.done $0x0  }
0x95: {  	[sflag:s4] =	ssyncadd.s32 $0xFFFFFFFF  }
0x96: {  	s16 =	sld [smem:$0x10];
	(tm) =	ssettm $0x1  }
0x97: {  	s17 =	sld [smem:$0x3FFB];
	_ =	sdelay $0x3  }
0x98: {  	_ =	strace s17  }
0x99: {  	s4 =	sld [smem:$0x3FFC];
	_ =	sdelay $0x3  }
0x9a: {  	_ =	strace s4  }
0x9b: {  	s4 =	sld [smem:$0x3FFD];
	_ =	sdelay $0x3  }
0x9c: {  	_ =	strace s4  }
0x9d: {  	_ =	strace $0x8FFFFFFF  }
0x9e: {  	s18 =	sld [smem:$0x3FDB];
	_ =	sdelay $0x1  }
0x9f: {  	s19 =	simm.s32 $_scs_section_size  }
0xa0: {  	s6 =	simm.s32 $_size__tile_overlayer_lowered;
	s7 =	simm.s32 $_tile_overlayer_lowered  }
0xa1: {  	s22 =	simm.s32 $0x1BFF;
	s21 =	sshll.u32 s7, $0x1;
	s4 =	sadd.s32 s19, s18  }
0xa2: {  	s8 =	simm.s32 $0x0;
	s20 =	sshll.u32 s6, $0x1;
	s6 =	sadd.s32 s21, s4  }
0xa3: {  	[timem:s8], [sflag:s22] =	dma.local [hbm:s6], s20  }
0xa4: {  	_ =	swait.ge [sflag:s22], s20  }
0xa5: {  	s5 =	ssub.s32 $0x0, s20;
	[sflag:s22] =	ssyncset.done $0x0  }
0xa6: {  	[sflag:s22] =	ssyncadd.s32 s5;
	_ =	sdelay $0x1  }
0xa7: {  	s23 =	simm.s32 $0x1B8B  }
0xa8: {  	_ =	swait.ge [sflag:s23], $0x1  }
0xa9: {  	[sflag:s23] =	ssyncset.done $0x0  }
0xaa: {  	s25 =	simm.s32 $0x1B8E;
	s24 =	sld [smem:$0x3FFE];
	[sflag:s23] =	ssyncadd.s32 $0xFFFFFFFF  }
0xab: {  	s26 =	simm.s32 $execute0_lowered;
	[smem:$0x3FD2] =	sst s25  }
0xac: {  	s6 =	sshll.u32 s26, $0x1;
	_ =	strace $0x80000046;
	[dreg:$0x1] =	wrdreg $0xFFFFFFFF  }
0xad: {  	s28 =	simm.s32 $_size_execute0_lowered;
	s4 =	sadd.s32 s4, s6;
	[dreg:$0x0] =	wrdreg $0x0  }
0xae: {  	s6 =	sshll.u32 s28, $0x1;
	[dreg:$0x2] =	wrdreg s4  }
0xaf: {  	[dreg:$0x3] =	wrdreg s6  }
0xb0: {  	[dreg:$0x4] =	wrdreg $0xC0  }
0xb1: {  	_ =	task [dreg:s8], $0x5FFFF  }
0xb2: {  	[dreg:$0x1] =	wrdreg $0xFFFFFFFF  }
0xb3: {  	[dreg:$0x0] =	wrdreg $0x60  }
0xb4: {  	[dreg:$0x2] =	wrdreg s24  }
0xb5: {  	[dreg:$0x3] =	wrdreg s15  }
0xb6: {  	[dreg:$0x4] =	wrdreg s16  }
0xb7: {  	[dreg:$0x5] =	wrdreg $0x9  }
0xb8: {  	_ =	task.clear_ibuf [dreg:s8], $0x6FFFF;
	_ =	strace $0x90000046  }
0xb9: {  	s29 =	simm.s32 $0x9;
	_ =	strace $0x80000048  }
0xba: {  	_ =	swait.ge [sflag:s29], $0x1  }
0xbb: {  	[sflag:s29] =	ssyncadd.s32 $0xFFFFFFFF  }
0xbc: {  	_ =	strace $0x90000048  }
0xbd: {  	_ =	sfence  }
0xbe: {  	s30 =	sld [smem:$0x0];
	_ =	sdelay $0x2  }
0xbf: {  	s31 =	sshll.u32 s1, $0xD;
	s1 =	sshrl.u32 s1, $0x2  }
0xc0: {  	s3 =	sand.u32 $0x4000, s31;
	s1 =	sadd.s32 s1, s30  }
0xc1: {  	s0 =	sor.u32 s3, s0;
	s1 =	sshll.u32 s1, $0x11  }
0xc2: {  	s0 =	sor.u32 s1, s0  }
0xc3: {  	s0 =	sadd.s32 $0x8F2B, s0  }
0xc4: {  	[sflag:s0] =	ssyncadd.remote.s32 $0x1  }
0xc5: {  	_ =	sfence.sel $0xFFFF  }
0xc6: {  	[dreg:$0x0] =	wrdreg $0xFFFFFFFF;
	(pc) =	sbr.abs _section_cstart, $3  }
0xc7: {  	[dreg:$0x1] =	wrdreg $0xFFFFFFFF  }
0xc8: {  	_ =	task.clear_ibuf [dreg:s8], $0x2FFFF;
	_ =	strace $0x9FFFFFFF  }
0xc9: {  	(tm) =	ssettm $0x7FFFFFFF  }
tec
execute0_lowered:
.L_overlay_start_1:
0x0: {  	(tag) =	ssettag $0x1  }
0x1: {  	s0 =	rddreg [dreg:$0x0]  }
0x2: {  	s11 =	rddreg [dreg:$0x1]  }
0x3: {  	s1 =	srdreg.scid;
	s2 =	stileid.u32  }
0x4: {  	s3 =	rddreg [dreg:$0x2];
	s4 =	simm.s32 $0x0;
	s15 =	simm.s32 $0x80  }
0x5: {  	s16 =	simm.s32 $0x400;
	s17 =	simm.s32 $0x1400;
	s18 =	simm.s32 $0x1500  }
0x6: {  	s19 =	simm.s32 $0x1600;
	s20 =	simm.s32 $0x1700;
	s21 =	simm.s32 $0x1800  }
0x7: {  	s22 =	simm.s32 $0x1900;
	s23 =	simm.s32 $0x1A00;
	s24 =	simm.s32 $0x1B00  }
0x8: {  	s25 =	simm.s32 $0x1;
	s26 =	simm.s32 $0x1C00;
	s28 =	simm.s32 $0x2  }
0x9: {  	s29 =	simm.s32 $0x0;
	s1 =	sand.u32 $0x1, s1;
	s2 =	sshll.u32 s2, $0x1  }
0xa: {  	[smem:$0x7FF] =	sst s4;
	s7 =	sadd.s32 $0x30, s11;
	s8 =	sadd.s32 $0x40, s11  }
0xb: {  	s9 =	sadd.s32 $0x50, s11;
	s2 =	sor.u32 s1, s2;
	s1 =	ssub.s32 $0x2, s1  }
0xc: {  	s10 =	sadd.s32 $0x60, s11;
	s5 =	smul.u32 $0x280, s2;
	s6 =	sshrl.u32 s1, $0x1  }
0xd: {  	_ =	strace $0x80000047;
	s13 =	smul.u32 $0xA000, s2;
	s1 =	ssub.s32 s1, s6  }
0xe: {  	s6 =	sadd.s32 $0x20, s11;
	s0 =	sadd.s32 s5, s0;
	s5 =	sadd.s32 $0x10, s11  }
0xf: {  	s11 =	sadd.s32 $0x70, s11;
	s14 =	smax.u32 s1, $0x1;
	s12 =	sadd.s32 $0x2200, s0  }
.LBB2_1:
0x10: {  	s0 =	rddreg [dreg:$0x1]  }
0x11: {  	[tilespmem:s17], [sflag:$0x1] =	stream.strided.gather [hbm4b:s0+s15], $0x100, s16, s15, $0x38;
	[tilespmem:$0x3C00] =	vst v63  }
0x12: {  	_ = 	snop  }
0x13: {  	[tilespmem:s18], [sflag:$0x1] =	stream.strided.gather [hbm4b:s5+s15], $0x100, s16, s15, $0x38;
	[tilespmem:$0x3C00] =	vst v63  }
0x14: {  	_ = 	snop  }
0x15: {  	[tilespmem:s19], [sflag:$0x1] =	stream.strided.gather [hbm4b:s6+s15], $0x100, s16, s15, $0x38;
	[tilespmem:$0x3C00] =	vst v63  }
0x16: {  	_ = 	snop  }
0x17: {  	[tilespmem:s20], [sflag:$0x1] =	stream.strided.gather [hbm4b:s7+s15], $0x100, s16, s15, $0x38;
	[tilespmem:$0x3C00] =	vst v63  }
0x18: {  	_ = 	snop  }
0x19: {  	[tilespmem:s21], [sflag:$0x1] =	stream.strided.gather [hbm4b:s8+s15], $0x100, s16, s15, $0x38;
	[tilespmem:$0x3C00] =	vst v63  }
0x1a: {  	_ = 	snop  }
0x1b: {  	[tilespmem:s22], [sflag:$0x1] =	stream.strided.gather [hbm4b:s9+s15], $0x100, s16, s15, $0x38;
	[tilespmem:$0x3C00] =	vst v63  }
0x1c: {  	_ = 	snop  }
0x1d: {  	[tilespmem:s23], [sflag:$0x1] =	stream.strided.gather [hbm4b:s10+s15], $0x100, s16, s15, $0x38;
	[tilespmem:$0x3C00] =	vst v63  }
0x1e: {  	_ = 	snop  }
0x1f: {  	[tilespmem:s24], [sflag:$0x1] =	stream.strided.gather [hbm4b:s11+s15], $0x100, s16, s15, $0x38;
	[tilespmem:$0x3C00] =	vst v63  }
0x20: {  	_ = 	snop  }
0x21: {  	[tilespmem:s4], [sflag:$0x1] =	stream.linear.gather [hbm4b:s12+s4], $0x1400, $0x38;
	[tilespmem:$0x3C00] =	vst v63  }
0x22: {  	_ =	swait.ge [sflag:s25], $0x100  }
0x23: {  	[sflag:s25] =	ssyncset.done $0x0  }
0x24: {  	[sflag:s25] =	ssyncadd.s32 $0xFFFFFF00  }
0x25: {  	_ =	swait.ge [sflag:s25], $0x100  }
0x26: {  	[sflag:s25] =	ssyncset.done $0x0  }
0x27: {  	[sflag:s25] =	ssyncadd.s32 $0xFFFFFF00  }
0x28: {  	_ =	swait.ge [sflag:s25], $0x100  }
0x29: {  	[sflag:s25] =	ssyncset.done $0x0  }
0x2a: {  	[sflag:s25] =	ssyncadd.s32 $0xFFFFFF00  }
0x2b: {  	_ =	swait.ge [sflag:s25], $0x100  }
0x2c: {  	[sflag:s25] =	ssyncset.done $0x0  }
0x2d: {  	[sflag:s25] =	ssyncadd.s32 $0xFFFFFF00  }
0x2e: {  	_ =	swait.ge [sflag:s25], $0x100  }
0x2f: {  	[sflag:s25] =	ssyncset.done $0x0  }
0x30: {  	[sflag:s25] =	ssyncadd.s32 $0xFFFFFF00  }
0x31: {  	_ =	swait.ge [sflag:s25], $0x100  }
0x32: {  	[sflag:s25] =	ssyncset.done $0x0  }
0x33: {  	[sflag:s25] =	ssyncadd.s32 $0xFFFFFF00  }
0x34: {  	_ =	swait.ge [sflag:s25], $0x100  }
0x35: {  	[sflag:s25] =	ssyncset.done $0x0  }
0x36: {  	[sflag:s25] =	ssyncadd.s32 $0xFFFFFF00  }
0x37: {  	_ =	swait.ge [sflag:s25], $0x100  }
0x38: {  	[sflag:s25] =	ssyncset.done $0x0  }
0x39: {  	[sflag:s25] =	ssyncadd.s32 $0xFFFFFF00  }
0x3a: {  	_ =	swait.ge [sflag:s25], $0x1400  }
0x3b: {  	[sflag:s25] =	ssyncset.done $0x0  }
0x3c: {  	s2 =	simm.s32 $0x40;
	s31 =	simm.s32 $0x0;
	[sflag:s25] =	ssyncadd.s32 $0xFFFFEC00  }
.LBB2_2:
0x3d: {  	s1 =	simm.s32 $0xFFFFFFF8;
	s0 =	simm.s32 $0x1E00;
	s30 =	smov.u32 s2  }
.LBB2_3:
0x3e: {  	v0 =	vld [tilespmem:s30+$0xFFFFFFC0];
	_ =	sdelay $0x7  }
0x3f: {  	v1 =	vld.idx.msk [tilespmem:v0+s17+$0x0], $0xffff;
	_ =	sdelay $0x4  }
0x40: {  	[tilespmem:s0+$0xFFFFFE00] =	vst v1  }
0x41: {  	v1 =	vld.idx.msk [tilespmem:v0+s18+$0x0], $0xffff;
	_ =	sdelay $0x4  }
0x42: {  	[tilespmem:s0+$0xFFFFFE80] =	vst v1  }
0x43: {  	v1 =	vld.idx.msk [tilespmem:v0+s19+$0x0], $0xffff;
	_ =	sdelay $0x4  }
0x44: {  	[tilespmem:s0+$0xFFFFFF00] =	vst v1  }
0x45: {  	v1 =	vld.idx.msk [tilespmem:v0+s20+$0x0], $0xffff;
	_ =	sdelay $0x4  }
0x46: {  	[tilespmem:s0+$0xFFFFFF80] =	vst v1  }
0x47: {  	v1 =	vld.idx.msk [tilespmem:v0+s21+$0x0], $0xffff;
	_ =	sdelay $0x4  }
0x48: {  	[tilespmem:s0+$0x0] =	vst v1  }
0x49: {  	v1 =	vld.idx.msk [tilespmem:v0+s22+$0x0], $0xffff;
	_ =	sdelay $0x4  }
0x4a: {  	[tilespmem:s0+$0x80] =	vst v1  }
0x4b: {  	v1 =	vld.idx.msk [tilespmem:v0+s23+$0x0], $0xffff;
	_ =	sdelay $0x4  }
0x4c: {  	[tilespmem:s0+$0x100] =	vst v1  }
0x4d: {  	v0 =	vld.idx.msk [tilespmem:v0+s24+$0x0], $0xffff;
	_ =	sdelay $0x4  }
0x4e: {  	[tilespmem:s0+$0x180] =	vst v0  }
0x4f: {  	v0 =	vld [tilespmem:s30+$0xFFFFFFD0];
	_ =	sdelay $0x7  }
0x50: {  	v1 =	vld.idx.msk [tilespmem:v0+s17+$0x0], $0xffff;
	_ =	sdelay $0x4  }
0x51: {  	[tilespmem:s0+$0xFFFFFE10] =	vst v1  }
0x52: {  	v1 =	vld.idx.msk [tilespmem:v0+s18+$0x0], $0xffff;
	_ =	sdelay $0x4  }
0x53: {  	[tilespmem:s0+$0xFFFFFE90] =	vst v1  }
0x54: {  	v1 =	vld.idx.msk [tilespmem:v0+s19+$0x0], $0xffff;
	_ =	sdelay $0x4  }
0x55: {  	[tilespmem:s0+$0xFFFFFF10] =	vst v1  }
0x56: {  	v1 =	vld.idx.msk [tilespmem:v0+s20+$0x0], $0xffff;
	_ =	sdelay $0x4  }
0x57: {  	[tilespmem:s0+$0xFFFFFF90] =	vst v1  }
0x58: {  	v1 =	vld.idx.msk [tilespmem:v0+s21+$0x0], $0xffff;
	_ =	sdelay $0x4  }
0x59: {  	[tilespmem:s0+$0x10] =	vst v1  }
0x5a: {  	v1 =	vld.idx.msk [tilespmem:v0+s22+$0x0], $0xffff;
	_ =	sdelay $0x4  }
0x5b: {  	[tilespmem:s0+$0x90] =	vst v1  }
0x5c: {  	v1 =	vld.idx.msk [tilespmem:v0+s23+$0x0], $0xffff;
	_ =	sdelay $0x4  }
0x5d: {  	[tilespmem:s0+$0x110] =	vst v1  }
0x5e: {  	v0 =	vld.idx.msk [tilespmem:v0+s24+$0x0], $0xffff;
	_ =	sdelay $0x4  }
0x5f: {  	[tilespmem:s0+$0x190] =	vst v0  }
0x60: {  	v0 =	vld [tilespmem:s30+$0xFFFFFFE0];
	_ =	sdelay $0x7  }
0x61: {  	v1 =	vld.idx.msk [tilespmem:v0+s17+$0x0], $0xffff;
	_ =	sdelay $0x4  }
0x62: {  	[tilespmem:s0+$0xFFFFFE20] =	vst v1  }
0x63: {  	v1 =	vld.idx.msk [tilespmem:v0+s18+$0x0], $0xffff;
	_ =	sdelay $0x4  }
0x64: {  	[tilespmem:s0+$0xFFFFFEA0] =	vst v1  }
0x65: {  	v1 =	vld.idx.msk [tilespmem:v0+s19+$0x0], $0xffff;
	_ =	sdelay $0x4  }
0x66: {  	[tilespmem:s0+$0xFFFFFF20] =	vst v1  }
0x67: {  	v1 =	vld.idx.msk [tilespmem:v0+s20+$0x0], $0xffff;
	_ =	sdelay $0x4  }
0x68: {  	[tilespmem:s0+$0xFFFFFFA0] =	vst v1  }
0x69: {  	v1 =	vld.idx.msk [tilespmem:v0+s21+$0x0], $0xffff;
	_ =	sdelay $0x4  }
0x6a: {  	[tilespmem:s0+$0x20] =	vst v1  }
0x6b: {  	v1 =	vld.idx.msk [tilespmem:v0+s22+$0x0], $0xffff;
	_ =	sdelay $0x4  }
0x6c: {  	[tilespmem:s0+$0xA0] =	vst v1  }
0x6d: {  	v1 =	vld.idx.msk [tilespmem:v0+s23+$0x0], $0xffff;
	_ =	sdelay $0x4  }
0x6e: {  	[tilespmem:s0+$0x120] =	vst v1  }
0x6f: {  	v0 =	vld.idx.msk [tilespmem:v0+s24+$0x0], $0xffff;
	_ =	sdelay $0x4  }
0x70: {  	[tilespmem:s0+$0x1A0] =	vst v0  }
0x71: {  	v0 =	vld [tilespmem:s30+$0xFFFFFFF0];
	_ =	sdelay $0x7  }
0x72: {  	v1 =	vld.idx.msk [tilespmem:v0+s17+$0x0], $0xffff;
	_ =	sdelay $0x4  }
0x73: {  	[tilespmem:s0+$0xFFFFFE30] =	vst v1  }
0x74: {  	v1 =	vld.idx.msk [tilespmem:v0+s18+$0x0], $0xffff;
	_ =	sdelay $0x4  }
0x75: {  	[tilespmem:s0+$0xFFFFFEB0] =	vst v1  }
0x76: {  	v1 =	vld.idx.msk [tilespmem:v0+s19+$0x0], $0xffff;
	_ =	sdelay $0x4  }
0x77: {  	[tilespmem:s0+$0xFFFFFF30] =	vst v1  }
0x78: {  	v1 =	vld.idx.msk [tilespmem:v0+s20+$0x0], $0xffff;
	_ =	sdelay $0x4  }
0x79: {  	[tilespmem:s0+$0xFFFFFFB0] =	vst v1  }
0x7a: {  	v1 =	vld.idx.msk [tilespmem:v0+s21+$0x0], $0xffff;
	_ =	sdelay $0x4  }
0x7b: {  	[tilespmem:s0+$0x30] =	vst v1  }
0x7c: {  	v1 =	vld.idx.msk [tilespmem:v0+s22+$0x0], $0xffff;
	_ =	sdelay $0x4  }
0x7d: {  	[tilespmem:s0+$0xB0] =	vst v1  }
0x7e: {  	v1 =	vld.idx.msk [tilespmem:v0+s23+$0x0], $0xffff;
	_ =	sdelay $0x4  }
0x7f: {  	[tilespmem:s0+$0x130] =	vst v1  }
0x80: {  	v0 =	vld.idx.msk [tilespmem:v0+s24+$0x0], $0xffff;
	_ =	sdelay $0x4  }
0x81: {  	[tilespmem:s0+$0x1B0] =	vst v0  }
0x82: {  	v0 =	vld [tilespmem:s30+$0x0];
	_ =	sdelay $0x7  }
0x83: {  	v1 =	vld.idx.msk [tilespmem:v0+s17+$0x0], $0xffff;
	_ =	sdelay $0x4  }
0x84: {  	[tilespmem:s0+$0xFFFFFE40] =	vst v1  }
0x85: {  	v1 =	vld.idx.msk [tilespmem:v0+s18+$0x0], $0xffff;
	_ =	sdelay $0x4  }
0x86: {  	[tilespmem:s0+$0xFFFFFEC0] =	vst v1  }
0x87: {  	v1 =	vld.idx.msk [tilespmem:v0+s19+$0x0], $0xffff;
	_ =	sdelay $0x4  }
0x88: {  	[tilespmem:s0+$0xFFFFFF40] =	vst v1  }
0x89: {  	v1 =	vld.idx.msk [tilespmem:v0+s20+$0x0], $0xffff;
	_ =	sdelay $0x4  }
0x8a: {  	[tilespmem:s0+$0xFFFFFFC0] =	vst v1  }
0x8b: {  	v1 =	vld.idx.msk [tilespmem:v0+s21+$0x0], $0xffff;
	_ =	sdelay $0x4  }
0x8c: {  	[tilespmem:s0+$0x40] =	vst v1  }
0x8d: {  	v1 =	vld.idx.msk [tilespmem:v0+s22+$0x0], $0xffff;
	_ =	sdelay $0x4  }
0x8e: {  	[tilespmem:s0+$0xC0] =	vst v1  }
0x8f: {  	v1 =	vld.idx.msk [tilespmem:v0+s23+$0x0], $0xffff;
	_ =	sdelay $0x4  }
0x90: {  	[tilespmem:s0+$0x140] =	vst v1  }
0x91: {  	v0 =	vld.idx.msk [tilespmem:v0+s24+$0x0], $0xffff;
	_ =	sdelay $0x4  }
0x92: {  	[tilespmem:s0+$0x1C0] =	vst v0  }
0x93: {  	v0 =	vld [tilespmem:s30+$0x10];
	_ =	sdelay $0x7  }
0x94: {  	v1 =	vld.idx.msk [tilespmem:v0+s17+$0x0], $0xffff;
	_ =	sdelay $0x4  }
0x95: {  	[tilespmem:s0+$0xFFFFFE50] =	vst v1  }
0x96: {  	v1 =	vld.idx.msk [tilespmem:v0+s18+$0x0], $0xffff;
	_ =	sdelay $0x4  }
0x97: {  	[tilespmem:s0+$0xFFFFFED0] =	vst v1  }
0x98: {  	v1 =	vld.idx.msk [tilespmem:v0+s19+$0x0], $0xffff;
	_ =	sdelay $0x4  }
0x99: {  	[tilespmem:s0+$0xFFFFFF50] =	vst v1  }
0x9a: {  	v1 =	vld.idx.msk [tilespmem:v0+s20+$0x0], $0xffff;
	_ =	sdelay $0x4  }
0x9b: {  	[tilespmem:s0+$0xFFFFFFD0] =	vst v1  }
0x9c: {  	v1 =	vld.idx.msk [tilespmem:v0+s21+$0x0], $0xffff;
	_ =	sdelay $0x4  }
0x9d: {  	[tilespmem:s0+$0x50] =	vst v1  }
0x9e: {  	v1 =	vld.idx.msk [tilespmem:v0+s22+$0x0], $0xffff;
	_ =	sdelay $0x4  }
0x9f: {  	[tilespmem:s0+$0xD0] =	vst v1  }
0xa0: {  	v1 =	vld.idx.msk [tilespmem:v0+s23+$0x0], $0xffff;
	_ =	sdelay $0x4  }
0xa1: {  	[tilespmem:s0+$0x150] =	vst v1  }
0xa2: {  	v0 =	vld.idx.msk [tilespmem:v0+s24+$0x0], $0xffff;
	_ =	sdelay $0x4  }
0xa3: {  	[tilespmem:s0+$0x1D0] =	vst v0  }
0xa4: {  	v0 =	vld [tilespmem:s30+$0x20];
	_ =	sdelay $0x7  }
0xa5: {  	v1 =	vld.idx.msk [tilespmem:v0+s17+$0x0], $0xffff;
	_ =	sdelay $0x4  }
0xa6: {  	[tilespmem:s0+$0xFFFFFE60] =	vst v1  }
0xa7: {  	v1 =	vld.idx.msk [tilespmem:v0+s18+$0x0], $0xffff;
	_ =	sdelay $0x4  }
0xa8: {  	[tilespmem:s0+$0xFFFFFEE0] =	vst v1  }
0xa9: {  	v1 =	vld.idx.msk [tilespmem:v0+s19+$0x0], $0xffff;
	_ =	sdelay $0x4  }
0xaa: {  	[tilespmem:s0+$0xFFFFFF60] =	vst v1  }
0xab: {  	v1 =	vld.idx.msk [tilespmem:v0+s20+$0x0], $0xffff;
	_ =	sdelay $0x4  }
0xac: {  	[tilespmem:s0+$0xFFFFFFE0] =	vst v1  }
0xad: {  	v1 =	vld.idx.msk [tilespmem:v0+s21+$0x0], $0xffff;
	_ =	sdelay $0x4  }
0xae: {  	[tilespmem:s0+$0x60] =	vst v1  }
0xaf: {  	v1 =	vld.idx.msk [tilespmem:v0+s22+$0x0], $0xffff;
	_ =	sdelay $0x4  }
0xb0: {  	[tilespmem:s0+$0xE0] =	vst v1  }
0xb1: {  	v1 =	vld.idx.msk [tilespmem:v0+s23+$0x0], $0xffff;
	_ =	sdelay $0x4  }
0xb2: {  	[tilespmem:s0+$0x160] =	vst v1  }
0xb3: {  	v0 =	vld.idx.msk [tilespmem:v0+s24+$0x0], $0xffff;
	_ =	sdelay $0x4  }
0xb4: {  	[tilespmem:s0+$0x1E0] =	vst v0  }
0xb5: {  	v0 =	vld [tilespmem:s30+$0x30];
	_ =	sdelay $0x7  }
0xb6: {  	v1 =	vld.idx.msk [tilespmem:v0+s17+$0x0], $0xffff;
	_ =	sdelay $0x4  }
0xb7: {  	[tilespmem:s0+$0xFFFFFE70] =	vst v1  }
0xb8: {  	v1 =	vld.idx.msk [tilespmem:v0+s18+$0x0], $0xffff;
	_ =	sdelay $0x4  }
0xb9: {  	[tilespmem:s0+$0xFFFFFEF0] =	vst v1  }
0xba: {  	v1 =	vld.idx.msk [tilespmem:v0+s19+$0x0], $0xffff;
	_ =	sdelay $0x4  }
0xbb: {  	[tilespmem:s0+$0xFFFFFF70] =	vst v1  }
0xbc: {  	v1 =	vld.idx.msk [tilespmem:v0+s20+$0x0], $0xffff;
	_ =	sdelay $0x4  }
0xbd: {  	[tilespmem:s0+$0xFFFFFFF0] =	vst v1  }
0xbe: {  	v1 =	vld.idx.msk [tilespmem:v0+s21+$0x0], $0xffff;
	_ =	sdelay $0x4  }
0xbf: {  	[tilespmem:s0+$0x70] =	vst v1  }
0xc0: {  	v1 =	vld.idx.msk [tilespmem:v0+s22+$0x0], $0xffff;
	_ =	sdelay $0x4  }
0xc1: {  	[tilespmem:s0+$0xF0] =	vst v1  }
0xc2: {  	v1 =	vld.idx.msk [tilespmem:v0+s23+$0x0], $0xffff;
	_ =	sdelay $0x4  }
0xc3: {  	s1 =	sadd.s32 $0x8, s1;
	[tilespmem:s0+$0x170] =	vst v1  }
0xc4: {  	p0 =	slt.u32 s1, $0x38;
	v0 =	vld.idx.msk [tilespmem:v0+s24+$0x0], $0xffff  }
.Ltmp0:
0xc5: {  	_ = 	snop;
	(pc) =	sbr.rel @p0 .LBB2_3-.Ltmp0, $2  }
0xc6: {  	_ =	sdelay $0x2  }
0xc7: {  	s30 =	sadd.s32 $0x80, s30;
	[tilespmem:s0+$0x1F0] =	vst v0;
	s0 =	sadd.s32 $0x400, s0  }
0xc8: {  	s0 =	sshll.u32 s31, $0xD  }
0xc9: {  	s31 =	sadd.s32 $0x1, s31;
	s0 =	sadd.s32 s13, s0  }
0xca: {  	p0 =	sne.s32 s31, $0x5;
	s0 =	sshrl.u32 s0, $0x3  }
.Ltmp1:
0xcb: {  	s0 =	sadd.s32 s3, s0;
	(pc) =	sbr.rel @p0 .LBB2_2-.Ltmp1, $4  }
0xcc: {  	[hbm4b:s0+s4] =	stream.linear.scatter [tilespmem:s26], [sflag:$0x2], $0x2000, $0x38;
	[tilespmem:$0x3C00] =	vst v63  }
0xcd: {  	_ =	swait.ge [sflag:s28], $0x2000  }
0xce: {  	[sflag:s28] =	ssyncset.done $0x0  }
0xcf: {  	s2 =	sadd.s32 $0x400, s2;
	[sflag:s28] =	ssyncadd.s32 $0xFFFFE000  }
0xd0: {  	s29 =	sadd.s32 $0x1, s29  }
0xd1: {  	p0 =	sne.s32 s29, s14  }
.Ltmp2:
0xd2: {  	_ = 	snop;
	(pc) =	sbr.rel @p0 .LBB2_1-.Ltmp2, $1  }
0xd3: {  	_ =	sdelay $0x3  }
0xd4: {  	_ =	sfence.sel $0x180000  }
0xd5: {  	[bflag:$0x0] =	sbarrier.arrive $0xFFFF  }
0xd6: {  	_ =	strace $0x90000047  }
0xd7: {  	s0 =	stileid.u32;
	[bflag:$0x2] =	sbarrier.arrive $0xFFFF  }
0xd8: {  	p0 =	sne.s32 s0, $0x0;
	s0 =	rddreg [dreg:$0x3]  }
0xd9: {  	s0 =	sadd.s32 @!p0 $0x100000, s0  }
0xda: {  	[sflag:s0] =	ssyncadd.tile.s32 @!p0 $0x1;
	_ =	shalt  }
.Lfunc_end2:
_tile_overlayer_lowered:
.L_overlay_start_2:
0xdb: {  	(tag) =	ssettag $0x2  }
0xdc: {  	s0 =	rddreg [dreg:$0x0];
	s2 =	stileid.u32  }
0xdd: {  	s1 =	rddreg [dreg:$0x1];
	p0 =	sne.s32 s2, $0x0  }
0xde: {  	s3 =	rddreg [dreg:$0x2];
	[bflag:$0x3] =	sbarrier.arrive $0xFFFF;
	s2 =	simm.s32 @!p0 $0x1C02  }
0xdf: {  	[timem:s3], [sflag:s2] =	dma.local @!p0 [hbm:s0], s1  }
0xe0: {  	s0 =	simm.s32 @!p0 $0x2  }
0xe1: {  	_ =	swait.ge @!p0 [sflag:s0], s1  }
0xe2: {  	s1 =	ssub.s32 @!p0 $0x0, s1;
	[sflag:s0] =	ssyncset.done @!p0 $0x0  }
0xe3: {  	[sflag:s0] =	ssyncadd.s32 @!p0 s1  }
0xe4: {  	[bflag:$0x3] =	sbarrier.arrive $0xFFFF  }
0xe5: {  	_ =	shalt  }

// kernel: kernel.13.cloned.1.call-start
scs
__scs_entry_jumppad:
0x0: {  	(pc) =	sbr.rel $0x88, $3  }
0x1: {  	(tag) =	ssettag $0x0;
	lr =	simm.s32 $0x1  }
0x2: {  	[smem:$0x3F9E] =	sst lr;
	_ =	strace $0xD0000000  }
0x3: {  	_ = 	snop  }
0x4: {  	_ = 	snop  }
0x5: {  	_ = 	snop  }
0x6: {  	_ = 	snop  }
0x7: {  	_ = 	snop  }
__scs_overlays_trampoline_lowered:
0x8: {  	[smem:$0x3FAD] =	sst s0  }
0x9: {  	[smem:$0x3FAE] =	sst s1  }
0xa: {  	[smem:$0x3FAF] =	sst s2  }
0xb: {  	[smem:$0x3FB0] =	sst s3  }
0xc: {  	[smem:$0x3FB1] =	sst s4  }
0xd: {  	[smem:$0x3FB2] =	sst s5  }
0xe: {  	[smem:$0x3FB3] =	sst s6  }
0xf: {  	[smem:$0x3FB4] =	sst s7  }
0x10: {  	[smem:$0x3FB5] =	sst s8  }
0x11: {  	[smem:$0x3FB6] =	sst s9;
	s0 =	simm.s32 @!p0 $0x0  }
0x12: {  	s1 =	sld [smem:$0x3F9C];
	s0 =	simm.s32 @p0 $0x1  }
0x13: {  	[smem:$0x3FB7] =	sst s0;
	s0 =	simm.s32 @!p1 $0x0  }
0x14: {  	s2 =	sld [smem:$0x3F9B];
	s0 =	simm.s32 @p1 $0x1  }
0x15: {  	[smem:$0x3FB8] =	sst s0;
	s0 =	simm.s32 @!p2 $0x0  }
0x16: {  	s3 =	sld [smem:$0x3FDB];
	s0 =	simm.s32 @p2 $0x1  }
0x17: {  	s4 =	simm.s32 $0x1BF5;
	[smem:$0x3FBA] =	sst s0  }
0x18: {  	s0 =	sld [smem:$0x3F9D];
	_ =	swait.ge [sflag:s4], $0x0  }
0x19: {  	s7 =	sld [smem:$0x3F9E]  }
0x1a: {  	s8 =	sadd.s32 $0xFFFFE003, lr  }
0x1b: {  	s9 =	sadd.s32 $0xFFFFFEF7, lr;
	s5 =	simm.s32 $0xFFFFFFFF;
	p2 =	slt.u32 s8, $0xFFFFF086  }
0x1c: {  	p1 =	slt.u32 s9, $0xF7A;
	s5 =	simm.s32 @!p2 $0x0  }
0x1d: {  	s5 =	simm.s32 @p1 $0x1;
	p0 =	seq.s32 s7, s2  }
0x1e: {  	s7 =	smul.u32 @!p0 $0xF7A, s2;
	p2 =	seq.s32 @!p0 s5, $0x0  }
0x1f: {  	s9 =	smul.u32 $0xF7A, s1;
	s8 =	simm.s32 @!p0 $0x1BF5;
	p2 =	por !p2, p0  }
0x20: {  	[sflag:s8] =	ssyncset.s32 @!p0 $0xFFFFF086;
	s6 =	sadd.s32 @!p0 s3, s7;
	s7 =	simm.s32 @!p0 $0x108  }
0x21: {  	s3 =	sadd.s32 s3, s9;
	s6 =	sadd.s32 @!p0 $0x88, s6;
	s7 =	simm.s32 @p2 $0x1082  }
0x22: {  	[simem:s7], [sflag:s8] =	dma.local @!p0 [hbm:s6], $0xF7A  }
0x23: {  	s9 =	sor.u32 $0xD0000000, s2;
	s6 =	simm.s32 $0x108;
	_ =	swait.ge @!p0 [sflag:s8], $0x0  }
0x24: {  	s3 =	sadd.s32 $0x88, s3;
	s6 =	simm.s32 @!p1 $0x1082;
	[sflag:s4] =	ssyncset.s32 $0xFFFFF086  }
0x25: {  	[simem:s6], [sflag:s4] =	dma.local [hbm:s3], $0xF7A  }
0x26: {  	[smem:$0x3F9E] =	sst s1;
	(tag) =	ssettag s2;
	_ =	strace s9  }
0x27: {  	s1 =	sld [smem:$0x3FAE]  }
0x28: {  	s2 =	sld [smem:$0x3FAF]  }
0x29: {  	s4 =	sld [smem:$0x3FB1]  }
0x2a: {  	p0 =	seq.s32 s5, $0x0;
	s5 =	sld [smem:$0x3FB2]  }
0x2b: {  	s6 =	sld [smem:$0x3FB3]  }
0x2c: {  	s7 =	sld [smem:$0x3FB4]  }
0x2d: {  	s3 =	simm.s32 $0x108;
	s8 =	sld [smem:$0x3FB5]  }
0x2e: {  	s3 =	simm.s32 @!p0 $0x1082;
	s9 =	sld [smem:$0x3FB6]  }
0x2f: {  	lr =	sadd.s32 s0, s3;
	s0 =	sld [smem:$0x3FAD]  }
0x30: {  	s3 =	sld [smem:$0x3FB0]  }
0x31: {  	[smem:$0x3FB9] =	sst s10  }
0x32: {  	s10 =	sld [smem:$0x3FB7];
	_ =	sdelay $0x3  }
0x33: {  	p0 =	seq.s32 s10, $0x1;
	s10 =	sld [smem:$0x3FB9];
	_ =	sdelay $0x3  }
0x34: {  	[smem:$0x3FB9] =	sst s10  }
0x35: {  	s10 =	sld [smem:$0x3FB8];
	_ =	sdelay $0x3  }
0x36: {  	p1 =	seq.s32 s10, $0x1;
	s10 =	sld [smem:$0x3FB9];
	_ =	sdelay $0x3  }
0x37: {  	[smem:$0x3FB9] =	sst s10  }
0x38: {  	s10 =	sld [smem:$0x3FBA]  }
0x39: {  	_ = 	snop;
	(pc) =	sbr.ind lr, $3  }
0x3a: {  	_ = 	snop  }
0x3b: {  	_ = 	snop  }
0x3c: {  	p2 =	seq.s32 s10, $0x1;
	s10 =	sld [smem:$0x3FB9]  }
0x3d: {  	_ =	shalt  }
0x3e: {  	_ =	shalt  }
0x3f: {  	_ =	shalt  }
0x40: {  	_ =	shalt  }
0x41: {  	_ =	shalt  }
0x42: {  	_ =	shalt  }
0x43: {  	_ =	shalt  }
0x44: {  	_ =	shalt  }
0x45: {  	_ =	shalt  }
0x46: {  	_ =	shalt  }
0x47: {  	_ =	shalt  }
0x48: {  	_ =	shalt  }
0x49: {  	_ =	shalt  }
0x4a: {  	_ =	shalt  }
0x4b: {  	_ =	shalt  }
0x4c: {  	_ =	shalt  }
0x4d: {  	_ =	shalt  }
0x4e: {  	_ =	shalt  }
0x4f: {  	_ =	shalt  }
0x50: {  	_ =	shalt  }
0x51: {  	_ =	shalt  }
0x52: {  	_ =	shalt  }
0x53: {  	_ =	shalt  }
0x54: {  	_ =	shalt  }
0x55: {  	_ =	shalt  }
0x56: {  	_ =	shalt  }
0x57: {  	_ =	shalt  }
0x58: {  	_ =	shalt  }
0x59: {  	_ =	shalt  }
0x5a: {  	_ =	shalt  }
0x5b: {  	_ =	shalt  }
0x5c: {  	_ =	shalt  }
0x5d: {  	_ =	shalt  }
0x5e: {  	_ =	shalt  }
0x5f: {  	_ =	shalt  }
0x60: {  	_ =	shalt  }
0x61: {  	_ =	shalt  }
0x62: {  	_ =	shalt  }
0x63: {  	_ =	shalt  }
0x64: {  	_ =	shalt  }
0x65: {  	_ =	shalt  }
0x66: {  	_ =	shalt  }
0x67: {  	_ =	shalt  }
0x68: {  	_ =	shalt  }
0x69: {  	_ =	shalt  }
0x6a: {  	_ =	shalt  }
0x6b: {  	_ =	shalt  }
0x6c: {  	_ =	shalt  }
0x6d: {  	_ =	shalt  }
0x6e: {  	_ =	shalt  }
0x6f: {  	_ =	shalt  }
0x70: {  	_ =	shalt  }
0x71: {  	_ =	shalt  }
0x72: {  	_ =	shalt  }
0x73: {  	_ =	shalt  }
0x74: {  	_ =	shalt  }
0x75: {  	_ =	shalt  }
0x76: {  	_ =	shalt  }
0x77: {  	_ =	shalt  }
0x78: {  	_ =	shalt  }
0x79: {  	_ =	shalt  }
0x7a: {  	_ =	shalt  }
0x7b: {  	_ =	shalt  }
0x7c: {  	_ =	shalt  }
0x7d: {  	_ =	shalt  }
0x7e: {  	_ =	shalt  }
0x7f: {  	_ =	shalt  }
0x80: {  	_ =	shalt  }
0x81: {  	_ =	shalt  }
0x82: {  	_ =	shalt  }
0x83: {  	_ =	shalt  }
0x84: {  	_ =	shalt  }
0x85: {  	_ =	shalt  }
0x86: {  	_ =	shalt  }
0x87: {  	_ =	shalt  }
.Lfunc_end0:
.L_simem_size_0:
called_computation.1_lowered:
.L_overlay_start_0:
0x88: {  	s2 =	sld [smem:$0x3FD9]  }
0x89: {  	s3 =	sld [smem:$0x3FFE];
	_ =	sdelay $0x1  }
0x8a: {  	s1 =	srdreg.scid  }
0x8b: {  	s0 =	sand.u32 $0x1, s1  }
0x8c: {  	s17 =	sshll.u32 s0, $0xA;
	s2 =	sadd.s32 s3, s2  }
0x8d: {  	s2 =	sadd.s32 s2, s17  }
0x8e: {  	[smem:$0x3FC5] =	sst s2  }
0x8f: {  	_ = 	snop  }
0x90: {  	s18 =	sld [smem:$0x3FC8];
	(tm) =	ssettm $0x1  }
0x91: {  	s19 =	sld [smem:$0x3FFB];
	_ =	sdelay $0x3  }
0x92: {  	_ =	strace s19  }
0x93: {  	s2 =	sld [smem:$0x3FFC];
	_ =	sdelay $0x3  }
0x94: {  	_ =	strace s2  }
0x95: {  	s2 =	sld [smem:$0x3FFD];
	_ =	sdelay $0x3  }
0x96: {  	_ =	strace s2  }
0x97: {  	_ =	strace $0x8FFFFFFF  }
0x98: {  	s20 =	sld [smem:$0x3FDB];
	_ =	sdelay $0x1  }
0x99: {  	s4 =	simm.s32 $_scs_section_size  }
0x9a: {  	s5 =	simm.s32 $_size__tile_overlayer_lowered;
	s6 =	simm.s32 $_tile_overlayer_lowered  }
0x9b: {  	s7 =	simm.s32 $0x1BFF;
	s21 =	sshll.u32 s6, $0x1;
	s4 =	sadd.s32 s4, s20  }
0x9c: {  	s22 =	simm.s32 $0x0;
	s5 =	sshll.u32 s5, $0x1;
	s6 =	sadd.s32 s21, s4  }
0x9d: {  	[timem:s22], [sflag:s7] =	dma.local [hbm:s6], s5  }
0x9e: {  	_ =	swait.ge [sflag:s7], s5  }
0x9f: {  	s5 =	ssub.s32 $0x0, s5;
	[sflag:s7] =	ssyncset.done $0x0  }
0xa0: {  	[sflag:s7] =	ssyncadd.s32 s5;
	_ =	sdelay $0x1  }
0xa1: {  	s23 =	simm.s32 $0x1B8B  }
0xa2: {  	_ =	swait.ge [sflag:s23], $0x1  }
0xa3: {  	[sflag:s23] =	ssyncset.done $0x0  }
0xa4: {  	[sflag:s23] =	ssyncadd.s32 $0xFFFFFFFF  }
0xa5: {  	s5 =	sld [smem:$0x0]  }
0xa6: {  	s6 =	sand.u32 $0xFFFFFFFE, s1  }
0xa7: {  	p0 =	sne.s32 s1, s6  }
0xa8: {  	s6 =	sshll.u32 @p0 s6, $0xE  }
0xa9: {  	s6 =	sadd.s32 @p0 $0x11B8D, s6;
	s7 =	sshll.u32 @p0 s5, $0x11  }
0xaa: {  	s6 =	sor.u32 @p0 s7, s6  }
0xab: {  	[sflag:s6] =	ssyncadd.remote.s32 @p0 $0x1;
	_ =	sdelay $0x1  }
0xac: {  	s6 =	simm.s32 @p0 $0x1B8D  }
0xad: {  	_ =	swait.eq @p0 [sflag:s6], $0x1  }
0xae: {  	[sflag:s6] =	ssyncadd.s32 @p0 $0xFFFFFFFF  }
0xaf: {  	s7 =	sshll.u32 @!p0 s1, $0xE  }
0xb0: {  	s7 =	sor.u32 @!p0 $0x4000, s7;
	s6 =	simm.s32 @!p0 $0x1B8D  }
0xb1: {  	s5 =	sshll.u32 @!p0 s5, $0x11;
	s7 =	sadd.s32 @!p0 $0x11B8D, s7;
	_ =	swait.eq @!p0 [sflag:s6], $0x1  }
0xb2: {  	s5 =	sor.u32 @!p0 s5, s7;
	[sflag:s6] =	ssyncadd.s32 @!p0 $0xFFFFFFFF  }
0xb3: {  	s25 =	simm.s32 $0x1B8E;
	s24 =	sld [smem:$0x3FFE];
	[sflag:s5] =	ssyncadd.remote.s32 @!p0 $0x1  }
0xb4: {  	s26 =	simm.s32 $execute0_lowered;
	[smem:$0x3FD2] =	sst s25  }
0xb5: {  	s6 =	sshll.u32 s26, $0x1;
	_ =	strace $0x80000049;
	[dreg:$0x1] =	wrdreg $0xFFFFFFFF  }
0xb6: {  	s28 =	simm.s32 $_size_execute0_lowered;
	s4 =	sadd.s32 s4, s6;
	[dreg:$0x0] =	wrdreg $0x0  }
0xb7: {  	s6 =	sshll.u32 s28, $0x1;
	[dreg:$0x2] =	wrdreg s4  }
0xb8: {  	[dreg:$0x3] =	wrdreg s6  }
0xb9: {  	[dreg:$0x4] =	wrdreg $0xC0  }
0xba: {  	_ =	task [dreg:s22], $0x5FFFF  }
0xbb: {  	[dreg:$0x1] =	wrdreg $0xFFFFFFFF  }
0xbc: {  	[dreg:$0x0] =	wrdreg $0x60  }
0xbd: {  	[dreg:$0x2] =	wrdreg s24  }
0xbe: {  	[dreg:$0x3] =	wrdreg s18  }
0xbf: {  	[dreg:$0x4] =	wrdreg $0xA  }
0xc0: {  	_ =	task.clear_ibuf [dreg:s22], $0x5FFFF;
	_ =	strace $0x90000049  }
0xc1: {  	s29 =	simm.s32 $0xA;
	_ =	strace $0x8000004B  }
0xc2: {  	_ =	swait.ge [sflag:s29], $0x1  }
0xc3: {  	[sflag:s29] =	ssyncadd.s32 $0xFFFFFFFF  }
0xc4: {  	_ =	strace $0x9000004B  }
0xc5: {  	_ =	sfence  }
0xc6: {  	s30 =	sld [smem:$0x0];
	_ =	sdelay $0x2  }
0xc7: {  	s31 =	sshll.u32 s1, $0xD;
	s1 =	sshrl.u32 s1, $0x2  }
0xc8: {  	s4 =	sand.u32 $0x4000, s31;
	s1 =	sadd.s32 s1, s30  }
0xc9: {  	s0 =	sor.u32 s4, s0;
	s1 =	sshll.u32 s1, $0x11  }
0xca: {  	s0 =	sor.u32 s1, s0  }
0xcb: {  	s0 =	sadd.s32 $0x8F2B, s0  }
0xcc: {  	[sflag:s0] =	ssyncadd.remote.s32 $0x1  }
0xcd: {  	_ =	sfence.sel $0xFFFF  }
0xce: {  	[dreg:$0x0] =	wrdreg $0xFFFFFFFF;
	(pc) =	sbr.abs _section_cstart, $3  }
0xcf: {  	[dreg:$0x1] =	wrdreg $0xFFFFFFFF  }
0xd0: {  	_ =	task.clear_ibuf [dreg:s22], $0x2FFFF;
	_ =	strace $0x9FFFFFFF  }
0xd1: {  	(tm) =	ssettm $0x7FFFFFFF  }
tec
execute0_lowered:
.L_overlay_start_1:
0x0: {  	(tag) =	ssettag $0x1  }
0x1: {  	s0 =	rddreg [dreg:$0x0];
	s1 =	srdreg.scid  }
0x2: {  	s2 =	stileid.u32;
	s11 =	rddreg [dreg:$0x1]  }
0x3: {  	s3 =	simm.s32 $0x0;
	s15 =	simm.s32 $0x80;
	s16 =	simm.s32 $0x400  }
0x4: {  	s17 =	simm.s32 $0x1400;
	s18 =	simm.s32 $0x1500;
	s19 =	simm.s32 $0x1600  }
0x5: {  	s20 =	simm.s32 $0x1700;
	s21 =	simm.s32 $0x1800;
	s22 =	simm.s32 $0x1900  }
0x6: {  	s23 =	simm.s32 $0x1A00;
	s24 =	simm.s32 $0x1B00;
	s25 =	simm.s32 $0x1  }
0x7: {  	s26 =	simm.s32 $0x1C00;
	s28 =	simm.s32 $0x2;
	s29 =	simm.s32 $0x0  }
0x8: {  	s1 =	sand.u32 $0x1, s1;
	s2 =	sshll.u32 s2, $0x1;
	[smem:$0x7FF] =	sst s3  }
0x9: {  	s6 =	sadd.s32 $0x20, s11;
	s7 =	sadd.s32 $0x30, s11;
	s8 =	sadd.s32 $0x40, s11  }
0xa: {  	s9 =	sadd.s32 $0x50, s11;
	s2 =	sor.u32 s1, s2;
	s1 =	ssub.s32 $0x2, s1  }
0xb: {  	s10 =	sadd.s32 $0x60, s11;
	s4 =	smul.u32 $0x280, s2;
	s5 =	sshrl.u32 s1, $0x1  }
0xc: {  	_ =	strace $0x8000004A;
	s13 =	smul.u32 $0xA000, s2;
	s31 =	ssub.s32 s1, s5  }
0xd: {  	s5 =	sadd.s32 $0x10, s11;
	s11 =	sadd.s32 $0x70, s11;
	s12 =	sadd.s32 s4, s0  }
0xe: {  	s4 =	sadd.s32 $0xC200, s0;
	s14 =	smax.u32 s31, $0x1;
	s12 =	sadd.s32 $0x7200, s12  }
.LBB2_1:
0xf: {  	s0 =	rddreg [dreg:$0x1]  }
0x10: {  	[tilespmem:s17], [sflag:$0x1] =	stream.strided.gather [hbm4b:s0+s15], $0x100, s16, s15, $0x38;
	[tilespmem:$0x3C00] =	vst v63  }
0x11: {  	_ = 	snop  }
0x12: {  	[tilespmem:s18], [sflag:$0x1] =	stream.strided.gather [hbm4b:s5+s15], $0x100, s16, s15, $0x38;
	[tilespmem:$0x3C00] =	vst v63  }
0x13: {  	_ = 	snop  }
0x14: {  	[tilespmem:s19], [sflag:$0x1] =	stream.strided.gather [hbm4b:s6+s15], $0x100, s16, s15, $0x38;
	[tilespmem:$0x3C00] =	vst v63  }
0x15: {  	_ = 	snop  }
0x16: {  	[tilespmem:s20], [sflag:$0x1] =	stream.strided.gather [hbm4b:s7+s15], $0x100, s16, s15, $0x38;
	[tilespmem:$0x3C00] =	vst v63  }
0x17: {  	_ = 	snop  }
0x18: {  	[tilespmem:s21], [sflag:$0x1] =	stream.strided.gather [hbm4b:s8+s15], $0x100, s16, s15, $0x38;
	[tilespmem:$0x3C00] =	vst v63  }
0x19: {  	_ = 	snop  }
0x1a: {  	[tilespmem:s22], [sflag:$0x1] =	stream.strided.gather [hbm4b:s9+s15], $0x100, s16, s15, $0x38;
	[tilespmem:$0x3C00] =	vst v63  }
0x1b: {  	_ = 	snop  }
0x1c: {  	[tilespmem:s23], [sflag:$0x1] =	stream.strided.gather [hbm4b:s10+s15], $0x100, s16, s15, $0x38;
	[tilespmem:$0x3C00] =	vst v63  }
0x1d: {  	_ = 	snop  }
0x1e: {  	[tilespmem:s24], [sflag:$0x1] =	stream.strided.gather [hbm4b:s11+s15], $0x100, s16, s15, $0x38;
	[tilespmem:$0x3C00] =	vst v63  }
0x1f: {  	_ = 	snop  }
0x20: {  	[tilespmem:s3], [sflag:$0x1] =	stream.linear.gather [hbm4b:s12+s3], $0x1400, $0x38;
	[tilespmem:$0x3C00] =	vst v63  }
0x21: {  	_ =	swait.ge [sflag:s25], $0x100  }
0x22: {  	[sflag:s25] =	ssyncset.done $0x0  }
0x23: {  	[sflag:s25] =	ssyncadd.s32 $0xFFFFFF00  }
0x24: {  	_ =	swait.ge [sflag:s25], $0x100  }
0x25: {  	[sflag:s25] =	ssyncset.done $0x0  }
0x26: {  	[sflag:s25] =	ssyncadd.s32 $0xFFFFFF00  }
0x27: {  	_ =	swait.ge [sflag:s25], $0x100  }
0x28: {  	[sflag:s25] =	ssyncset.done $0x0  }
0x29: {  	[sflag:s25] =	ssyncadd.s32 $0xFFFFFF00  }
0x2a: {  	_ =	swait.ge [sflag:s25], $0x100  }
0x2b: {  	[sflag:s25] =	ssyncset.done $0x0  }
0x2c: {  	[sflag:s25] =	ssyncadd.s32 $0xFFFFFF00  }
0x2d: {  	_ =	swait.ge [sflag:s25], $0x100  }
0x2e: {  	[sflag:s25] =	ssyncset.done $0x0  }
0x2f: {  	[sflag:s25] =	ssyncadd.s32 $0xFFFFFF00  }
0x30: {  	_ =	swait.ge [sflag:s25], $0x100  }
0x31: {  	[sflag:s25] =	ssyncset.done $0x0  }
0x32: {  	[sflag:s25] =	ssyncadd.s32 $0xFFFFFF00  }
0x33: {  	_ =	swait.ge [sflag:s25], $0x100  }
0x34: {  	[sflag:s25] =	ssyncset.done $0x0  }
0x35: {  	[sflag:s25] =	ssyncadd.s32 $0xFFFFFF00  }
0x36: {  	_ =	swait.ge [sflag:s25], $0x100  }
0x37: {  	[sflag:s25] =	ssyncset.done $0x0  }
0x38: {  	[sflag:s25] =	ssyncadd.s32 $0xFFFFFF00  }
0x39: {  	_ =	swait.ge [sflag:s25], $0x1400  }
0x3a: {  	[sflag:s25] =	ssyncset.done $0x0  }
0x3b: {  	s2 =	simm.s32 $0x40;
	s31 =	simm.s32 $0x0;
	[sflag:s25] =	ssyncadd.s32 $0xFFFFEC00  }
.LBB2_2:
0x3c: {  	s1 =	simm.s32 $0xFFFFFFF8;
	s0 =	simm.s32 $0x1E00;
	s30 =	smov.u32 s2  }
.LBB2_3:
0x3d: {  	v0 =	vld [tilespmem:s30+$0xFFFFFFC0];
	_ =	sdelay $0x7  }
0x3e: {  	v1 =	vld.idx.msk [tilespmem:v0+s17+$0x0], $0xffff;
	_ =	sdelay $0x4  }
0x3f: {  	[tilespmem:s0+$0xFFFFFE00] =	vst v1  }
0x40: {  	v1 =	vld.idx.msk [tilespmem:v0+s18+$0x0], $0xffff;
	_ =	sdelay $0x4  }
0x41: {  	[tilespmem:s0+$0xFFFFFE80] =	vst v1  }
0x42: {  	v1 =	vld.idx.msk [tilespmem:v0+s19+$0x0], $0xffff;
	_ =	sdelay $0x4  }
0x43: {  	[tilespmem:s0+$0xFFFFFF00] =	vst v1  }
0x44: {  	v1 =	vld.idx.msk [tilespmem:v0+s20+$0x0], $0xffff;
	_ =	sdelay $0x4  }
0x45: {  	[tilespmem:s0+$0xFFFFFF80] =	vst v1  }
0x46: {  	v1 =	vld.idx.msk [tilespmem:v0+s21+$0x0], $0xffff;
	_ =	sdelay $0x4  }
0x47: {  	[tilespmem:s0+$0x0] =	vst v1  }
0x48: {  	v1 =	vld.idx.msk [tilespmem:v0+s22+$0x0], $0xffff;
	_ =	sdelay $0x4  }
0x49: {  	[tilespmem:s0+$0x80] =	vst v1  }
0x4a: {  	v1 =	vld.idx.msk [tilespmem:v0+s23+$0x0], $0xffff;
	_ =	sdelay $0x4  }
0x4b: {  	[tilespmem:s0+$0x100] =	vst v1  }
0x4c: {  	v0 =	vld.idx.msk [tilespmem:v0+s24+$0x0], $0xffff;
	_ =	sdelay $0x4  }
0x4d: {  	[tilespmem:s0+$0x180] =	vst v0  }
0x4e: {  	v0 =	vld [tilespmem:s30+$0xFFFFFFD0];
	_ =	sdelay $0x7  }
0x4f: {  	v1 =	vld.idx.msk [tilespmem:v0+s17+$0x0], $0xffff;
	_ =	sdelay $0x4  }
0x50: {  	[tilespmem:s0+$0xFFFFFE10] =	vst v1  }
0x51: {  	v1 =	vld.idx.msk [tilespmem:v0+s18+$0x0], $0xffff;
	_ =	sdelay $0x4  }
0x52: {  	[tilespmem:s0+$0xFFFFFE90] =	vst v1  }
0x53: {  	v1 =	vld.idx.msk [tilespmem:v0+s19+$0x0], $0xffff;
	_ =	sdelay $0x4  }
0x54: {  	[tilespmem:s0+$0xFFFFFF10] =	vst v1  }
0x55: {  	v1 =	vld.idx.msk [tilespmem:v0+s20+$0x0], $0xffff;
	_ =	sdelay $0x4  }
0x56: {  	[tilespmem:s0+$0xFFFFFF90] =	vst v1  }
0x57: {  	v1 =	vld.idx.msk [tilespmem:v0+s21+$0x0], $0xffff;
	_ =	sdelay $0x4  }
0x58: {  	[tilespmem:s0+$0x10] =	vst v1  }
0x59: {  	v1 =	vld.idx.msk [tilespmem:v0+s22+$0x0], $0xffff;
	_ =	sdelay $0x4  }
0x5a: {  	[tilespmem:s0+$0x90] =	vst v1  }
0x5b: {  	v1 =	vld.idx.msk [tilespmem:v0+s23+$0x0], $0xffff;
	_ =	sdelay $0x4  }
0x5c: {  	[tilespmem:s0+$0x110] =	vst v1  }
0x5d: {  	v0 =	vld.idx.msk [tilespmem:v0+s24+$0x0], $0xffff;
	_ =	sdelay $0x4  }
0x5e: {  	[tilespmem:s0+$0x190] =	vst v0  }
0x5f: {  	v0 =	vld [tilespmem:s30+$0xFFFFFFE0];
	_ =	sdelay $0x7  }
0x60: {  	v1 =	vld.idx.msk [tilespmem:v0+s17+$0x0], $0xffff;
	_ =	sdelay $0x4  }
0x61: {  	[tilespmem:s0+$0xFFFFFE20] =	vst v1  }
0x62: {  	v1 =	vld.idx.msk [tilespmem:v0+s18+$0x0], $0xffff;
	_ =	sdelay $0x4  }
0x63: {  	[tilespmem:s0+$0xFFFFFEA0] =	vst v1  }
0x64: {  	v1 =	vld.idx.msk [tilespmem:v0+s19+$0x0], $0xffff;
	_ =	sdelay $0x4  }
0x65: {  	[tilespmem:s0+$0xFFFFFF20] =	vst v1  }
0x66: {  	v1 =	vld.idx.msk [tilespmem:v0+s20+$0x0], $0xffff;
	_ =	sdelay $0x4  }
0x67: {  	[tilespmem:s0+$0xFFFFFFA0] =	vst v1  }
0x68: {  	v1 =	vld.idx.msk [tilespmem:v0+s21+$0x0], $0xffff;
	_ =	sdelay $0x4  }
0x69: {  	[tilespmem:s0+$0x20] =	vst v1  }
0x6a: {  	v1 =	vld.idx.msk [tilespmem:v0+s22+$0x0], $0xffff;
	_ =	sdelay $0x4  }
0x6b: {  	[tilespmem:s0+$0xA0] =	vst v1  }
0x6c: {  	v1 =	vld.idx.msk [tilespmem:v0+s23+$0x0], $0xffff;
	_ =	sdelay $0x4  }
0x6d: {  	[tilespmem:s0+$0x120] =	vst v1  }
0x6e: {  	v0 =	vld.idx.msk [tilespmem:v0+s24+$0x0], $0xffff;
	_ =	sdelay $0x4  }
0x6f: {  	[tilespmem:s0+$0x1A0] =	vst v0  }
0x70: {  	v0 =	vld [tilespmem:s30+$0xFFFFFFF0];
	_ =	sdelay $0x7  }
0x71: {  	v1 =	vld.idx.msk [tilespmem:v0+s17+$0x0], $0xffff;
	_ =	sdelay $0x4  }
0x72: {  	[tilespmem:s0+$0xFFFFFE30] =	vst v1  }
0x73: {  	v1 =	vld.idx.msk [tilespmem:v0+s18+$0x0], $0xffff;
	_ =	sdelay $0x4  }
0x74: {  	[tilespmem:s0+$0xFFFFFEB0] =	vst v1  }
0x75: {  	v1 =	vld.idx.msk [tilespmem:v0+s19+$0x0], $0xffff;
	_ =	sdelay $0x4  }
0x76: {  	[tilespmem:s0+$0xFFFFFF30] =	vst v1  }
0x77: {  	v1 =	vld.idx.msk [tilespmem:v0+s20+$0x0], $0xffff;
	_ =	sdelay $0x4  }
0x78: {  	[tilespmem:s0+$0xFFFFFFB0] =	vst v1  }
0x79: {  	v1 =	vld.idx.msk [tilespmem:v0+s21+$0x0], $0xffff;
	_ =	sdelay $0x4  }
0x7a: {  	[tilespmem:s0+$0x30] =	vst v1  }
0x7b: {  	v1 =	vld.idx.msk [tilespmem:v0+s22+$0x0], $0xffff;
	_ =	sdelay $0x4  }
0x7c: {  	[tilespmem:s0+$0xB0] =	vst v1  }
0x7d: {  	v1 =	vld.idx.msk [tilespmem:v0+s23+$0x0], $0xffff;
	_ =	sdelay $0x4  }
0x7e: {  	[tilespmem:s0+$0x130] =	vst v1  }
0x7f: {  	v0 =	vld.idx.msk [tilespmem:v0+s24+$0x0], $0xffff;
	_ =	sdelay $0x4  }
0x80: {  	[tilespmem:s0+$0x1B0] =	vst v0  }
0x81: {  	v0 =	vld [tilespmem:s30+$0x0];
	_ =	sdelay $0x7  }
0x82: {  	v1 =	vld.idx.msk [tilespmem:v0+s17+$0x0], $0xffff;
	_ =	sdelay $0x4  }
0x83: {  	[tilespmem:s0+$0xFFFFFE40] =	vst v1  }
0x84: {  	v1 =	vld.idx.msk [tilespmem:v0+s18+$0x0], $0xffff;
	_ =	sdelay $0x4  }
0x85: {  	[tilespmem:s0+$0xFFFFFEC0] =	vst v1  }
0x86: {  	v1 =	vld.idx.msk [tilespmem:v0+s19+$0x0], $0xffff;
	_ =	sdelay $0x4  }
0x87: {  	[tilespmem:s0+$0xFFFFFF40] =	vst v1  }
0x88: {  	v1 =	vld.idx.msk [tilespmem:v0+s20+$0x0], $0xffff;
	_ =	sdelay $0x4  }
0x89: {  	[tilespmem:s0+$0xFFFFFFC0] =	vst v1  }
0x8a: {  	v1 =	vld.idx.msk [tilespmem:v0+s21+$0x0], $0xffff;
	_ =	sdelay $0x4  }
0x8b: {  	[tilespmem:s0+$0x40] =	vst v1  }
0x8c: {  	v1 =	vld.idx.msk [tilespmem:v0+s22+$0x0], $0xffff;
	_ =	sdelay $0x4  }
0x8d: {  	[tilespmem:s0+$0xC0] =	vst v1  }
0x8e: {  	v1 =	vld.idx.msk [tilespmem:v0+s23+$0x0], $0xffff;
	_ =	sdelay $0x4  }
0x8f: {  	[tilespmem:s0+$0x140] =	vst v1  }
0x90: {  	v0 =	vld.idx.msk [tilespmem:v0+s24+$0x0], $0xffff;
	_ =	sdelay $0x4  }
0x91: {  	[tilespmem:s0+$0x1C0] =	vst v0  }
0x92: {  	v0 =	vld [tilespmem:s30+$0x10];
	_ =	sdelay $0x7  }
0x93: {  	v1 =	vld.idx.msk [tilespmem:v0+s17+$0x0], $0xffff;
	_ =	sdelay $0x4  }
0x94: {  	[tilespmem:s0+$0xFFFFFE50] =	vst v1  }
0x95: {  	v1 =	vld.idx.msk [tilespmem:v0+s18+$0x0], $0xffff;
	_ =	sdelay $0x4  }
0x96: {  	[tilespmem:s0+$0xFFFFFED0] =	vst v1  }
0x97: {  	v1 =	vld.idx.msk [tilespmem:v0+s19+$0x0], $0xffff;
	_ =	sdelay $0x4  }
0x98: {  	[tilespmem:s0+$0xFFFFFF50] =	vst v1  }
0x99: {  	v1 =	vld.idx.msk [tilespmem:v0+s20+$0x0], $0xffff;
	_ =	sdelay $0x4  }
0x9a: {  	[tilespmem:s0+$0xFFFFFFD0] =	vst v1  }
0x9b: {  	v1 =	vld.idx.msk [tilespmem:v0+s21+$0x0], $0xffff;
	_ =	sdelay $0x4  }
0x9c: {  	[tilespmem:s0+$0x50] =	vst v1  }
0x9d: {  	v1 =	vld.idx.msk [tilespmem:v0+s22+$0x0], $0xffff;
	_ =	sdelay $0x4  }
0x9e: {  	[tilespmem:s0+$0xD0] =	vst v1  }
0x9f: {  	v1 =	vld.idx.msk [tilespmem:v0+s23+$0x0], $0xffff;
	_ =	sdelay $0x4  }
0xa0: {  	[tilespmem:s0+$0x150] =	vst v1  }
0xa1: {  	v0 =	vld.idx.msk [tilespmem:v0+s24+$0x0], $0xffff;
	_ =	sdelay $0x4  }
0xa2: {  	[tilespmem:s0+$0x1D0] =	vst v0  }
0xa3: {  	v0 =	vld [tilespmem:s30+$0x20];
	_ =	sdelay $0x7  }
0xa4: {  	v1 =	vld.idx.msk [tilespmem:v0+s17+$0x0], $0xffff;
	_ =	sdelay $0x4  }
0xa5: {  	[tilespmem:s0+$0xFFFFFE60] =	vst v1  }
0xa6: {  	v1 =	vld.idx.msk [tilespmem:v0+s18+$0x0], $0xffff;
	_ =	sdelay $0x4  }
0xa7: {  	[tilespmem:s0+$0xFFFFFEE0] =	vst v1  }
0xa8: {  	v1 =	vld.idx.msk [tilespmem:v0+s19+$0x0], $0xffff;
	_ =	sdelay $0x4  }
0xa9: {  	[tilespmem:s0+$0xFFFFFF60] =	vst v1  }
0xaa: {  	v1 =	vld.idx.msk [tilespmem:v0+s20+$0x0], $0xffff;
	_ =	sdelay $0x4  }
0xab: {  	[tilespmem:s0+$0xFFFFFFE0] =	vst v1  }
0xac: {  	v1 =	vld.idx.msk [tilespmem:v0+s21+$0x0], $0xffff;
	_ =	sdelay $0x4  }
0xad: {  	[tilespmem:s0+$0x60] =	vst v1  }
0xae: {  	v1 =	vld.idx.msk [tilespmem:v0+s22+$0x0], $0xffff;
	_ =	sdelay $0x4  }
0xaf: {  	[tilespmem:s0+$0xE0] =	vst v1  }
0xb0: {  	v1 =	vld.idx.msk [tilespmem:v0+s23+$0x0], $0xffff;
	_ =	sdelay $0x4  }
0xb1: {  	[tilespmem:s0+$0x160] =	vst v1  }
0xb2: {  	v0 =	vld.idx.msk [tilespmem:v0+s24+$0x0], $0xffff;
	_ =	sdelay $0x4  }
0xb3: {  	[tilespmem:s0+$0x1E0] =	vst v0  }
0xb4: {  	v0 =	vld [tilespmem:s30+$0x30];
	_ =	sdelay $0x7  }
0xb5: {  	v1 =	vld.idx.msk [tilespmem:v0+s17+$0x0], $0xffff;
	_ =	sdelay $0x4  }
0xb6: {  	[tilespmem:s0+$0xFFFFFE70] =	vst v1  }
0xb7: {  	v1 =	vld.idx.msk [tilespmem:v0+s18+$0x0], $0xffff;
	_ =	sdelay $0x4  }
0xb8: {  	[tilespmem:s0+$0xFFFFFEF0] =	vst v1  }
0xb9: {  	v1 =	vld.idx.msk [tilespmem:v0+s19+$0x0], $0xffff;
	_ =	sdelay $0x4  }
0xba: {  	[tilespmem:s0+$0xFFFFFF70] =	vst v1  }
0xbb: {  	v1 =	vld.idx.msk [tilespmem:v0+s20+$0x0], $0xffff;
	_ =	sdelay $0x4  }
0xbc: {  	[tilespmem:s0+$0xFFFFFFF0] =	vst v1  }
0xbd: {  	v1 =	vld.idx.msk [tilespmem:v0+s21+$0x0], $0xffff;
	_ =	sdelay $0x4  }
0xbe: {  	[tilespmem:s0+$0x70] =	vst v1  }
0xbf: {  	v1 =	vld.idx.msk [tilespmem:v0+s22+$0x0], $0xffff;
	_ =	sdelay $0x4  }
0xc0: {  	[tilespmem:s0+$0xF0] =	vst v1  }
0xc1: {  	v1 =	vld.idx.msk [tilespmem:v0+s23+$0x0], $0xffff;
	_ =	sdelay $0x4  }
0xc2: {  	s1 =	sadd.s32 $0x8, s1;
	[tilespmem:s0+$0x170] =	vst v1  }
0xc3: {  	p0 =	slt.u32 s1, $0x38;
	v0 =	vld.idx.msk [tilespmem:v0+s24+$0x0], $0xffff  }
.Ltmp0:
0xc4: {  	_ = 	snop;
	(pc) =	sbr.rel @p0 .LBB2_3-.Ltmp0, $2  }
0xc5: {  	_ =	sdelay $0x2  }
0xc6: {  	s30 =	sadd.s32 $0x80, s30;
	[tilespmem:s0+$0x1F0] =	vst v0;
	s0 =	sadd.s32 $0x400, s0  }
0xc7: {  	s0 =	sshll.u32 s31, $0xD  }
0xc8: {  	s31 =	sadd.s32 $0x1, s31;
	s0 =	sadd.s32 s13, s0  }
0xc9: {  	p0 =	sne.s32 s31, $0x5;
	s0 =	sshrl.u32 s0, $0x3  }
.Ltmp1:
0xca: {  	s0 =	sadd.s32 s4, s0;
	(pc) =	sbr.rel @p0 .LBB2_2-.Ltmp1, $4  }
0xcb: {  	[hbm4b:s0+s3] =	stream.linear.scatter [tilespmem:s26], [sflag:$0x2], $0x2000, $0x38;
	[tilespmem:$0x3C00] =	vst v63  }
0xcc: {  	_ =	swait.ge [sflag:s28], $0x2000  }
0xcd: {  	[sflag:s28] =	ssyncset.done $0x0  }
0xce: {  	s2 =	sadd.s32 $0x400, s2;
	[sflag:s28] =	ssyncadd.s32 $0xFFFFE000  }
0xcf: {  	s29 =	sadd.s32 $0x1, s29  }
0xd0: {  	p0 =	sne.s32 s29, s14  }
.Ltmp2:
0xd1: {  	_ = 	snop;
	(pc) =	sbr.rel @p0 .LBB2_1-.Ltmp2, $1  }
0xd2: {  	_ =	sdelay $0x3  }
0xd3: {  	_ =	sfence.sel $0x180000  }
0xd4: {  	[bflag:$0x0] =	sbarrier.arrive $0xFFFF  }
0xd5: {  	_ =	strace $0x9000004A  }
0xd6: {  	s0 =	stileid.u32;
	[bflag:$0x2] =	sbarrier.arrive $0xFFFF  }
0xd7: {  	p0 =	sne.s32 s0, $0x0;
	s0 =	rddreg [dreg:$0x2]  }
0xd8: {  	s0 =	sadd.s32 @!p0 $0x100000, s0  }
0xd9: {  	[sflag:s0] =	ssyncadd.tile.s32 @!p0 $0x1;
	_ =	shalt  }
.Lfunc_end2:
_tile_overlayer_lowered:
.L_overlay_start_2:
0xda: {  	(tag) =	ssettag $0x2  }
0xdb: {  	s0 =	rddreg [dreg:$0x0];
	s2 =	stileid.u32  }
0xdc: {  	s1 =	rddreg [dreg:$0x1];
	p0 =	sne.s32 s2, $0x0  }
0xdd: {  	s3 =	rddreg [dreg:$0x2];
	[bflag:$0x3] =	sbarrier.arrive $0xFFFF;
	s2 =	simm.s32 @!p0 $0x1C02  }
0xde: {  	[timem:s3], [sflag:s2] =	dma.local @!p0 [hbm:s0], s1  }
0xdf: {  	s0 =	simm.s32 @!p0 $0x2  }
0xe0: {  	_ =	swait.ge @!p0 [sflag:s0], s1  }
0xe1: {  	s1 =	ssub.s32 @!p0 $0x0, s1;
	[sflag:s0] =	ssyncset.done @!p0 $0x0  }
0xe2: {  	[sflag:s0] =	ssyncadd.s32 @!p0 s1  }
0xe3: {  	[bflag:$0x3] =	sbarrier.arrive $0xFFFF  }
0xe4: {  	_ =	shalt  }

// kernel: kernel.16.cloned.1.call-start
scs
__scs_entry_jumppad:
0x0: {  	(pc) =	sbr.rel $0x88, $3  }
0x1: {  	(tag) =	ssettag $0x0;
	lr =	simm.s32 $0x1  }
0x2: {  	[smem:$0x3F9E] =	sst lr;
	_ =	strace $0xD0000000  }
0x3: {  	_ = 	snop  }
0x4: {  	_ = 	snop  }
0x5: {  	_ = 	snop  }
0x6: {  	_ = 	snop  }
0x7: {  	_ = 	snop  }
__scs_overlays_trampoline_lowered:
0x8: {  	[smem:$0x3FAD] =	sst s0  }
0x9: {  	[smem:$0x3FAE] =	sst s1  }
0xa: {  	[smem:$0x3FAF] =	sst s2  }
0xb: {  	[smem:$0x3FB0] =	sst s3  }
0xc: {  	[smem:$0x3FB1] =	sst s4  }
0xd: {  	[smem:$0x3FB2] =	sst s5  }
0xe: {  	[smem:$0x3FB3] =	sst s6  }
0xf: {  	[smem:$0x3FB4] =	sst s7  }
0x10: {  	[smem:$0x3FB5] =	sst s8  }
0x11: {  	[smem:$0x3FB6] =	sst s9;
	s0 =	simm.s32 @!p0 $0x0  }
0x12: {  	s1 =	sld [smem:$0x3F9C];
	s0 =	simm.s32 @p0 $0x1  }
0x13: {  	[smem:$0x3FB7] =	sst s0;
	s0 =	simm.s32 @!p1 $0x0  }
0x14: {  	s2 =	sld [smem:$0x3F9B];
	s0 =	simm.s32 @p1 $0x1  }
0x15: {  	[smem:$0x3FB8] =	sst s0;
	s0 =	simm.s32 @!p2 $0x0  }
0x16: {  	s3 =	sld [smem:$0x3FDB];
	s0 =	simm.s32 @p2 $0x1  }
0x17: {  	s4 =	simm.s32 $0x1BF5;
	[smem:$0x3FBA] =	sst s0  }
0x18: {  	s0 =	sld [smem:$0x3F9D];
	_ =	swait.ge [sflag:s4], $0x0  }
0x19: {  	s7 =	sld [smem:$0x3F9E]  }
0x1a: {  	s8 =	sadd.s32 $0xFFFFE003, lr  }
0x1b: {  	s9 =	sadd.s32 $0xFFFFFEF7, lr;
	s5 =	simm.s32 $0xFFFFFFFF;
	p2 =	slt.u32 s8, $0xFFFFF086  }
0x1c: {  	p1 =	slt.u32 s9, $0xF7A;
	s5 =	simm.s32 @!p2 $0x0  }
0x1d: {  	s5 =	simm.s32 @p1 $0x1;
	p0 =	seq.s32 s7, s2  }
0x1e: {  	s7 =	smul.u32 @!p0 $0xF7A, s2;
	p2 =	seq.s32 @!p0 s5, $0x0  }
0x1f: {  	s9 =	smul.u32 $0xF7A, s1;
	s8 =	simm.s32 @!p0 $0x1BF5;
	p2 =	por !p2, p0  }
0x20: {  	[sflag:s8] =	ssyncset.s32 @!p0 $0xFFFFF086;
	s6 =	sadd.s32 @!p0 s3, s7;
	s7 =	simm.s32 @!p0 $0x108  }
0x21: {  	s3 =	sadd.s32 s3, s9;
	s6 =	sadd.s32 @!p0 $0x88, s6;
	s7 =	simm.s32 @p2 $0x1082  }
0x22: {  	[simem:s7], [sflag:s8] =	dma.local @!p0 [hbm:s6], $0xF7A  }
0x23: {  	s9 =	sor.u32 $0xD0000000, s2;
	s6 =	simm.s32 $0x108;
	_ =	swait.ge @!p0 [sflag:s8], $0x0  }
0x24: {  	s3 =	sadd.s32 $0x88, s3;
	s6 =	simm.s32 @!p1 $0x1082;
	[sflag:s4] =	ssyncset.s32 $0xFFFFF086  }
0x25: {  	[simem:s6], [sflag:s4] =	dma.local [hbm:s3], $0xF7A  }
0x26: {  	[smem:$0x3F9E] =	sst s1;
	(tag) =	ssettag s2;
	_ =	strace s9  }
0x27: {  	s1 =	sld [smem:$0x3FAE]  }
0x28: {  	s2 =	sld [smem:$0x3FAF]  }
0x29: {  	s4 =	sld [smem:$0x3FB1]  }
0x2a: {  	p0 =	seq.s32 s5, $0x0;
	s5 =	sld [smem:$0x3FB2]  }
0x2b: {  	s6 =	sld [smem:$0x3FB3]  }
0x2c: {  	s7 =	sld [smem:$0x3FB4]  }
0x2d: {  	s3 =	simm.s32 $0x108;
	s8 =	sld [smem:$0x3FB5]  }
0x2e: {  	s3 =	simm.s32 @!p0 $0x1082;
	s9 =	sld [smem:$0x3FB6]  }
0x2f: {  	lr =	sadd.s32 s0, s3;
	s0 =	sld [smem:$0x3FAD]  }
0x30: {  	s3 =	sld [smem:$0x3FB0]  }
0x31: {  	[smem:$0x3FB9] =	sst s10  }
0x32: {  	s10 =	sld [smem:$0x3FB7];
	_ =	sdelay $0x3  }
0x33: {  	p0 =	seq.s32 s10, $0x1;
	s10 =	sld [smem:$0x3FB9];
	_ =	sdelay $0x3  }
0x34: {  	[smem:$0x3FB9] =	sst s10  }
0x35: {  	s10 =	sld [smem:$0x3FB8];
	_ =	sdelay $0x3  }
0x36: {  	p1 =	seq.s32 s10, $0x1;
	s10 =	sld [smem:$0x3FB9];
	_ =	sdelay $0x3  }
0x37: {  	[smem:$0x3FB9] =	sst s10  }
0x38: {  	s10 =	sld [smem:$0x3FBA]  }
0x39: {  	_ = 	snop;
	(pc) =	sbr.ind lr, $3  }
0x3a: {  	_ = 	snop  }
0x3b: {  	_ = 	snop  }
0x3c: {  	p2 =	seq.s32 s10, $0x1;
	s10 =	sld [smem:$0x3FB9]  }
0x3d: {  	_ =	shalt  }
0x3e: {  	_ =	shalt  }
0x3f: {  	_ =	shalt  }
0x40: {  	_ =	shalt  }
0x41: {  	_ =	shalt  }
0x42: {  	_ =	shalt  }
0x43: {  	_ =	shalt  }
0x44: {  	_ =	shalt  }
0x45: {  	_ =	shalt  }
0x46: {  	_ =	shalt  }
0x47: {  	_ =	shalt  }
0x48: {  	_ =	shalt  }
0x49: {  	_ =	shalt  }
0x4a: {  	_ =	shalt  }
0x4b: {  	_ =	shalt  }
0x4c: {  	_ =	shalt  }
0x4d: {  	_ =	shalt  }
0x4e: {  	_ =	shalt  }
0x4f: {  	_ =	shalt  }
0x50: {  	_ =	shalt  }
0x51: {  	_ =	shalt  }
0x52: {  	_ =	shalt  }
0x53: {  	_ =	shalt  }
0x54: {  	_ =	shalt  }
0x55: {  	_ =	shalt  }
0x56: {  	_ =	shalt  }
0x57: {  	_ =	shalt  }
0x58: {  	_ =	shalt  }
0x59: {  	_ =	shalt  }
0x5a: {  	_ =	shalt  }
0x5b: {  	_ =	shalt  }
0x5c: {  	_ =	shalt  }
0x5d: {  	_ =	shalt  }
0x5e: {  	_ =	shalt  }
0x5f: {  	_ =	shalt  }
0x60: {  	_ =	shalt  }
0x61: {  	_ =	shalt  }
0x62: {  	_ =	shalt  }
0x63: {  	_ =	shalt  }
0x64: {  	_ =	shalt  }
0x65: {  	_ =	shalt  }
0x66: {  	_ =	shalt  }
0x67: {  	_ =	shalt  }
0x68: {  	_ =	shalt  }
0x69: {  	_ =	shalt  }
0x6a: {  	_ =	shalt  }
0x6b: {  	_ =	shalt  }
0x6c: {  	_ =	shalt  }
0x6d: {  	_ =	shalt  }
0x6e: {  	_ =	shalt  }
0x6f: {  	_ =	shalt  }
0x70: {  	_ =	shalt  }
0x71: {  	_ =	shalt  }
0x72: {  	_ =	shalt  }
0x73: {  	_ =	shalt  }
0x74: {  	_ =	shalt  }
0x75: {  	_ =	shalt  }
0x76: {  	_ =	shalt  }
0x77: {  	_ =	shalt  }
0x78: {  	_ =	shalt  }
0x79: {  	_ =	shalt  }
0x7a: {  	_ =	shalt  }
0x7b: {  	_ =	shalt  }
0x7c: {  	_ =	shalt  }
0x7d: {  	_ =	shalt  }
0x7e: {  	_ =	shalt  }
0x7f: {  	_ =	shalt  }
0x80: {  	_ =	shalt  }
0x81: {  	_ =	shalt  }
0x82: {  	_ =	shalt  }
0x83: {  	_ =	shalt  }
0x84: {  	_ =	shalt  }
0x85: {  	_ =	shalt  }
0x86: {  	_ =	shalt  }
0x87: {  	_ =	shalt  }
.Lfunc_end0:
.L_simem_size_0:
called_computation.2_lowered:
.L_overlay_start_0:
0x88: {  	s2 =	sld [smem:$0x3FD9]  }
0x89: {  	s3 =	sld [smem:$0x3FFE];
	_ =	sdelay $0x1  }
0x8a: {  	s1 =	srdreg.scid  }
0x8b: {  	s0 =	sand.u32 $0x1, s1  }
0x8c: {  	s17 =	sshll.u32 s0, $0xA;
	s2 =	sadd.s32 s3, s2  }
0x8d: {  	s2 =	sadd.s32 s2, s17  }
0x8e: {  	[smem:$0x3FC5] =	sst s2  }
0x8f: {  	_ = 	snop  }
0x90: {  	s18 =	sld [smem:$0x3FC8];
	(tm) =	ssettm $0x1  }
0x91: {  	s19 =	sld [smem:$0x3FFB];
	_ =	sdelay $0x3  }
0x92: {  	_ =	strace s19  }
0x93: {  	s2 =	sld [smem:$0x3FFC];
	_ =	sdelay $0x3  }
0x94: {  	_ =	strace s2  }
0x95: {  	s2 =	sld [smem:$0x3FFD];
	_ =	sdelay $0x3  }
0x96: {  	_ =	strace s2  }
0x97: {  	_ =	strace $0x8FFFFFFF  }
0x98: {  	s20 =	sld [smem:$0x3FDB];
	_ =	sdelay $0x1  }
0x99: {  	s4 =	simm.s32 $_scs_section_size  }
0x9a: {  	s5 =	simm.s32 $_size__tile_overlayer_lowered;
	s6 =	simm.s32 $_tile_overlayer_lowered  }
0x9b: {  	s7 =	simm.s32 $0x1BFF;
	s21 =	sshll.u32 s6, $0x1;
	s4 =	sadd.s32 s4, s20  }
0x9c: {  	s22 =	simm.s32 $0x0;
	s5 =	sshll.u32 s5, $0x1;
	s6 =	sadd.s32 s21, s4  }
0x9d: {  	[timem:s22], [sflag:s7] =	dma.local [hbm:s6], s5  }
0x9e: {  	_ =	swait.ge [sflag:s7], s5  }
0x9f: {  	s5 =	ssub.s32 $0x0, s5;
	[sflag:s7] =	ssyncset.done $0x0  }
0xa0: {  	[sflag:s7] =	ssyncadd.s32 s5;
	_ =	sdelay $0x1  }
0xa1: {  	s23 =	simm.s32 $0x1B8B  }
0xa2: {  	_ =	swait.ge [sflag:s23], $0x1  }
0xa3: {  	[sflag:s23] =	ssyncset.done $0x0  }
0xa4: {  	[sflag:s23] =	ssyncadd.s32 $0xFFFFFFFF  }
0xa5: {  	s5 =	sld [smem:$0x0]  }
0xa6: {  	s6 =	sand.u32 $0xFFFFFFFE, s1  }
0xa7: {  	p0 =	sne.s32 s1, s6  }
0xa8: {  	s6 =	sshll.u32 @p0 s6, $0xE  }
0xa9: {  	s6 =	sadd.s32 @p0 $0x11B8D, s6;
	s7 =	sshll.u32 @p0 s5, $0x11  }
0xaa: {  	s6 =	sor.u32 @p0 s7, s6  }
0xab: {  	[sflag:s6] =	ssyncadd.remote.s32 @p0 $0x1;
	_ =	sdelay $0x1  }
0xac: {  	s6 =	simm.s32 @p0 $0x1B8D  }
0xad: {  	_ =	swait.eq @p0 [sflag:s6], $0x1  }
0xae: {  	[sflag:s6] =	ssyncadd.s32 @p0 $0xFFFFFFFF  }
0xaf: {  	s7 =	sshll.u32 @!p0 s1, $0xE  }
0xb0: {  	s7 =	sor.u32 @!p0 $0x4000, s7;
	s6 =	simm.s32 @!p0 $0x1B8D  }
0xb1: {  	s5 =	sshll.u32 @!p0 s5, $0x11;
	s7 =	sadd.s32 @!p0 $0x11B8D, s7;
	_ =	swait.eq @!p0 [sflag:s6], $0x1  }
0xb2: {  	s5 =	sor.u32 @!p0 s5, s7;
	[sflag:s6] =	ssyncadd.s32 @!p0 $0xFFFFFFFF  }
0xb3: {  	s25 =	simm.s32 $0x1B8E;
	s24 =	sld [smem:$0x3FFE];
	[sflag:s5] =	ssyncadd.remote.s32 @!p0 $0x1  }
0xb4: {  	s26 =	simm.s32 $execute0_lowered;
	[smem:$0x3FD2] =	sst s25  }
0xb5: {  	s6 =	sshll.u32 s26, $0x1;
	_ =	strace $0x8000004C;
	[dreg:$0x1] =	wrdreg $0xFFFFFFFF  }
0xb6: {  	s28 =	simm.s32 $_size_execute0_lowered;
	s4 =	sadd.s32 s4, s6;
	[dreg:$0x0] =	wrdreg $0x0  }
0xb7: {  	s6 =	sshll.u32 s28, $0x1;
	[dreg:$0x2] =	wrdreg s4  }
0xb8: {  	[dreg:$0x3] =	wrdreg s6  }
0xb9: {  	[dreg:$0x4] =	wrdreg $0xC0  }
0xba: {  	_ =	task [dreg:s22], $0x5FFFF  }
0xbb: {  	[dreg:$0x1] =	wrdreg $0xFFFFFFFF  }
0xbc: {  	[dreg:$0x0] =	wrdreg $0x60  }
0xbd: {  	[dreg:$0x2] =	wrdreg s24  }
0xbe: {  	[dreg:$0x3] =	wrdreg s18  }
0xbf: {  	[dreg:$0x4] =	wrdreg $0xB  }
0xc0: {  	_ =	task.clear_ibuf [dreg:s22], $0x5FFFF;
	_ =	strace $0x9000004C  }
0xc1: {  	s29 =	simm.s32 $0xB;
	_ =	strace $0x8000004E  }
0xc2: {  	_ =	swait.ge [sflag:s29], $0x1  }
0xc3: {  	[sflag:s29] =	ssyncadd.s32 $0xFFFFFFFF  }
0xc4: {  	_ =	strace $0x9000004E  }
0xc5: {  	_ =	sfence  }
0xc6: {  	s30 =	sld [smem:$0x0];
	_ =	sdelay $0x2  }
0xc7: {  	s31 =	sshll.u32 s1, $0xD;
	s1 =	sshrl.u32 s1, $0x2  }
0xc8: {  	s4 =	sand.u32 $0x4000, s31;
	s1 =	sadd.s32 s1, s30  }
0xc9: {  	s0 =	sor.u32 s4, s0;
	s1 =	sshll.u32 s1, $0x11  }
0xca: {  	s0 =	sor.u32 s1, s0  }
0xcb: {  	s0 =	sadd.s32 $0x8F2B, s0  }
0xcc: {  	[sflag:s0] =	ssyncadd.remote.s32 $0x1  }
0xcd: {  	_ =	sfence.sel $0xFFFF  }
0xce: {  	[dreg:$0x0] =	wrdreg $0xFFFFFFFF;
	(pc) =	sbr.abs _section_cstart, $3  }
0xcf: {  	[dreg:$0x1] =	wrdreg $0xFFFFFFFF  }
0xd0: {  	_ =	task.clear_ibuf [dreg:s22], $0x2FFFF;
	_ =	strace $0x9FFFFFFF  }
0xd1: {  	(tm) =	ssettm $0x7FFFFFFF  }
tec
execute0_lowered:
.L_overlay_start_1:
0x0: {  	(tag) =	ssettag $0x1  }
0x1: {  	s0 =	rddreg [dreg:$0x0];
	s1 =	srdreg.scid  }
0x2: {  	s2 =	stileid.u32;
	s11 =	rddreg [dreg:$0x1]  }
0x3: {  	s3 =	simm.s32 $0x0;
	s15 =	simm.s32 $0x80;
	s16 =	simm.s32 $0x400  }
0x4: {  	s17 =	simm.s32 $0x1400;
	s18 =	simm.s32 $0x1500;
	s19 =	simm.s32 $0x1600  }
0x5: {  	s20 =	simm.s32 $0x1700;
	s21 =	simm.s32 $0x1800;
	s22 =	simm.s32 $0x1900  }
0x6: {  	s23 =	simm.s32 $0x1A00;
	s24 =	simm.s32 $0x1B00;
	s25 =	simm.s32 $0x1  }
0x7: {  	s26 =	simm.s32 $0x1C00;
	s28 =	simm.s32 $0x2;
	s29 =	simm.s32 $0x0  }
0x8: {  	s1 =	sand.u32 $0x1, s1;
	s2 =	sshll.u32 s2, $0x1;
	[smem:$0x7FF] =	sst s3  }
0x9: {  	s6 =	sadd.s32 $0x20, s11;
	s7 =	sadd.s32 $0x30, s11;
	s8 =	sadd.s32 $0x40, s11  }
0xa: {  	s9 =	sadd.s32 $0x50, s11;
	s2 =	sor.u32 s1, s2;
	s1 =	ssub.s32 $0x2, s1  }
0xb: {  	s10 =	sadd.s32 $0x60, s11;
	s4 =	smul.u32 $0x280, s2;
	s5 =	sshrl.u32 s1, $0x1  }
0xc: {  	_ =	strace $0x8000004D;
	s13 =	smul.u32 $0xA000, s2;
	s31 =	ssub.s32 s1, s5  }
0xd: {  	s5 =	sadd.s32 $0x10, s11;
	s11 =	sadd.s32 $0x70, s11;
	s12 =	sadd.s32 s4, s0  }
0xe: {  	s4 =	sadd.s32 $0x39200, s0;
	s14 =	smax.u32 s31, $0x1;
	s12 =	sadd.s32 $0x34200, s12  }
.LBB2_1:
0xf: {  	s0 =	rddreg [dreg:$0x1]  }
0x10: {  	[tilespmem:s17], [sflag:$0x1] =	stream.strided.gather [hbm4b:s0+s15], $0x100, s16, s15, $0x38;
	[tilespmem:$0x3C00] =	vst v63  }
0x11: {  	_ = 	snop  }
0x12: {  	[tilespmem:s18], [sflag:$0x1] =	stream.strided.gather [hbm4b:s5+s15], $0x100, s16, s15, $0x38;
	[tilespmem:$0x3C00] =	vst v63  }
0x13: {  	_ = 	snop  }
0x14: {  	[tilespmem:s19], [sflag:$0x1] =	stream.strided.gather [hbm4b:s6+s15], $0x100, s16, s15, $0x38;
	[tilespmem:$0x3C00] =	vst v63  }
0x15: {  	_ = 	snop  }
0x16: {  	[tilespmem:s20], [sflag:$0x1] =	stream.strided.gather [hbm4b:s7+s15], $0x100, s16, s15, $0x38;
	[tilespmem:$0x3C00] =	vst v63  }
0x17: {  	_ = 	snop  }
0x18: {  	[tilespmem:s21], [sflag:$0x1] =	stream.strided.gather [hbm4b:s8+s15], $0x100, s16, s15, $0x38;
	[tilespmem:$0x3C00] =	vst v63  }
0x19: {  	_ = 	snop  }
0x1a: {  	[tilespmem:s22], [sflag:$0x1] =	stream.strided.gather [hbm4b:s9+s15], $0x100, s16, s15, $0x38;
	[tilespmem:$0x3C00] =	vst v63  }
0x1b: {  	_ = 	snop  }
0x1c: {  	[tilespmem:s23], [sflag:$0x1] =	stream.strided.gather [hbm4b:s10+s15], $0x100, s16, s15, $0x38;
	[tilespmem:$0x3C00] =	vst v63  }
0x1d: {  	_ = 	snop  }
0x1e: {  	[tilespmem:s24], [sflag:$0x1] =	stream.strided.gather [hbm4b:s11+s15], $0x100, s16, s15, $0x38;
	[tilespmem:$0x3C00] =	vst v63  }
0x1f: {  	_ = 	snop  }
0x20: {  	[tilespmem:s3], [sflag:$0x1] =	stream.linear.gather [hbm4b:s12+s3], $0x1400, $0x38;
	[tilespmem:$0x3C00] =	vst v63  }
0x21: {  	_ =	swait.ge [sflag:s25], $0x100  }
0x22: {  	[sflag:s25] =	ssyncset.done $0x0  }
0x23: {  	[sflag:s25] =	ssyncadd.s32 $0xFFFFFF00  }
0x24: {  	_ =	swait.ge [sflag:s25], $0x100  }
0x25: {  	[sflag:s25] =	ssyncset.done $0x0  }
0x26: {  	[sflag:s25] =	ssyncadd.s32 $0xFFFFFF00  }
0x27: {  	_ =	swait.ge [sflag:s25], $0x100  }
0x28: {  	[sflag:s25] =	ssyncset.done $0x0  }
0x29: {  	[sflag:s25] =	ssyncadd.s32 $0xFFFFFF00  }
0x2a: {  	_ =	swait.ge [sflag:s25], $0x100  }
0x2b: {  	[sflag:s25] =	ssyncset.done $0x0  }
0x2c: {  	[sflag:s25] =	ssyncadd.s32 $0xFFFFFF00  }
0x2d: {  	_ =	swait.ge [sflag:s25], $0x100  }
0x2e: {  	[sflag:s25] =	ssyncset.done $0x0  }
0x2f: {  	[sflag:s25] =	ssyncadd.s32 $0xFFFFFF00  }
0x30: {  	_ =	swait.ge [sflag:s25], $0x100  }
0x31: {  	[sflag:s25] =	ssyncset.done $0x0  }
0x32: {  	[sflag:s25] =	ssyncadd.s32 $0xFFFFFF00  }
0x33: {  	_ =	swait.ge [sflag:s25], $0x100  }
0x34: {  	[sflag:s25] =	ssyncset.done $0x0  }
0x35: {  	[sflag:s25] =	ssyncadd.s32 $0xFFFFFF00  }
0x36: {  	_ =	swait.ge [sflag:s25], $0x100  }
0x37: {  	[sflag:s25] =	ssyncset.done $0x0  }
0x38: {  	[sflag:s25] =	ssyncadd.s32 $0xFFFFFF00  }
0x39: {  	_ =	swait.ge [sflag:s25], $0x1400  }
0x3a: {  	[sflag:s25] =	ssyncset.done $0x0  }
0x3b: {  	s2 =	simm.s32 $0x40;
	s31 =	simm.s32 $0x0;
	[sflag:s25] =	ssyncadd.s32 $0xFFFFEC00  }
.LBB2_2:
0x3c: {  	s1 =	simm.s32 $0xFFFFFFF8;
	s0 =	simm.s32 $0x1E00;
	s30 =	smov.u32 s2  }
.LBB2_3:
0x3d: {  	v0 =	vld [tilespmem:s30+$0xFFFFFFC0];
	_ =	sdelay $0x7  }
0x3e: {  	v1 =	vld.idx.msk [tilespmem:v0+s17+$0x0], $0xffff;
	_ =	sdelay $0x4  }
0x3f: {  	[tilespmem:s0+$0xFFFFFE00] =	vst v1  }
0x40: {  	v1 =	vld.idx.msk [tilespmem:v0+s18+$0x0], $0xffff;
	_ =	sdelay $0x4  }
0x41: {  	[tilespmem:s0+$0xFFFFFE80] =	vst v1  }
0x42: {  	v1 =	vld.idx.msk [tilespmem:v0+s19+$0x0], $0xffff;
	_ =	sdelay $0x4  }
0x43: {  	[tilespmem:s0+$0xFFFFFF00] =	vst v1  }
0x44: {  	v1 =	vld.idx.msk [tilespmem:v0+s20+$0x0], $0xffff;
	_ =	sdelay $0x4  }
0x45: {  	[tilespmem:s0+$0xFFFFFF80] =	vst v1  }
0x46: {  	v1 =	vld.idx.msk [tilespmem:v0+s21+$0x0], $0xffff;
	_ =	sdelay $0x4  }
0x47: {  	[tilespmem:s0+$0x0] =	vst v1  }
0x48: {  	v1 =	vld.idx.msk [tilespmem:v0+s22+$0x0], $0xffff;
	_ =	sdelay $0x4  }
0x49: {  	[tilespmem:s0+$0x80] =	vst v1  }
0x4a: {  	v1 =	vld.idx.msk [tilespmem:v0+s23+$0x0], $0xffff;
	_ =	sdelay $0x4  }
0x4b: {  	[tilespmem:s0+$0x100] =	vst v1  }
0x4c: {  	v0 =	vld.idx.msk [tilespmem:v0+s24+$0x0], $0xffff;
	_ =	sdelay $0x4  }
0x4d: {  	[tilespmem:s0+$0x180] =	vst v0  }
0x4e: {  	v0 =	vld [tilespmem:s30+$0xFFFFFFD0];
	_ =	sdelay $0x7  }
0x4f: {  	v1 =	vld.idx.msk [tilespmem:v0+s17+$0x0], $0xffff;
	_ =	sdelay $0x4  }
0x50: {  	[tilespmem:s0+$0xFFFFFE10] =	vst v1  }
0x51: {  	v1 =	vld.idx.msk [tilespmem:v0+s18+$0x0], $0xffff;
	_ =	sdelay $0x4  }
0x52: {  	[tilespmem:s0+$0xFFFFFE90] =	vst v1  }
0x53: {  	v1 =	vld.idx.msk [tilespmem:v0+s19+$0x0], $0xffff;
	_ =	sdelay $0x4  }
0x54: {  	[tilespmem:s0+$0xFFFFFF10] =	vst v1  }
0x55: {  	v1 =	vld.idx.msk [tilespmem:v0+s20+$0x0], $0xffff;
	_ =	sdelay $0x4  }
0x56: {  	[tilespmem:s0+$0xFFFFFF90] =	vst v1  }
0x57: {  	v1 =	vld.idx.msk [tilespmem:v0+s21+$0x0], $0xffff;
	_ =	sdelay $0x4  }
0x58: {  	[tilespmem:s0+$0x10] =	vst v1  }
0x59: {  	v1 =	vld.idx.msk [tilespmem:v0+s22+$0x0], $0xffff;
	_ =	sdelay $0x4  }
0x5a: {  	[tilespmem:s0+$0x90] =	vst v1  }
0x5b: {  	v1 =	vld.idx.msk [tilespmem:v0+s23+$0x0], $0xffff;
	_ =	sdelay $0x4  }
0x5c: {  	[tilespmem:s0+$0x110] =	vst v1  }
0x5d: {  	v0 =	vld.idx.msk [tilespmem:v0+s24+$0x0], $0xffff;
	_ =	sdelay $0x4  }
0x5e: {  	[tilespmem:s0+$0x190] =	vst v0  }
0x5f: {  	v0 =	vld [tilespmem:s30+$0xFFFFFFE0];
	_ =	sdelay $0x7  }
0x60: {  	v1 =	vld.idx.msk [tilespmem:v0+s17+$0x0], $0xffff;
	_ =	sdelay $0x4  }
0x61: {  	[tilespmem:s0+$0xFFFFFE20] =	vst v1  }
0x62: {  	v1 =	vld.idx.msk [tilespmem:v0+s18+$0x0], $0xffff;
	_ =	sdelay $0x4  }
0x63: {  	[tilespmem:s0+$0xFFFFFEA0] =	vst v1  }
0x64: {  	v1 =	vld.idx.msk [tilespmem:v0+s19+$0x0], $0xffff;
	_ =	sdelay $0x4  }
0x65: {  	[tilespmem:s0+$0xFFFFFF20] =	vst v1  }
0x66: {  	v1 =	vld.idx.msk [tilespmem:v0+s20+$0x0], $0xffff;
	_ =	sdelay $0x4  }
0x67: {  	[tilespmem:s0+$0xFFFFFFA0] =	vst v1  }
0x68: {  	v1 =	vld.idx.msk [tilespmem:v0+s21+$0x0], $0xffff;
	_ =	sdelay $0x4  }
0x69: {  	[tilespmem:s0+$0x20] =	vst v1  }
0x6a: {  	v1 =	vld.idx.msk [tilespmem:v0+s22+$0x0], $0xffff;
	_ =	sdelay $0x4  }
0x6b: {  	[tilespmem:s0+$0xA0] =	vst v1  }
0x6c: {  	v1 =	vld.idx.msk [tilespmem:v0+s23+$0x0], $0xffff;
	_ =	sdelay $0x4  }
0x6d: {  	[tilespmem:s0+$0x120] =	vst v1  }
0x6e: {  	v0 =	vld.idx.msk [tilespmem:v0+s24+$0x0], $0xffff;
	_ =	sdelay $0x4  }
0x6f: {  	[tilespmem:s0+$0x1A0] =	vst v0  }
0x70: {  	v0 =	vld [tilespmem:s30+$0xFFFFFFF0];
	_ =	sdelay $0x7  }
0x71: {  	v1 =	vld.idx.msk [tilespmem:v0+s17+$0x0], $0xffff;
	_ =	sdelay $0x4  }
0x72: {  	[tilespmem:s0+$0xFFFFFE30] =	vst v1  }
0x73: {  	v1 =	vld.idx.msk [tilespmem:v0+s18+$0x0], $0xffff;
	_ =	sdelay $0x4  }
0x74: {  	[tilespmem:s0+$0xFFFFFEB0] =	vst v1  }
0x75: {  	v1 =	vld.idx.msk [tilespmem:v0+s19+$0x0], $0xffff;
	_ =	sdelay $0x4  }
0x76: {  	[tilespmem:s0+$0xFFFFFF30] =	vst v1  }
0x77: {  	v1 =	vld.idx.msk [tilespmem:v0+s20+$0x0], $0xffff;
	_ =	sdelay $0x4  }
0x78: {  	[tilespmem:s0+$0xFFFFFFB0] =	vst v1  }
0x79: {  	v1 =	vld.idx.msk [tilespmem:v0+s21+$0x0], $0xffff;
	_ =	sdelay $0x4  }
0x7a: {  	[tilespmem:s0+$0x30] =	vst v1  }
0x7b: {  	v1 =	vld.idx.msk [tilespmem:v0+s22+$0x0], $0xffff;
	_ =	sdelay $0x4  }
0x7c: {  	[tilespmem:s0+$0xB0] =	vst v1  }
0x7d: {  	v1 =	vld.idx.msk [tilespmem:v0+s23+$0x0], $0xffff;
	_ =	sdelay $0x4  }
0x7e: {  	[tilespmem:s0+$0x130] =	vst v1  }
0x7f: {  	v0 =	vld.idx.msk [tilespmem:v0+s24+$0x0], $0xffff;
	_ =	sdelay $0x4  }
0x80: {  	[tilespmem:s0+$0x1B0] =	vst v0  }
0x81: {  	v0 =	vld [tilespmem:s30+$0x0];
	_ =	sdelay $0x7  }
0x82: {  	v1 =	vld.idx.msk [tilespmem:v0+s17+$0x0], $0xffff;
	_ =	sdelay $0x4  }
0x83: {  	[tilespmem:s0+$0xFFFFFE40] =	vst v1  }
0x84: {  	v1 =	vld.idx.msk [tilespmem:v0+s18+$0x0], $0xffff;
	_ =	sdelay $0x4  }
0x85: {  	[tilespmem:s0+$0xFFFFFEC0] =	vst v1  }
0x86: {  	v1 =	vld.idx.msk [tilespmem:v0+s19+$0x0], $0xffff;
	_ =	sdelay $0x4  }
0x87: {  	[tilespmem:s0+$0xFFFFFF40] =	vst v1  }
0x88: {  	v1 =	vld.idx.msk [tilespmem:v0+s20+$0x0], $0xffff;
	_ =	sdelay $0x4  }
0x89: {  	[tilespmem:s0+$0xFFFFFFC0] =	vst v1  }
0x8a: {  	v1 =	vld.idx.msk [tilespmem:v0+s21+$0x0], $0xffff;
	_ =	sdelay $0x4  }
0x8b: {  	[tilespmem:s0+$0x40] =	vst v1  }
0x8c: {  	v1 =	vld.idx.msk [tilespmem:v0+s22+$0x0], $0xffff;
	_ =	sdelay $0x4  }
0x8d: {  	[tilespmem:s0+$0xC0] =	vst v1  }
0x8e: {  	v1 =	vld.idx.msk [tilespmem:v0+s23+$0x0], $0xffff;
	_ =	sdelay $0x4  }
0x8f: {  	[tilespmem:s0+$0x140] =	vst v1  }
0x90: {  	v0 =	vld.idx.msk [tilespmem:v0+s24+$0x0], $0xffff;
	_ =	sdelay $0x4  }
0x91: {  	[tilespmem:s0+$0x1C0] =	vst v0  }
0x92: {  	v0 =	vld [tilespmem:s30+$0x10];
	_ =	sdelay $0x7  }
0x93: {  	v1 =	vld.idx.msk [tilespmem:v0+s17+$0x0], $0xffff;
	_ =	sdelay $0x4  }
0x94: {  	[tilespmem:s0+$0xFFFFFE50] =	vst v1  }
0x95: {  	v1 =	vld.idx.msk [tilespmem:v0+s18+$0x0], $0xffff;
	_ =	sdelay $0x4  }
0x96: {  	[tilespmem:s0+$0xFFFFFED0] =	vst v1  }
0x97: {  	v1 =	vld.idx.msk [tilespmem:v0+s19+$0x0], $0xffff;
	_ =	sdelay $0x4  }
0x98: {  	[tilespmem:s0+$0xFFFFFF50] =	vst v1  }
0x99: {  	v1 =	vld.idx.msk [tilespmem:v0+s20+$0x0], $0xffff;
	_ =	sdelay $0x4  }
0x9a: {  	[tilespmem:s0+$0xFFFFFFD0] =	vst v1  }
0x9b: {  	v1 =	vld.idx.msk [tilespmem:v0+s21+$0x0], $0xffff;
	_ =	sdelay $0x4  }
0x9c: {  	[tilespmem:s0+$0x50] =	vst v1  }
0x9d: {  	v1 =	vld.idx.msk [tilespmem:v0+s22+$0x0], $0xffff;
	_ =	sdelay $0x4  }
0x9e: {  	[tilespmem:s0+$0xD0] =	vst v1  }
0x9f: {  	v1 =	vld.idx.msk [tilespmem:v0+s23+$0x0], $0xffff;
	_ =	sdelay $0x4  }
0xa0: {  	[tilespmem:s0+$0x150] =	vst v1  }
0xa1: {  	v0 =	vld.idx.msk [tilespmem:v0+s24+$0x0], $0xffff;
	_ =	sdelay $0x4  }
0xa2: {  	[tilespmem:s0+$0x1D0] =	vst v0  }
0xa3: {  	v0 =	vld [tilespmem:s30+$0x20];
	_ =	sdelay $0x7  }
0xa4: {  	v1 =	vld.idx.msk [tilespmem:v0+s17+$0x0], $0xffff;
	_ =	sdelay $0x4  }
0xa5: {  	[tilespmem:s0+$0xFFFFFE60] =	vst v1  }
0xa6: {  	v1 =	vld.idx.msk [tilespmem:v0+s18+$0x0], $0xffff;
	_ =	sdelay $0x4  }
0xa7: {  	[tilespmem:s0+$0xFFFFFEE0] =	vst v1  }
0xa8: {  	v1 =	vld.idx.msk [tilespmem:v0+s19+$0x0], $0xffff;
	_ =	sdelay $0x4  }
0xa9: {  	[tilespmem:s0+$0xFFFFFF60] =	vst v1  }
0xaa: {  	v1 =	vld.idx.msk [tilespmem:v0+s20+$0x0], $0xffff;
	_ =	sdelay $0x4  }
0xab: {  	[tilespmem:s0+$0xFFFFFFE0] =	vst v1  }
0xac: {  	v1 =	vld.idx.msk [tilespmem:v0+s21+$0x0], $0xffff;
	_ =	sdelay $0x4  }
0xad: {  	[tilespmem:s0+$0x60] =	vst v1  }
0xae: {  	v1 =	vld.idx.msk [tilespmem:v0+s22+$0x0], $0xffff;
	_ =	sdelay $0x4  }
0xaf: {  	[tilespmem:s0+$0xE0] =	vst v1  }
0xb0: {  	v1 =	vld.idx.msk [tilespmem:v0+s23+$0x0], $0xffff;
	_ =	sdelay $0x4  }
0xb1: {  	[tilespmem:s0+$0x160] =	vst v1  }
0xb2: {  	v0 =	vld.idx.msk [tilespmem:v0+s24+$0x0], $0xffff;
	_ =	sdelay $0x4  }
0xb3: {  	[tilespmem:s0+$0x1E0] =	vst v0  }
0xb4: {  	v0 =	vld [tilespmem:s30+$0x30];
	_ =	sdelay $0x7  }
0xb5: {  	v1 =	vld.idx.msk [tilespmem:v0+s17+$0x0], $0xffff;
	_ =	sdelay $0x4  }
0xb6: {  	[tilespmem:s0+$0xFFFFFE70] =	vst v1  }
0xb7: {  	v1 =	vld.idx.msk [tilespmem:v0+s18+$0x0], $0xffff;
	_ =	sdelay $0x4  }
0xb8: {  	[tilespmem:s0+$0xFFFFFEF0] =	vst v1  }
0xb9: {  	v1 =	vld.idx.msk [tilespmem:v0+s19+$0x0], $0xffff;
	_ =	sdelay $0x4  }
0xba: {  	[tilespmem:s0+$0xFFFFFF70] =	vst v1  }
0xbb: {  	v1 =	vld.idx.msk [tilespmem:v0+s20+$0x0], $0xffff;
	_ =	sdelay $0x4  }
0xbc: {  	[tilespmem:s0+$0xFFFFFFF0] =	vst v1  }
0xbd: {  	v1 =	vld.idx.msk [tilespmem:v0+s21+$0x0], $0xffff;
	_ =	sdelay $0x4  }
0xbe: {  	[tilespmem:s0+$0x70] =	vst v1  }
0xbf: {  	v1 =	vld.idx.msk [tilespmem:v0+s22+$0x0], $0xffff;
	_ =	sdelay $0x4  }
0xc0: {  	[tilespmem:s0+$0xF0] =	vst v1  }
0xc1: {  	v1 =	vld.idx.msk [tilespmem:v0+s23+$0x0], $0xffff;
	_ =	sdelay $0x4  }
0xc2: {  	s1 =	sadd.s32 $0x8, s1;
	[tilespmem:s0+$0x170] =	vst v1  }
0xc3: {  	p0 =	slt.u32 s1, $0x38;
	v0 =	vld.idx.msk [tilespmem:v0+s24+$0x0], $0xffff  }
.Ltmp0:
0xc4: {  	_ = 	snop;
	(pc) =	sbr.rel @p0 .LBB2_3-.Ltmp0, $2  }
0xc5: {  	_ =	sdelay $0x2  }
0xc6: {  	s30 =	sadd.s32 $0x80, s30;
	[tilespmem:s0+$0x1F0] =	vst v0;
	s0 =	sadd.s32 $0x400, s0  }
0xc7: {  	s0 =	sshll.u32 s31, $0xD  }
0xc8: {  	s31 =	sadd.s32 $0x1, s31;
	s0 =	sadd.s32 s13, s0  }
0xc9: {  	p0 =	sne.s32 s31, $0x5;
	s0 =	sshrl.u32 s0, $0x3  }
.Ltmp1:
0xca: {  	s0 =	sadd.s32 s4, s0;
	(pc) =	sbr.rel @p0 .LBB2_2-.Ltmp1, $4  }
0xcb: {  	[hbm4b:s0+s3] =	stream.linear.scatter [tilespmem:s26], [sflag:$0x2], $0x2000, $0x38;
	[tilespmem:$0x3C00] =	vst v63  }
0xcc: {  	_ =	swait.ge [sflag:s28], $0x2000  }
0xcd: {  	[sflag:s28] =	ssyncset.done $0x0  }
0xce: {  	s2 =	sadd.s32 $0x400, s2;
	[sflag:s28] =	ssyncadd.s32 $0xFFFFE000  }
0xcf: {  	s29 =	sadd.s32 $0x1, s29  }
0xd0: {  	p0 =	sne.s32 s29, s14  }
.Ltmp2:
0xd1: {  	_ = 	snop;
	(pc) =	sbr.rel @p0 .LBB2_1-.Ltmp2, $1  }
0xd2: {  	_ =	sdelay $0x3  }
0xd3: {  	_ =	sfence.sel $0x180000  }
0xd4: {  	[bflag:$0x0] =	sbarrier.arrive $0xFFFF  }
0xd5: {  	_ =	strace $0x9000004D  }
0xd6: {  	s0 =	stileid.u32;
	[bflag:$0x2] =	sbarrier.arrive $0xFFFF  }
0xd7: {  	p0 =	sne.s32 s0, $0x0;
	s0 =	rddreg [dreg:$0x2]  }
0xd8: {  	s0 =	sadd.s32 @!p0 $0x100000, s0  }
0xd9: {  	[sflag:s0] =	ssyncadd.tile.s32 @!p0 $0x1;
	_ =	shalt  }
.Lfunc_end2:
_tile_overlayer_lowered:
.L_overlay_start_2:
0xda: {  	(tag) =	ssettag $0x2  }
0xdb: {  	s0 =	rddreg [dreg:$0x0];
	s2 =	stileid.u32  }
0xdc: {  	s1 =	rddreg [dreg:$0x1];
	p0 =	sne.s32 s2, $0x0  }
0xdd: {  	s3 =	rddreg [dreg:$0x2];
	[bflag:$0x3] =	sbarrier.arrive $0xFFFF;
	s2 =	simm.s32 @!p0 $0x1C02  }
0xde: {  	[timem:s3], [sflag:s2] =	dma.local @!p0 [hbm:s0], s1  }
0xdf: {  	s0 =	simm.s32 @!p0 $0x2  }
0xe0: {  	_ =	swait.ge @!p0 [sflag:s0], s1  }
0xe1: {  	s1 =	ssub.s32 @!p0 $0x0, s1;
	[sflag:s0] =	ssyncset.done @!p0 $0x0  }
0xe2: {  	[sflag:s0] =	ssyncadd.s32 @!p0 s1  }
0xe3: {  	[bflag:$0x3] =	sbarrier.arrive $0xFFFF  }
0xe4: {  	_ =	shalt  }

// kernel: kernel.19.cloned.1.call-start
scs
__scs_entry_jumppad:
0x0: {  	(pc) =	sbr.rel $0x88, $3  }
0x1: {  	(tag) =	ssettag $0x0;
	lr =	simm.s32 $0x1  }
0x2: {  	[smem:$0x3F9E] =	sst lr;
	_ =	strace $0xD0000000  }
0x3: {  	_ = 	snop  }
0x4: {  	_ = 	snop  }
0x5: {  	_ = 	snop  }
0x6: {  	_ = 	snop  }
0x7: {  	_ = 	snop  }
__scs_overlays_trampoline_lowered:
0x8: {  	[smem:$0x3FAD] =	sst s0  }
0x9: {  	[smem:$0x3FAE] =	sst s1  }
0xa: {  	[smem:$0x3FAF] =	sst s2  }
0xb: {  	[smem:$0x3FB0] =	sst s3  }
0xc: {  	[smem:$0x3FB1] =	sst s4  }
0xd: {  	[smem:$0x3FB2] =	sst s5  }
0xe: {  	[smem:$0x3FB3] =	sst s6  }
0xf: {  	[smem:$0x3FB4] =	sst s7  }
0x10: {  	[smem:$0x3FB5] =	sst s8  }
0x11: {  	[smem:$0x3FB6] =	sst s9;
	s0 =	simm.s32 @!p0 $0x0  }
0x12: {  	s1 =	sld [smem:$0x3F9C];
	s0 =	simm.s32 @p0 $0x1  }
0x13: {  	[smem:$0x3FB7] =	sst s0;
	s0 =	simm.s32 @!p1 $0x0  }
0x14: {  	s2 =	sld [smem:$0x3F9B];
	s0 =	simm.s32 @p1 $0x1  }
0x15: {  	[smem:$0x3FB8] =	sst s0;
	s0 =	simm.s32 @!p2 $0x0  }
0x16: {  	s3 =	sld [smem:$0x3FDB];
	s0 =	simm.s32 @p2 $0x1  }
0x17: {  	s4 =	simm.s32 $0x1BF5;
	[smem:$0x3FBA] =	sst s0  }
0x18: {  	s0 =	sld [smem:$0x3F9D];
	_ =	swait.ge [sflag:s4], $0x0  }
0x19: {  	s7 =	sld [smem:$0x3F9E]  }
0x1a: {  	s8 =	sadd.s32 $0xFFFFE003, lr  }
0x1b: {  	s9 =	sadd.s32 $0xFFFFFEF7, lr;
	s5 =	simm.s32 $0xFFFFFFFF;
	p2 =	slt.u32 s8, $0xFFFFF086  }
0x1c: {  	p1 =	slt.u32 s9, $0xF7A;
	s5 =	simm.s32 @!p2 $0x0  }
0x1d: {  	s5 =	simm.s32 @p1 $0x1;
	p0 =	seq.s32 s7, s2  }
0x1e: {  	s7 =	smul.u32 @!p0 $0xF7A, s2;
	p2 =	seq.s32 @!p0 s5, $0x0  }
0x1f: {  	s9 =	smul.u32 $0xF7A, s1;
	s8 =	simm.s32 @!p0 $0x1BF5;
	p2 =	por !p2, p0  }
0x20: {  	[sflag:s8] =	ssyncset.s32 @!p0 $0xFFFFF086;
	s6 =	sadd.s32 @!p0 s3, s7;
	s7 =	simm.s32 @!p0 $0x108  }
0x21: {  	s3 =	sadd.s32 s3, s9;
	s6 =	sadd.s32 @!p0 $0x88, s6;
	s7 =	simm.s32 @p2 $0x1082  }
0x22: {  	[simem:s7], [sflag:s8] =	dma.local @!p0 [hbm:s6], $0xF7A  }
0x23: {  	s9 =	sor.u32 $0xD0000000, s2;
	s6 =	simm.s32 $0x108;
	_ =	swait.ge @!p0 [sflag:s8], $0x0  }
0x24: {  	s3 =	sadd.s32 $0x88, s3;
	s6 =	simm.s32 @!p1 $0x1082;
	[sflag:s4] =	ssyncset.s32 $0xFFFFF086  }
0x25: {  	[simem:s6], [sflag:s4] =	dma.local [hbm:s3], $0xF7A  }
0x26: {  	[smem:$0x3F9E] =	sst s1;
	(tag) =	ssettag s2;
	_ =	strace s9  }
0x27: {  	s1 =	sld [smem:$0x3FAE]  }
0x28: {  	s2 =	sld [smem:$0x3FAF]  }
0x29: {  	s4 =	sld [smem:$0x3FB1]  }
0x2a: {  	p0 =	seq.s32 s5, $0x0;
	s5 =	sld [smem:$0x3FB2]  }
0x2b: {  	s6 =	sld [smem:$0x3FB3]  }
0x2c: {  	s7 =	sld [smem:$0x3FB4]  }
0x2d: {  	s3 =	simm.s32 $0x108;
	s8 =	sld [smem:$0x3FB5]  }
0x2e: {  	s3 =	simm.s32 @!p0 $0x1082;
	s9 =	sld [smem:$0x3FB6]  }
0x2f: {  	lr =	sadd.s32 s0, s3;
	s0 =	sld [smem:$0x3FAD]  }
0x30: {  	s3 =	sld [smem:$0x3FB0]  }
0x31: {  	[smem:$0x3FB9] =	sst s10  }
0x32: {  	s10 =	sld [smem:$0x3FB7];
	_ =	sdelay $0x3  }
0x33: {  	p0 =	seq.s32 s10, $0x1;
	s10 =	sld [smem:$0x3FB9];
	_ =	sdelay $0x3  }
0x34: {  	[smem:$0x3FB9] =	sst s10  }
0x35: {  	s10 =	sld [smem:$0x3FB8];
	_ =	sdelay $0x3  }
0x36: {  	p1 =	seq.s32 s10, $0x1;
	s10 =	sld [smem:$0x3FB9];
	_ =	sdelay $0x3  }
0x37: {  	[smem:$0x3FB9] =	sst s10  }
0x38: {  	s10 =	sld [smem:$0x3FBA]  }
0x39: {  	_ = 	snop;
	(pc) =	sbr.ind lr, $3  }
0x3a: {  	_ = 	snop  }
0x3b: {  	_ = 	snop  }
0x3c: {  	p2 =	seq.s32 s10, $0x1;
	s10 =	sld [smem:$0x3FB9]  }
0x3d: {  	_ =	shalt  }
0x3e: {  	_ =	shalt  }
0x3f: {  	_ =	shalt  }
0x40: {  	_ =	shalt  }
0x41: {  	_ =	shalt  }
0x42: {  	_ =	shalt  }
0x43: {  	_ =	shalt  }
0x44: {  	_ =	shalt  }
0x45: {  	_ =	shalt  }
0x46: {  	_ =	shalt  }
0x47: {  	_ =	shalt  }
0x48: {  	_ =	shalt  }
0x49: {  	_ =	shalt  }
0x4a: {  	_ =	shalt  }
0x4b: {  	_ =	shalt  }
0x4c: {  	_ =	shalt  }
0x4d: {  	_ =	shalt  }
0x4e: {  	_ =	shalt  }
0x4f: {  	_ =	shalt  }
0x50: {  	_ =	shalt  }
0x51: {  	_ =	shalt  }
0x52: {  	_ =	shalt  }
0x53: {  	_ =	shalt  }
0x54: {  	_ =	shalt  }
0x55: {  	_ =	shalt  }
0x56: {  	_ =	shalt  }
0x57: {  	_ =	shalt  }
0x58: {  	_ =	shalt  }
0x59: {  	_ =	shalt  }
0x5a: {  	_ =	shalt  }
0x5b: {  	_ =	shalt  }
0x5c: {  	_ =	shalt  }
0x5d: {  	_ =	shalt  }
0x5e: {  	_ =	shalt  }
0x5f: {  	_ =	shalt  }
0x60: {  	_ =	shalt  }
0x61: {  	_ =	shalt  }
0x62: {  	_ =	shalt  }
0x63: {  	_ =	shalt  }
0x64: {  	_ =	shalt  }
0x65: {  	_ =	shalt  }
0x66: {  	_ =	shalt  }
0x67: {  	_ =	shalt  }
0x68: {  	_ =	shalt  }
0x69: {  	_ =	shalt  }
0x6a: {  	_ =	shalt  }
0x6b: {  	_ =	shalt  }
0x6c: {  	_ =	shalt  }
0x6d: {  	_ =	shalt  }
0x6e: {  	_ =	shalt  }
0x6f: {  	_ =	shalt  }
0x70: {  	_ =	shalt  }
0x71: {  	_ =	shalt  }
0x72: {  	_ =	shalt  }
0x73: {  	_ =	shalt  }
0x74: {  	_ =	shalt  }
0x75: {  	_ =	shalt  }
0x76: {  	_ =	shalt  }
0x77: {  	_ =	shalt  }
0x78: {  	_ =	shalt  }
0x79: {  	_ =	shalt  }
0x7a: {  	_ =	shalt  }
0x7b: {  	_ =	shalt  }
0x7c: {  	_ =	shalt  }
0x7d: {  	_ =	shalt  }
0x7e: {  	_ =	shalt  }
0x7f: {  	_ =	shalt  }
0x80: {  	_ =	shalt  }
0x81: {  	_ =	shalt  }
0x82: {  	_ =	shalt  }
0x83: {  	_ =	shalt  }
0x84: {  	_ =	shalt  }
0x85: {  	_ =	shalt  }
0x86: {  	_ =	shalt  }
0x87: {  	_ =	shalt  }
.Lfunc_end0:
.L_simem_size_0:
called_computation.3_lowered:
.L_overlay_start_0:
0x88: {  	s2 =	sld [smem:$0x3FD9]  }
0x89: {  	s3 =	sld [smem:$0x3FFE];
	_ =	sdelay $0x1  }
0x8a: {  	s1 =	srdreg.scid  }
0x8b: {  	s0 =	sand.u32 $0x1, s1  }
0x8c: {  	s17 =	sshll.u32 s0, $0xA;
	s2 =	sadd.s32 s3, s2  }
0x8d: {  	s2 =	sadd.s32 s2, s17  }
0x8e: {  	[smem:$0x3FC5] =	sst s2  }
0x8f: {  	_ = 	snop  }
0x90: {  	s18 =	sld [smem:$0x3FC8];
	(tm) =	ssettm $0x1  }
0x91: {  	s19 =	sld [smem:$0x3FFB];
	_ =	sdelay $0x3  }
0x92: {  	_ =	strace s19  }
0x93: {  	s2 =	sld [smem:$0x3FFC];
	_ =	sdelay $0x3  }
0x94: {  	_ =	strace s2  }
0x95: {  	s2 =	sld [smem:$0x3FFD];
	_ =	sdelay $0x3  }
0x96: {  	_ =	strace s2  }
0x97: {  	_ =	strace $0x8FFFFFFF  }
0x98: {  	s20 =	sld [smem:$0x3FDB];
	_ =	sdelay $0x1  }
0x99: {  	s4 =	simm.s32 $_scs_section_size  }
0x9a: {  	s5 =	simm.s32 $_size__tile_overlayer_lowered;
	s6 =	simm.s32 $_tile_overlayer_lowered  }
0x9b: {  	s7 =	simm.s32 $0x1BFF;
	s21 =	sshll.u32 s6, $0x1;
	s4 =	sadd.s32 s4, s20  }
0x9c: {  	s22 =	simm.s32 $0x0;
	s5 =	sshll.u32 s5, $0x1;
	s6 =	sadd.s32 s21, s4  }
0x9d: {  	[timem:s22], [sflag:s7] =	dma.local [hbm:s6], s5  }
0x9e: {  	_ =	swait.ge [sflag:s7], s5  }
0x9f: {  	s5 =	ssub.s32 $0x0, s5;
	[sflag:s7] =	ssyncset.done $0x0  }
0xa0: {  	[sflag:s7] =	ssyncadd.s32 s5;
	_ =	sdelay $0x1  }
0xa1: {  	s23 =	simm.s32 $0x1B8B  }
0xa2: {  	_ =	swait.ge [sflag:s23], $0x1  }
0xa3: {  	[sflag:s23] =	ssyncset.done $0x0  }
0xa4: {  	[sflag:s23] =	ssyncadd.s32 $0xFFFFFFFF  }
0xa5: {  	s5 =	sld [smem:$0x0]  }
0xa6: {  	s6 =	sand.u32 $0xFFFFFFFE, s1  }
0xa7: {  	p0 =	sne.s32 s1, s6  }
0xa8: {  	s6 =	sshll.u32 @p0 s6, $0xE  }
0xa9: {  	s6 =	sadd.s32 @p0 $0x11B8D, s6;
	s7 =	sshll.u32 @p0 s5, $0x11  }
0xaa: {  	s6 =	sor.u32 @p0 s7, s6  }
0xab: {  	[sflag:s6] =	ssyncadd.remote.s32 @p0 $0x1;
	_ =	sdelay $0x1  }
0xac: {  	s6 =	simm.s32 @p0 $0x1B8D  }
0xad: {  	_ =	swait.eq @p0 [sflag:s6], $0x1  }
0xae: {  	[sflag:s6] =	ssyncadd.s32 @p0 $0xFFFFFFFF  }
0xaf: {  	s7 =	sshll.u32 @!p0 s1, $0xE  }
0xb0: {  	s7 =	sor.u32 @!p0 $0x4000, s7;
	s6 =	simm.s32 @!p0 $0x1B8D  }
0xb1: {  	s5 =	sshll.u32 @!p0 s5, $0x11;
	s7 =	sadd.s32 @!p0 $0x11B8D, s7;
	_ =	swait.eq @!p0 [sflag:s6], $0x1  }
0xb2: {  	s5 =	sor.u32 @!p0 s5, s7;
	[sflag:s6] =	ssyncadd.s32 @!p0 $0xFFFFFFFF  }
0xb3: {  	s25 =	simm.s32 $0x1B8E;
	s24 =	sld [smem:$0x3FFE];
	[sflag:s5] =	ssyncadd.remote.s32 @!p0 $0x1  }
0xb4: {  	s26 =	simm.s32 $execute0_lowered;
	[smem:$0x3FD2] =	sst s25  }
0xb5: {  	s6 =	sshll.u32 s26, $0x1;
	_ =	strace $0x8000004F;
	[dreg:$0x1] =	wrdreg $0xFFFFFFFF  }
0xb6: {  	s28 =	simm.s32 $_size_execute0_lowered;
	s4 =	sadd.s32 s4, s6;
	[dreg:$0x0] =	wrdreg $0x0  }
0xb7: {  	s6 =	sshll.u32 s28, $0x1;
	[dreg:$0x2] =	wrdreg s4  }
0xb8: {  	[dreg:$0x3] =	wrdreg s6  }
0xb9: {  	[dreg:$0x4] =	wrdreg $0xC0  }
0xba: {  	_ =	task [dreg:s22], $0x5FFFF  }
0xbb: {  	[dreg:$0x1] =	wrdreg $0xFFFFFFFF  }
0xbc: {  	[dreg:$0x0] =	wrdreg $0x60  }
0xbd: {  	[dreg:$0x2] =	wrdreg s24  }
0xbe: {  	[dreg:$0x3] =	wrdreg s18  }
0xbf: {  	[dreg:$0x4] =	wrdreg $0xC  }
0xc0: {  	_ =	task.clear_ibuf [dreg:s22], $0x5FFFF;
	_ =	strace $0x9000004F  }
0xc1: {  	s29 =	simm.s32 $0xC;
	_ =	strace $0x80000051  }
0xc2: {  	_ =	swait.ge [sflag:s29], $0x1  }
0xc3: {  	[sflag:s29] =	ssyncadd.s32 $0xFFFFFFFF  }
0xc4: {  	_ =	strace $0x90000051  }
0xc5: {  	_ =	sfence  }
0xc6: {  	s30 =	sld [smem:$0x0];
	_ =	sdelay $0x2  }
0xc7: {  	s31 =	sshll.u32 s1, $0xD;
	s1 =	sshrl.u32 s1, $0x2  }
0xc8: {  	s4 =	sand.u32 $0x4000, s31;
	s1 =	sadd.s32 s1, s30  }
0xc9: {  	s0 =	sor.u32 s4, s0;
	s1 =	sshll.u32 s1, $0x11  }
0xca: {  	s0 =	sor.u32 s1, s0  }
0xcb: {  	s0 =	sadd.s32 $0x8F2B, s0  }
0xcc: {  	[sflag:s0] =	ssyncadd.remote.s32 $0x1  }
0xcd: {  	_ =	sfence.sel $0xFFFF  }
0xce: {  	[dreg:$0x0] =	wrdreg $0xFFFFFFFF;
	(pc) =	sbr.abs _section_cstart, $3  }
0xcf: {  	[dreg:$0x1] =	wrdreg $0xFFFFFFFF  }
0xd0: {  	_ =	task.clear_ibuf [dreg:s22], $0x2FFFF;
	_ =	strace $0x9FFFFFFF  }
0xd1: {  	(tm) =	ssettm $0x7FFFFFFF  }
tec
execute0_lowered:
.L_overlay_start_1:
0x0: {  	(tag) =	ssettag $0x1  }
0x1: {  	s4 =	rddreg [dreg:$0x0]  }
0x2: {  	s2 =	rddreg [dreg:$0x1];
	s3 =	srdreg.scid  }
0x3: {  	s0 =	rddreg [dreg:$0x2];
	s1 =	stileid.u32  }
0x4: {  	s14 =	simm.s32 $0x80;
	s15 =	simm.s32 $0x400;
	s16 =	simm.s32 $0x500  }
0x5: {  	s17 =	simm.s32 $0x600;
	s18 =	simm.s32 $0x700;
	s19 =	simm.s32 $0x800  }
0x6: {  	s20 =	simm.s32 $0x900;
	s21 =	simm.s32 $0xA00;
	s22 =	simm.s32 $0xB00  }
0x7: {  	s23 =	simm.s32 $0x1;
	s24 =	simm.s32 $0xC00;
	s25 =	simm.s32 $0x2  }
0x8: {  	s26 =	simm.s32 $0x0;
	s5 =	sand.u32 $0x1, s3;
	s3 =	simm.s32 $0x0  }
0x9: {  	s6 =	sshll.u32 s1, $0xB;
	s8 =	sadd.s32 $0x50, s2;
	s9 =	sadd.s32 $0x60, s2  }
0xa: {  	s10 =	sadd.s32 $0x70, s2;
	s7 =	sshll.u32 s5, $0xA;
	[smem:$0x7FF] =	sst s3  }
0xb: {  	s5 =	ssub.s32 $0x2, s5;
	s6 =	sor.u32 s7, s6;
	_ =	strace $0x80000050  }
0xc: {  	s31 =	sshrl.u32 s5, $0x1;
	s7 =	sshrl.u32 s6, $0x3;
	s12 =	sadd.s32 s6, s4  }
0xd: {  	s13 =	ssub.s32 s5, s31;
	s5 =	sadd.s32 $0x20, s2;
	s6 =	sadd.s32 $0x30, s2  }
0xe: {  	s11 =	sadd.s32 s7, s4;
	s4 =	sadd.s32 $0x10, s2;
	s7 =	sadd.s32 $0x40, s2  }
0xf: {  	s12 =	sadd.s32 $0x62200, s12;
	s13 =	smax.u32 s13, $0x1;
	s11 =	sadd.s32 $0x61200, s11  }
.LBB2_1:
0x10: {  	[tilespmem:s15], [sflag:$0x1] =	stream.strided.gather [hbm4b:s2+s14], $0x100, s15, s14, $0x38;
	[tilespmem:$0x2C00] =	vst v63  }
0x11: {  	_ = 	snop  }
0x12: {  	[tilespmem:s16], [sflag:$0x1] =	stream.strided.gather [hbm4b:s4+s14], $0x100, s15, s14, $0x38;
	[tilespmem:$0x2C00] =	vst v63  }
0x13: {  	_ = 	snop  }
0x14: {  	[tilespmem:s17], [sflag:$0x1] =	stream.strided.gather [hbm4b:s5+s14], $0x100, s15, s14, $0x38;
	[tilespmem:$0x2C00] =	vst v63  }
0x15: {  	_ = 	snop  }
0x16: {  	[tilespmem:s18], [sflag:$0x1] =	stream.strided.gather [hbm4b:s6+s14], $0x100, s15, s14, $0x38;
	[tilespmem:$0x2C00] =	vst v63  }
0x17: {  	_ = 	snop  }
0x18: {  	[tilespmem:s19], [sflag:$0x1] =	stream.strided.gather [hbm4b:s7+s14], $0x100, s15, s14, $0x38;
	[tilespmem:$0x2C00] =	vst v63  }
0x19: {  	_ = 	snop  }
0x1a: {  	[tilespmem:s20], [sflag:$0x1] =	stream.strided.gather [hbm4b:s8+s14], $0x100, s15, s14, $0x38;
	[tilespmem:$0x2C00] =	vst v63  }
0x1b: {  	_ = 	snop  }
0x1c: {  	[tilespmem:s21], [sflag:$0x1] =	stream.strided.gather [hbm4b:s9+s14], $0x100, s15, s14, $0x38;
	[tilespmem:$0x2C00] =	vst v63  }
0x1d: {  	_ = 	snop  }
0x1e: {  	[tilespmem:s22], [sflag:$0x1] =	stream.strided.gather [hbm4b:s10+s14], $0x100, s15, s14, $0x38;
	[tilespmem:$0x2C00] =	vst v63  }
0x1f: {  	_ = 	snop  }
0x20: {  	[tilespmem:s3], [sflag:$0x1] =	stream.linear.gather [hbm4b:s11+s3], $0x400, $0x38;
	[tilespmem:$0x2C00] =	vst v63  }
0x21: {  	_ =	swait.ge [sflag:s23], $0x100  }
0x22: {  	[sflag:s23] =	ssyncset.done $0x0  }
0x23: {  	[sflag:s23] =	ssyncadd.s32 $0xFFFFFF00  }
0x24: {  	_ =	swait.ge [sflag:s23], $0x100  }
0x25: {  	[sflag:s23] =	ssyncset.done $0x0  }
0x26: {  	[sflag:s23] =	ssyncadd.s32 $0xFFFFFF00  }
0x27: {  	_ =	swait.ge [sflag:s23], $0x100  }
0x28: {  	[sflag:s23] =	ssyncset.done $0x0  }
0x29: {  	[sflag:s23] =	ssyncadd.s32 $0xFFFFFF00  }
0x2a: {  	_ =	swait.ge [sflag:s23], $0x100  }
0x2b: {  	[sflag:s23] =	ssyncset.done $0x0  }
0x2c: {  	[sflag:s23] =	ssyncadd.s32 $0xFFFFFF00  }
0x2d: {  	_ =	swait.ge [sflag:s23], $0x100  }
0x2e: {  	[sflag:s23] =	ssyncset.done $0x0  }
0x2f: {  	[sflag:s23] =	ssyncadd.s32 $0xFFFFFF00  }
0x30: {  	_ =	swait.ge [sflag:s23], $0x100  }
0x31: {  	[sflag:s23] =	ssyncset.done $0x0  }
0x32: {  	[sflag:s23] =	ssyncadd.s32 $0xFFFFFF00  }
0x33: {  	_ =	swait.ge [sflag:s23], $0x100  }
0x34: {  	[sflag:s23] =	ssyncset.done $0x0  }
0x35: {  	[sflag:s23] =	ssyncadd.s32 $0xFFFFFF00  }
0x36: {  	_ =	swait.ge [sflag:s23], $0x100  }
0x37: {  	[sflag:s23] =	ssyncset.done $0x0  }
0x38: {  	[sflag:s23] =	ssyncadd.s32 $0xFFFFFF00  }
0x39: {  	_ =	swait.ge [sflag:s23], $0x400  }
0x3a: {  	s28 =	simm.s32 $0xFFFFFFF8;
	[sflag:s23] =	ssyncset.done $0x0  }
0x3b: {  	s29 =	simm.s32 $0xE00;
	s30 =	simm.s32 $0x40;
	[sflag:s23] =	ssyncadd.s32 $0xFFFFFC00  }
.LBB2_2:
0x3c: {  	v0 =	vld [tilespmem:s30+$0xFFFFFFC0];
	_ =	sdelay $0x7  }
0x3d: {  	v1 =	vld.idx.msk [tilespmem:v0+s15+$0x0], $0xffff;
	_ =	sdelay $0x4  }
0x3e: {  	[tilespmem:s29+$0xFFFFFE00] =	vst v1  }
0x3f: {  	v1 =	vld.idx.msk [tilespmem:v0+s16+$0x0], $0xffff;
	_ =	sdelay $0x4  }
0x40: {  	[tilespmem:s29+$0xFFFFFE80] =	vst v1  }
0x41: {  	v1 =	vld.idx.msk [tilespmem:v0+s17+$0x0], $0xffff;
	_ =	sdelay $0x4  }
0x42: {  	[tilespmem:s29+$0xFFFFFF00] =	vst v1  }
0x43: {  	v1 =	vld.idx.msk [tilespmem:v0+s18+$0x0], $0xffff;
	_ =	sdelay $0x4  }
0x44: {  	[tilespmem:s29+$0xFFFFFF80] =	vst v1  }
0x45: {  	v1 =	vld.idx.msk [tilespmem:v0+s19+$0x0], $0xffff;
	_ =	sdelay $0x4  }
0x46: {  	[tilespmem:s29+$0x0] =	vst v1  }
0x47: {  	v1 =	vld.idx.msk [tilespmem:v0+s20+$0x0], $0xffff;
	_ =	sdelay $0x4  }
0x48: {  	[tilespmem:s29+$0x80] =	vst v1  }
0x49: {  	v1 =	vld.idx.msk [tilespmem:v0+s21+$0x0], $0xffff;
	_ =	sdelay $0x4  }
0x4a: {  	[tilespmem:s29+$0x100] =	vst v1  }
0x4b: {  	v0 =	vld.idx.msk [tilespmem:v0+s22+$0x0], $0xffff;
	_ =	sdelay $0x4  }
0x4c: {  	[tilespmem:s29+$0x180] =	vst v0  }
0x4d: {  	v0 =	vld [tilespmem:s30+$0xFFFFFFD0];
	_ =	sdelay $0x7  }
0x4e: {  	v1 =	vld.idx.msk [tilespmem:v0+s15+$0x0], $0xffff;
	_ =	sdelay $0x4  }
0x4f: {  	[tilespmem:s29+$0xFFFFFE10] =	vst v1  }
0x50: {  	v1 =	vld.idx.msk [tilespmem:v0+s16+$0x0], $0xffff;
	_ =	sdelay $0x4  }
0x51: {  	[tilespmem:s29+$0xFFFFFE90] =	vst v1  }
0x52: {  	v1 =	vld.idx.msk [tilespmem:v0+s17+$0x0], $0xffff;
	_ =	sdelay $0x4  }
0x53: {  	[tilespmem:s29+$0xFFFFFF10] =	vst v1  }
0x54: {  	v1 =	vld.idx.msk [tilespmem:v0+s18+$0x0], $0xffff;
	_ =	sdelay $0x4  }
0x55: {  	[tilespmem:s29+$0xFFFFFF90] =	vst v1  }
0x56: {  	v1 =	vld.idx.msk [tilespmem:v0+s19+$0x0], $0xffff;
	_ =	sdelay $0x4  }
0x57: {  	[tilespmem:s29+$0x10] =	vst v1  }
0x58: {  	v1 =	vld.idx.msk [tilespmem:v0+s20+$0x0], $0xffff;
	_ =	sdelay $0x4  }
0x59: {  	[tilespmem:s29+$0x90] =	vst v1  }
0x5a: {  	v1 =	vld.idx.msk [tilespmem:v0+s21+$0x0], $0xffff;
	_ =	sdelay $0x4  }
0x5b: {  	[tilespmem:s29+$0x110] =	vst v1  }
0x5c: {  	v0 =	vld.idx.msk [tilespmem:v0+s22+$0x0], $0xffff;
	_ =	sdelay $0x4  }
0x5d: {  	[tilespmem:s29+$0x190] =	vst v0  }
0x5e: {  	v0 =	vld [tilespmem:s30+$0xFFFFFFE0];
	_ =	sdelay $0x7  }
0x5f: {  	v1 =	vld.idx.msk [tilespmem:v0+s15+$0x0], $0xffff;
	_ =	sdelay $0x4  }
0x60: {  	[tilespmem:s29+$0xFFFFFE20] =	vst v1  }
0x61: {  	v1 =	vld.idx.msk [tilespmem:v0+s16+$0x0], $0xffff;
	_ =	sdelay $0x4  }
0x62: {  	[tilespmem:s29+$0xFFFFFEA0] =	vst v1  }
0x63: {  	v1 =	vld.idx.msk [tilespmem:v0+s17+$0x0], $0xffff;
	_ =	sdelay $0x4  }
0x64: {  	[tilespmem:s29+$0xFFFFFF20] =	vst v1  }
0x65: {  	v1 =	vld.idx.msk [tilespmem:v0+s18+$0x0], $0xffff;
	_ =	sdelay $0x4  }
0x66: {  	[tilespmem:s29+$0xFFFFFFA0] =	vst v1  }
0x67: {  	v1 =	vld.idx.msk [tilespmem:v0+s19+$0x0], $0xffff;
	_ =	sdelay $0x4  }
0x68: {  	[tilespmem:s29+$0x20] =	vst v1  }
0x69: {  	v1 =	vld.idx.msk [tilespmem:v0+s20+$0x0], $0xffff;
	_ =	sdelay $0x4  }
0x6a: {  	[tilespmem:s29+$0xA0] =	vst v1  }
0x6b: {  	v1 =	vld.idx.msk [tilespmem:v0+s21+$0x0], $0xffff;
	_ =	sdelay $0x4  }
0x6c: {  	[tilespmem:s29+$0x120] =	vst v1  }
0x6d: {  	v0 =	vld.idx.msk [tilespmem:v0+s22+$0x0], $0xffff;
	_ =	sdelay $0x4  }
0x6e: {  	[tilespmem:s29+$0x1A0] =	vst v0  }
0x6f: {  	v0 =	vld [tilespmem:s30+$0xFFFFFFF0];
	_ =	sdelay $0x7  }
0x70: {  	v1 =	vld.idx.msk [tilespmem:v0+s15+$0x0], $0xffff;
	_ =	sdelay $0x4  }
0x71: {  	[tilespmem:s29+$0xFFFFFE30] =	vst v1  }
0x72: {  	v1 =	vld.idx.msk [tilespmem:v0+s16+$0x0], $0xffff;
	_ =	sdelay $0x4  }
0x73: {  	[tilespmem:s29+$0xFFFFFEB0] =	vst v1  }
0x74: {  	v1 =	vld.idx.msk [tilespmem:v0+s17+$0x0], $0xffff;
	_ =	sdelay $0x4  }
0x75: {  	[tilespmem:s29+$0xFFFFFF30] =	vst v1  }
0x76: {  	v1 =	vld.idx.msk [tilespmem:v0+s18+$0x0], $0xffff;
	_ =	sdelay $0x4  }
0x77: {  	[tilespmem:s29+$0xFFFFFFB0] =	vst v1  }
0x78: {  	v1 =	vld.idx.msk [tilespmem:v0+s19+$0x0], $0xffff;
	_ =	sdelay $0x4  }
0x79: {  	[tilespmem:s29+$0x30] =	vst v1  }
0x7a: {  	v1 =	vld.idx.msk [tilespmem:v0+s20+$0x0], $0xffff;
	_ =	sdelay $0x4  }
0x7b: {  	[tilespmem:s29+$0xB0] =	vst v1  }
0x7c: {  	v1 =	vld.idx.msk [tilespmem:v0+s21+$0x0], $0xffff;
	_ =	sdelay $0x4  }
0x7d: {  	[tilespmem:s29+$0x130] =	vst v1  }
0x7e: {  	v0 =	vld.idx.msk [tilespmem:v0+s22+$0x0], $0xffff;
	_ =	sdelay $0x4  }
0x7f: {  	[tilespmem:s29+$0x1B0] =	vst v0  }
0x80: {  	v0 =	vld [tilespmem:s30+$0x0];
	_ =	sdelay $0x7  }
0x81: {  	v1 =	vld.idx.msk [tilespmem:v0+s15+$0x0], $0xffff;
	_ =	sdelay $0x4  }
0x82: {  	[tilespmem:s29+$0xFFFFFE40] =	vst v1  }
0x83: {  	v1 =	vld.idx.msk [tilespmem:v0+s16+$0x0], $0xffff;
	_ =	sdelay $0x4  }
0x84: {  	[tilespmem:s29+$0xFFFFFEC0] =	vst v1  }
0x85: {  	v1 =	vld.idx.msk [tilespmem:v0+s17+$0x0], $0xffff;
	_ =	sdelay $0x4  }
0x86: {  	[tilespmem:s29+$0xFFFFFF40] =	vst v1  }
0x87: {  	v1 =	vld.idx.msk [tilespmem:v0+s18+$0x0], $0xffff;
	_ =	sdelay $0x4  }
0x88: {  	[tilespmem:s29+$0xFFFFFFC0] =	vst v1  }
0x89: {  	v1 =	vld.idx.msk [tilespmem:v0+s19+$0x0], $0xffff;
	_ =	sdelay $0x4  }
0x8a: {  	[tilespmem:s29+$0x40] =	vst v1  }
0x8b: {  	v1 =	vld.idx.msk [tilespmem:v0+s20+$0x0], $0xffff;
	_ =	sdelay $0x4  }
0x8c: {  	[tilespmem:s29+$0xC0] =	vst v1  }
0x8d: {  	v1 =	vld.idx.msk [tilespmem:v0+s21+$0x0], $0xffff;
	_ =	sdelay $0x4  }
0x8e: {  	[tilespmem:s29+$0x140] =	vst v1  }
0x8f: {  	v0 =	vld.idx.msk [tilespmem:v0+s22+$0x0], $0xffff;
	_ =	sdelay $0x4  }
0x90: {  	[tilespmem:s29+$0x1C0] =	vst v0  }
0x91: {  	v0 =	vld [tilespmem:s30+$0x10];
	_ =	sdelay $0x7  }
0x92: {  	v1 =	vld.idx.msk [tilespmem:v0+s15+$0x0], $0xffff;
	_ =	sdelay $0x4  }
0x93: {  	[tilespmem:s29+$0xFFFFFE50] =	vst v1  }
0x94: {  	v1 =	vld.idx.msk [tilespmem:v0+s16+$0x0], $0xffff;
	_ =	sdelay $0x4  }
0x95: {  	[tilespmem:s29+$0xFFFFFED0] =	vst v1  }
0x96: {  	v1 =	vld.idx.msk [tilespmem:v0+s17+$0x0], $0xffff;
	_ =	sdelay $0x4  }
0x97: {  	[tilespmem:s29+$0xFFFFFF50] =	vst v1  }
0x98: {  	v1 =	vld.idx.msk [tilespmem:v0+s18+$0x0], $0xffff;
	_ =	sdelay $0x4  }
0x99: {  	[tilespmem:s29+$0xFFFFFFD0] =	vst v1  }
0x9a: {  	v1 =	vld.idx.msk [tilespmem:v0+s19+$0x0], $0xffff;
	_ =	sdelay $0x4  }
0x9b: {  	[tilespmem:s29+$0x50] =	vst v1  }
0x9c: {  	v1 =	vld.idx.msk [tilespmem:v0+s20+$0x0], $0xffff;
	_ =	sdelay $0x4  }
0x9d: {  	[tilespmem:s29+$0xD0] =	vst v1  }
0x9e: {  	v1 =	vld.idx.msk [tilespmem:v0+s21+$0x0], $0xffff;
	_ =	sdelay $0x4  }
0x9f: {  	[tilespmem:s29+$0x150] =	vst v1  }
0xa0: {  	v0 =	vld.idx.msk [tilespmem:v0+s22+$0x0], $0xffff;
	_ =	sdelay $0x4  }
0xa1: {  	[tilespmem:s29+$0x1D0] =	vst v0  }
0xa2: {  	v0 =	vld [tilespmem:s30+$0x20];
	_ =	sdelay $0x7  }
0xa3: {  	v1 =	vld.idx.msk [tilespmem:v0+s15+$0x0], $0xffff;
	_ =	sdelay $0x4  }
0xa4: {  	[tilespmem:s29+$0xFFFFFE60] =	vst v1  }
0xa5: {  	v1 =	vld.idx.msk [tilespmem:v0+s16+$0x0], $0xffff;
	_ =	sdelay $0x4  }
0xa6: {  	[tilespmem:s29+$0xFFFFFEE0] =	vst v1  }
0xa7: {  	v1 =	vld.idx.msk [tilespmem:v0+s17+$0x0], $0xffff;
	_ =	sdelay $0x4  }
0xa8: {  	[tilespmem:s29+$0xFFFFFF60] =	vst v1  }
0xa9: {  	v1 =	vld.idx.msk [tilespmem:v0+s18+$0x0], $0xffff;
	_ =	sdelay $0x4  }
0xaa: {  	[tilespmem:s29+$0xFFFFFFE0] =	vst v1  }
0xab: {  	v1 =	vld.idx.msk [tilespmem:v0+s19+$0x0], $0xffff;
	_ =	sdelay $0x4  }
0xac: {  	[tilespmem:s29+$0x60] =	vst v1  }
0xad: {  	v1 =	vld.idx.msk [tilespmem:v0+s20+$0x0], $0xffff;
	_ =	sdelay $0x4  }
0xae: {  	[tilespmem:s29+$0xE0] =	vst v1  }
0xaf: {  	v1 =	vld.idx.msk [tilespmem:v0+s21+$0x0], $0xffff;
	_ =	sdelay $0x4  }
0xb0: {  	[tilespmem:s29+$0x160] =	vst v1  }
0xb1: {  	v0 =	vld.idx.msk [tilespmem:v0+s22+$0x0], $0xffff;
	_ =	sdelay $0x4  }
0xb2: {  	[tilespmem:s29+$0x1E0] =	vst v0  }
0xb3: {  	v0 =	vld [tilespmem:s30+$0x30];
	_ =	sdelay $0x7  }
0xb4: {  	v1 =	vld.idx.msk [tilespmem:v0+s15+$0x0], $0xffff;
	_ =	sdelay $0x4  }
0xb5: {  	[tilespmem:s29+$0xFFFFFE70] =	vst v1  }
0xb6: {  	v1 =	vld.idx.msk [tilespmem:v0+s16+$0x0], $0xffff;
	_ =	sdelay $0x4  }
0xb7: {  	[tilespmem:s29+$0xFFFFFEF0] =	vst v1  }
0xb8: {  	v1 =	vld.idx.msk [tilespmem:v0+s17+$0x0], $0xffff;
	_ =	sdelay $0x4  }
0xb9: {  	[tilespmem:s29+$0xFFFFFF70] =	vst v1  }
0xba: {  	v1 =	vld.idx.msk [tilespmem:v0+s18+$0x0], $0xffff;
	_ =	sdelay $0x4  }
0xbb: {  	[tilespmem:s29+$0xFFFFFFF0] =	vst v1  }
0xbc: {  	v1 =	vld.idx.msk [tilespmem:v0+s19+$0x0], $0xffff;
	_ =	sdelay $0x4  }
0xbd: {  	[tilespmem:s29+$0x70] =	vst v1  }
0xbe: {  	v1 =	vld.idx.msk [tilespmem:v0+s20+$0x0], $0xffff;
	_ =	sdelay $0x4  }
0xbf: {  	[tilespmem:s29+$0xF0] =	vst v1  }
0xc0: {  	v1 =	vld.idx.msk [tilespmem:v0+s21+$0x0], $0xffff;
	_ =	sdelay $0x4  }
0xc1: {  	s28 =	sadd.s32 $0x8, s28;
	[tilespmem:s29+$0x170] =	vst v1  }
0xc2: {  	p0 =	slt.u32 s28, $0x38;
	v0 =	vld.idx.msk [tilespmem:v0+s22+$0x0], $0xffff  }
.Ltmp0:
0xc3: {  	_ = 	snop;
	(pc) =	sbr.rel @p0 .LBB2_2-.Ltmp0, $2  }
0xc4: {  	_ =	sdelay $0x2  }
0xc5: {  	s30 =	sadd.s32 $0x80, s30;
	[tilespmem:s29+$0x1F0] =	vst v0;
	s29 =	sadd.s32 $0x400, s29  }
0xc6: {  	s26 =	sadd.s32 $0x1, s26  }
0xc7: {  	p0 =	sne.s32 s26, s13  }
.Ltmp1:
0xc8: {  	_ = 	snop;
	(pc) =	sbr.rel @p0 .LBB2_1-.Ltmp1, $4  }
0xc9: {  	[hbm4b:s12+s3] =	stream.linear.scatter [tilespmem:s24], [sflag:$0x2], $0x2000, $0x38;
	[tilespmem:$0x2C00] =	vst v63  }
0xca: {  	_ =	swait.ge [sflag:s25], $0x2000  }
0xcb: {  	[sflag:s25] =	ssyncset.done $0x0  }
0xcc: {  	[sflag:s25] =	ssyncadd.s32 $0xFFFFE000  }
0xcd: {  	_ =	sfence.sel $0x180000  }
0xce: {  	[bflag:$0x0] =	sbarrier.arrive $0xFFFF  }
0xcf: {  	p0 =	sne.s32 s1, $0x0;
	_ =	strace $0x90000050  }
0xd0: {  	s0 =	sadd.s32 @!p0 $0x100000, s0;
	[bflag:$0x2] =	sbarrier.arrive $0xFFFF  }
0xd1: {  	[sflag:s0] =	ssyncadd.tile.s32 @!p0 $0x1;
	_ =	shalt  }
.Lfunc_end2:
_tile_overlayer_lowered:
.L_overlay_start_2:
0xd2: {  	(tag) =	ssettag $0x2  }
0xd3: {  	s0 =	rddreg [dreg:$0x0];
	s2 =	stileid.u32  }
0xd4: {  	s1 =	rddreg [dreg:$0x1];
	p0 =	sne.s32 s2, $0x0  }
0xd5: {  	s3 =	rddreg [dreg:$0x2];
	[bflag:$0x3] =	sbarrier.arrive $0xFFFF;
	s2 =	simm.s32 @!p0 $0x1C02  }
0xd6: {  	[timem:s3], [sflag:s2] =	dma.local @!p0 [hbm:s0], s1  }
0xd7: {  	s0 =	simm.s32 @!p0 $0x2  }
0xd8: {  	_ =	swait.ge @!p0 [sflag:s0], s1  }
0xd9: {  	s1 =	ssub.s32 @!p0 $0x0, s1;
	[sflag:s0] =	ssyncset.done @!p0 $0x0  }
0xda: {  	[sflag:s0] =	ssyncadd.s32 @!p0 s1  }
0xdb: {  	[bflag:$0x3] =	sbarrier.arrive $0xFFFF  }
0xdc: {  	_ =	shalt  }

</sc_bundles>
